<compile_context>
chip_gen: v7x
topology: tpu7x:2x2x1
jax: 0.10.2.dev20260603
libtpu: 0.0.44.dev20260713+nightly
codegen_flags: <defaults>
</compile_context>

<pallas_src>
import functools

import jax
import jax.numpy as jnp
import numpy as np
from jax import lax
from jax.experimental import pallas as pl
from jax.experimental.pallas import tpu as pltpu
from jax.experimental.pallas import tpu_sc as plsc

HIDDEN = 128
NUM_RBF = 16
CUTOFF = 5.0
N_NODES = 10000
N_EDGES = 320000

NC = 2
NS = 16
NW = NC * NS
EPW = N_EDGES // NW
CHUNK = 40
NCHUNK = EPW // CHUNK
N_NODES_PAD = 10240
NPT = N_NODES_PAD // NS
ROWBLK = CHUNK
LANES = 16

_LOG2 = float(np.log(2.0))
_PI_OVER_CUTOFF = float(np.pi / CUTOFF)

EDGE_BLK = 3200
NODE_BLK = 2000


def _ssp(v):
    return jnp.logaddexp(v, 0.0) - _LOG2


def _filter_body(ea_ref, dist_ref, fw1_ref, fb1_ref, fw2_ref, fb2_ref, w_ref):
    ea = ea_ref[...].astype(jnp.bfloat16)
    h = _ssp(lax.dot_general(ea, fw1_ref[...].astype(jnp.bfloat16),
                             (((0,), (0,)), ((), ())),
                             preferred_element_type=jnp.float32)
             + fb1_ref[...])
    w = jnp.dot(h.astype(jnp.bfloat16), fw2_ref[...].astype(jnp.bfloat16),
                preferred_element_type=jnp.float32) + fb2_ref[...]
    w_ref[...] = w
    i = pl.program_id(0)
    rows = jnp.arange(128, dtype=jnp.int32)
    eye = (rows[:, None] == rows[None, :]).astype(jnp.float32)
    ones_col = jnp.ones((128, 1), jnp.float32)
    for r in range(EDGE_BLK // 128):
        d = dist_ref[pl.ds(i * (EDGE_BLK // 128) + r, 1), :]
        cc = 0.5 * (jnp.cos(d * _PI_OVER_CUTOFF) + 1.0)
        cc = cc * (d < CUTOFF).astype(jnp.float32)
        c_col = jnp.dot(eye * cc, ones_col,
                        preferred_element_type=jnp.float32)
        w_ref[pl.ds(r * 128, 128), :] = w_ref[pl.ds(r * 128, 128), :] * c_col


def _filter_net(edge_attr, edge_dist, fw1, fb1, fw2, fb2):
    grid = (N_EDGES // EDGE_BLK,)
    return pl.pallas_call(
        _filter_body,
        grid=grid,
        in_specs=[
            pl.BlockSpec((NUM_RBF, EDGE_BLK), lambda i: (0, i)),
            pl.BlockSpec((N_EDGES // 128, 128), lambda i: (0, 0)),
            pl.BlockSpec((NUM_RBF, HIDDEN), lambda i: (0, 0)),
            pl.BlockSpec((1, HIDDEN), lambda i: (0, 0)),
            pl.BlockSpec((HIDDEN, HIDDEN), lambda i: (0, 0)),
            pl.BlockSpec((1, HIDDEN), lambda i: (0, 0)),
        ],
        out_specs=pl.BlockSpec((EDGE_BLK, HIDDEN), lambda i: (i, 0)),
        out_shape=jax.ShapeDtypeStruct((N_EDGES, HIDDEN), jnp.float32),
    )(edge_attr.T, edge_dist.reshape(N_EDGES // 128, 128), fw1,
      fb1.reshape(1, HIDDEN), fw2, fb2.reshape(1, HIDDEN))


def _atom_body(p_ref, aw1_ref, ab1_ref, aw2_ref, ab2_ref, o_ref):
    xa = p_ref[0] + p_ref[1]
    h = _ssp(jnp.dot(xa.astype(jnp.bfloat16), aw1_ref[...].astype(jnp.bfloat16),
                     preferred_element_type=jnp.float32) + ab1_ref[...])
    o_ref[...] = jnp.dot(h.astype(jnp.bfloat16),
                         aw2_ref[...].astype(jnp.bfloat16),
                         preferred_element_type=jnp.float32) + ab2_ref[...]


def _atom_net(partials, aw1, ab1, aw2, ab2):
    grid = (N_NODES // NODE_BLK,)
    return pl.pallas_call(
        _atom_body,
        grid=grid,
        in_specs=[
            pl.BlockSpec((NC, NODE_BLK, HIDDEN), lambda i: (0, i, 0)),
            pl.BlockSpec((HIDDEN, HIDDEN), lambda i: (0, 0)),
            pl.BlockSpec((1, HIDDEN), lambda i: (0, 0)),
            pl.BlockSpec((HIDDEN, HIDDEN), lambda i: (0, 0)),
            pl.BlockSpec((1, HIDDEN), lambda i: (0, 0)),
        ],
        out_specs=pl.BlockSpec((NODE_BLK, HIDDEN), lambda i: (i, 0)),
        out_shape=jax.ShapeDtypeStruct((N_NODES, HIDDEN), jnp.float32),
    )(partials, aw1, ab1.reshape(1, HIDDEN), aw2, ab2.reshape(1, HIDDEN))


def _sc_body(x_hbm, col_hbm, row_hbm, w_hbm, out_hbm, *sc):
    colb = sc[0:4]
    rowb = sc[4:8]
    wb = sc[8:10]
    xb = sc[10:12]
    mb = sc[12:14]
    acc = sc[14]
    colsem = sc[15:19]
    rowsem = sc[19:23]
    wsem = sc[23:25]
    gsem = sc[25:27]
    ssem = sc[27:29]

    c = lax.axis_index("c")
    s = lax.axis_index("s")
    wid = c * NS + s

    def _zrow(i, carry):
        for l in range(HIDDEN // LANES):
            mb[0][i, pl.ds(l * LANES, LANES)] = jnp.zeros((LANES,),
                                                          jnp.float32)
        return carry
    lax.fori_loop(0, ROWBLK, _zrow, 0)
    for k in range(NPT // ROWBLK):
        pltpu.sync_copy(mb[0], acc.at[pl.ds(s * NPT + k * ROWBLK, ROWBLK)])
    plsc.subcore_barrier()

    ebase = wid * EPW

    def _eoff(j):
        return ebase + j * CHUNK

    def _start_idx(j, q):
        pltpu.async_copy(col_hbm.at[pl.ds(_eoff(j), CHUNK)], colb[q],
                         colsem[q])
        pltpu.async_copy(row_hbm.at[pl.ds(_eoff(j), CHUNK)], rowb[q],
                         rowsem[q])

    def _wait_idx(j, q):
        pltpu.make_async_copy(col_hbm.at[pl.ds(_eoff(j), CHUNK)], colb[q],
                              colsem[q]).wait()
        pltpu.make_async_copy(row_hbm.at[pl.ds(_eoff(j), CHUNK)], rowb[q],
                              rowsem[q]).wait()

    def _start_w(j, b):
        pltpu.async_copy(w_hbm.at[pl.ds(_eoff(j), CHUNK)], wb[b], wsem[b])

    def _wait_w(j, b):
        pltpu.make_async_copy(w_hbm.at[pl.ds(_eoff(j), CHUNK)], wb[b],
                              wsem[b]).wait()

    def _start_gather(q, b):
        pltpu.async_copy(x_hbm.at[colb[q]], xb[b], gsem[b])

    def _wait_gather(q, b):
        pltpu.make_async_copy(x_hbm.at[colb[q]], xb[b], gsem[b]).wait()

    def _wait_scatter(b):
        pltpu.make_async_copy(mb[b], acc.at[rowb[0]], ssem[b]).wait()

    def _compute(b):
        def _mrow(i, cc):
            for l in range(HIDDEN // LANES):
                sl = pl.ds(l * LANES, LANES)
                mb[b][i, sl] = wb[b][i, sl] * xb[b][i, sl]
            return cc
        lax.fori_loop(0, CHUNK, _mrow, 0)

    def _slot(j, b, q, guard_scatter, next_idx, next_gather):
        _wait_w(j, b)
        _wait_gather(q, b)
        if guard_scatter:
            @pl.when(j >= 2)
            def _():
                _wait_scatter(b)
        else:
            _wait_scatter(b)
        _compute(b)
        pltpu.async_copy(mb[b], acc.at[rowb[q]], ssem[b], add=True)
        if next_idx:
            _start_idx(j + 2, (q + 2) % 4)
            _start_w(j + 2, b)
        if next_gather:
            _wait_idx(j + 1, (q + 1) % 4)
            _start_gather((q + 1) % 4, 1 - b)

    _start_idx(0, 0)
    _start_idx(1, 1)
    _wait_idx(0, 0)
    _start_w(0, 0)
    _start_w(1, 1)
    _start_gather(0, 0)

    def _outer(g, carry):
        j = 4 * g
        _slot(j + 0, 0, 0, True, True, True)
        _slot(j + 1, 1, 1, True, True, True)
        _slot(j + 2, 0, 2, True, True, True)
        _slot(j + 3, 1, 3, True, True, True)
        return carry
    lax.fori_loop(0, (NCHUNK - 2) // 4, _outer, 0)
    _slot(NCHUNK - 2, 0, 0, False, False, True)
    _slot(NCHUNK - 1, 1, 1, False, False, False)
    _wait_scatter(0)
    _wait_scatter(1)

    plsc.subcore_barrier()
    for k in range(NPT // ROWBLK):
        sl = pl.ds(s * NPT + k * ROWBLK, ROWBLK)
        pltpu.sync_copy(acc.at[sl], mb[0])
        pltpu.sync_copy(mb[0], out_hbm.at[c, sl])


@functools.partial(
    pl.kernel,
    mesh=plsc.VectorSubcoreMesh(core_axis_name="c", subcore_axis_name="s"),
    out_type=jax.ShapeDtypeStruct((NC, N_NODES_PAD, HIDDEN), jnp.float32),
    scratch_types=(
        [pltpu.VMEM((CHUNK,), jnp.int32)] * 4 +
        [pltpu.VMEM((CHUNK,), jnp.int32)] * 4 +
        [pltpu.VMEM((CHUNK, HIDDEN), jnp.float32)] * 2 +
        [pltpu.VMEM((CHUNK, HIDDEN), jnp.float32)] * 2 +
        [pltpu.VMEM((CHUNK, HIDDEN), jnp.float32)] * 2 +
        [pltpu.VMEM_SHARED((N_NODES_PAD, HIDDEN), jnp.float32)] +
        [pltpu.SemaphoreType.DMA] * 14
    ),
)
def _sc_scatter(x_hbm, col_hbm, row_hbm, w_hbm, out_hbm, *scratch):
    _sc_body(x_hbm, col_hbm, row_hbm, w_hbm, out_hbm, *scratch)


def kernel(x, edge_index, edge_dist, edge_attr,
           fW1, fb1, fW2, fb2, aW1, ab1, aW2, ab2):
    row = edge_index[0].astype(jnp.int32)
    col = edge_index[1].astype(jnp.int32)
    w = _filter_net(edge_attr, edge_dist, fW1, fb1, fW2, fb2)
    partials = _sc_scatter(x, col, row, w)
    return _atom_net(partials, aW1, ab1, aW2, ab2)

# --- scband reference (transcript-rebuilt; emitter-appended) ---
"""Pipeline reference for scband-sch-net-interaction-59622736003301 (READ-ONLY COPY).

The authoritative reference and input builder live on the scoring server;
editing this copy changes nothing except your own understanding.
"""

import jax, jax.numpy as jnp
import numpy as np

HIDDEN_DIM = 128
NUM_RBF = 16
CUTOFF = 5.0
N_NODES = 10000
N_EDGES = 320000


def shifted_softplus(x):
    return jnp.logaddexp(x, 0.0) - jnp.log(2.0)


def setup_inputs(seed: int = 0) -> dict:
    key = jax.random.key(seed)
    ks = jax.random.split(key, 12)
    x = jax.random.normal(ks[0], (N_NODES, HIDDEN_DIM), dtype=jnp.float32)
    edge_index = jax.random.randint(ks[1], (2, N_EDGES), 0, N_NODES, dtype=jnp.int64)
    edge_dist = jax.random.uniform(ks[2], (N_EDGES,), dtype=jnp.float32)
    edge_attr = jax.random.normal(ks[3], (N_EDGES, NUM_RBF), dtype=jnp.float32)
    # filter_net params: Linear(num_rbf, hidden) -> act -> Linear(hidden, hidden)
    fW1 = jax.random.normal(ks[4], (NUM_RBF, HIDDEN_DIM), dtype=jnp.float32) * (1.0 / np.sqrt(NUM_RBF))
    fb1 = jnp.zeros((HIDDEN_DIM,), dtype=jnp.float32)
    fW2 = jax.random.normal(ks[5], (HIDDEN_DIM, HIDDEN_DIM), dtype=jnp.float32) * (1.0 / np.sqrt(HIDDEN_DIM))
    fb2 = jnp.zeros((HIDDEN_DIM,), dtype=jnp.float32)
    # atom_net params: Linear(hidden, hidden) -> act -> Linear(hidden, hidden)
    aW1 = jax.random.normal(ks[6], (HIDDEN_DIM, HIDDEN_DIM), dtype=jnp.float32) * (1.0 / np.sqrt(HIDDEN_DIM))
    ab1 = jnp.zeros((HIDDEN_DIM,), dtype=jnp.float32)
    aW2 = jax.random.normal(ks[7], (HIDDEN_DIM, HIDDEN_DIM), dtype=jnp.float32) * (1.0 / np.sqrt(HIDDEN_DIM))
    ab2 = jnp.zeros((HIDDEN_DIM,), dtype=jnp.float32)
    return {
        "x": x,
        "edge_index": edge_index,
        "edge_dist": edge_dist,
        "edge_attr": edge_attr,
        "fW1": fW1, "fb1": fb1, "fW2": fW2, "fb2": fb2,
        "aW1": aW1, "ab1": ab1, "aW2": aW2, "ab2": ab2,
    }


def reference(x, edge_index, edge_dist, edge_attr, fW1, fb1, fW2, fb2, aW1, ab1, aW2, ab2):
    row = edge_index[0]
    col = edge_index[1]
    # filter_net(edge_attr)
    h = shifted_softplus(edge_attr @ fW1 + fb1)
    W = h @ fW2 + fb2
    # CosineCutoff
    C = 0.5 * (jnp.cos(edge_dist * jnp.pi / CUTOFF) + 1.0)
    C = C * (edge_dist < CUTOFF).astype(edge_dist.dtype)
    W = W * C[:, None]
    # gather source features and modulate
    msg = x[col] * W
    # scatter-add into destination nodes
    x_agg = jnp.zeros_like(x).at[row].add(msg)
    # atom_net
    h2 = shifted_softplus(x_agg @ aW1 + ab1)
    x_out = h2 @ aW2 + ab2
    return x_out

if __name__ == "__main__":
    import jax
    _d = setup_inputs()
    print(jax.jit(kernel)(*tuple(_d.values())))

</pallas_src>

<mosaic_0001>
#map = affine_map<(d0, d1) -> (0, 0)>
#map1 = affine_map<(d0, d1) -> (0)>
#map2 = affine_map<(d0, d1) -> (0, 0, 0)>
module attributes {stable_mosaic.version = 14 : i64} {
  func.func @_sc_scatter(%arg0: i32, %arg1: i32, %arg2: memref<10000x128xf32, #tpu.memory_space<hbm>>, %arg3: memref<320000xi32, #tpu.memory_space<hbm>>, %arg4: memref<320000xi32, #tpu.memory_space<hbm>>, %arg5: memref<320000x128xf32, #tpu.memory_space<hbm>>, %arg6: memref<2x10240x128xf32, #tpu.memory_space<hbm>>, %arg7: memref<40xi32, #tpu.memory_space<vmem>>, %arg8: memref<40xi32, #tpu.memory_space<vmem>>, %arg9: memref<40xi32, #tpu.memory_space<vmem>>, %arg10: memref<40xi32, #tpu.memory_space<vmem>>, %arg11: memref<40xi32, #tpu.memory_space<vmem>>, %arg12: memref<40xi32, #tpu.memory_space<vmem>>, %arg13: memref<40xi32, #tpu.memory_space<vmem>>, %arg14: memref<40xi32, #tpu.memory_space<vmem>>, %arg15: memref<40x128xf32, #tpu.memory_space<vmem>>, %arg16: memref<40x128xf32, #tpu.memory_space<vmem>>, %arg17: memref<40x128xf32, #tpu.memory_space<vmem>>, %arg18: memref<40x128xf32, #tpu.memory_space<vmem>>, %arg19: memref<40x128xf32, #tpu.memory_space<vmem>>, %arg20: memref<40x128xf32, #tpu.memory_space<vmem>>, %arg21: memref<10240x128xf32, #tpu.memory_space<vmem_shared>>, %arg22: memref<!tpu.dma_semaphore, #tpu.memory_space<semaphore_mem>>, %arg23: memref<!tpu.dma_semaphore, #tpu.memory_space<semaphore_mem>>, %arg24: memref<!tpu.dma_semaphore, #tpu.memory_space<semaphore_mem>>, %arg25: memref<!tpu.dma_semaphore, #tpu.memory_space<semaphore_mem>>, %arg26: memref<!tpu.dma_semaphore, #tpu.memory_space<semaphore_mem>>, %arg27: memref<!tpu.dma_semaphore, #tpu.memory_space<semaphore_mem>>, %arg28: memref<!tpu.dma_semaphore, #tpu.memory_space<semaphore_mem>>, %arg29: memref<!tpu.dma_semaphore, #tpu.memory_space<semaphore_mem>>, %arg30: memref<!tpu.dma_semaphore, #tpu.memory_space<semaphore_mem>>, %arg31: memref<!tpu.dma_semaphore, #tpu.memory_space<semaphore_mem>>, %arg32: memref<!tpu.dma_semaphore, #tpu.memory_space<semaphore_mem>>, %arg33: memref<!tpu.dma_semaphore, #tpu.memory_space<semaphore_mem>>, %arg34: memref<!tpu.dma_semaphore, #tpu.memory_space<semaphore_mem>>, %arg35: memref<!tpu.dma_semaphore, #tpu.memory_space<semaphore_mem>>) attributes {dimension_semantics = [#tpu.dimension_semantics<core_parallel>, #tpu.dimension_semantics<subcore_parallel>], iteration_bounds = array<i64: 2, 16>, scalar_prefetch = 0 : i64, scratch_operands = 29 : i64, tpu.core_type = #tpu.core_type<sc_vector_subcore>, window_params = [{transform_indices = #map}, {transform_indices = #map1}, {transform_indices = #map1}, {transform_indices = #map}, {transform_indices = #map2}]} {
    %mul3A = arith.constant 16 : i32
    %mul3A_0 = arith.muli %arg0, %mul3A : i32
    %add3A = arith.addi %mul3A_0, %arg1 : i32
    %scan3A = arith.constant 0 : i32
    %scan3A_1 = arith.constant 0 : i32
    %scan3A_2 = arith.constant 40 : i32
    %scan3A_3 = arith.addi %scan3A_1, %scan3A_2 : i32
    %scan3A_4 = arith.constant 1 : i32
    scf.for %scan3A_239 = %scan3A_1 to %scan3A_3 step %scan3A_4  : i32 {
      %broadcast_in_dim3A = arith.constant 0.000000e+00 : f32
      %broadcast_in_dim3A_240 = vector.broadcast %broadcast_in_dim3A : f32 to vector<16xf32>
      %swap3A = arith.index_cast %scan3A_239 : i32 to index
      %swap3A_241 = arith.constant 0 : index
      %swap3A_242 = tpu.vector_load %arg19[%swap3A, %swap3A_241] {strides = array<i32>} : memref<40x128xf32, #tpu.memory_space<vmem>>, vector<1x16xf32>,
      %swap3A_243 = vector.shape_cast %swap3A_242 : vector<1x16xf32> to vector<16xf32>
      %swap3A_244 = vector.shape_cast %broadcast_in_dim3A_240 : vector<16xf32> to vector<1x16xf32>
      tpu.vector_store %arg19[%swap3A, %swap3A_241], %swap3A_244 {strides = array<i32>} : memref<40x128xf32, #tpu.memory_space<vmem>>, vector<1x16xf32>,
      %broadcast_in_dim3A_245 = arith.constant 0.000000e+00 : f32
      %broadcast_in_dim3A_246 = vector.broadcast %broadcast_in_dim3A_245 : f32 to vector<16xf32>
      %swap3A_247 = arith.index_cast %scan3A_239 : i32 to index
      %swap3A_248 = arith.constant 16 : index
      %swap3A_249 = tpu.vector_load %arg19[%swap3A_247, %swap3A_248] {strides = array<i32>} : memref<40x128xf32, #tpu.memory_space<vmem>>, vector<1x16xf32>,
      %swap3A_250 = vector.shape_cast %swap3A_249 : vector<1x16xf32> to vector<16xf32>
      %swap3A_251 = vector.shape_cast %broadcast_in_dim3A_246 : vector<16xf32> to vector<1x16xf32>
      tpu.vector_store %arg19[%swap3A_247, %swap3A_248], %swap3A_251 {strides = array<i32>} : memref<40x128xf32, #tpu.memory_space<vmem>>, vector<1x16xf32>,
      %broadcast_in_dim3A_252 = arith.constant 0.000000e+00 : f32
      %broadcast_in_dim3A_253 = vector.broadcast %broadcast_in_dim3A_252 : f32 to vector<16xf32>
      %swap3A_254 = arith.index_cast %scan3A_239 : i32 to index
      %swap3A_255 = arith.constant 32 : index
      %swap3A_256 = tpu.vector_load %arg19[%swap3A_254, %swap3A_255] {strides = array<i32>} : memref<40x128xf32, #tpu.memory_space<vmem>>, vector<1x16xf32>,
      %swap3A_257 = vector.shape_cast %swap3A_256 : vector<1x16xf32> to vector<16xf32>
      %swap3A_258 = vector.shape_cast %broadcast_in_dim3A_253 : vector<16xf32> to vector<1x16xf32>
      tpu.vector_store %arg19[%swap3A_254, %swap3A_255], %swap3A_258 {strides = array<i32>} : memref<40x128xf32, #tpu.memory_space<vmem>>, vector<1x16xf32>,
      %broadcast_in_dim3A_259 = arith.constant 0.000000e+00 : f32
      %broadcast_in_dim3A_260 = vector.broadcast %broadcast_in_dim3A_259 : f32 to vector<16xf32>
      %swap3A_261 = arith.index_cast %scan3A_239 : i32 to index
      %swap3A_262 = arith.constant 48 : index
      %swap3A_263 = tpu.vector_load %arg19[%swap3A_261, %swap3A_262] {strides = array<i32>} : memref<40x128xf32, #tpu.memory_space<vmem>>, vector<1x16xf32>,
      %swap3A_264 = vector.shape_cast %swap3A_263 : vector<1x16xf32> to vector<16xf32>
      %swap3A_265 = vector.shape_cast %broadcast_in_dim3A_260 : vector<16xf32> to vector<1x16xf32>
      tpu.vector_store %arg19[%swap3A_261, %swap3A_262], %swap3A_265 {strides = array<i32>} : memref<40x128xf32, #tpu.memory_space<vmem>>, vector<1x16xf32>,
      %broadcast_in_dim3A_266 = arith.constant 0.000000e+00 : f32
      %broadcast_in_dim3A_267 = vector.broadcast %broadcast_in_dim3A_266 : f32 to vector<16xf32>
      %swap3A_268 = arith.index_cast %scan3A_239 : i32 to index
      %swap3A_269 = arith.constant 64 : index
      %swap3A_270 = tpu.vector_load %arg19[%swap3A_268, %swap3A_269] {strides = array<i32>} : memref<40x128xf32, #tpu.memory_space<vmem>>, vector<1x16xf32>,
      %swap3A_271 = vector.shape_cast %swap3A_270 : vector<1x16xf32> to vector<16xf32>
      %swap3A_272 = vector.shape_cast %broadcast_in_dim3A_267 : vector<16xf32> to vector<1x16xf32>
      tpu.vector_store %arg19[%swap3A_268, %swap3A_269], %swap3A_272 {strides = array<i32>} : memref<40x128xf32, #tpu.memory_space<vmem>>, vector<1x16xf32>,
      %broadcast_in_dim3A_273 = arith.constant 0.000000e+00 : f32
      %broadcast_in_dim3A_274 = vector.broadcast %broadcast_in_dim3A_273 : f32 to vector<16xf32>
      %swap3A_275 = arith.index_cast %scan3A_239 : i32 to index
      %swap3A_276 = arith.constant 80 : index
      %swap3A_277 = tpu.vector_load %arg19[%swap3A_275, %swap3A_276] {strides = array<i32>} : memref<40x128xf32, #tpu.memory_space<vmem>>, vector<1x16xf32>,
      %swap3A_278 = vector.shape_cast %swap3A_277 : vector<1x16xf32> to vector<16xf32>
      %swap3A_279 = vector.shape_cast %broadcast_in_dim3A_274 : vector<16xf32> to vector<1x16xf32>
      tpu.vector_store %arg19[%swap3A_275, %swap3A_276], %swap3A_279 {strides = array<i32>} : memref<40x128xf32, #tpu.memory_space<vmem>>, vector<1x16xf32>,
      %broadcast_in_dim3A_280 = arith.constant 0.000000e+00 : f32
      %broadcast_in_dim3A_281 = vector.broadcast %broadcast_in_dim3A_280 : f32 to vector<16xf32>
      %swap3A_282 = arith.index_cast %scan3A_239 : i32 to index
      %swap3A_283 = arith.constant 96 : index
      %swap3A_284 = tpu.vector_load %arg19[%swap3A_282, %swap3A_283] {strides = array<i32>} : memref<40x128xf32, #tpu.memory_space<vmem>>, vector<1x16xf32>,
      %swap3A_285 = vector.shape_cast %swap3A_284 : vector<1x16xf32> to vector<16xf32>
      %swap3A_286 = vector.shape_cast %broadcast_in_dim3A_281 : vector<16xf32> to vector<1x16xf32>
      tpu.vector_store %arg19[%swap3A_282, %swap3A_283], %swap3A_286 {strides = array<i32>} : memref<40x128xf32, #tpu.memory_space<vmem>>, vector<1x16xf32>,
      %broadcast_in_dim3A_287 = arith.constant 0.000000e+00 : f32
      %broadcast_in_dim3A_288 = vector.broadcast %broadcast_in_dim3A_287 : f32 to vector<16xf32>
      %swap3A_289 = arith.index_cast %scan3A_239 : i32 to index
      %swap3A_290 = arith.constant 112 : index
      %swap3A_291 = tpu.vector_load %arg19[%swap3A_289, %swap3A_290] {strides = array<i32>} : memref<40x128xf32, #tpu.memory_space<vmem>>, vector<1x16xf32>,
      %swap3A_292 = vector.shape_cast %swap3A_291 : vector<1x16xf32> to vector<16xf32>
      %swap3A_293 = vector.shape_cast %broadcast_in_dim3A_288 : vector<16xf32> to vector<1x16xf32>
      tpu.vector_store %arg19[%swap3A_289, %swap3A_290], %swap3A_293 {strides = array<i32>} : memref<40x128xf32, #tpu.memory_space<vmem>>, vector<1x16xf32>,
    }
    %scan3A_5 = arith.constant 40 : i32
    %mul3A_6 = arith.constant 640 : i32
    %mul3A_7 = arith.muli %arg1, %mul3A_6 : i32
    %add3A_8 = arith.constant 0 : i32
    %add3A_9 = arith.addi %mul3A_7, %add3A_8 : i32
    "tpu.region"() ({
      %run_scoped3A = tpu.sem_alloc : memref<!tpu.dma_semaphore, #tpu.memory_space<semaphore_mem>>
      %dma_start3A_239 = arith.constant 0 : i32
      %dma_start3A_240 = tpu.memref_slice %arg21[%add3A_9, %dma_start3A_239] : memref<10240x128xf32, #tpu.memory_space<vmem_shared>> -> memref<40x128xf32, #tpu.memory_space<vmem_shared>>
      %dma_start3A_241 = arith.constant 0 : i32
      %dma_start3A_242 = tpu.memref_slice %arg21[%add3A_9, %dma_start3A_241] : memref<10240x128xf32, #tpu.memory_space<vmem_shared>> -> memref<40x128xf32, #tpu.memory_space<vmem_shared>>
      tpu.enqueue_dma source(%arg19 : memref<40x128xf32, #tpu.memory_space<vmem>>) target(%dma_start3A_242 : memref<40x128xf32, #tpu.memory_space<vmem_shared>>) target_semaphore(%run_scoped3A : memref<!tpu.dma_semaphore, #tpu.memory_space<semaphore_mem>>)
      %dma_wait3A_243 = arith.constant 0 : i32
      %dma_wait3A_244 = tpu.memref_slice %arg21[%add3A_9, %dma_wait3A_243] : memref<10240x128xf32, #tpu.memory_space<vmem_shared>> -> memref<40x128xf32, #tpu.memory_space<vmem_shared>>
      %dma_wait3A_245 = arith.constant 0 : i32
      %dma_wait3A_246 = tpu.memref_slice %arg21[%add3A_9, %dma_wait3A_245] : memref<10240x128xf32, #tpu.memory_space<vmem_shared>> -> memref<40x128xf32, #tpu.memory_space<vmem_shared>>
      tpu.wait_dma2 semaphore(%run_scoped3A : memref<!tpu.dma_semaphore, #tpu.memory_space<semaphore_mem>>) src(%arg19 : memref<40x128xf32, #tpu.memory_space<vmem>>) dst(%dma_wait3A_246 : memref<40x128xf32, #tpu.memory_space<vmem_shared>>)
      tpu.yield
    }) : () -> ()
    %mul3A_10 = arith.constant 640 : i32
    %mul3A_11 = arith.muli %arg1, %mul3A_10 : i32
    %add3A_12 = arith.constant 40 : i32
    %add3A_13 = arith.addi %mul3A_11, %add3A_12 : i32
    "tpu.region"() ({
      %run_scoped3A = tpu.sem_alloc : memref<!tpu.dma_semaphore, #tpu.memory_space<semaphore_mem>>
      %dma_start3A_239 = arith.constant 0 : i32
      %dma_start3A_240 = tpu.memref_slice %arg21[%add3A_13, %dma_start3A_239] : memref<10240x128xf32, #tpu.memory_space<vmem_shared>> -> memref<40x128xf32, #tpu.memory_space<vmem_shared>>
      %dma_start3A_241 = arith.constant 0 : i32
      %dma_start3A_242 = tpu.memref_slice %arg21[%add3A_13, %dma_start3A_241] : memref<10240x128xf32, #tpu.memory_space<vmem_shared>> -> memref<40x128xf32, #tpu.memory_space<vmem_shared>>
      tpu.enqueue_dma source(%arg19 : memref<40x128xf32, #tpu.memory_space<vmem>>) target(%dma_start3A_242 : memref<40x128xf32, #tpu.memory_space<vmem_shared>>) target_semaphore(%run_scoped3A : memref<!tpu.dma_semaphore, #tpu.memory_space<semaphore_mem>>)
      %dma_wait3A_243 = arith.constant 0 : i32
      %dma_wait3A_244 = tpu.memref_slice %arg21[%add3A_13, %dma_wait3A_243] : memref<10240x128xf32, #tpu.memory_space<vmem_shared>> -> memref<40x128xf32, #tpu.memory_space<vmem_shared>>
      %dma_wait3A_245 = arith.constant 0 : i32
      %dma_wait3A_246 = tpu.memref_slice %arg21[%add3A_13, %dma_wait3A_245] : memref<10240x128xf32, #tpu.memory_space<vmem_shared>> -> memref<40x128xf32, #tpu.memory_space<vmem_shared>>
      tpu.wait_dma2 semaphore(%run_scoped3A : memref<!tpu.dma_semaphore, #tpu.memory_space<semaphore_mem>>) src(%arg19 : memref<40x128xf32, #tpu.memory_space<vmem>>) dst(%dma_wait3A_246 : memref<40x128xf32, #tpu.memory_space<vmem_shared>>)
      tpu.yield
    }) : () -> ()
    %mul3A_14 = arith.constant 640 : i32
    %mul3A_15 = arith.muli %arg1, %mul3A_14 : i32
    %add3A_16 = arith.constant 80 : i32
    %add3A_17 = arith.addi %mul3A_15, %add3A_16 : i32
    "tpu.region"() ({
      %run_scoped3A = tpu.sem_alloc : memref<!tpu.dma_semaphore, #tpu.memory_space<semaphore_mem>>
      %dma_start3A_239 = arith.constant 0 : i32
      %dma_start3A_240 = tpu.memref_slice %arg21[%add3A_17, %dma_start3A_239] : memref<10240x128xf32, #tpu.memory_space<vmem_shared>> -> memref<40x128xf32, #tpu.memory_space<vmem_shared>>
      %dma_start3A_241 = arith.constant 0 : i32
      %dma_start3A_242 = tpu.memref_slice %arg21[%add3A_17, %dma_start3A_241] : memref<10240x128xf32, #tpu.memory_space<vmem_shared>> -> memref<40x128xf32, #tpu.memory_space<vmem_shared>>
      tpu.enqueue_dma source(%arg19 : memref<40x128xf32, #tpu.memory_space<vmem>>) target(%dma_start3A_242 : memref<40x128xf32, #tpu.memory_space<vmem_shared>>) target_semaphore(%run_scoped3A : memref<!tpu.dma_semaphore, #tpu.memory_space<semaphore_mem>>)
      %dma_wait3A_243 = arith.constant 0 : i32
      %dma_wait3A_244 = tpu.memref_slice %arg21[%add3A_17, %dma_wait3A_243] : memref<10240x128xf32, #tpu.memory_space<vmem_shared>> -> memref<40x128xf32, #tpu.memory_space<vmem_shared>>
      %dma_wait3A_245 = arith.constant 0 : i32
      %dma_wait3A_246 = tpu.memref_slice %arg21[%add3A_17, %dma_wait3A_245] : memref<10240x128xf32, #tpu.memory_space<vmem_shared>> -> memref<40x128xf32, #tpu.memory_space<vmem_shared>>
      tpu.wait_dma2 semaphore(%run_scoped3A : memref<!tpu.dma_semaphore, #tpu.memory_space<semaphore_mem>>) src(%arg19 : memref<40x128xf32, #tpu.memory_space<vmem>>) dst(%dma_wait3A_246 : memref<40x128xf32, #tpu.memory_space<vmem_shared>>)
      tpu.yield
    }) : () -> ()
    %mul3A_18 = arith.constant 640 : i32
    %mul3A_19 = arith.muli %arg1, %mul3A_18 : i32
    %add3A_20 = arith.constant 120 : i32
    %add3A_21 = arith.addi %mul3A_19, %add3A_20 : i32
    "tpu.region"() ({
      %run_scoped3A = tpu.sem_alloc : memref<!tpu.dma_semaphore, #tpu.memory_space<semaphore_mem>>
      %dma_start3A_239 = arith.constant 0 : i32
      %dma_start3A_240 = tpu.memref_slice %arg21[%add3A_21, %dma_start3A_239] : memref<10240x128xf32, #tpu.memory_space<vmem_shared>> -> memref<40x128xf32, #tpu.memory_space<vmem_shared>>
      %dma_start3A_241 = arith.constant 0 : i32
      %dma_start3A_242 = tpu.memref_slice %arg21[%add3A_21, %dma_start3A_241] : memref<10240x128xf32, #tpu.memory_space<vmem_shared>> -> memref<40x128xf32, #tpu.memory_space<vmem_shared>>
      tpu.enqueue_dma source(%arg19 : memref<40x128xf32, #tpu.memory_space<vmem>>) target(%dma_start3A_242 : memref<40x128xf32, #tpu.memory_space<vmem_shared>>) target_semaphore(%run_scoped3A : memref<!tpu.dma_semaphore, #tpu.memory_space<semaphore_mem>>)
      %dma_wait3A_243 = arith.constant 0 : i32
      %dma_wait3A_244 = tpu.memref_slice %arg21[%add3A_21, %dma_wait3A_243] : memref<10240x128xf32, #tpu.memory_space<vmem_shared>> -> memref<40x128xf32, #tpu.memory_space<vmem_shared>>
      %dma_wait3A_245 = arith.constant 0 : i32
      %dma_wait3A_246 = tpu.memref_slice %arg21[%add3A_21, %dma_wait3A_245] : memref<10240x128xf32, #tpu.memory_space<vmem_shared>> -> memref<40x128xf32, #tpu.memory_space<vmem_shared>>
      tpu.wait_dma2 semaphore(%run_scoped3A : memref<!tpu.dma_semaphore, #tpu.memory_space<semaphore_mem>>) src(%arg19 : memref<40x128xf32, #tpu.memory_space<vmem>>) dst(%dma_wait3A_246 : memref<40x128xf32, #tpu.memory_space<vmem_shared>>)
      tpu.yield
    }) : () -> ()
    %mul3A_22 = arith.constant 640 : i32
    %mul3A_23 = arith.muli %arg1, %mul3A_22 : i32
    %add3A_24 = arith.constant 160 : i32
    %add3A_25 = arith.addi %mul3A_23, %add3A_24 : i32
    "tpu.region"() ({
      %run_scoped3A = tpu.sem_alloc : memref<!tpu.dma_semaphore, #tpu.memory_space<semaphore_mem>>
      %dma_start3A_239 = arith.constant 0 : i32
      %dma_start3A_240 = tpu.memref_slice %arg21[%add3A_25, %dma_start3A_239] : memref<10240x128xf32, #tpu.memory_space<vmem_shared>> -> memref<40x128xf32, #tpu.memory_space<vmem_shared>>
      %dma_start3A_241 = arith.constant 0 : i32
      %dma_start3A_242 = tpu.memref_slice %arg21[%add3A_25, %dma_start3A_241] : memref<10240x128xf32, #tpu.memory_space<vmem_shared>> -> memref<40x128xf32, #tpu.memory_space<vmem_shared>>
      tpu.enqueue_dma source(%arg19 : memref<40x128xf32, #tpu.memory_space<vmem>>) target(%dma_start3A_242 : memref<40x128xf32, #tpu.memory_space<vmem_shared>>) target_semaphore(%run_scoped3A : memref<!tpu.dma_semaphore, #tpu.memory_space<semaphore_mem>>)
      %dma_wait3A_243 = arith.constant 0 : i32
      %dma_wait3A_244 = tpu.memref_slice %arg21[%add3A_25, %dma_wait3A_243] : memref<10240x128xf32, #tpu.memory_space<vmem_shared>> -> memref<40x128xf32, #tpu.memory_space<vmem_shared>>
      %dma_wait3A_245 = arith.constant 0 : i32
      %dma_wait3A_246 = tpu.memref_slice %arg21[%add3A_25, %dma_wait3A_245] : memref<10240x128xf32, #tpu.memory_space<vmem_shared>> -> memref<40x128xf32, #tpu.memory_space<vmem_shared>>
      tpu.wait_dma2 semaphore(%run_scoped3A : memref<!tpu.dma_semaphore, #tpu.memory_space<semaphore_mem>>) src(%arg19 : memref<40x128xf32, #tpu.memory_space<vmem>>) dst(%dma_wait3A_246 : memref<40x128xf32, #tpu.memory_space<vmem_shared>>)
      tpu.yield
    }) : () -> ()
    %mul3A_26 = arith.constant 640 : i32
    %mul3A_27 = arith.muli %arg1, %mul3A_26 : i32
    %add3A_28 = arith.constant 200 : i32
    %add3A_29 = arith.addi %mul3A_27, %add3A_28 : i32
    "tpu.region"() ({
      %run_scoped3A = tpu.sem_alloc : memref<!tpu.dma_semaphore, #tpu.memory_space<semaphore_mem>>
      %dma_start3A_239 = arith.constant 0 : i32
      %dma_start3A_240 = tpu.memref_slice %arg21[%add3A_29, %dma_start3A_239] : memref<10240x128xf32, #tpu.memory_space<vmem_shared>> -> memref<40x128xf32, #tpu.memory_space<vmem_shared>>
      %dma_start3A_241 = arith.constant 0 : i32
      %dma_start3A_242 = tpu.memref_slice %arg21[%add3A_29, %dma_start3A_241] : memref<10240x128xf32, #tpu.memory_space<vmem_shared>> -> memref<40x128xf32, #tpu.memory_space<vmem_shared>>
      tpu.enqueue_dma source(%arg19 : memref<40x128xf32, #tpu.memory_space<vmem>>) target(%dma_start3A_242 : memref<40x128xf32, #tpu.memory_space<vmem_shared>>) target_semaphore(%run_scoped3A : memref<!tpu.dma_semaphore, #tpu.memory_space<semaphore_mem>>)
      %dma_wait3A_243 = arith.constant 0 : i32
      %dma_wait3A_244 = tpu.memref_slice %arg21[%add3A_29, %dma_wait3A_243] : memref<10240x128xf32, #tpu.memory_space<vmem_shared>> -> memref<40x128xf32, #tpu.memory_space<vmem_shared>>
      %dma_wait3A_245 = arith.constant 0 : i32
      %dma_wait3A_246 = tpu.memref_slice %arg21[%add3A_29, %dma_wait3A_245] : memref<10240x128xf32, #tpu.memory_space<vmem_shared>> -> memref<40x128xf32, #tpu.memory_space<vmem_shared>>
      tpu.wait_dma2 semaphore(%run_scoped3A : memref<!tpu.dma_semaphore, #tpu.memory_space<semaphore_mem>>) src(%arg19 : memref<40x128xf32, #tpu.memory_space<vmem>>) dst(%dma_wait3A_246 : memref<40x128xf32, #tpu.memory_space<vmem_shared>>)
      tpu.yield
    }) : () -> ()
    %mul3A_30 = arith.constant 640 : i32
    %mul3A_31 = arith.muli %arg1, %mul3A_30 : i32
    %add3A_32 = arith.constant 240 : i32
    %add3A_33 = arith.addi %mul3A_31, %add3A_32 : i32
    "tpu.region"() ({
      %run_scoped3A = tpu.sem_alloc : memref<!tpu.dma_semaphore, #tpu.memory_space<semaphore_mem>>
      %dma_start3A_239 = arith.constant 0 : i32
      %dma_start3A_240 = tpu.memref_slice %arg21[%add3A_33, %dma_start3A_239] : memref<10240x128xf32, #tpu.memory_space<vmem_shared>> -> memref<40x128xf32, #tpu.memory_space<vmem_shared>>
      %dma_start3A_241 = arith.constant 0 : i32
      %dma_start3A_242 = tpu.memref_slice %arg21[%add3A_33, %dma_start3A_241] : memref<10240x128xf32, #tpu.memory_space<vmem_shared>> -> memref<40x128xf32, #tpu.memory_space<vmem_shared>>
      tpu.enqueue_dma source(%arg19 : memref<40x128xf32, #tpu.memory_space<vmem>>) target(%dma_start3A_242 : memref<40x128xf32, #tpu.memory_space<vmem_shared>>) target_semaphore(%run_scoped3A : memref<!tpu.dma_semaphore, #tpu.memory_space<semaphore_mem>>)
      %dma_wait3A_243 = arith.constant 0 : i32
      %dma_wait3A_244 = tpu.memref_slice %arg21[%add3A_33, %dma_wait3A_243] : memref<10240x128xf32, #tpu.memory_space<vmem_shared>> -> memref<40x128xf32, #tpu.memory_space<vmem_shared>>
      %dma_wait3A_245 = arith.constant 0 : i32
      %dma_wait3A_246 = tpu.memref_slice %arg21[%add3A_33, %dma_wait3A_245] : memref<10240x128xf32, #tpu.memory_space<vmem_shared>> -> memref<40x128xf32, #tpu.memory_space<vmem_shared>>
      tpu.wait_dma2 semaphore(%run_scoped3A : memref<!tpu.dma_semaphore, #tpu.memory_space<semaphore_mem>>) src(%arg19 : memref<40x128xf32, #tpu.memory_space<vmem>>) dst(%dma_wait3A_246 : memref<40x128xf32, #tpu.memory_space<vmem_shared>>)
      tpu.yield
    }) : () -> ()
    %mul3A_34 = arith.constant 640 : i32
    %mul3A_35 = arith.muli %arg1, %mul3A_34 : i32
    %add3A_36 = arith.constant 280 : i32
    %add3A_37 = arith.addi %mul3A_35, %add3A_36 : i32
    "tpu.region"() ({
      %run_scoped3A = tpu.sem_alloc : memref<!tpu.dma_semaphore, #tpu.memory_space<semaphore_mem>>
      %dma_start3A_239 = arith.constant 0 : i32
      %dma_start3A_240 = tpu.memref_slice %arg21[%add3A_37, %dma_start3A_239] : memref<10240x128xf32, #tpu.memory_space<vmem_shared>> -> memref<40x128xf32, #tpu.memory_space<vmem_shared>>
      %dma_start3A_241 = arith.constant 0 : i32
      %dma_start3A_242 = tpu.memref_slice %arg21[%add3A_37, %dma_start3A_241] : memref<10240x128xf32, #tpu.memory_space<vmem_shared>> -> memref<40x128xf32, #tpu.memory_space<vmem_shared>>
      tpu.enqueue_dma source(%arg19 : memref<40x128xf32, #tpu.memory_space<vmem>>) target(%dma_start3A_242 : memref<40x128xf32, #tpu.memory_space<vmem_shared>>) target_semaphore(%run_scoped3A : memref<!tpu.dma_semaphore, #tpu.memory_space<semaphore_mem>>)
      %dma_wait3A_243 = arith.constant 0 : i32
      %dma_wait3A_244 = tpu.memref_slice %arg21[%add3A_37, %dma_wait3A_243] : memref<10240x128xf32, #tpu.memory_space<vmem_shared>> -> memref<40x128xf32, #tpu.memory_space<vmem_shared>>
      %dma_wait3A_245 = arith.constant 0 : i32
      %dma_wait3A_246 = tpu.memref_slice %arg21[%add3A_37, %dma_wait3A_245] : memref<10240x128xf32, #tpu.memory_space<vmem_shared>> -> memref<40x128xf32, #tpu.memory_space<vmem_shared>>
      tpu.wait_dma2 semaphore(%run_scoped3A : memref<!tpu.dma_semaphore, #tpu.memory_space<semaphore_mem>>) src(%arg19 : memref<40x128xf32, #tpu.memory_space<vmem>>) dst(%dma_wait3A_246 : memref<40x128xf32, #tpu.memory_space<vmem_shared>>)
      tpu.yield
    }) : () -> ()
    %mul3A_38 = arith.constant 640 : i32
    %mul3A_39 = arith.muli %arg1, %mul3A_38 : i32
    %add3A_40 = arith.constant 320 : i32
    %add3A_41 = arith.addi %mul3A_39, %add3A_40 : i32
    "tpu.region"() ({
      %run_scoped3A = tpu.sem_alloc : memref<!tpu.dma_semaphore, #tpu.memory_space<semaphore_mem>>
      %dma_start3A_239 = arith.constant 0 : i32
      %dma_start3A_240 = tpu.memref_slice %arg21[%add3A_41, %dma_start3A_239] : memref<10240x128xf32, #tpu.memory_space<vmem_shared>> -> memref<40x128xf32, #tpu.memory_space<vmem_shared>>
      %dma_start3A_241 = arith.constant 0 : i32
      %dma_start3A_242 = tpu.memref_slice %arg21[%add3A_41, %dma_start3A_241] : memref<10240x128xf32, #tpu.memory_space<vmem_shared>> -> memref<40x128xf32, #tpu.memory_space<vmem_shared>>
      tpu.enqueue_dma source(%arg19 : memref<40x128xf32, #tpu.memory_space<vmem>>) target(%dma_start3A_242 : memref<40x128xf32, #tpu.memory_space<vmem_shared>>) target_semaphore(%run_scoped3A : memref<!tpu.dma_semaphore, #tpu.memory_space<semaphore_mem>>)
      %dma_wait3A_243 = arith.constant 0 : i32
      %dma_wait3A_244 = tpu.memref_slice %arg21[%add3A_41, %dma_wait3A_243] : memref<10240x128xf32, #tpu.memory_space<vmem_shared>> -> memref<40x128xf32, #tpu.memory_space<vmem_shared>>
      %dma_wait3A_245 = arith.constant 0 : i32
      %dma_wait3A_246 = tpu.memref_slice %arg21[%add3A_41, %dma_wait3A_245] : memref<10240x128xf32, #tpu.memory_space<vmem_shared>> -> memref<40x128xf32, #tpu.memory_space<vmem_shared>>
      tpu.wait_dma2 semaphore(%run_scoped3A : memref<!tpu.dma_semaphore, #tpu.memory_space<semaphore_mem>>) src(%arg19 : memref<40x128xf32, #tpu.memory_space<vmem>>) dst(%dma_wait3A_246 : memref<40x128xf32, #tpu.memory_space<vmem_shared>>)
      tpu.yield
    }) : () -> ()
    %mul3A_42 = arith.constant 640 : i32
    %mul3A_43 = arith.muli %arg1, %mul3A_42 : i32
    %add3A_44 = arith.constant 360 : i32
    %add3A_45 = arith.addi %mul3A_43, %add3A_44 : i32
    "tpu.region"() ({
      %run_scoped3A = tpu.sem_alloc : memref<!tpu.dma_semaphore, #tpu.memory_space<semaphore_mem>>
      %dma_start3A_239 = arith.constant 0 : i32
      %dma_start3A_240 = tpu.memref_slice %arg21[%add3A_45, %dma_start3A_239] : memref<10240x128xf32, #tpu.memory_space<vmem_shared>> -> memref<40x128xf32, #tpu.memory_space<vmem_shared>>
      %dma_start3A_241 = arith.constant 0 : i32
      %dma_start3A_242 = tpu.memref_slice %arg21[%add3A_45, %dma_start3A_241] : memref<10240x128xf32, #tpu.memory_space<vmem_shared>> -> memref<40x128xf32, #tpu.memory_space<vmem_shared>>
      tpu.enqueue_dma source(%arg19 : memref<40x128xf32, #tpu.memory_space<vmem>>) target(%dma_start3A_242 : memref<40x128xf32, #tpu.memory_space<vmem_shared>>) target_semaphore(%run_scoped3A : memref<!tpu.dma_semaphore, #tpu.memory_space<semaphore_mem>>)
      %dma_wait3A_243 = arith.constant 0 : i32
      %dma_wait3A_244 = tpu.memref_slice %arg21[%add3A_45, %dma_wait3A_243] : memref<10240x128xf32, #tpu.memory_space<vmem_shared>> -> memref<40x128xf32, #tpu.memory_space<vmem_shared>>
      %dma_wait3A_245 = arith.constant 0 : i32
      %dma_wait3A_246 = tpu.memref_slice %arg21[%add3A_45, %dma_wait3A_245] : memref<10240x128xf32, #tpu.memory_space<vmem_shared>> -> memref<40x128xf32, #tpu.memory_space<vmem_shared>>
      tpu.wait_dma2 semaphore(%run_scoped3A : memref<!tpu.dma_semaphore, #tpu.memory_space<semaphore_mem>>) src(%arg19 : memref<40x128xf32, #tpu.memory_space<vmem>>) dst(%dma_wait3A_246 : memref<40x128xf32, #tpu.memory_space<vmem_shared>>)
      tpu.yield
    }) : () -> ()
    %mul3A_46 = arith.constant 640 : i32
    %mul3A_47 = arith.muli %arg1, %mul3A_46 : i32
    %add3A_48 = arith.constant 400 : i32
    %add3A_49 = arith.addi %mul3A_47, %add3A_48 : i32
    "tpu.region"() ({
      %run_scoped3A = tpu.sem_alloc : memref<!tpu.dma_semaphore, #tpu.memory_space<semaphore_mem>>
      %dma_start3A_239 = arith.constant 0 : i32
      %dma_start3A_240 = tpu.memref_slice %arg21[%add3A_49, %dma_start3A_239] : memref<10240x128xf32, #tpu.memory_space<vmem_shared>> -> memref<40x128xf32, #tpu.memory_space<vmem_shared>>
      %dma_start3A_241 = arith.constant 0 : i32
      %dma_start3A_242 = tpu.memref_slice %arg21[%add3A_49, %dma_start3A_241] : memref<10240x128xf32, #tpu.memory_space<vmem_shared>> -> memref<40x128xf32, #tpu.memory_space<vmem_shared>>
      tpu.enqueue_dma source(%arg19 : memref<40x128xf32, #tpu.memory_space<vmem>>) target(%dma_start3A_242 : memref<40x128xf32, #tpu.memory_space<vmem_shared>>) target_semaphore(%run_scoped3A : memref<!tpu.dma_semaphore, #tpu.memory_space<semaphore_mem>>)
      %dma_wait3A_243 = arith.constant 0 : i32
      %dma_wait3A_244 = tpu.memref_slice %arg21[%add3A_49, %dma_wait3A_243] : memref<10240x128xf32, #tpu.memory_space<vmem_shared>> -> memref<40x128xf32, #tpu.memory_space<vmem_shared>>
      %dma_wait3A_245 = arith.constant 0 : i32
      %dma_wait3A_246 = tpu.memref_slice %arg21[%add3A_49, %dma_wait3A_245] : memref<10240x128xf32, #tpu.memory_space<vmem_shared>> -> memref<40x128xf32, #tpu.memory_space<vmem_shared>>
      tpu.wait_dma2 semaphore(%run_scoped3A : memref<!tpu.dma_semaphore, #tpu.memory_space<semaphore_mem>>) src(%arg19 : memref<40x128xf32, #tpu.memory_space<vmem>>) dst(%dma_wait3A_246 : memref<40x128xf32, #tpu.memory_space<vmem_shared>>)
      tpu.yield
    }) : () -> ()
    %mul3A_50 = arith.constant 640 : i32
    %mul3A_51 = arith.muli %arg1, %mul3A_50 : i32
    %add3A_52 = arith.constant 440 : i32
    %add3A_53 = arith.addi %mul3A_51, %add3A_52 : i32
    "tpu.region"() ({
      %run_scoped3A = tpu.sem_alloc : memref<!tpu.dma_semaphore, #tpu.memory_space<semaphore_mem>>
      %dma_start3A_239 = arith.constant 0 : i32
      %dma_start3A_240 = tpu.memref_slice %arg21[%add3A_53, %dma_start3A_239] : memref<10240x128xf32, #tpu.memory_space<vmem_shared>> -> memref<40x128xf32, #tpu.memory_space<vmem_shared>>
      %dma_start3A_241 = arith.constant 0 : i32
      %dma_start3A_242 = tpu.memref_slice %arg21[%add3A_53, %dma_start3A_241] : memref<10240x128xf32, #tpu.memory_space<vmem_shared>> -> memref<40x128xf32, #tpu.memory_space<vmem_shared>>
      tpu.enqueue_dma source(%arg19 : memref<40x128xf32, #tpu.memory_space<vmem>>) target(%dma_start3A_242 : memref<40x128xf32, #tpu.memory_space<vmem_shared>>) target_semaphore(%run_scoped3A : memref<!tpu.dma_semaphore, #tpu.memory_space<semaphore_mem>>)
      %dma_wait3A_243 = arith.constant 0 : i32
      %dma_wait3A_244 = tpu.memref_slice %arg21[%add3A_53, %dma_wait3A_243] : memref<10240x128xf32, #tpu.memory_space<vmem_shared>> -> memref<40x128xf32, #tpu.memory_space<vmem_shared>>
      %dma_wait3A_245 = arith.constant 0 : i32
      %dma_wait3A_246 = tpu.memref_slice %arg21[%add3A_53, %dma_wait3A_245] : memref<10240x128xf32, #tpu.memory_space<vmem_shared>> -> memref<40x128xf32, #tpu.memory_space<vmem_shared>>
      tpu.wait_dma2 semaphore(%run_scoped3A : memref<!tpu.dma_semaphore, #tpu.memory_space<semaphore_mem>>) src(%arg19 : memref<40x128xf32, #tpu.memory_space<vmem>>) dst(%dma_wait3A_246 : memref<40x128xf32, #tpu.memory_space<vmem_shared>>)
      tpu.yield
    }) : () -> ()
    %mul3A_54 = arith.constant 640 : i32
    %mul3A_55 = arith.muli %arg1, %mul3A_54 : i32
    %add3A_56 = arith.constant 480 : i32
    %add3A_57 = arith.addi %mul3A_55, %add3A_56 : i32
    "tpu.region"() ({
      %run_scoped3A = tpu.sem_alloc : memref<!tpu.dma_semaphore, #tpu.memory_space<semaphore_mem>>
      %dma_start3A_239 = arith.constant 0 : i32
      %dma_start3A_240 = tpu.memref_slice %arg21[%add3A_57, %dma_start3A_239] : memref<10240x128xf32, #tpu.memory_space<vmem_shared>> -> memref<40x128xf32, #tpu.memory_space<vmem_shared>>
      %dma_start3A_241 = arith.constant 0 : i32
      %dma_start3A_242 = tpu.memref_slice %arg21[%add3A_57, %dma_start3A_241] : memref<10240x128xf32, #tpu.memory_space<vmem_shared>> -> memref<40x128xf32, #tpu.memory_space<vmem_shared>>
      tpu.enqueue_dma source(%arg19 : memref<40x128xf32, #tpu.memory_space<vmem>>) target(%dma_start3A_242 : memref<40x128xf32, #tpu.memory_space<vmem_shared>>) target_semaphore(%run_scoped3A : memref<!tpu.dma_semaphore, #tpu.memory_space<semaphore_mem>>)
      %dma_wait3A_243 = arith.constant 0 : i32
      %dma_wait3A_244 = tpu.memref_slice %arg21[%add3A_57, %dma_wait3A_243] : memref<10240x128xf32, #tpu.memory_space<vmem_shared>> -> memref<40x128xf32, #tpu.memory_space<vmem_shared>>
      %dma_wait3A_245 = arith.constant 0 : i32
      %dma_wait3A_246 = tpu.memref_slice %arg21[%add3A_57, %dma_wait3A_245] : memref<10240x128xf32, #tpu.memory_space<vmem_shared>> -> memref<40x128xf32, #tpu.memory_space<vmem_shared>>
      tpu.wait_dma2 semaphore(%run_scoped3A : memref<!tpu.dma_semaphore, #tpu.memory_space<semaphore_mem>>) src(%arg19 : memref<40x128xf32, #tpu.memory_space<vmem>>) dst(%dma_wait3A_246 : memref<40x128xf32, #tpu.memory_space<vmem_shared>>)
      tpu.yield
    }) : () -> ()
    %mul3A_58 = arith.constant 640 : i32
    %mul3A_59 = arith.muli %arg1, %mul3A_58 : i32
    %add3A_60 = arith.constant 520 : i32
    %add3A_61 = arith.addi %mul3A_59, %add3A_60 : i32
    "tpu.region"() ({
      %run_scoped3A = tpu.sem_alloc : memref<!tpu.dma_semaphore, #tpu.memory_space<semaphore_mem>>
      %dma_start3A_239 = arith.constant 0 : i32
      %dma_start3A_240 = tpu.memref_slice %arg21[%add3A_61, %dma_start3A_239] : memref<10240x128xf32, #tpu.memory_space<vmem_shared>> -> memref<40x128xf32, #tpu.memory_space<vmem_shared>>
      %dma_start3A_241 = arith.constant 0 : i32
      %dma_start3A_242 = tpu.memref_slice %arg21[%add3A_61, %dma_start3A_241] : memref<10240x128xf32, #tpu.memory_space<vmem_shared>> -> memref<40x128xf32, #tpu.memory_space<vmem_shared>>
      tpu.enqueue_dma source(%arg19 : memref<40x128xf32, #tpu.memory_space<vmem>>) target(%dma_start3A_242 : memref<40x128xf32, #tpu.memory_space<vmem_shared>>) target_semaphore(%run_scoped3A : memref<!tpu.dma_semaphore, #tpu.memory_space<semaphore_mem>>)
      %dma_wait3A_243 = arith.constant 0 : i32
      %dma_wait3A_244 = tpu.memref_slice %arg21[%add3A_61, %dma_wait3A_243] : memref<10240x128xf32, #tpu.memory_space<vmem_shared>> -> memref<40x128xf32, #tpu.memory_space<vmem_shared>>
      %dma_wait3A_245 = arith.constant 0 : i32
      %dma_wait3A_246 = tpu.memref_slice %arg21[%add3A_61, %dma_wait3A_245] : memref<10240x128xf32, #tpu.memory_space<vmem_shared>> -> memref<40x128xf32, #tpu.memory_space<vmem_shared>>
      tpu.wait_dma2 semaphore(%run_scoped3A : memref<!tpu.dma_semaphore, #tpu.memory_space<semaphore_mem>>) src(%arg19 : memref<40x128xf32, #tpu.memory_space<vmem>>) dst(%dma_wait3A_246 : memref<40x128xf32, #tpu.memory_space<vmem_shared>>)
      tpu.yield
    }) : () -> ()
    %mul3A_62 = arith.constant 640 : i32
    %mul3A_63 = arith.muli %arg1, %mul3A_62 : i32
    %add3A_64 = arith.constant 560 : i32
    %add3A_65 = arith.addi %mul3A_63, %add3A_64 : i32
    "tpu.region"() ({
      %run_scoped3A = tpu.sem_alloc : memref<!tpu.dma_semaphore, #tpu.memory_space<semaphore_mem>>
      %dma_start3A_239 = arith.constant 0 : i32
      %dma_start3A_240 = tpu.memref_slice %arg21[%add3A_65, %dma_start3A_239] : memref<10240x128xf32, #tpu.memory_space<vmem_shared>> -> memref<40x128xf32, #tpu.memory_space<vmem_shared>>
      %dma_start3A_241 = arith.constant 0 : i32
      %dma_start3A_242 = tpu.memref_slice %arg21[%add3A_65, %dma_start3A_241] : memref<10240x128xf32, #tpu.memory_space<vmem_shared>> -> memref<40x128xf32, #tpu.memory_space<vmem_shared>>
      tpu.enqueue_dma source(%arg19 : memref<40x128xf32, #tpu.memory_space<vmem>>) target(%dma_start3A_242 : memref<40x128xf32, #tpu.memory_space<vmem_shared>>) target_semaphore(%run_scoped3A : memref<!tpu.dma_semaphore, #tpu.memory_space<semaphore_mem>>)
      %dma_wait3A_243 = arith.constant 0 : i32
      %dma_wait3A_244 = tpu.memref_slice %arg21[%add3A_65, %dma_wait3A_243] : memref<10240x128xf32, #tpu.memory_space<vmem_shared>> -> memref<40x128xf32, #tpu.memory_space<vmem_shared>>
      %dma_wait3A_245 = arith.constant 0 : i32
      %dma_wait3A_246 = tpu.memref_slice %arg21[%add3A_65, %dma_wait3A_245] : memref<10240x128xf32, #tpu.memory_space<vmem_shared>> -> memref<40x128xf32, #tpu.memory_space<vmem_shared>>
      tpu.wait_dma2 semaphore(%run_scoped3A : memref<!tpu.dma_semaphore, #tpu.memory_space<semaphore_mem>>) src(%arg19 : memref<40x128xf32, #tpu.memory_space<vmem>>) dst(%dma_wait3A_246 : memref<40x128xf32, #tpu.memory_space<vmem_shared>>)
      tpu.yield
    }) : () -> ()
    %mul3A_66 = arith.constant 640 : i32
    %mul3A_67 = arith.muli %arg1, %mul3A_66 : i32
    %add3A_68 = arith.constant 600 : i32
    %add3A_69 = arith.addi %mul3A_67, %add3A_68 : i32
    "tpu.region"() ({
      %run_scoped3A = tpu.sem_alloc : memref<!tpu.dma_semaphore, #tpu.memory_space<semaphore_mem>>
      %dma_start3A_239 = arith.constant 0 : i32
      %dma_start3A_240 = tpu.memref_slice %arg21[%add3A_69, %dma_start3A_239] : memref<10240x128xf32, #tpu.memory_space<vmem_shared>> -> memref<40x128xf32, #tpu.memory_space<vmem_shared>>
      %dma_start3A_241 = arith.constant 0 : i32
      %dma_start3A_242 = tpu.memref_slice %arg21[%add3A_69, %dma_start3A_241] : memref<10240x128xf32, #tpu.memory_space<vmem_shared>> -> memref<40x128xf32, #tpu.memory_space<vmem_shared>>
      tpu.enqueue_dma source(%arg19 : memref<40x128xf32, #tpu.memory_space<vmem>>) target(%dma_start3A_242 : memref<40x128xf32, #tpu.memory_space<vmem_shared>>) target_semaphore(%run_scoped3A : memref<!tpu.dma_semaphore, #tpu.memory_space<semaphore_mem>>)
      %dma_wait3A_243 = arith.constant 0 : i32
      %dma_wait3A_244 = tpu.memref_slice %arg21[%add3A_69, %dma_wait3A_243] : memref<10240x128xf32, #tpu.memory_space<vmem_shared>> -> memref<40x128xf32, #tpu.memory_space<vmem_shared>>
      %dma_wait3A_245 = arith.constant 0 : i32
      %dma_wait3A_246 = tpu.memref_slice %arg21[%add3A_69, %dma_wait3A_245] : memref<10240x128xf32, #tpu.memory_space<vmem_shared>> -> memref<40x128xf32, #tpu.memory_space<vmem_shared>>
      tpu.wait_dma2 semaphore(%run_scoped3A : memref<!tpu.dma_semaphore, #tpu.memory_space<semaphore_mem>>) src(%arg19 : memref<40x128xf32, #tpu.memory_space<vmem>>) dst(%dma_wait3A_246 : memref<40x128xf32, #tpu.memory_space<vmem_shared>>)
      tpu.yield
    }) : () -> ()
    %barrier3A = arith.constant 0 : index
    tpu.barrier barrier_id(%barrier3A)
    %mul3A_70 = arith.constant 10000 : i32
    %mul3A_71 = arith.muli %add3A, %mul3A_70 : i32
    %add3A_72 = arith.constant 0 : i32
    %add3A_73 = arith.addi %mul3A_71, %add3A_72 : i32
    %dma_start3A = tpu.memref_slice %arg3[%add3A_73] : memref<320000xi32, #tpu.memory_space<hbm>> -> memref<40xi32, #tpu.memory_space<hbm>>
    %dma_start3A_74 = tpu.memref_slice %arg3[%add3A_73] : memref<320000xi32, #tpu.memory_space<hbm>> -> memref<40xi32, #tpu.memory_space<hbm>>
    tpu.enqueue_dma source(%dma_start3A_74 : memref<40xi32, #tpu.memory_space<hbm>>) target(%arg7 : memref<40xi32, #tpu.memory_space<vmem>>) target_semaphore(%arg22 : memref<!tpu.dma_semaphore, #tpu.memory_space<semaphore_mem>>)
    %add3A_75 = arith.constant 0 : i32
    %add3A_76 = arith.addi %mul3A_71, %add3A_75 : i32
    %dma_start3A_77 = tpu.memref_slice %arg4[%add3A_76] : memref<320000xi32, #tpu.memory_space<hbm>> -> memref<40xi32, #tpu.memory_space<hbm>>
    %dma_start3A_78 = tpu.memref_slice %arg4[%add3A_76] : memref<320000xi32, #tpu.memory_space<hbm>> -> memref<40xi32, #tpu.memory_space<hbm>>
    tpu.enqueue_dma source(%dma_start3A_78 : memref<40xi32, #tpu.memory_space<hbm>>) target(%arg11 : memref<40xi32, #tpu.memory_space<vmem>>) target_semaphore(%arg26 : memref<!tpu.dma_semaphore, #tpu.memory_space<semaphore_mem>>)
    %add3A_79 = arith.constant 40 : i32
    %add3A_80 = arith.addi %mul3A_71, %add3A_79 : i32
    %dma_start3A_81 = tpu.memref_slice %arg3[%add3A_80] : memref<320000xi32, #tpu.memory_space<hbm>> -> memref<40xi32, #tpu.memory_space<hbm>>
    %dma_start3A_82 = tpu.memref_slice %arg3[%add3A_80] : memref<320000xi32, #tpu.memory_space<hbm>> -> memref<40xi32, #tpu.memory_space<hbm>>
    tpu.enqueue_dma source(%dma_start3A_82 : memref<40xi32, #tpu.memory_space<hbm>>) target(%arg8 : memref<40xi32, #tpu.memory_space<vmem>>) target_semaphore(%arg23 : memref<!tpu.dma_semaphore, #tpu.memory_space<semaphore_mem>>)
    %add3A_83 = arith.constant 40 : i32
    %add3A_84 = arith.addi %mul3A_71, %add3A_83 : i32
    %dma_start3A_85 = tpu.memref_slice %arg4[%add3A_84] : memref<320000xi32, #tpu.memory_space<hbm>> -> memref<40xi32, #tpu.memory_space<hbm>>
    %dma_start3A_86 = tpu.memref_slice %arg4[%add3A_84] : memref<320000xi32, #tpu.memory_space<hbm>> -> memref<40xi32, #tpu.memory_space<hbm>>
    tpu.enqueue_dma source(%dma_start3A_86 : memref<40xi32, #tpu.memory_space<hbm>>) target(%arg12 : memref<40xi32, #tpu.memory_space<vmem>>) target_semaphore(%arg27 : memref<!tpu.dma_semaphore, #tpu.memory_space<semaphore_mem>>)
    %add3A_87 = arith.constant 0 : i32
    %add3A_88 = arith.addi %mul3A_71, %add3A_87 : i32
    %dma_wait3A = tpu.memref_slice %arg3[%add3A_88] : memref<320000xi32, #tpu.memory_space<hbm>> -> memref<40xi32, #tpu.memory_space<hbm>>
    %dma_wait3A_89 = tpu.memref_slice %arg3[%add3A_88] : memref<320000xi32, #tpu.memory_space<hbm>> -> memref<40xi32, #tpu.memory_space<hbm>>
    tpu.wait_dma2 semaphore(%arg22 : memref<!tpu.dma_semaphore, #tpu.memory_space<semaphore_mem>>) src(%dma_wait3A_89 : memref<40xi32, #tpu.memory_space<hbm>>) dst(%arg7 : memref<40xi32, #tpu.memory_space<vmem>>)
    %add3A_90 = arith.constant 0 : i32
    %add3A_91 = arith.addi %mul3A_71, %add3A_90 : i32
    %dma_wait3A_92 = tpu.memref_slice %arg4[%add3A_91] : memref<320000xi32, #tpu.memory_space<hbm>> -> memref<40xi32, #tpu.memory_space<hbm>>
    %dma_wait3A_93 = tpu.memref_slice %arg4[%add3A_91] : memref<320000xi32, #tpu.memory_space<hbm>> -> memref<40xi32, #tpu.memory_space<hbm>>
    tpu.wait_dma2 semaphore(%arg26 : memref<!tpu.dma_semaphore, #tpu.memory_space<semaphore_mem>>) src(%dma_wait3A_93 : memref<40xi32, #tpu.memory_space<hbm>>) dst(%arg11 : memref<40xi32, #tpu.memory_space<vmem>>)
    %add3A_94 = arith.constant 0 : i32
    %add3A_95 = arith.addi %mul3A_71, %add3A_94 : i32
    %dma_start3A_96 = arith.constant 0 : i32
    %dma_start3A_97 = tpu.memref_slice %arg5[%add3A_95, %dma_start3A_96] : memref<320000x128xf32, #tpu.memory_space<hbm>> -> memref<40x128xf32, #tpu.memory_space<hbm>>
    %dma_start3A_98 = arith.constant 0 : i32
    %dma_start3A_99 = tpu.memref_slice %arg5[%add3A_95, %dma_start3A_98] : memref<320000x128xf32, #tpu.memory_space<hbm>> -> memref<40x128xf32, #tpu.memory_space<hbm>>
    tpu.enqueue_dma source(%dma_start3A_99 : memref<40x128xf32, #tpu.memory_space<hbm>>) target(%arg15 : memref<40x128xf32, #tpu.memory_space<vmem>>) target_semaphore(%arg30 : memref<!tpu.dma_semaphore, #tpu.memory_space<semaphore_mem>>)
    %add3A_100 = arith.constant 40 : i32
    %add3A_101 = arith.addi %mul3A_71, %add3A_100 : i32
    %dma_start3A_102 = arith.constant 0 : i32
    %dma_start3A_103 = tpu.memref_slice %arg5[%add3A_101, %dma_start3A_102] : memref<320000x128xf32, #tpu.memory_space<hbm>> -> memref<40x128xf32, #tpu.memory_space<hbm>>
    %dma_start3A_104 = arith.constant 0 : i32
    %dma_start3A_105 = tpu.memref_slice %arg5[%add3A_101, %dma_start3A_104] : memref<320000x128xf32, #tpu.memory_space<hbm>> -> memref<40x128xf32, #tpu.memory_space<hbm>>
    tpu.enqueue_dma source(%dma_start3A_105 : memref<40x128xf32, #tpu.memory_space<hbm>>) target(%arg16 : memref<40x128xf32, #tpu.memory_space<vmem>>) target_semaphore(%arg31 : memref<!tpu.dma_semaphore, #tpu.memory_space<semaphore_mem>>)
    %dma_start3A_106 = arith.constant 0 : i32
    %dma_start3A_107 = arith.constant 0 : i32
    %dma_start3A_108 = tpu.memref_slice %arg2[%dma_start3A_106, %dma_start3A_107] : memref<10000x128xf32, #tpu.memory_space<hbm>> -> memref<10000x128xf32, #tpu.memory_space<hbm>>
    tpu.enqueue_indirect_dma source(%dma_start3A_108 : memref<10000x128xf32, #tpu.memory_space<hbm>>) target(%arg17 : memref<40x128xf32, #tpu.memory_space<vmem>>) offsets(%arg7 : memref<40xi32, #tpu.memory_space<vmem>>) semaphore(%arg32 : memref<!tpu.dma_semaphore, #tpu.memory_space<semaphore_mem>>)
    %scan3A_109 = arith.constant 0 : i32
    %scan3A_110 = arith.constant 0 : i32
    %scan3A_111 = arith.constant 62 : i32
    %scan3A_112 = arith.addi %scan3A_110, %scan3A_111 : i32
    %scan3A_113 = arith.constant 1 : i32
    scf.for %scan3A_239 = %scan3A_110 to %scan3A_112 step %scan3A_113  : i32 {
      %mul3A_240 = arith.constant 4 : i32
      %mul3A_241 = arith.muli %mul3A_240, %scan3A_239 : i32
      %add3A_242 = arith.constant 0 : i32
      %add3A_243 = arith.addi %mul3A_241, %add3A_242 : i32
      %mul3A_244 = arith.constant 40 : i32
      %mul3A_245 = arith.muli %add3A_243, %mul3A_244 : i32
      %add3A_246 = arith.addi %mul3A_71, %mul3A_245 : i32
      %dma_wait3A_247 = arith.constant 0 : i32
      %dma_wait3A_248 = tpu.memref_slice %arg5[%add3A_246, %dma_wait3A_247] : memref<320000x128xf32, #tpu.memory_space<hbm>> -> memref<40x128xf32, #tpu.memory_space<hbm>>
      %dma_wait3A_249 = arith.constant 0 : i32
      %dma_wait3A_250 = tpu.memref_slice %arg5[%add3A_246, %dma_wait3A_249] : memref<320000x128xf32, #tpu.memory_space<hbm>> -> memref<40x128xf32, #tpu.memory_space<hbm>>
      tpu.wait_dma2 semaphore(%arg30 : memref<!tpu.dma_semaphore, #tpu.memory_space<semaphore_mem>>) src(%dma_wait3A_250 : memref<40x128xf32, #tpu.memory_space<hbm>>) dst(%arg15 : memref<40x128xf32, #tpu.memory_space<vmem>>)
      %dma_wait3A_251 = arith.constant 0 : i32
      %dma_wait3A_252 = arith.constant 0 : i32
      %dma_wait3A_253 = tpu.memref_slice %arg2[%dma_wait3A_251, %dma_wait3A_252] : memref<10000x128xf32, #tpu.memory_space<hbm>> -> memref<10000x128xf32, #tpu.memory_space<hbm>>
      tpu.wait_indirect_dma semaphore(%arg32 : memref<!tpu.dma_semaphore, #tpu.memory_space<semaphore_mem>>) src(%dma_wait3A_253 : memref<10000x128xf32, #tpu.memory_space<hbm>>) dst(%arg17 : memref<40x128xf32, #tpu.memory_space<vmem>>)
      %ge3A = arith.constant 2 : i32
      %ge3A_254 = arith.cmpi sge, %add3A_243, %ge3A : i32
      %convert_element_type3A = arith.extui %ge3A_254 : i1 to i32
      %cond3A = arith.constant 0 : i32
      %cond3A_255 = arith.cmpi ne, %convert_element_type3A, %cond3A : i32
      scf.if %cond3A_255 {
        %dma_wait3A_487 = arith.constant 0 : i32
        %dma_wait3A_488 = arith.constant 0 : i32
        %dma_wait3A_489 = tpu.memref_slice %arg21[%dma_wait3A_487, %dma_wait3A_488] : memref<10240x128xf32, #tpu.memory_space<vmem_shared>> -> memref<10240x128xf32, #tpu.memory_space<vmem_shared>>
        tpu.wait_indirect_dma semaphore(%arg34 : memref<!tpu.dma_semaphore, #tpu.memory_space<semaphore_mem>>) src(%arg19 : memref<40x128xf32, #tpu.memory_space<vmem>>) dst(%dma_wait3A_489 : memref<10240x128xf32, #tpu.memory_space<vmem_shared>>)
      } else {
      }
      %scan3A_256 = arith.constant 0 : i32
      %scan3A_257 = arith.constant 0 : i32
      %scan3A_258 = arith.constant 40 : i32
      %scan3A_259 = arith.addi %scan3A_257, %scan3A_258 : i32
      %scan3A_260 = arith.constant 1 : i32
      scf.for %scan3A_487 = %scan3A_257 to %scan3A_259 step %scan3A_260  : i32 {
        %get3A = arith.index_cast %scan3A_487 : i32 to index
        %get3A_488 = arith.constant 0 : index
        %get3A_489 = tpu.vector_load %arg15[%get3A, %get3A_488] {strides = array<i32>} : memref<40x128xf32, #tpu.memory_space<vmem>>, vector<1x16xf32>,
        %get3A_490 = vector.shape_cast %get3A_489 : vector<1x16xf32> to vector<16xf32>
        %get3A_491 = arith.index_cast %scan3A_487 : i32 to index
        %get3A_492 = arith.constant 0 : index
        %get3A_493 = tpu.vector_load %arg17[%get3A_491, %get3A_492] {strides = array<i32>} : memref<40x128xf32, #tpu.memory_space<vmem>>, vector<1x16xf32>,
        %get3A_494 = vector.shape_cast %get3A_493 : vector<1x16xf32> to vector<16xf32>
        %mul3A_495 = arith.mulf %get3A_490, %get3A_494 : vector<16xf32>
        %swap3A = arith.index_cast %scan3A_487 : i32 to index
        %swap3A_496 = arith.constant 0 : index
        %swap3A_497 = tpu.vector_load %arg19[%swap3A, %swap3A_496] {strides = array<i32>} : memref<40x128xf32, #tpu.memory_space<vmem>>, vector<1x16xf32>,
        %swap3A_498 = vector.shape_cast %swap3A_497 : vector<1x16xf32> to vector<16xf32>
        %swap3A_499 = vector.shape_cast %mul3A_495 : vector<16xf32> to vector<1x16xf32>
        tpu.vector_store %arg19[%swap3A, %swap3A_496], %swap3A_499 {strides = array<i32>} : memref<40x128xf32, #tpu.memory_space<vmem>>, vector<1x16xf32>,
        %get3A_500 = arith.index_cast %scan3A_487 : i32 to index
        %get3A_501 = arith.constant 16 : index
        %get3A_502 = tpu.vector_load %arg15[%get3A_500, %get3A_501] {strides = array<i32>} : memref<40x128xf32, #tpu.memory_space<vmem>>, vector<1x16xf32>,
        %get3A_503 = vector.shape_cast %get3A_502 : vector<1x16xf32> to vector<16xf32>
        %get3A_504 = arith.index_cast %scan3A_487 : i32 to index
        %get3A_505 = arith.constant 16 : index
        %get3A_506 = tpu.vector_load %arg17[%get3A_504, %get3A_505] {strides = array<i32>} : memref<40x128xf32, #tpu.memory_space<vmem>>, vector<1x16xf32>,
        %get3A_507 = vector.shape_cast %get3A_506 : vector<1x16xf32> to vector<16xf32>
        %mul3A_508 = arith.mulf %get3A_503, %get3A_507 : vector<16xf32>
        %swap3A_509 = arith.index_cast %scan3A_487 : i32 to index
        %swap3A_510 = arith.constant 16 : index
        %swap3A_511 = tpu.vector_load %arg19[%swap3A_509, %swap3A_510] {strides = array<i32>} : memref<40x128xf32, #tpu.memory_space<vmem>>, vector<1x16xf32>,
        %swap3A_512 = vector.shape_cast %swap3A_511 : vector<1x16xf32> to vector<16xf32>
        %swap3A_513 = vector.shape_cast %mul3A_508 : vector<16xf32> to vector<1x16xf32>
        tpu.vector_store %arg19[%swap3A_509, %swap3A_510], %swap3A_513 {strides = array<i32>} : memref<40x128xf32, #tpu.memory_space<vmem>>, vector<1x16xf32>,
        %get3A_514 = arith.index_cast %scan3A_487 : i32 to index
        %get3A_515 = arith.constant 32 : index
        %get3A_516 = tpu.vector_load %arg15[%get3A_514, %get3A_515] {strides = array<i32>} : memref<40x128xf32, #tpu.memory_space<vmem>>, vector<1x16xf32>,
        %get3A_517 = vector.shape_cast %get3A_516 : vector<1x16xf32> to vector<16xf32>
        %get3A_518 = arith.index_cast %scan3A_487 : i32 to index
        %get3A_519 = arith.constant 32 : index
        %get3A_520 = tpu.vector_load %arg17[%get3A_518, %get3A_519] {strides = array<i32>} : memref<40x128xf32, #tpu.memory_space<vmem>>, vector<1x16xf32>,
        %get3A_521 = vector.shape_cast %get3A_520 : vector<1x16xf32> to vector<16xf32>
        %mul3A_522 = arith.mulf %get3A_517, %get3A_521 : vector<16xf32>
        %swap3A_523 = arith.index_cast %scan3A_487 : i32 to index
        %swap3A_524 = arith.constant 32 : index
        %swap3A_525 = tpu.vector_load %arg19[%swap3A_523, %swap3A_524] {strides = array<i32>} : memref<40x128xf32, #tpu.memory_space<vmem>>, vector<1x16xf32>,
        %swap3A_526 = vector.shape_cast %swap3A_525 : vector<1x16xf32> to vector<16xf32>
        %swap3A_527 = vector.shape_cast %mul3A_522 : vector<16xf32> to vector<1x16xf32>
        tpu.vector_store %arg19[%swap3A_523, %swap3A_524], %swap3A_527 {strides = array<i32>} : memref<40x128xf32, #tpu.memory_space<vmem>>, vector<1x16xf32>,
        %get3A_528 = arith.index_cast %scan3A_487 : i32 to index
        %get3A_529 = arith.constant 48 : index
        %get3A_530 = tpu.vector_load %arg15[%get3A_528, %get3A_529] {strides = array<i32>} : memref<40x128xf32, #tpu.memory_space<vmem>>, vector<1x16xf32>,
        %get3A_531 = vector.shape_cast %get3A_530 : vector<1x16xf32> to vector<16xf32>
        %get3A_532 = arith.index_cast %scan3A_487 : i32 to index
        %get3A_533 = arith.constant 48 : index
        %get3A_534 = tpu.vector_load %arg17[%get3A_532, %get3A_533] {strides = array<i32>} : memref<40x128xf32, #tpu.memory_space<vmem>>, vector<1x16xf32>,
        %get3A_535 = vector.shape_cast %get3A_534 : vector<1x16xf32> to vector<16xf32>
        %mul3A_536 = arith.mulf %get3A_531, %get3A_535 : vector<16xf32>
        %swap3A_537 = arith.index_cast %scan3A_487 : i32 to index
        %swap3A_538 = arith.constant 48 : index
        %swap3A_539 = tpu.vector_load %arg19[%swap3A_537, %swap3A_538] {strides = array<i32>} : memref<40x128xf32, #tpu.memory_space<vmem>>, vector<1x16xf32>,
        %swap3A_540 = vector.shape_cast %swap3A_539 : vector<1x16xf32> to vector<16xf32>
        %swap3A_541 = vector.shape_cast %mul3A_536 : vector<16xf32> to vector<1x16xf32>
        tpu.vector_store %arg19[%swap3A_537, %swap3A_538], %swap3A_541 {strides = array<i32>} : memref<40x128xf32, #tpu.memory_space<vmem>>, vector<1x16xf32>,
        %get3A_542 = arith.index_cast %scan3A_487 : i32 to index
        %get3A_543 = arith.constant 64 : index
        %get3A_544 = tpu.vector_load %arg15[%get3A_542, %get3A_543] {strides = array<i32>} : memref<40x128xf32, #tpu.memory_space<vmem>>, vector<1x16xf32>,
        %get3A_545 = vector.shape_cast %get3A_544 : vector<1x16xf32> to vector<16xf32>
        %get3A_546 = arith.index_cast %scan3A_487 : i32 to index
        %get3A_547 = arith.constant 64 : index
        %get3A_548 = tpu.vector_load %arg17[%get3A_546, %get3A_547] {strides = array<i32>} : memref<40x128xf32, #tpu.memory_space<vmem>>, vector<1x16xf32>,
        %get3A_549 = vector.shape_cast %get3A_548 : vector<1x16xf32> to vector<16xf32>
        %mul3A_550 = arith.mulf %get3A_545, %get3A_549 : vector<16xf32>
        %swap3A_551 = arith.index_cast %scan3A_487 : i32 to index
        %swap3A_552 = arith.constant 64 : index
        %swap3A_553 = tpu.vector_load %arg19[%swap3A_551, %swap3A_552] {strides = array<i32>} : memref<40x128xf32, #tpu.memory_space<vmem>>, vector<1x16xf32>,
        %swap3A_554 = vector.shape_cast %swap3A_553 : vector<1x16xf32> to vector<16xf32>
        %swap3A_555 = vector.shape_cast %mul3A_550 : vector<16xf32> to vector<1x16xf32>
        tpu.vector_store %arg19[%swap3A_551, %swap3A_552], %swap3A_555 {strides = array<i32>} : memref<40x128xf32, #tpu.memory_space<vmem>>, vector<1x16xf32>,
        %get3A_556 = arith.index_cast %scan3A_487 : i32 to index
        %get3A_557 = arith.constant 80 : index
        %get3A_558 = tpu.vector_load %arg15[%get3A_556, %get3A_557] {strides = array<i32>} : memref<40x128xf32, #tpu.memory_space<vmem>>, vector<1x16xf32>,
        %get3A_559 = vector.shape_cast %get3A_558 : vector<1x16xf32> to vector<16xf32>
        %get3A_560 = arith.index_cast %scan3A_487 : i32 to index
        %get3A_561 = arith.constant 80 : index
        %get3A_562 = tpu.vector_load %arg17[%get3A_560, %get3A_561] {strides = array<i32>} : memref<40x128xf32, #tpu.memory_space<vmem>>, vector<1x16xf32>,
        %get3A_563 = vector.shape_cast %get3A_562 : vector<1x16xf32> to vector<16xf32>
        %mul3A_564 = arith.mulf %get3A_559, %get3A_563 : vector<16xf32>
        %swap3A_565 = arith.index_cast %scan3A_487 : i32 to index
        %swap3A_566 = arith.constant 80 : index
        %swap3A_567 = tpu.vector_load %arg19[%swap3A_565, %swap3A_566] {strides = array<i32>} : memref<40x128xf32, #tpu.memory_space<vmem>>, vector<1x16xf32>,
        %swap3A_568 = vector.shape_cast %swap3A_567 : vector<1x16xf32> to vector<16xf32>
        %swap3A_569 = vector.shape_cast %mul3A_564 : vector<16xf32> to vector<1x16xf32>
        tpu.vector_store %arg19[%swap3A_565, %swap3A_566], %swap3A_569 {strides = array<i32>} : memref<40x128xf32, #tpu.memory_space<vmem>>, vector<1x16xf32>,
        %get3A_570 = arith.index_cast %scan3A_487 : i32 to index
        %get3A_571 = arith.constant 96 : index
        %get3A_572 = tpu.vector_load %arg15[%get3A_570, %get3A_571] {strides = array<i32>} : memref<40x128xf32, #tpu.memory_space<vmem>>, vector<1x16xf32>,
        %get3A_573 = vector.shape_cast %get3A_572 : vector<1x16xf32> to vector<16xf32>
        %get3A_574 = arith.index_cast %scan3A_487 : i32 to index
        %get3A_575 = arith.constant 96 : index
        %get3A_576 = tpu.vector_load %arg17[%get3A_574, %get3A_575] {strides = array<i32>} : memref<40x128xf32, #tpu.memory_space<vmem>>, vector<1x16xf32>,
        %get3A_577 = vector.shape_cast %get3A_576 : vector<1x16xf32> to vector<16xf32>
        %mul3A_578 = arith.mulf %get3A_573, %get3A_577 : vector<16xf32>
        %swap3A_579 = arith.index_cast %scan3A_487 : i32 to index
        %swap3A_580 = arith.constant 96 : index
        %swap3A_581 = tpu.vector_load %arg19[%swap3A_579, %swap3A_580] {strides = array<i32>} : memref<40x128xf32, #tpu.memory_space<vmem>>, vector<1x16xf32>,
        %swap3A_582 = vector.shape_cast %swap3A_581 : vector<1x16xf32> to vector<16xf32>
        %swap3A_583 = vector.shape_cast %mul3A_578 : vector<16xf32> to vector<1x16xf32>
        tpu.vector_store %arg19[%swap3A_579, %swap3A_580], %swap3A_583 {strides = array<i32>} : memref<40x128xf32, #tpu.memory_space<vmem>>, vector<1x16xf32>,
        %get3A_584 = arith.index_cast %scan3A_487 : i32 to index
        %get3A_585 = arith.constant 112 : index
        %get3A_586 = tpu.vector_load %arg15[%get3A_584, %get3A_585] {strides = array<i32>} : memref<40x128xf32, #tpu.memory_space<vmem>>, vector<1x16xf32>,
        %get3A_587 = vector.shape_cast %get3A_586 : vector<1x16xf32> to vector<16xf32>
        %get3A_588 = arith.index_cast %scan3A_487 : i32 to index
        %get3A_589 = arith.constant 112 : index
        %get3A_590 = tpu.vector_load %arg17[%get3A_588, %get3A_589] {strides = array<i32>} : memref<40x128xf32, #tpu.memory_space<vmem>>, vector<1x16xf32>,
        %get3A_591 = vector.shape_cast %get3A_590 : vector<1x16xf32> to vector<16xf32>
        %mul3A_592 = arith.mulf %get3A_587, %get3A_591 : vector<16xf32>
        %swap3A_593 = arith.index_cast %scan3A_487 : i32 to index
        %swap3A_594 = arith.constant 112 : index
        %swap3A_595 = tpu.vector_load %arg19[%swap3A_593, %swap3A_594] {strides = array<i32>} : memref<40x128xf32, #tpu.memory_space<vmem>>, vector<1x16xf32>,
        %swap3A_596 = vector.shape_cast %swap3A_595 : vector<1x16xf32> to vector<16xf32>
        %swap3A_597 = vector.shape_cast %mul3A_592 : vector<16xf32> to vector<1x16xf32>
        tpu.vector_store %arg19[%swap3A_593, %swap3A_594], %swap3A_597 {strides = array<i32>} : memref<40x128xf32, #tpu.memory_space<vmem>>, vector<1x16xf32>,
      }
      %scan3A_261 = arith.constant 40 : i32
      %dma_start3A_262 = arith.constant 0 : i32
      %dma_start3A_263 = arith.constant 0 : i32
      %dma_start3A_264 = tpu.memref_slice %arg21[%dma_start3A_262, %dma_start3A_263] : memref<10240x128xf32, #tpu.memory_space<vmem_shared>> -> memref<10240x128xf32, #tpu.memory_space<vmem_shared>>
      tpu.enqueue_indirect_dma source(%arg19 : memref<40x128xf32, #tpu.memory_space<vmem>>) target(%dma_start3A_264 : memref<10240x128xf32, #tpu.memory_space<vmem_shared>>) offsets(%arg11 : memref<40xi32, #tpu.memory_space<vmem>>) semaphore(%arg34 : memref<!tpu.dma_semaphore, #tpu.memory_space<semaphore_mem>>) {add = true}
      %add3A_265 = arith.constant 2 : i32
      %add3A_266 = arith.addi %add3A_243, %add3A_265 : i32
      %mul3A_267 = arith.constant 40 : i32
      %mul3A_268 = arith.muli %add3A_266, %mul3A_267 : i32
      %add3A_269 = arith.addi %mul3A_71, %mul3A_268 : i32
      %dma_start3A_270 = tpu.memref_slice %arg3[%add3A_269] : memref<320000xi32, #tpu.memory_space<hbm>> -> memref<40xi32, #tpu.memory_space<hbm>>
      %dma_start3A_271 = tpu.memref_slice %arg3[%add3A_269] : memref<320000xi32, #tpu.memory_space<hbm>> -> memref<40xi32, #tpu.memory_space<hbm>>
      tpu.enqueue_dma source(%dma_start3A_271 : memref<40xi32, #tpu.memory_space<hbm>>) target(%arg9 : memref<40xi32, #tpu.memory_space<vmem>>) target_semaphore(%arg24 : memref<!tpu.dma_semaphore, #tpu.memory_space<semaphore_mem>>)
      %mul3A_272 = arith.constant 40 : i32
      %mul3A_273 = arith.muli %add3A_266, %mul3A_272 : i32
      %add3A_274 = arith.addi %mul3A_71, %mul3A_273 : i32
      %dma_start3A_275 = tpu.memref_slice %arg4[%add3A_274] : memref<320000xi32, #tpu.memory_space<hbm>> -> memref<40xi32, #tpu.memory_space<hbm>>
      %dma_start3A_276 = tpu.memref_slice %arg4[%add3A_274] : memref<320000xi32, #tpu.memory_space<hbm>> -> memref<40xi32, #tpu.memory_space<hbm>>
      tpu.enqueue_dma source(%dma_start3A_276 : memref<40xi32, #tpu.memory_space<hbm>>) target(%arg13 : memref<40xi32, #tpu.memory_space<vmem>>) target_semaphore(%arg28 : memref<!tpu.dma_semaphore, #tpu.memory_space<semaphore_mem>>)
      %add3A_277 = arith.constant 2 : i32
      %add3A_278 = arith.addi %add3A_243, %add3A_277 : i32
      %mul3A_279 = arith.constant 40 : i32
      %mul3A_280 = arith.muli %add3A_278, %mul3A_279 : i32
      %add3A_281 = arith.addi %mul3A_71, %mul3A_280 : i32
      %dma_start3A_282 = arith.constant 0 : i32
      %dma_start3A_283 = tpu.memref_slice %arg5[%add3A_281, %dma_start3A_282] : memref<320000x128xf32, #tpu.memory_space<hbm>> -> memref<40x128xf32, #tpu.memory_space<hbm>>
      %dma_start3A_284 = arith.constant 0 : i32
      %dma_start3A_285 = tpu.memref_slice %arg5[%add3A_281, %dma_start3A_284] : memref<320000x128xf32, #tpu.memory_space<hbm>> -> memref<40x128xf32, #tpu.memory_space<hbm>>
      tpu.enqueue_dma source(%dma_start3A_285 : memref<40x128xf32, #tpu.memory_space<hbm>>) target(%arg15 : memref<40x128xf32, #tpu.memory_space<vmem>>) target_semaphore(%arg30 : memref<!tpu.dma_semaphore, #tpu.memory_space<semaphore_mem>>)
      %add3A_286 = arith.constant 1 : i32
      %add3A_287 = arith.addi %add3A_243, %add3A_286 : i32
      %mul3A_288 = arith.constant 40 : i32
      %mul3A_289 = arith.muli %add3A_287, %mul3A_288 : i32
      %add3A_290 = arith.addi %mul3A_71, %mul3A_289 : i32
      %dma_wait3A_291 = tpu.memref_slice %arg3[%add3A_290] : memref<320000xi32, #tpu.memory_space<hbm>> -> memref<40xi32, #tpu.memory_space<hbm>>
      %dma_wait3A_292 = tpu.memref_slice %arg3[%add3A_290] : memref<320000xi32, #tpu.memory_space<hbm>> -> memref<40xi32, #tpu.memory_space<hbm>>
      tpu.wait_dma2 semaphore(%arg23 : memref<!tpu.dma_semaphore, #tpu.memory_space<semaphore_mem>>) src(%dma_wait3A_292 : memref<40xi32, #tpu.memory_space<hbm>>) dst(%arg8 : memref<40xi32, #tpu.memory_space<vmem>>)
      %mul3A_293 = arith.constant 40 : i32
      %mul3A_294 = arith.muli %add3A_287, %mul3A_293 : i32
      %add3A_295 = arith.addi %mul3A_71, %mul3A_294 : i32
      %dma_wait3A_296 = tpu.memref_slice %arg4[%add3A_295] : memref<320000xi32, #tpu.memory_space<hbm>> -> memref<40xi32, #tpu.memory_space<hbm>>
      %dma_wait3A_297 = tpu.memref_slice %arg4[%add3A_295] : memref<320000xi32, #tpu.memory_space<hbm>> -> memref<40xi32, #tpu.memory_space<hbm>>
      tpu.wait_dma2 semaphore(%arg27 : memref<!tpu.dma_semaphore, #tpu.memory_space<semaphore_mem>>) src(%dma_wait3A_297 : memref<40xi32, #tpu.memory_space<hbm>>) dst(%arg12 : memref<40xi32, #tpu.memory_space<vmem>>)
      %dma_start3A_298 = arith.constant 0 : i32
      %dma_start3A_299 = arith.constant 0 : i32
      %dma_start3A_300 = tpu.memref_slice %arg2[%dma_start3A_298, %dma_start3A_299] : memref<10000x128xf32, #tpu.memory_space<hbm>> -> memref<10000x128xf32, #tpu.memory_space<hbm>>
      tpu.enqueue_indirect_dma source(%dma_start3A_300 : memref<10000x128xf32, #tpu.memory_space<hbm>>) target(%arg18 : memref<40x128xf32, #tpu.memory_space<vmem>>) offsets(%arg8 : memref<40xi32, #tpu.memory_space<vmem>>) semaphore(%arg33 : memref<!tpu.dma_semaphore, #tpu.memory_space<semaphore_mem>>)
      %add3A_301 = arith.constant 1 : i32
      %add3A_302 = arith.addi %mul3A_241, %add3A_301 : i32
      %mul3A_303 = arith.constant 40 : i32
      %mul3A_304 = arith.muli %add3A_302, %mul3A_303 : i32
      %add3A_305 = arith.addi %mul3A_71, %mul3A_304 : i32
      %dma_wait3A_306 = arith.constant 0 : i32
      %dma_wait3A_307 = tpu.memref_slice %arg5[%add3A_305, %dma_wait3A_306] : memref<320000x128xf32, #tpu.memory_space<hbm>> -> memref<40x128xf32, #tpu.memory_space<hbm>>
      %dma_wait3A_308 = arith.constant 0 : i32
      %dma_wait3A_309 = tpu.memref_slice %arg5[%add3A_305, %dma_wait3A_308] : memref<320000x128xf32, #tpu.memory_space<hbm>> -> memref<40x128xf32, #tpu.memory_space<hbm>>
      tpu.wait_dma2 semaphore(%arg31 : memref<!tpu.dma_semaphore, #tpu.memory_space<semaphore_mem>>) src(%dma_wait3A_309 : memref<40x128xf32, #tpu.memory_space<hbm>>) dst(%arg16 : memref<40x128xf32, #tpu.memory_space<vmem>>)
      %dma_wait3A_310 = arith.constant 0 : i32
      %dma_wait3A_311 = arith.constant 0 : i32
      %dma_wait3A_312 = tpu.memref_slice %arg2[%dma_wait3A_310, %dma_wait3A_311] : memref<10000x128xf32, #tpu.memory_space<hbm>> -> memref<10000x128xf32, #tpu.memory_space<hbm>>
      tpu.wait_indirect_dma semaphore(%arg33 : memref<!tpu.dma_semaphore, #tpu.memory_space<semaphore_mem>>) src(%dma_wait3A_312 : memref<10000x128xf32, #tpu.memory_space<hbm>>) dst(%arg18 : memref<40x128xf32, #tpu.memory_space<vmem>>)
      %ge3A_313 = arith.constant 2 : i32
      %ge3A_314 = arith.cmpi sge, %add3A_302, %ge3A_313 : i32
      %convert_element_type3A_315 = arith.extui %ge3A_314 : i1 to i32
      %cond3A_316 = arith.constant 0 : i32
      %cond3A_317 = arith.cmpi ne, %convert_element_type3A_315, %cond3A_316 : i32
      scf.if %cond3A_317 {
        %dma_wait3A_487 = arith.constant 0 : i32
        %dma_wait3A_488 = arith.constant 0 : i32
        %dma_wait3A_489 = tpu.memref_slice %arg21[%dma_wait3A_487, %dma_wait3A_488] : memref<10240x128xf32, #tpu.memory_space<vmem_shared>> -> memref<10240x128xf32, #tpu.memory_space<vmem_shared>>
        tpu.wait_indirect_dma semaphore(%arg35 : memref<!tpu.dma_semaphore, #tpu.memory_space<semaphore_mem>>) src(%arg20 : memref<40x128xf32, #tpu.memory_space<vmem>>) dst(%dma_wait3A_489 : memref<10240x128xf32, #tpu.memory_space<vmem_shared>>)
      } else {
      }
      %scan3A_318 = arith.constant 0 : i32
      %scan3A_319 = arith.constant 0 : i32
      %scan3A_320 = arith.constant 40 : i32
      %scan3A_321 = arith.addi %scan3A_319, %scan3A_320 : i32
      %scan3A_322 = arith.constant 1 : i32
      scf.for %scan3A_487 = %scan3A_319 to %scan3A_321 step %scan3A_322  : i32 {
        %get3A = arith.index_cast %scan3A_487 : i32 to index
        %get3A_488 = arith.constant 0 : index
        %get3A_489 = tpu.vector_load %arg16[%get3A, %get3A_488] {strides = array<i32>} : memref<40x128xf32, #tpu.memory_space<vmem>>, vector<1x16xf32>,
        %get3A_490 = vector.shape_cast %get3A_489 : vector<1x16xf32> to vector<16xf32>
        %get3A_491 = arith.index_cast %scan3A_487 : i32 to index
        %get3A_492 = arith.constant 0 : index
        %get3A_493 = tpu.vector_load %arg18[%get3A_491, %get3A_492] {strides = array<i32>} : memref<40x128xf32, #tpu.memory_space<vmem>>, vector<1x16xf32>,
        %get3A_494 = vector.shape_cast %get3A_493 : vector<1x16xf32> to vector<16xf32>
        %mul3A_495 = arith.mulf %get3A_490, %get3A_494 : vector<16xf32>
        %swap3A = arith.index_cast %scan3A_487 : i32 to index
        %swap3A_496 = arith.constant 0 : index
        %swap3A_497 = tpu.vector_load %arg20[%swap3A, %swap3A_496] {strides = array<i32>} : memref<40x128xf32, #tpu.memory_space<vmem>>, vector<1x16xf32>,
        %swap3A_498 = vector.shape_cast %swap3A_497 : vector<1x16xf32> to vector<16xf32>
        %swap3A_499 = vector.shape_cast %mul3A_495 : vector<16xf32> to vector<1x16xf32>
        tpu.vector_store %arg20[%swap3A, %swap3A_496], %swap3A_499 {strides = array<i32>} : memref<40x128xf32, #tpu.memory_space<vmem>>, vector<1x16xf32>,
        %get3A_500 = arith.index_cast %scan3A_487 : i32 to index
        %get3A_501 = arith.constant 16 : index
        %get3A_502 = tpu.vector_load %arg16[%get3A_500, %get3A_501] {strides = array<i32>} : memref<40x128xf32, #tpu.memory_space<vmem>>, vector<1x16xf32>,
        %get3A_503 = vector.shape_cast %get3A_502 : vector<1x16xf32> to vector<16xf32>
        %get3A_504 = arith.index_cast %scan3A_487 : i32 to index
        %get3A_505 = arith.constant 16 : index
        %get3A_506 = tpu.vector_load %arg18[%get3A_504, %get3A_505] {strides = array<i32>} : memref<40x128xf32, #tpu.memory_space<vmem>>, vector<1x16xf32>,
        %get3A_507 = vector.shape_cast %get3A_506 : vector<1x16xf32> to vector<16xf32>
        %mul3A_508 = arith.mulf %get3A_503, %get3A_507 : vector<16xf32>
        %swap3A_509 = arith.index_cast %scan3A_487 : i32 to index
        %swap3A_510 = arith.constant 16 : index
        %swap3A_511 = tpu.vector_load %arg20[%swap3A_509, %swap3A_510] {strides = array<i32>} : memref<40x128xf32, #tpu.memory_space<vmem>>, vector<1x16xf32>,
        %swap3A_512 = vector.shape_cast %swap3A_511 : vector<1x16xf32> to vector<16xf32>
        %swap3A_513 = vector.shape_cast %mul3A_508 : vector<16xf32> to vector<1x16xf32>
        tpu.vector_store %arg20[%swap3A_509, %swap3A_510], %swap3A_513 {strides = array<i32>} : memref<40x128xf32, #tpu.memory_space<vmem>>, vector<1x16xf32>,
        %get3A_514 = arith.index_cast %scan3A_487 : i32 to index
        %get3A_515 = arith.constant 32 : index
        %get3A_516 = tpu.vector_load %arg16[%get3A_514, %get3A_515] {strides = array<i32>} : memref<40x128xf32, #tpu.memory_space<vmem>>, vector<1x16xf32>,
        %get3A_517 = vector.shape_cast %get3A_516 : vector<1x16xf32> to vector<16xf32>
        %get3A_518 = arith.index_cast %scan3A_487 : i32 to index
        %get3A_519 = arith.constant 32 : index
        %get3A_520 = tpu.vector_load %arg18[%get3A_518, %get3A_519] {strides = array<i32>} : memref<40x128xf32, #tpu.memory_space<vmem>>, vector<1x16xf32>,
        %get3A_521 = vector.shape_cast %get3A_520 : vector<1x16xf32> to vector<16xf32>
        %mul3A_522 = arith.mulf %get3A_517, %get3A_521 : vector<16xf32>
        %swap3A_523 = arith.index_cast %scan3A_487 : i32 to index
        %swap3A_524 = arith.constant 32 : index
        %swap3A_525 = tpu.vector_load %arg20[%swap3A_523, %swap3A_524] {strides = array<i32>} : memref<40x128xf32, #tpu.memory_space<vmem>>, vector<1x16xf32>,
        %swap3A_526 = vector.shape_cast %swap3A_525 : vector<1x16xf32> to vector<16xf32>
        %swap3A_527 = vector.shape_cast %mul3A_522 : vector<16xf32> to vector<1x16xf32>
        tpu.vector_store %arg20[%swap3A_523, %swap3A_524], %swap3A_527 {strides = array<i32>} : memref<40x128xf32, #tpu.memory_space<vmem>>, vector<1x16xf32>,
        %get3A_528 = arith.index_cast %scan3A_487 : i32 to index
        %get3A_529 = arith.constant 48 : index
        %get3A_530 = tpu.vector_load %arg16[%get3A_528, %get3A_529] {strides = array<i32>} : memref<40x128xf32, #tpu.memory_space<vmem>>, vector<1x16xf32>,
        %get3A_531 = vector.shape_cast %get3A_530 : vector<1x16xf32> to vector<16xf32>
        %get3A_532 = arith.index_cast %scan3A_487 : i32 to index
        %get3A_533 = arith.constant 48 : index
        %get3A_534 = tpu.vector_load %arg18[%get3A_532, %get3A_533] {strides = array<i32>} : memref<40x128xf32, #tpu.memory_space<vmem>>, vector<1x16xf32>,
        %get3A_535 = vector.shape_cast %get3A_534 : vector<1x16xf32> to vector<16xf32>
        %mul3A_536 = arith.mulf %get3A_531, %get3A_535 : vector<16xf32>
        %swap3A_537 = arith.index_cast %scan3A_487 : i32 to index
        %swap3A_538 = arith.constant 48 : index
        %swap3A_539 = tpu.vector_load %arg20[%swap3A_537, %swap3A_538] {strides = array<i32>} : memref<40x128xf32, #tpu.memory_space<vmem>>, vector<1x16xf32>,
        %swap3A_540 = vector.shape_cast %swap3A_539 : vector<1x16xf32> to vector<16xf32>
        %swap3A_541 = vector.shape_cast %mul3A_536 : vector<16xf32> to vector<1x16xf32>
        tpu.vector_store %arg20[%swap3A_537, %swap3A_538], %swap3A_541 {strides = array<i32>} : memref<40x128xf32, #tpu.memory_space<vmem>>, vector<1x16xf32>,
        %get3A_542 = arith.index_cast %scan3A_487 : i32 to index
        %get3A_543 = arith.constant 64 : index
        %get3A_544 = tpu.vector_load %arg16[%get3A_542, %get3A_543] {strides = array<i32>} : memref<40x128xf32, #tpu.memory_space<vmem>>, vector<1x16xf32>,
        %get3A_545 = vector.shape_cast %get3A_544 : vector<1x16xf32> to vector<16xf32>
        %get3A_546 = arith.index_cast %scan3A_487 : i32 to index
        %get3A_547 = arith.constant 64 : index
        %get3A_548 = tpu.vector_load %arg18[%get3A_546, %get3A_547] {strides = array<i32>} : memref<40x128xf32, #tpu.memory_space<vmem>>, vector<1x16xf32>,
        %get3A_549 = vector.shape_cast %get3A_548 : vector<1x16xf32> to vector<16xf32>
        %mul3A_550 = arith.mulf %get3A_545, %get3A_549 : vector<16xf32>
        %swap3A_551 = arith.index_cast %scan3A_487 : i32 to index
        %swap3A_552 = arith.constant 64 : index
        %swap3A_553 = tpu.vector_load %arg20[%swap3A_551, %swap3A_552] {strides = array<i32>} : memref<40x128xf32, #tpu.memory_space<vmem>>, vector<1x16xf32>,
        %swap3A_554 = vector.shape_cast %swap3A_553 : vector<1x16xf32> to vector<16xf32>
        %swap3A_555 = vector.shape_cast %mul3A_550 : vector<16xf32> to vector<1x16xf32>
        tpu.vector_store %arg20[%swap3A_551, %swap3A_552], %swap3A_555 {strides = array<i32>} : memref<40x128xf32, #tpu.memory_space<vmem>>, vector<1x16xf32>,
        %get3A_556 = arith.index_cast %scan3A_487 : i32 to index
        %get3A_557 = arith.constant 80 : index
        %get3A_558 = tpu.vector_load %arg16[%get3A_556, %get3A_557] {strides = array<i32>} : memref<40x128xf32, #tpu.memory_space<vmem>>, vector<1x16xf32>,
        %get3A_559 = vector.shape_cast %get3A_558 : vector<1x16xf32> to vector<16xf32>
        %get3A_560 = arith.index_cast %scan3A_487 : i32 to index
        %get3A_561 = arith.constant 80 : index
        %get3A_562 = tpu.vector_load %arg18[%get3A_560, %get3A_561] {strides = array<i32>} : memref<40x128xf32, #tpu.memory_space<vmem>>, vector<1x16xf32>,
        %get3A_563 = vector.shape_cast %get3A_562 : vector<1x16xf32> to vector<16xf32>
        %mul3A_564 = arith.mulf %get3A_559, %get3A_563 : vector<16xf32>
        %swap3A_565 = arith.index_cast %scan3A_487 : i32 to index
        %swap3A_566 = arith.constant 80 : index
        %swap3A_567 = tpu.vector_load %arg20[%swap3A_565, %swap3A_566] {strides = array<i32>} : memref<40x128xf32, #tpu.memory_space<vmem>>, vector<1x16xf32>,
        %swap3A_568 = vector.shape_cast %swap3A_567 : vector<1x16xf32> to vector<16xf32>
        %swap3A_569 = vector.shape_cast %mul3A_564 : vector<16xf32> to vector<1x16xf32>
        tpu.vector_store %arg20[%swap3A_565, %swap3A_566], %swap3A_569 {strides = array<i32>} : memref<40x128xf32, #tpu.memory_space<vmem>>, vector<1x16xf32>,
        %get3A_570 = arith.index_cast %scan3A_487 : i32 to index
        %get3A_571 = arith.constant 96 : index
        %get3A_572 = tpu.vector_load %arg16[%get3A_570, %get3A_571] {strides = array<i32>} : memref<40x128xf32, #tpu.memory_space<vmem>>, vector<1x16xf32>,
        %get3A_573 = vector.shape_cast %get3A_572 : vector<1x16xf32> to vector<16xf32>
        %get3A_574 = arith.index_cast %scan3A_487 : i32 to index
        %get3A_575 = arith.constant 96 : index
        %get3A_576 = tpu.vector_load %arg18[%get3A_574, %get3A_575] {strides = array<i32>} : memref<40x128xf32, #tpu.memory_space<vmem>>, vector<1x16xf32>,
        %get3A_577 = vector.shape_cast %get3A_576 : vector<1x16xf32> to vector<16xf32>
        %mul3A_578 = arith.mulf %get3A_573, %get3A_577 : vector<16xf32>
        %swap3A_579 = arith.index_cast %scan3A_487 : i32 to index
        %swap3A_580 = arith.constant 96 : index
        %swap3A_581 = tpu.vector_load %arg20[%swap3A_579, %swap3A_580] {strides = array<i32>} : memref<40x128xf32, #tpu.memory_space<vmem>>, vector<1x16xf32>,
        %swap3A_582 = vector.shape_cast %swap3A_581 : vector<1x16xf32> to vector<16xf32>
        %swap3A_583 = vector.shape_cast %mul3A_578 : vector<16xf32> to vector<1x16xf32>
        tpu.vector_store %arg20[%swap3A_579, %swap3A_580], %swap3A_583 {strides = array<i32>} : memref<40x128xf32, #tpu.memory_space<vmem>>, vector<1x16xf32>,
        %get3A_584 = arith.index_cast %scan3A_487 : i32 to index
        %get3A_585 = arith.constant 112 : index
        %get3A_586 = tpu.vector_load %arg16[%get3A_584, %get3A_585] {strides = array<i32>} : memref<40x128xf32, #tpu.memory_space<vmem>>, vector<1x16xf32>,
        %get3A_587 = vector.shape_cast %get3A_586 : vector<1x16xf32> to vector<16xf32>
        %get3A_588 = arith.index_cast %scan3A_487 : i32 to index
        %get3A_589 = arith.constant 112 : index
        %get3A_590 = tpu.vector_load %arg18[%get3A_588, %get3A_589] {strides = array<i32>} : memref<40x128xf32, #tpu.memory_space<vmem>>, vector<1x16xf32>,
        %get3A_591 = vector.shape_cast %get3A_590 : vector<1x16xf32> to vector<16xf32>
        %mul3A_592 = arith.mulf %get3A_587, %get3A_591 : vector<16xf32>
        %swap3A_593 = arith.index_cast %scan3A_487 : i32 to index
        %swap3A_594 = arith.constant 112 : index
        %swap3A_595 = tpu.vector_load %arg20[%swap3A_593, %swap3A_594] {strides = array<i32>} : memref<40x128xf32, #tpu.memory_space<vmem>>, vector<1x16xf32>,
        %swap3A_596 = vector.shape_cast %swap3A_595 : vector<1x16xf32> to vector<16xf32>
        %swap3A_597 = vector.shape_cast %mul3A_592 : vector<16xf32> to vector<1x16xf32>
        tpu.vector_store %arg20[%swap3A_593, %swap3A_594], %swap3A_597 {strides = array<i32>} : memref<40x128xf32, #tpu.memory_space<vmem>>, vector<1x16xf32>,
      }
      %scan3A_323 = arith.constant 40 : i32
      %dma_start3A_324 = arith.constant 0 : i32
      %dma_start3A_325 = arith.constant 0 : i32
      %dma_start3A_326 = tpu.memref_slice %arg21[%dma_start3A_324, %dma_start3A_325] : memref<10240x128xf32, #tpu.memory_space<vmem_shared>> -> memref<10240x128xf32, #tpu.memory_space<vmem_shared>>
      tpu.enqueue_indirect_dma source(%arg20 : memref<40x128xf32, #tpu.memory_space<vmem>>) target(%dma_start3A_326 : memref<10240x128xf32, #tpu.memory_space<vmem_shared>>) offsets(%arg12 : memref<40xi32, #tpu.memory_space<vmem>>) semaphore(%arg35 : memref<!tpu.dma_semaphore, #tpu.memory_space<semaphore_mem>>) {add = true}
      %add3A_327 = arith.constant 2 : i32
      %add3A_328 = arith.addi %add3A_302, %add3A_327 : i32
      %mul3A_329 = arith.constant 40 : i32
      %mul3A_330 = arith.muli %add3A_328, %mul3A_329 : i32
      %add3A_331 = arith.addi %mul3A_71, %mul3A_330 : i32
      %dma_start3A_332 = tpu.memref_slice %arg3[%add3A_331] : memref<320000xi32, #tpu.memory_space<hbm>> -> memref<40xi32, #tpu.memory_space<hbm>>
      %dma_start3A_333 = tpu.memref_slice %arg3[%add3A_331] : memref<320000xi32, #tpu.memory_space<hbm>> -> memref<40xi32, #tpu.memory_space<hbm>>
      tpu.enqueue_dma source(%dma_start3A_333 : memref<40xi32, #tpu.memory_space<hbm>>) target(%arg10 : memref<40xi32, #tpu.memory_space<vmem>>) target_semaphore(%arg25 : memref<!tpu.dma_semaphore, #tpu.memory_space<semaphore_mem>>)
      %mul3A_334 = arith.constant 40 : i32
      %mul3A_335 = arith.muli %add3A_328, %mul3A_334 : i32
      %add3A_336 = arith.addi %mul3A_71, %mul3A_335 : i32
      %dma_start3A_337 = tpu.memref_slice %arg4[%add3A_336] : memref<320000xi32, #tpu.memory_space<hbm>> -> memref<40xi32, #tpu.memory_space<hbm>>
      %dma_start3A_338 = tpu.memref_slice %arg4[%add3A_336] : memref<320000xi32, #tpu.memory_space<hbm>> -> memref<40xi32, #tpu.memory_space<hbm>>
      tpu.enqueue_dma source(%dma_start3A_338 : memref<40xi32, #tpu.memory_space<hbm>>) target(%arg14 : memref<40xi32, #tpu.memory_space<vmem>>) target_semaphore(%arg29 : memref<!tpu.dma_semaphore, #tpu.memory_space<semaphore_mem>>)
      %add3A_339 = arith.constant 2 : i32
      %add3A_340 = arith.addi %add3A_302, %add3A_339 : i32
      %mul3A_341 = arith.constant 40 : i32
      %mul3A_342 = arith.muli %add3A_340, %mul3A_341 : i32
      %add3A_343 = arith.addi %mul3A_71, %mul3A_342 : i32
      %dma_start3A_344 = arith.constant 0 : i32
      %dma_start3A_345 = tpu.memref_slice %arg5[%add3A_343, %dma_start3A_344] : memref<320000x128xf32, #tpu.memory_space<hbm>> -> memref<40x128xf32, #tpu.memory_space<hbm>>
      %dma_start3A_346 = arith.constant 0 : i32
      %dma_start3A_347 = tpu.memref_slice %arg5[%add3A_343, %dma_start3A_346] : memref<320000x128xf32, #tpu.memory_space<hbm>> -> memref<40x128xf32, #tpu.memory_space<hbm>>
      tpu.enqueue_dma source(%dma_start3A_347 : memref<40x128xf32, #tpu.memory_space<hbm>>) target(%arg16 : memref<40x128xf32, #tpu.memory_space<vmem>>) target_semaphore(%arg31 : memref<!tpu.dma_semaphore, #tpu.memory_space<semaphore_mem>>)
      %add3A_348 = arith.constant 1 : i32
      %add3A_349 = arith.addi %add3A_302, %add3A_348 : i32
      %mul3A_350 = arith.constant 40 : i32
      %mul3A_351 = arith.muli %add3A_349, %mul3A_350 : i32
      %add3A_352 = arith.addi %mul3A_71, %mul3A_351 : i32
      %dma_wait3A_353 = tpu.memref_slice %arg3[%add3A_352] : memref<320000xi32, #tpu.memory_space<hbm>> -> memref<40xi32, #tpu.memory_space<hbm>>
      %dma_wait3A_354 = tpu.memref_slice %arg3[%add3A_352] : memref<320000xi32, #tpu.memory_space<hbm>> -> memref<40xi32, #tpu.memory_space<hbm>>
      tpu.wait_dma2 semaphore(%arg24 : memref<!tpu.dma_semaphore, #tpu.memory_space<semaphore_mem>>) src(%dma_wait3A_354 : memref<40xi32, #tpu.memory_space<hbm>>) dst(%arg9 : memref<40xi32, #tpu.memory_space<vmem>>)
      %mul3A_355 = arith.constant 40 : i32
      %mul3A_356 = arith.muli %add3A_349, %mul3A_355 : i32
      %add3A_357 = arith.addi %mul3A_71, %mul3A_356 : i32
      %dma_wait3A_358 = tpu.memref_slice %arg4[%add3A_357] : memref<320000xi32, #tpu.memory_space<hbm>> -> memref<40xi32, #tpu.memory_space<hbm>>
      %dma_wait3A_359 = tpu.memref_slice %arg4[%add3A_357] : memref<320000xi32, #tpu.memory_space<hbm>> -> memref<40xi32, #tpu.memory_space<hbm>>
      tpu.wait_dma2 semaphore(%arg28 : memref<!tpu.dma_semaphore, #tpu.memory_space<semaphore_mem>>) src(%dma_wait3A_359 : memref<40xi32, #tpu.memory_space<hbm>>) dst(%arg13 : memref<40xi32, #tpu.memory_space<vmem>>)
      %dma_start3A_360 = arith.constant 0 : i32
      %dma_start3A_361 = arith.constant 0 : i32
      %dma_start3A_362 = tpu.memref_slice %arg2[%dma_start3A_360, %dma_start3A_361] : memref<10000x128xf32, #tpu.memory_space<hbm>> -> memref<10000x128xf32, #tpu.memory_space<hbm>>
      tpu.enqueue_indirect_dma source(%dma_start3A_362 : memref<10000x128xf32, #tpu.memory_space<hbm>>) target(%arg17 : memref<40x128xf32, #tpu.memory_space<vmem>>) offsets(%arg9 : memref<40xi32, #tpu.memory_space<vmem>>) semaphore(%arg32 : memref<!tpu.dma_semaphore, #tpu.memory_space<semaphore_mem>>)
      %add3A_363 = arith.constant 2 : i32
      %add3A_364 = arith.addi %mul3A_241, %add3A_363 : i32
      %mul3A_365 = arith.constant 40 : i32
      %mul3A_366 = arith.muli %add3A_364, %mul3A_365 : i32
      %add3A_367 = arith.addi %mul3A_71, %mul3A_366 : i32
      %dma_wait3A_368 = arith.constant 0 : i32
      %dma_wait3A_369 = tpu.memref_slice %arg5[%add3A_367, %dma_wait3A_368] : memref<320000x128xf32, #tpu.memory_space<hbm>> -> memref<40x128xf32, #tpu.memory_space<hbm>>
      %dma_wait3A_370 = arith.constant 0 : i32
      %dma_wait3A_371 = tpu.memref_slice %arg5[%add3A_367, %dma_wait3A_370] : memref<320000x128xf32, #tpu.memory_space<hbm>> -> memref<40x128xf32, #tpu.memory_space<hbm>>
      tpu.wait_dma2 semaphore(%arg30 : memref<!tpu.dma_semaphore, #tpu.memory_space<semaphore_mem>>) src(%dma_wait3A_371 : memref<40x128xf32, #tpu.memory_space<hbm>>) dst(%arg15 : memref<40x128xf32, #tpu.memory_space<vmem>>)
      %dma_wait3A_372 = arith.constant 0 : i32
      %dma_wait3A_373 = arith.constant 0 : i32
      %dma_wait3A_374 = tpu.memref_slice %arg2[%dma_wait3A_372, %dma_wait3A_373] : memref<10000x128xf32, #tpu.memory_space<hbm>> -> memref<10000x128xf32, #tpu.memory_space<hbm>>
      tpu.wait_indirect_dma semaphore(%arg32 : memref<!tpu.dma_semaphore, #tpu.memory_space<semaphore_mem>>) src(%dma_wait3A_374 : memref<10000x128xf32, #tpu.memory_space<hbm>>) dst(%arg17 : memref<40x128xf32, #tpu.memory_space<vmem>>)
      %ge3A_375 = arith.constant 2 : i32
      %ge3A_376 = arith.cmpi sge, %add3A_364, %ge3A_375 : i32
      %convert_element_type3A_377 = arith.extui %ge3A_376 : i1 to i32
      %cond3A_378 = arith.constant 0 : i32
      %cond3A_379 = arith.cmpi ne, %convert_element_type3A_377, %cond3A_378 : i32
      scf.if %cond3A_379 {
        %dma_wait3A_487 = arith.constant 0 : i32
        %dma_wait3A_488 = arith.constant 0 : i32
        %dma_wait3A_489 = tpu.memref_slice %arg21[%dma_wait3A_487, %dma_wait3A_488] : memref<10240x128xf32, #tpu.memory_space<vmem_shared>> -> memref<10240x128xf32, #tpu.memory_space<vmem_shared>>
        tpu.wait_indirect_dma semaphore(%arg34 : memref<!tpu.dma_semaphore, #tpu.memory_space<semaphore_mem>>) src(%arg19 : memref<40x128xf32, #tpu.memory_space<vmem>>) dst(%dma_wait3A_489 : memref<10240x128xf32, #tpu.memory_space<vmem_shared>>)
      } else {
      }
      %scan3A_380 = arith.constant 0 : i32
      %scan3A_381 = arith.constant 0 : i32
      %scan3A_382 = arith.constant 40 : i32
      %scan3A_383 = arith.addi %scan3A_381, %scan3A_382 : i32
      %scan3A_384 = arith.constant 1 : i32
      scf.for %scan3A_487 = %scan3A_381 to %scan3A_383 step %scan3A_384  : i32 {
        %get3A = arith.index_cast %scan3A_487 : i32 to index
        %get3A_488 = arith.constant 0 : index
        %get3A_489 = tpu.vector_load %arg15[%get3A, %get3A_488] {strides = array<i32>} : memref<40x128xf32, #tpu.memory_space<vmem>>, vector<1x16xf32>,
        %get3A_490 = vector.shape_cast %get3A_489 : vector<1x16xf32> to vector<16xf32>
        %get3A_491 = arith.index_cast %scan3A_487 : i32 to index
        %get3A_492 = arith.constant 0 : index
        %get3A_493 = tpu.vector_load %arg17[%get3A_491, %get3A_492] {strides = array<i32>} : memref<40x128xf32, #tpu.memory_space<vmem>>, vector<1x16xf32>,
        %get3A_494 = vector.shape_cast %get3A_493 : vector<1x16xf32> to vector<16xf32>
        %mul3A_495 = arith.mulf %get3A_490, %get3A_494 : vector<16xf32>
        %swap3A = arith.index_cast %scan3A_487 : i32 to index
        %swap3A_496 = arith.constant 0 : index
        %swap3A_497 = tpu.vector_load %arg19[%swap3A, %swap3A_496] {strides = array<i32>} : memref<40x128xf32, #tpu.memory_space<vmem>>, vector<1x16xf32>,
        %swap3A_498 = vector.shape_cast %swap3A_497 : vector<1x16xf32> to vector<16xf32>
        %swap3A_499 = vector.shape_cast %mul3A_495 : vector<16xf32> to vector<1x16xf32>
        tpu.vector_store %arg19[%swap3A, %swap3A_496], %swap3A_499 {strides = array<i32>} : memref<40x128xf32, #tpu.memory_space<vmem>>, vector<1x16xf32>,
        %get3A_500 = arith.index_cast %scan3A_487 : i32 to index
        %get3A_501 = arith.constant 16 : index
        %get3A_502 = tpu.vector_load %arg15[%get3A_500, %get3A_501] {strides = array<i32>} : memref<40x128xf32, #tpu.memory_space<vmem>>, vector<1x16xf32>,
        %get3A_503 = vector.shape_cast %get3A_502 : vector<1x16xf32> to vector<16xf32>
        %get3A_504 = arith.index_cast %scan3A_487 : i32 to index
        %get3A_505 = arith.constant 16 : index
        %get3A_506 = tpu.vector_load %arg17[%get3A_504, %get3A_505] {strides = array<i32>} : memref<40x128xf32, #tpu.memory_space<vmem>>, vector<1x16xf32>,
        %get3A_507 = vector.shape_cast %get3A_506 : vector<1x16xf32> to vector<16xf32>
        %mul3A_508 = arith.mulf %get3A_503, %get3A_507 : vector<16xf32>
        %swap3A_509 = arith.index_cast %scan3A_487 : i32 to index
        %swap3A_510 = arith.constant 16 : index
        %swap3A_511 = tpu.vector_load %arg19[%swap3A_509, %swap3A_510] {strides = array<i32>} : memref<40x128xf32, #tpu.memory_space<vmem>>, vector<1x16xf32>,
        %swap3A_512 = vector.shape_cast %swap3A_511 : vector<1x16xf32> to vector<16xf32>
        %swap3A_513 = vector.shape_cast %mul3A_508 : vector<16xf32> to vector<1x16xf32>
        tpu.vector_store %arg19[%swap3A_509, %swap3A_510], %swap3A_513 {strides = array<i32>} : memref<40x128xf32, #tpu.memory_space<vmem>>, vector<1x16xf32>,
        %get3A_514 = arith.index_cast %scan3A_487 : i32 to index
        %get3A_515 = arith.constant 32 : index
        %get3A_516 = tpu.vector_load %arg15[%get3A_514, %get3A_515] {strides = array<i32>} : memref<40x128xf32, #tpu.memory_space<vmem>>, vector<1x16xf32>,
        %get3A_517 = vector.shape_cast %get3A_516 : vector<1x16xf32> to vector<16xf32>
        %get3A_518 = arith.index_cast %scan3A_487 : i32 to index
        %get3A_519 = arith.constant 32 : index
        %get3A_520 = tpu.vector_load %arg17[%get3A_518, %get3A_519] {strides = array<i32>} : memref<40x128xf32, #tpu.memory_space<vmem>>, vector<1x16xf32>,
        %get3A_521 = vector.shape_cast %get3A_520 : vector<1x16xf32> to vector<16xf32>
        %mul3A_522 = arith.mulf %get3A_517, %get3A_521 : vector<16xf32>
        %swap3A_523 = arith.index_cast %scan3A_487 : i32 to index
        %swap3A_524 = arith.constant 32 : index
        %swap3A_525 = tpu.vector_load %arg19[%swap3A_523, %swap3A_524] {strides = array<i32>} : memref<40x128xf32, #tpu.memory_space<vmem>>, vector<1x16xf32>,
        %swap3A_526 = vector.shape_cast %swap3A_525 : vector<1x16xf32> to vector<16xf32>
        %swap3A_527 = vector.shape_cast %mul3A_522 : vector<16xf32> to vector<1x16xf32>
        tpu.vector_store %arg19[%swap3A_523, %swap3A_524], %swap3A_527 {strides = array<i32>} : memref<40x128xf32, #tpu.memory_space<vmem>>, vector<1x16xf32>,
        %get3A_528 = arith.index_cast %scan3A_487 : i32 to index
        %get3A_529 = arith.constant 48 : index
        %get3A_530 = tpu.vector_load %arg15[%get3A_528, %get3A_529] {strides = array<i32>} : memref<40x128xf32, #tpu.memory_space<vmem>>, vector<1x16xf32>,
        %get3A_531 = vector.shape_cast %get3A_530 : vector<1x16xf32> to vector<16xf32>
        %get3A_532 = arith.index_cast %scan3A_487 : i32 to index
        %get3A_533 = arith.constant 48 : index
        %get3A_534 = tpu.vector_load %arg17[%get3A_532, %get3A_533] {strides = array<i32>} : memref<40x128xf32, #tpu.memory_space<vmem>>, vector<1x16xf32>,
        %get3A_535 = vector.shape_cast %get3A_534 : vector<1x16xf32> to vector<16xf32>
        %mul3A_536 = arith.mulf %get3A_531, %get3A_535 : vector<16xf32>
        %swap3A_537 = arith.index_cast %scan3A_487 : i32 to index
        %swap3A_538 = arith.constant 48 : index
        %swap3A_539 = tpu.vector_load %arg19[%swap3A_537, %swap3A_538] {strides = array<i32>} : memref<40x128xf32, #tpu.memory_space<vmem>>, vector<1x16xf32>,
        %swap3A_540 = vector.shape_cast %swap3A_539 : vector<1x16xf32> to vector<16xf32>
        %swap3A_541 = vector.shape_cast %mul3A_536 : vector<16xf32> to vector<1x16xf32>
        tpu.vector_store %arg19[%swap3A_537, %swap3A_538], %swap3A_541 {strides = array<i32>} : memref<40x128xf32, #tpu.memory_space<vmem>>, vector<1x16xf32>,
        %get3A_542 = arith.index_cast %scan3A_487 : i32 to index
        %get3A_543 = arith.constant 64 : index
        %get3A_544 = tpu.vector_load %arg15[%get3A_542, %get3A_543] {strides = array<i32>} : memref<40x128xf32, #tpu.memory_space<vmem>>, vector<1x16xf32>,
        %get3A_545 = vector.shape_cast %get3A_544 : vector<1x16xf32> to vector<16xf32>
        %get3A_546 = arith.index_cast %scan3A_487 : i32 to index
        %get3A_547 = arith.constant 64 : index
        %get3A_548 = tpu.vector_load %arg17[%get3A_546, %get3A_547] {strides = array<i32>} : memref<40x128xf32, #tpu.memory_space<vmem>>, vector<1x16xf32>,
        %get3A_549 = vector.shape_cast %get3A_548 : vector<1x16xf32> to vector<16xf32>
        %mul3A_550 = arith.mulf %get3A_545, %get3A_549 : vector<16xf32>
        %swap3A_551 = arith.index_cast %scan3A_487 : i32 to index
        %swap3A_552 = arith.constant 64 : index
        %swap3A_553 = tpu.vector_load %arg19[%swap3A_551, %swap3A_552] {strides = array<i32>} : memref<40x128xf32, #tpu.memory_space<vmem>>, vector<1x16xf32>,
        %swap3A_554 = vector.shape_cast %swap3A_553 : vector<1x16xf32> to vector<16xf32>
        %swap3A_555 = vector.shape_cast %mul3A_550 : vector<16xf32> to vector<1x16xf32>
        tpu.vector_store %arg19[%swap3A_551, %swap3A_552], %swap3A_555 {strides = array<i32>} : memref<40x128xf32, #tpu.memory_space<vmem>>, vector<1x16xf32>,
        %get3A_556 = arith.index_cast %scan3A_487 : i32 to index
        %get3A_557 = arith.constant 80 : index
        %get3A_558 = tpu.vector_load %arg15[%get3A_556, %get3A_557] {strides = array<i32>} : memref<40x128xf32, #tpu.memory_space<vmem>>, vector<1x16xf32>,
        %get3A_559 = vector.shape_cast %get3A_558 : vector<1x16xf32> to vector<16xf32>
        %get3A_560 = arith.index_cast %scan3A_487 : i32 to index
        %get3A_561 = arith.constant 80 : index
        %get3A_562 = tpu.vector_load %arg17[%get3A_560, %get3A_561] {strides = array<i32>} : memref<40x128xf32, #tpu.memory_space<vmem>>, vector<1x16xf32>,
        %get3A_563 = vector.shape_cast %get3A_562 : vector<1x16xf32> to vector<16xf32>
        %mul3A_564 = arith.mulf %get3A_559, %get3A_563 : vector<16xf32>
        %swap3A_565 = arith.index_cast %scan3A_487 : i32 to index
        %swap3A_566 = arith.constant 80 : index
        %swap3A_567 = tpu.vector_load %arg19[%swap3A_565, %swap3A_566] {strides = array<i32>} : memref<40x128xf32, #tpu.memory_space<vmem>>, vector<1x16xf32>,
        %swap3A_568 = vector.shape_cast %swap3A_567 : vector<1x16xf32> to vector<16xf32>
        %swap3A_569 = vector.shape_cast %mul3A_564 : vector<16xf32> to vector<1x16xf32>
        tpu.vector_store %arg19[%swap3A_565, %swap3A_566], %swap3A_569 {strides = array<i32>} : memref<40x128xf32, #tpu.memory_space<vmem>>, vector<1x16xf32>,
        %get3A_570 = arith.index_cast %scan3A_487 : i32 to index
        %get3A_571 = arith.constant 96 : index
        %get3A_572 = tpu.vector_load %arg15[%get3A_570, %get3A_571] {strides = array<i32>} : memref<40x128xf32, #tpu.memory_space<vmem>>, vector<1x16xf32>,
        %get3A_573 = vector.shape_cast %get3A_572 : vector<1x16xf32> to vector<16xf32>
        %get3A_574 = arith.index_cast %scan3A_487 : i32 to index
        %get3A_575 = arith.constant 96 : index
        %get3A_576 = tpu.vector_load %arg17[%get3A_574, %get3A_575] {strides = array<i32>} : memref<40x128xf32, #tpu.memory_space<vmem>>, vector<1x16xf32>,
        %get3A_577 = vector.shape_cast %get3A_576 : vector<1x16xf32> to vector<16xf32>
        %mul3A_578 = arith.mulf %get3A_573, %get3A_577 : vector<16xf32>
        %swap3A_579 = arith.index_cast %scan3A_487 : i32 to index
        %swap3A_580 = arith.constant 96 : index
        %swap3A_581 = tpu.vector_load %arg19[%swap3A_579, %swap3A_580] {strides = array<i32>} : memref<40x128xf32, #tpu.memory_space<vmem>>, vector<1x16xf32>,
        %swap3A_582 = vector.shape_cast %swap3A_581 : vector<1x16xf32> to vector<16xf32>
        %swap3A_583 = vector.shape_cast %mul3A_578 : vector<16xf32> to vector<1x16xf32>
        tpu.vector_store %arg19[%swap3A_579, %swap3A_580], %swap3A_583 {strides = array<i32>} : memref<40x128xf32, #tpu.memory_space<vmem>>, vector<1x16xf32>,
        %get3A_584 = arith.index_cast %scan3A_487 : i32 to index
        %get3A_585 = arith.constant 112 : index
        %get3A_586 = tpu.vector_load %arg15[%get3A_584, %get3A_585] {strides = array<i32>} : memref<40x128xf32, #tpu.memory_space<vmem>>, vector<1x16xf32>,
        %get3A_587 = vector.shape_cast %get3A_586 : vector<1x16xf32> to vector<16xf32>
        %get3A_588 = arith.index_cast %scan3A_487 : i32 to index
        %get3A_589 = arith.constant 112 : index
        %get3A_590 = tpu.vector_load %arg17[%get3A_588, %get3A_589] {strides = array<i32>} : memref<40x128xf32, #tpu.memory_space<vmem>>, vector<1x16xf32>,
        %get3A_591 = vector.shape_cast %get3A_590 : vector<1x16xf32> to vector<16xf32>
        %mul3A_592 = arith.mulf %get3A_587, %get3A_591 : vector<16xf32>
        %swap3A_593 = arith.index_cast %scan3A_487 : i32 to index
        %swap3A_594 = arith.constant 112 : index
        %swap3A_595 = tpu.vector_load %arg19[%swap3A_593, %swap3A_594] {strides = array<i32>} : memref<40x128xf32, #tpu.memory_space<vmem>>, vector<1x16xf32>,
        %swap3A_596 = vector.shape_cast %swap3A_595 : vector<1x16xf32> to vector<16xf32>
        %swap3A_597 = vector.shape_cast %mul3A_592 : vector<16xf32> to vector<1x16xf32>
        tpu.vector_store %arg19[%swap3A_593, %swap3A_594], %swap3A_597 {strides = array<i32>} : memref<40x128xf32, #tpu.memory_space<vmem>>, vector<1x16xf32>,
      }
      %scan3A_385 = arith.constant 40 : i32
      %dma_start3A_386 = arith.constant 0 : i32
      %dma_start3A_387 = arith.constant 0 : i32
      %dma_start3A_388 = tpu.memref_slice %arg21[%dma_start3A_386, %dma_start3A_387] : memref<10240x128xf32, #tpu.memory_space<vmem_shared>> -> memref<10240x128xf32, #tpu.memory_space<vmem_shared>>
      tpu.enqueue_indirect_dma source(%arg19 : memref<40x128xf32, #tpu.memory_space<vmem>>) target(%dma_start3A_388 : memref<10240x128xf32, #tpu.memory_space<vmem_shared>>) offsets(%arg13 : memref<40xi32, #tpu.memory_space<vmem>>) semaphore(%arg34 : memref<!tpu.dma_semaphore, #tpu.memory_space<semaphore_mem>>) {add = true}
      %add3A_389 = arith.constant 2 : i32
      %add3A_390 = arith.addi %add3A_364, %add3A_389 : i32
      %mul3A_391 = arith.constant 40 : i32
      %mul3A_392 = arith.muli %add3A_390, %mul3A_391 : i32
      %add3A_393 = arith.addi %mul3A_71, %mul3A_392 : i32
      %dma_start3A_394 = tpu.memref_slice %arg3[%add3A_393] : memref<320000xi32, #tpu.memory_space<hbm>> -> memref<40xi32, #tpu.memory_space<hbm>>
      %dma_start3A_395 = tpu.memref_slice %arg3[%add3A_393] : memref<320000xi32, #tpu.memory_space<hbm>> -> memref<40xi32, #tpu.memory_space<hbm>>
      tpu.enqueue_dma source(%dma_start3A_395 : memref<40xi32, #tpu.memory_space<hbm>>) target(%arg7 : memref<40xi32, #tpu.memory_space<vmem>>) target_semaphore(%arg22 : memref<!tpu.dma_semaphore, #tpu.memory_space<semaphore_mem>>)
      %mul3A_396 = arith.constant 40 : i32
      %mul3A_397 = arith.muli %add3A_390, %mul3A_396 : i32
      %add3A_398 = arith.addi %mul3A_71, %mul3A_397 : i32
      %dma_start3A_399 = tpu.memref_slice %arg4[%add3A_398] : memref<320000xi32, #tpu.memory_space<hbm>> -> memref<40xi32, #tpu.memory_space<hbm>>
      %dma_start3A_400 = tpu.memref_slice %arg4[%add3A_398] : memref<320000xi32, #tpu.memory_space<hbm>> -> memref<40xi32, #tpu.memory_space<hbm>>
      tpu.enqueue_dma source(%dma_start3A_400 : memref<40xi32, #tpu.memory_space<hbm>>) target(%arg11 : memref<40xi32, #tpu.memory_space<vmem>>) target_semaphore(%arg26 : memref<!tpu.dma_semaphore, #tpu.memory_space<semaphore_mem>>)
      %add3A_401 = arith.constant 2 : i32
      %add3A_402 = arith.addi %add3A_364, %add3A_401 : i32
      %mul3A_403 = arith.constant 40 : i32
      %mul3A_404 = arith.muli %add3A_402, %mul3A_403 : i32
      %add3A_405 = arith.addi %mul3A_71, %mul3A_404 : i32
      %dma_start3A_406 = arith.constant 0 : i32
      %dma_start3A_407 = tpu.memref_slice %arg5[%add3A_405, %dma_start3A_406] : memref<320000x128xf32, #tpu.memory_space<hbm>> -> memref<40x128xf32, #tpu.memory_space<hbm>>
      %dma_start3A_408 = arith.constant 0 : i32
      %dma_start3A_409 = tpu.memref_slice %arg5[%add3A_405, %dma_start3A_408] : memref<320000x128xf32, #tpu.memory_space<hbm>> -> memref<40x128xf32, #tpu.memory_space<hbm>>
      tpu.enqueue_dma source(%dma_start3A_409 : memref<40x128xf32, #tpu.memory_space<hbm>>) target(%arg15 : memref<40x128xf32, #tpu.memory_space<vmem>>) target_semaphore(%arg30 : memref<!tpu.dma_semaphore, #tpu.memory_space<semaphore_mem>>)
      %add3A_410 = arith.constant 1 : i32
      %add3A_411 = arith.addi %add3A_364, %add3A_410 : i32
      %mul3A_412 = arith.constant 40 : i32
      %mul3A_413 = arith.muli %add3A_411, %mul3A_412 : i32
      %add3A_414 = arith.addi %mul3A_71, %mul3A_413 : i32
      %dma_wait3A_415 = tpu.memref_slice %arg3[%add3A_414] : memref<320000xi32, #tpu.memory_space<hbm>> -> memref<40xi32, #tpu.memory_space<hbm>>
      %dma_wait3A_416 = tpu.memref_slice %arg3[%add3A_414] : memref<320000xi32, #tpu.memory_space<hbm>> -> memref<40xi32, #tpu.memory_space<hbm>>
      tpu.wait_dma2 semaphore(%arg25 : memref<!tpu.dma_semaphore, #tpu.memory_space<semaphore_mem>>) src(%dma_wait3A_416 : memref<40xi32, #tpu.memory_space<hbm>>) dst(%arg10 : memref<40xi32, #tpu.memory_space<vmem>>)
      %mul3A_417 = arith.constant 40 : i32
      %mul3A_418 = arith.muli %add3A_411, %mul3A_417 : i32
      %add3A_419 = arith.addi %mul3A_71, %mul3A_418 : i32
      %dma_wait3A_420 = tpu.memref_slice %arg4[%add3A_419] : memref<320000xi32, #tpu.memory_space<hbm>> -> memref<40xi32, #tpu.memory_space<hbm>>
      %dma_wait3A_421 = tpu.memref_slice %arg4[%add3A_419] : memref<320000xi32, #tpu.memory_space<hbm>> -> memref<40xi32, #tpu.memory_space<hbm>>
      tpu.wait_dma2 semaphore(%arg29 : memref<!tpu.dma_semaphore, #tpu.memory_space<semaphore_mem>>) src(%dma_wait3A_421 : memref<40xi32, #tpu.memory_space<hbm>>) dst(%arg14 : memref<40xi32, #tpu.memory_space<vmem>>)
      %dma_start3A_422 = arith.constant 0 : i32
      %dma_start3A_423 = arith.constant 0 : i32
      %dma_start3A_424 = tpu.memref_slice %arg2[%dma_start3A_422, %dma_start3A_423] : memref<10000x128xf32, #tpu.memory_space<hbm>> -> memref<10000x128xf32, #tpu.memory_space<hbm>>
      tpu.enqueue_indirect_dma source(%dma_start3A_424 : memref<10000x128xf32, #tpu.memory_space<hbm>>) target(%arg18 : memref<40x128xf32, #tpu.memory_space<vmem>>) offsets(%arg10 : memref<40xi32, #tpu.memory_space<vmem>>) semaphore(%arg33 : memref<!tpu.dma_semaphore, #tpu.memory_space<semaphore_mem>>)
      %add3A_425 = arith.constant 3 : i32
      %add3A_426 = arith.addi %mul3A_241, %add3A_425 : i32
      %mul3A_427 = arith.constant 40 : i32
      %mul3A_428 = arith.muli %add3A_426, %mul3A_427 : i32
      %add3A_429 = arith.addi %mul3A_71, %mul3A_428 : i32
      %dma_wait3A_430 = arith.constant 0 : i32
      %dma_wait3A_431 = tpu.memref_slice %arg5[%add3A_429, %dma_wait3A_430] : memref<320000x128xf32, #tpu.memory_space<hbm>> -> memref<40x128xf32, #tpu.memory_space<hbm>>
      %dma_wait3A_432 = arith.constant 0 : i32
      %dma_wait3A_433 = tpu.memref_slice %arg5[%add3A_429, %dma_wait3A_432] : memref<320000x128xf32, #tpu.memory_space<hbm>> -> memref<40x128xf32, #tpu.memory_space<hbm>>
      tpu.wait_dma2 semaphore(%arg31 : memref<!tpu.dma_semaphore, #tpu.memory_space<semaphore_mem>>) src(%dma_wait3A_433 : memref<40x128xf32, #tpu.memory_space<hbm>>) dst(%arg16 : memref<40x128xf32, #tpu.memory_space<vmem>>)
      %dma_wait3A_434 = arith.constant 0 : i32
      %dma_wait3A_435 = arith.constant 0 : i32
      %dma_wait3A_436 = tpu.memref_slice %arg2[%dma_wait3A_434, %dma_wait3A_435] : memref<10000x128xf32, #tpu.memory_space<hbm>> -> memref<10000x128xf32, #tpu.memory_space<hbm>>
      tpu.wait_indirect_dma semaphore(%arg33 : memref<!tpu.dma_semaphore, #tpu.memory_space<semaphore_mem>>) src(%dma_wait3A_436 : memref<10000x128xf32, #tpu.memory_space<hbm>>) dst(%arg18 : memref<40x128xf32, #tpu.memory_space<vmem>>)
      %ge3A_437 = arith.constant 2 : i32
      %ge3A_438 = arith.cmpi sge, %add3A_426, %ge3A_437 : i32
      %convert_element_type3A_439 = arith.extui %ge3A_438 : i1 to i32
      %cond3A_440 = arith.constant 0 : i32
      %cond3A_441 = arith.cmpi ne, %convert_element_type3A_439, %cond3A_440 : i32
      scf.if %cond3A_441 {
        %dma_wait3A_487 = arith.constant 0 : i32
        %dma_wait3A_488 = arith.constant 0 : i32
        %dma_wait3A_489 = tpu.memref_slice %arg21[%dma_wait3A_487, %dma_wait3A_488] : memref<10240x128xf32, #tpu.memory_space<vmem_shared>> -> memref<10240x128xf32, #tpu.memory_space<vmem_shared>>
        tpu.wait_indirect_dma semaphore(%arg35 : memref<!tpu.dma_semaphore, #tpu.memory_space<semaphore_mem>>) src(%arg20 : memref<40x128xf32, #tpu.memory_space<vmem>>) dst(%dma_wait3A_489 : memref<10240x128xf32, #tpu.memory_space<vmem_shared>>)
      } else {
      }
      %scan3A_442 = arith.constant 0 : i32
      %scan3A_443 = arith.constant 0 : i32
      %scan3A_444 = arith.constant 40 : i32
      %scan3A_445 = arith.addi %scan3A_443, %scan3A_444 : i32
      %scan3A_446 = arith.constant 1 : i32
      scf.for %scan3A_487 = %scan3A_443 to %scan3A_445 step %scan3A_446  : i32 {
        %get3A = arith.index_cast %scan3A_487 : i32 to index
        %get3A_488 = arith.constant 0 : index
        %get3A_489 = tpu.vector_load %arg16[%get3A, %get3A_488] {strides = array<i32>} : memref<40x128xf32, #tpu.memory_space<vmem>>, vector<1x16xf32>,
        %get3A_490 = vector.shape_cast %get3A_489 : vector<1x16xf32> to vector<16xf32>
        %get3A_491 = arith.index_cast %scan3A_487 : i32 to index
        %get3A_492 = arith.constant 0 : index
        %get3A_493 = tpu.vector_load %arg18[%get3A_491, %get3A_492] {strides = array<i32>} : memref<40x128xf32, #tpu.memory_space<vmem>>, vector<1x16xf32>,
        %get3A_494 = vector.shape_cast %get3A_493 : vector<1x16xf32> to vector<16xf32>
        %mul3A_495 = arith.mulf %get3A_490, %get3A_494 : vector<16xf32>
        %swap3A = arith.index_cast %scan3A_487 : i32 to index
        %swap3A_496 = arith.constant 0 : index
        %swap3A_497 = tpu.vector_load %arg20[%swap3A, %swap3A_496] {strides = array<i32>} : memref<40x128xf32, #tpu.memory_space<vmem>>, vector<1x16xf32>,
        %swap3A_498 = vector.shape_cast %swap3A_497 : vector<1x16xf32> to vector<16xf32>
        %swap3A_499 = vector.shape_cast %mul3A_495 : vector<16xf32> to vector<1x16xf32>
        tpu.vector_store %arg20[%swap3A, %swap3A_496], %swap3A_499 {strides = array<i32>} : memref<40x128xf32, #tpu.memory_space<vmem>>, vector<1x16xf32>,
        %get3A_500 = arith.index_cast %scan3A_487 : i32 to index
        %get3A_501 = arith.constant 16 : index
        %get3A_502 = tpu.vector_load %arg16[%get3A_500, %get3A_501] {strides = array<i32>} : memref<40x128xf32, #tpu.memory_space<vmem>>, vector<1x16xf32>,
        %get3A_503 = vector.shape_cast %get3A_502 : vector<1x16xf32> to vector<16xf32>
        %get3A_504 = arith.index_cast %scan3A_487 : i32 to index
        %get3A_505 = arith.constant 16 : index
        %get3A_506 = tpu.vector_load %arg18[%get3A_504, %get3A_505] {strides = array<i32>} : memref<40x128xf32, #tpu.memory_space<vmem>>, vector<1x16xf32>,
        %get3A_507 = vector.shape_cast %get3A_506 : vector<1x16xf32> to vector<16xf32>
        %mul3A_508 = arith.mulf %get3A_503, %get3A_507 : vector<16xf32>
        %swap3A_509 = arith.index_cast %scan3A_487 : i32 to index
        %swap3A_510 = arith.constant 16 : index
        %swap3A_511 = tpu.vector_load %arg20[%swap3A_509, %swap3A_510] {strides = array<i32>} : memref<40x128xf32, #tpu.memory_space<vmem>>, vector<1x16xf32>,
        %swap3A_512 = vector.shape_cast %swap3A_511 : vector<1x16xf32> to vector<16xf32>
        %swap3A_513 = vector.shape_cast %mul3A_508 : vector<16xf32> to vector<1x16xf32>
        tpu.vector_store %arg20[%swap3A_509, %swap3A_510], %swap3A_513 {strides = array<i32>} : memref<40x128xf32, #tpu.memory_space<vmem>>, vector<1x16xf32>,
        %get3A_514 = arith.index_cast %scan3A_487 : i32 to index
        %get3A_515 = arith.constant 32 : index
        %get3A_516 = tpu.vector_load %arg16[%get3A_514, %get3A_515] {strides = array<i32>} : memref<40x128xf32, #tpu.memory_space<vmem>>, vector<1x16xf32>,
        %get3A_517 = vector.shape_cast %get3A_516 : vector<1x16xf32> to vector<16xf32>
        %get3A_518 = arith.index_cast %scan3A_487 : i32 to index
        %get3A_519 = arith.constant 32 : index
        %get3A_520 = tpu.vector_load %arg18[%get3A_518, %get3A_519] {strides = array<i32>} : memref<40x128xf32, #tpu.memory_space<vmem>>, vector<1x16xf32>,
        %get3A_521 = vector.shape_cast %get3A_520 : vector<1x16xf32> to vector<16xf32>
        %mul3A_522 = arith.mulf %get3A_517, %get3A_521 : vector<16xf32>
        %swap3A_523 = arith.index_cast %scan3A_487 : i32 to index
        %swap3A_524 = arith.constant 32 : index
        %swap3A_525 = tpu.vector_load %arg20[%swap3A_523, %swap3A_524] {strides = array<i32>} : memref<40x128xf32, #tpu.memory_space<vmem>>, vector<1x16xf32>,
        %swap3A_526 = vector.shape_cast %swap3A_525 : vector<1x16xf32> to vector<16xf32>
        %swap3A_527 = vector.shape_cast %mul3A_522 : vector<16xf32> to vector<1x16xf32>
        tpu.vector_store %arg20[%swap3A_523, %swap3A_524], %swap3A_527 {strides = array<i32>} : memref<40x128xf32, #tpu.memory_space<vmem>>, vector<1x16xf32>,
        %get3A_528 = arith.index_cast %scan3A_487 : i32 to index
        %get3A_529 = arith.constant 48 : index
        %get3A_530 = tpu.vector_load %arg16[%get3A_528, %get3A_529] {strides = array<i32>} : memref<40x128xf32, #tpu.memory_space<vmem>>, vector<1x16xf32>,
        %get3A_531 = vector.shape_cast %get3A_530 : vector<1x16xf32> to vector<16xf32>
        %get3A_532 = arith.index_cast %scan3A_487 : i32 to index
        %get3A_533 = arith.constant 48 : index
        %get3A_534 = tpu.vector_load %arg18[%get3A_532, %get3A_533] {strides = array<i32>} : memref<40x128xf32, #tpu.memory_space<vmem>>, vector<1x16xf32>,
        %get3A_535 = vector.shape_cast %get3A_534 : vector<1x16xf32> to vector<16xf32>
        %mul3A_536 = arith.mulf %get3A_531, %get3A_535 : vector<16xf32>
        %swap3A_537 = arith.index_cast %scan3A_487 : i32 to index
        %swap3A_538 = arith.constant 48 : index
        %swap3A_539 = tpu.vector_load %arg20[%swap3A_537, %swap3A_538] {strides = array<i32>} : memref<40x128xf32, #tpu.memory_space<vmem>>, vector<1x16xf32>,
        %swap3A_540 = vector.shape_cast %swap3A_539 : vector<1x16xf32> to vector<16xf32>
        %swap3A_541 = vector.shape_cast %mul3A_536 : vector<16xf32> to vector<1x16xf32>
        tpu.vector_store %arg20[%swap3A_537, %swap3A_538], %swap3A_541 {strides = array<i32>} : memref<40x128xf32, #tpu.memory_space<vmem>>, vector<1x16xf32>,
        %get3A_542 = arith.index_cast %scan3A_487 : i32 to index
        %get3A_543 = arith.constant 64 : index
        %get3A_544 = tpu.vector_load %arg16[%get3A_542, %get3A_543] {strides = array<i32>} : memref<40x128xf32, #tpu.memory_space<vmem>>, vector<1x16xf32>,
        %get3A_545 = vector.shape_cast %get3A_544 : vector<1x16xf32> to vector<16xf32>
        %get3A_546 = arith.index_cast %scan3A_487 : i32 to index
        %get3A_547 = arith.constant 64 : index
        %get3A_548 = tpu.vector_load %arg18[%get3A_546, %get3A_547] {strides = array<i32>} : memref<40x128xf32, #tpu.memory_space<vmem>>, vector<1x16xf32>,
        %get3A_549 = vector.shape_cast %get3A_548 : vector<1x16xf32> to vector<16xf32>
        %mul3A_550 = arith.mulf %get3A_545, %get3A_549 : vector<16xf32>
        %swap3A_551 = arith.index_cast %scan3A_487 : i32 to index
        %swap3A_552 = arith.constant 64 : index
        %swap3A_553 = tpu.vector_load %arg20[%swap3A_551, %swap3A_552] {strides = array<i32>} : memref<40x128xf32, #tpu.memory_space<vmem>>, vector<1x16xf32>,
        %swap3A_554 = vector.shape_cast %swap3A_553 : vector<1x16xf32> to vector<16xf32>
        %swap3A_555 = vector.shape_cast %mul3A_550 : vector<16xf32> to vector<1x16xf32>
        tpu.vector_store %arg20[%swap3A_551, %swap3A_552], %swap3A_555 {strides = array<i32>} : memref<40x128xf32, #tpu.memory_space<vmem>>, vector<1x16xf32>,
        %get3A_556 = arith.index_cast %scan3A_487 : i32 to index
        %get3A_557 = arith.constant 80 : index
        %get3A_558 = tpu.vector_load %arg16[%get3A_556, %get3A_557] {strides = array<i32>} : memref<40x128xf32, #tpu.memory_space<vmem>>, vector<1x16xf32>,
        %get3A_559 = vector.shape_cast %get3A_558 : vector<1x16xf32> to vector<16xf32>
        %get3A_560 = arith.index_cast %scan3A_487 : i32 to index
        %get3A_561 = arith.constant 80 : index
        %get3A_562 = tpu.vector_load %arg18[%get3A_560, %get3A_561] {strides = array<i32>} : memref<40x128xf32, #tpu.memory_space<vmem>>, vector<1x16xf32>,
        %get3A_563 = vector.shape_cast %get3A_562 : vector<1x16xf32> to vector<16xf32>
        %mul3A_564 = arith.mulf %get3A_559, %get3A_563 : vector<16xf32>
        %swap3A_565 = arith.index_cast %scan3A_487 : i32 to index
        %swap3A_566 = arith.constant 80 : index
        %swap3A_567 = tpu.vector_load %arg20[%swap3A_565, %swap3A_566] {strides = array<i32>} : memref<40x128xf32, #tpu.memory_space<vmem>>, vector<1x16xf32>,
        %swap3A_568 = vector.shape_cast %swap3A_567 : vector<1x16xf32> to vector<16xf32>
        %swap3A_569 = vector.shape_cast %mul3A_564 : vector<16xf32> to vector<1x16xf32>
        tpu.vector_store %arg20[%swap3A_565, %swap3A_566], %swap3A_569 {strides = array<i32>} : memref<40x128xf32, #tpu.memory_space<vmem>>, vector<1x16xf32>,
        %get3A_570 = arith.index_cast %scan3A_487 : i32 to index
        %get3A_571 = arith.constant 96 : index
        %get3A_572 = tpu.vector_load %arg16[%get3A_570, %get3A_571] {strides = array<i32>} : memref<40x128xf32, #tpu.memory_space<vmem>>, vector<1x16xf32>,
        %get3A_573 = vector.shape_cast %get3A_572 : vector<1x16xf32> to vector<16xf32>
        %get3A_574 = arith.index_cast %scan3A_487 : i32 to index
        %get3A_575 = arith.constant 96 : index
        %get3A_576 = tpu.vector_load %arg18[%get3A_574, %get3A_575] {strides = array<i32>} : memref<40x128xf32, #tpu.memory_space<vmem>>, vector<1x16xf32>,
        %get3A_577 = vector.shape_cast %get3A_576 : vector<1x16xf32> to vector<16xf32>
        %mul3A_578 = arith.mulf %get3A_573, %get3A_577 : vector<16xf32>
        %swap3A_579 = arith.index_cast %scan3A_487 : i32 to index
        %swap3A_580 = arith.constant 96 : index
        %swap3A_581 = tpu.vector_load %arg20[%swap3A_579, %swap3A_580] {strides = array<i32>} : memref<40x128xf32, #tpu.memory_space<vmem>>, vector<1x16xf32>,
        %swap3A_582 = vector.shape_cast %swap3A_581 : vector<1x16xf32> to vector<16xf32>
        %swap3A_583 = vector.shape_cast %mul3A_578 : vector<16xf32> to vector<1x16xf32>
        tpu.vector_store %arg20[%swap3A_579, %swap3A_580], %swap3A_583 {strides = array<i32>} : memref<40x128xf32, #tpu.memory_space<vmem>>, vector<1x16xf32>,
        %get3A_584 = arith.index_cast %scan3A_487 : i32 to index
        %get3A_585 = arith.constant 112 : index
        %get3A_586 = tpu.vector_load %arg16[%get3A_584, %get3A_585] {strides = array<i32>} : memref<40x128xf32, #tpu.memory_space<vmem>>, vector<1x16xf32>,
        %get3A_587 = vector.shape_cast %get3A_586 : vector<1x16xf32> to vector<16xf32>
        %get3A_588 = arith.index_cast %scan3A_487 : i32 to index
        %get3A_589 = arith.constant 112 : index
        %get3A_590 = tpu.vector_load %arg18[%get3A_588, %get3A_589] {strides = array<i32>} : memref<40x128xf32, #tpu.memory_space<vmem>>, vector<1x16xf32>,
        %get3A_591 = vector.shape_cast %get3A_590 : vector<1x16xf32> to vector<16xf32>
        %mul3A_592 = arith.mulf %get3A_587, %get3A_591 : vector<16xf32>
        %swap3A_593 = arith.index_cast %scan3A_487 : i32 to index
        %swap3A_594 = arith.constant 112 : index
        %swap3A_595 = tpu.vector_load %arg20[%swap3A_593, %swap3A_594] {strides = array<i32>} : memref<40x128xf32, #tpu.memory_space<vmem>>, vector<1x16xf32>,
        %swap3A_596 = vector.shape_cast %swap3A_595 : vector<1x16xf32> to vector<16xf32>
        %swap3A_597 = vector.shape_cast %mul3A_592 : vector<16xf32> to vector<1x16xf32>
        tpu.vector_store %arg20[%swap3A_593, %swap3A_594], %swap3A_597 {strides = array<i32>} : memref<40x128xf32, #tpu.memory_space<vmem>>, vector<1x16xf32>,
      }
      %scan3A_447 = arith.constant 40 : i32
      %dma_start3A_448 = arith.constant 0 : i32
      %dma_start3A_449 = arith.constant 0 : i32
      %dma_start3A_450 = tpu.memref_slice %arg21[%dma_start3A_448, %dma_start3A_449] : memref<10240x128xf32, #tpu.memory_space<vmem_shared>> -> memref<10240x128xf32, #tpu.memory_space<vmem_shared>>
      tpu.enqueue_indirect_dma source(%arg20 : memref<40x128xf32, #tpu.memory_space<vmem>>) target(%dma_start3A_450 : memref<10240x128xf32, #tpu.memory_space<vmem_shared>>) offsets(%arg14 : memref<40xi32, #tpu.memory_space<vmem>>) semaphore(%arg35 : memref<!tpu.dma_semaphore, #tpu.memory_space<semaphore_mem>>) {add = true}
      %add3A_451 = arith.constant 2 : i32
      %add3A_452 = arith.addi %add3A_426, %add3A_451 : i32
      %mul3A_453 = arith.constant 40 : i32
      %mul3A_454 = arith.muli %add3A_452, %mul3A_453 : i32
      %add3A_455 = arith.addi %mul3A_71, %mul3A_454 : i32
      %dma_start3A_456 = tpu.memref_slice %arg3[%add3A_455] : memref<320000xi32, #tpu.memory_space<hbm>> -> memref<40xi32, #tpu.memory_space<hbm>>
      %dma_start3A_457 = tpu.memref_slice %arg3[%add3A_455] : memref<320000xi32, #tpu.memory_space<hbm>> -> memref<40xi32, #tpu.memory_space<hbm>>
      tpu.enqueue_dma source(%dma_start3A_457 : memref<40xi32, #tpu.memory_space<hbm>>) target(%arg8 : memref<40xi32, #tpu.memory_space<vmem>>) target_semaphore(%arg23 : memref<!tpu.dma_semaphore, #tpu.memory_space<semaphore_mem>>)
      %mul3A_458 = arith.constant 40 : i32
      %mul3A_459 = arith.muli %add3A_452, %mul3A_458 : i32
      %add3A_460 = arith.addi %mul3A_71, %mul3A_459 : i32
      %dma_start3A_461 = tpu.memref_slice %arg4[%add3A_460] : memref<320000xi32, #tpu.memory_space<hbm>> -> memref<40xi32, #tpu.memory_space<hbm>>
      %dma_start3A_462 = tpu.memref_slice %arg4[%add3A_460] : memref<320000xi32, #tpu.memory_space<hbm>> -> memref<40xi32, #tpu.memory_space<hbm>>
      tpu.enqueue_dma source(%dma_start3A_462 : memref<40xi32, #tpu.memory_space<hbm>>) target(%arg12 : memref<40xi32, #tpu.memory_space<vmem>>) target_semaphore(%arg27 : memref<!tpu.dma_semaphore, #tpu.memory_space<semaphore_mem>>)
      %add3A_463 = arith.constant 2 : i32
      %add3A_464 = arith.addi %add3A_426, %add3A_463 : i32
      %mul3A_465 = arith.constant 40 : i32
      %mul3A_466 = arith.muli %add3A_464, %mul3A_465 : i32
      %add3A_467 = arith.addi %mul3A_71, %mul3A_466 : i32
      %dma_start3A_468 = arith.constant 0 : i32
      %dma_start3A_469 = tpu.memref_slice %arg5[%add3A_467, %dma_start3A_468] : memref<320000x128xf32, #tpu.memory_space<hbm>> -> memref<40x128xf32, #tpu.memory_space<hbm>>
      %dma_start3A_470 = arith.constant 0 : i32
      %dma_start3A_471 = tpu.memref_slice %arg5[%add3A_467, %dma_start3A_470] : memref<320000x128xf32, #tpu.memory_space<hbm>> -> memref<40x128xf32, #tpu.memory_space<hbm>>
      tpu.enqueue_dma source(%dma_start3A_471 : memref<40x128xf32, #tpu.memory_space<hbm>>) target(%arg16 : memref<40x128xf32, #tpu.memory_space<vmem>>) target_semaphore(%arg31 : memref<!tpu.dma_semaphore, #tpu.memory_space<semaphore_mem>>)
      %add3A_472 = arith.constant 1 : i32
      %add3A_473 = arith.addi %add3A_426, %add3A_472 : i32
      %mul3A_474 = arith.constant 40 : i32
      %mul3A_475 = arith.muli %add3A_473, %mul3A_474 : i32
      %add3A_476 = arith.addi %mul3A_71, %mul3A_475 : i32
      %dma_wait3A_477 = tpu.memref_slice %arg3[%add3A_476] : memref<320000xi32, #tpu.memory_space<hbm>> -> memref<40xi32, #tpu.memory_space<hbm>>
      %dma_wait3A_478 = tpu.memref_slice %arg3[%add3A_476] : memref<320000xi32, #tpu.memory_space<hbm>> -> memref<40xi32, #tpu.memory_space<hbm>>
      tpu.wait_dma2 semaphore(%arg22 : memref<!tpu.dma_semaphore, #tpu.memory_space<semaphore_mem>>) src(%dma_wait3A_478 : memref<40xi32, #tpu.memory_space<hbm>>) dst(%arg7 : memref<40xi32, #tpu.memory_space<vmem>>)
      %mul3A_479 = arith.constant 40 : i32
      %mul3A_480 = arith.muli %add3A_473, %mul3A_479 : i32
      %add3A_481 = arith.addi %mul3A_71, %mul3A_480 : i32
      %dma_wait3A_482 = tpu.memref_slice %arg4[%add3A_481] : memref<320000xi32, #tpu.memory_space<hbm>> -> memref<40xi32, #tpu.memory_space<hbm>>
      %dma_wait3A_483 = tpu.memref_slice %arg4[%add3A_481] : memref<320000xi32, #tpu.memory_space<hbm>> -> memref<40xi32, #tpu.memory_space<hbm>>
      tpu.wait_dma2 semaphore(%arg26 : memref<!tpu.dma_semaphore, #tpu.memory_space<semaphore_mem>>) src(%dma_wait3A_483 : memref<40xi32, #tpu.memory_space<hbm>>) dst(%arg11 : memref<40xi32, #tpu.memory_space<vmem>>)
      %dma_start3A_484 = arith.constant 0 : i32
      %dma_start3A_485 = arith.constant 0 : i32
      %dma_start3A_486 = tpu.memref_slice %arg2[%dma_start3A_484, %dma_start3A_485] : memref<10000x128xf32, #tpu.memory_space<hbm>> -> memref<10000x128xf32, #tpu.memory_space<hbm>>
      tpu.enqueue_indirect_dma source(%dma_start3A_486 : memref<10000x128xf32, #tpu.memory_space<hbm>>) target(%arg17 : memref<40x128xf32, #tpu.memory_space<vmem>>) offsets(%arg7 : memref<40xi32, #tpu.memory_space<vmem>>) semaphore(%arg32 : memref<!tpu.dma_semaphore, #tpu.memory_space<semaphore_mem>>)
    }
    %scan3A_114 = arith.constant 62 : i32
    %add3A_115 = arith.constant 9920 : i32
    %add3A_116 = arith.addi %mul3A_71, %add3A_115 : i32
    %dma_wait3A_117 = arith.constant 0 : i32
    %dma_wait3A_118 = tpu.memref_slice %arg5[%add3A_116, %dma_wait3A_117] : memref<320000x128xf32, #tpu.memory_space<hbm>> -> memref<40x128xf32, #tpu.memory_space<hbm>>
    %dma_wait3A_119 = arith.constant 0 : i32
    %dma_wait3A_120 = tpu.memref_slice %arg5[%add3A_116, %dma_wait3A_119] : memref<320000x128xf32, #tpu.memory_space<hbm>> -> memref<40x128xf32, #tpu.memory_space<hbm>>
    tpu.wait_dma2 semaphore(%arg30 : memref<!tpu.dma_semaphore, #tpu.memory_space<semaphore_mem>>) src(%dma_wait3A_120 : memref<40x128xf32, #tpu.memory_space<hbm>>) dst(%arg15 : memref<40x128xf32, #tpu.memory_space<vmem>>)
    %dma_wait3A_121 = arith.constant 0 : i32
    %dma_wait3A_122 = arith.constant 0 : i32
    %dma_wait3A_123 = tpu.memref_slice %arg2[%dma_wait3A_121, %dma_wait3A_122] : memref<10000x128xf32, #tpu.memory_space<hbm>> -> memref<10000x128xf32, #tpu.memory_space<hbm>>
    tpu.wait_indirect_dma semaphore(%arg32 : memref<!tpu.dma_semaphore, #tpu.memory_space<semaphore_mem>>) src(%dma_wait3A_123 : memref<10000x128xf32, #tpu.memory_space<hbm>>) dst(%arg17 : memref<40x128xf32, #tpu.memory_space<vmem>>)
    %dma_wait3A_124 = arith.constant 0 : i32
    %dma_wait3A_125 = arith.constant 0 : i32
    %dma_wait3A_126 = tpu.memref_slice %arg21[%dma_wait3A_124, %dma_wait3A_125] : memref<10240x128xf32, #tpu.memory_space<vmem_shared>> -> memref<10240x128xf32, #tpu.memory_space<vmem_shared>>
    tpu.wait_indirect_dma semaphore(%arg34 : memref<!tpu.dma_semaphore, #tpu.memory_space<semaphore_mem>>) src(%arg19 : memref<40x128xf32, #tpu.memory_space<vmem>>) dst(%dma_wait3A_126 : memref<10240x128xf32, #tpu.memory_space<vmem_shared>>)
    %scan3A_127 = arith.constant 0 : i32
    %scan3A_128 = arith.constant 0 : i32
    %scan3A_129 = arith.constant 40 : i32
    %scan3A_130 = arith.addi %scan3A_128, %scan3A_129 : i32
    %scan3A_131 = arith.constant 1 : i32
    scf.for %scan3A_239 = %scan3A_128 to %scan3A_130 step %scan3A_131  : i32 {
      %get3A = arith.index_cast %scan3A_239 : i32 to index
      %get3A_240 = arith.constant 0 : index
      %get3A_241 = tpu.vector_load %arg15[%get3A, %get3A_240] {strides = array<i32>} : memref<40x128xf32, #tpu.memory_space<vmem>>, vector<1x16xf32>,
      %get3A_242 = vector.shape_cast %get3A_241 : vector<1x16xf32> to vector<16xf32>
      %get3A_243 = arith.index_cast %scan3A_239 : i32 to index
      %get3A_244 = arith.constant 0 : index
      %get3A_245 = tpu.vector_load %arg17[%get3A_243, %get3A_244] {strides = array<i32>} : memref<40x128xf32, #tpu.memory_space<vmem>>, vector<1x16xf32>,
      %get3A_246 = vector.shape_cast %get3A_245 : vector<1x16xf32> to vector<16xf32>
      %mul3A_247 = arith.mulf %get3A_242, %get3A_246 : vector<16xf32>
      %swap3A = arith.index_cast %scan3A_239 : i32 to index
      %swap3A_248 = arith.constant 0 : index
      %swap3A_249 = tpu.vector_load %arg19[%swap3A, %swap3A_248] {strides = array<i32>} : memref<40x128xf32, #tpu.memory_space<vmem>>, vector<1x16xf32>,
      %swap3A_250 = vector.shape_cast %swap3A_249 : vector<1x16xf32> to vector<16xf32>
      %swap3A_251 = vector.shape_cast %mul3A_247 : vector<16xf32> to vector<1x16xf32>
      tpu.vector_store %arg19[%swap3A, %swap3A_248], %swap3A_251 {strides = array<i32>} : memref<40x128xf32, #tpu.memory_space<vmem>>, vector<1x16xf32>,
      %get3A_252 = arith.index_cast %scan3A_239 : i32 to index
      %get3A_253 = arith.constant 16 : index
      %get3A_254 = tpu.vector_load %arg15[%get3A_252, %get3A_253] {strides = array<i32>} : memref<40x128xf32, #tpu.memory_space<vmem>>, vector<1x16xf32>,
      %get3A_255 = vector.shape_cast %get3A_254 : vector<1x16xf32> to vector<16xf32>
      %get3A_256 = arith.index_cast %scan3A_239 : i32 to index
      %get3A_257 = arith.constant 16 : index
      %get3A_258 = tpu.vector_load %arg17[%get3A_256, %get3A_257] {strides = array<i32>} : memref<40x128xf32, #tpu.memory_space<vmem>>, vector<1x16xf32>,
      %get3A_259 = vector.shape_cast %get3A_258 : vector<1x16xf32> to vector<16xf32>
      %mul3A_260 = arith.mulf %get3A_255, %get3A_259 : vector<16xf32>
      %swap3A_261 = arith.index_cast %scan3A_239 : i32 to index
      %swap3A_262 = arith.constant 16 : index
      %swap3A_263 = tpu.vector_load %arg19[%swap3A_261, %swap3A_262] {strides = array<i32>} : memref<40x128xf32, #tpu.memory_space<vmem>>, vector<1x16xf32>,
      %swap3A_264 = vector.shape_cast %swap3A_263 : vector<1x16xf32> to vector<16xf32>
      %swap3A_265 = vector.shape_cast %mul3A_260 : vector<16xf32> to vector<1x16xf32>
      tpu.vector_store %arg19[%swap3A_261, %swap3A_262], %swap3A_265 {strides = array<i32>} : memref<40x128xf32, #tpu.memory_space<vmem>>, vector<1x16xf32>,
      %get3A_266 = arith.index_cast %scan3A_239 : i32 to index
      %get3A_267 = arith.constant 32 : index
      %get3A_268 = tpu.vector_load %arg15[%get3A_266, %get3A_267] {strides = array<i32>} : memref<40x128xf32, #tpu.memory_space<vmem>>, vector<1x16xf32>,
      %get3A_269 = vector.shape_cast %get3A_268 : vector<1x16xf32> to vector<16xf32>
      %get3A_270 = arith.index_cast %scan3A_239 : i32 to index
      %get3A_271 = arith.constant 32 : index
      %get3A_272 = tpu.vector_load %arg17[%get3A_270, %get3A_271] {strides = array<i32>} : memref<40x128xf32, #tpu.memory_space<vmem>>, vector<1x16xf32>,
      %get3A_273 = vector.shape_cast %get3A_272 : vector<1x16xf32> to vector<16xf32>
      %mul3A_274 = arith.mulf %get3A_269, %get3A_273 : vector<16xf32>
      %swap3A_275 = arith.index_cast %scan3A_239 : i32 to index
      %swap3A_276 = arith.constant 32 : index
      %swap3A_277 = tpu.vector_load %arg19[%swap3A_275, %swap3A_276] {strides = array<i32>} : memref<40x128xf32, #tpu.memory_space<vmem>>, vector<1x16xf32>,
      %swap3A_278 = vector.shape_cast %swap3A_277 : vector<1x16xf32> to vector<16xf32>
      %swap3A_279 = vector.shape_cast %mul3A_274 : vector<16xf32> to vector<1x16xf32>
      tpu.vector_store %arg19[%swap3A_275, %swap3A_276], %swap3A_279 {strides = array<i32>} : memref<40x128xf32, #tpu.memory_space<vmem>>, vector<1x16xf32>,
      %get3A_280 = arith.index_cast %scan3A_239 : i32 to index
      %get3A_281 = arith.constant 48 : index
      %get3A_282 = tpu.vector_load %arg15[%get3A_280, %get3A_281] {strides = array<i32>} : memref<40x128xf32, #tpu.memory_space<vmem>>, vector<1x16xf32>,
      %get3A_283 = vector.shape_cast %get3A_282 : vector<1x16xf32> to vector<16xf32>
      %get3A_284 = arith.index_cast %scan3A_239 : i32 to index
      %get3A_285 = arith.constant 48 : index
      %get3A_286 = tpu.vector_load %arg17[%get3A_284, %get3A_285] {strides = array<i32>} : memref<40x128xf32, #tpu.memory_space<vmem>>, vector<1x16xf32>,
      %get3A_287 = vector.shape_cast %get3A_286 : vector<1x16xf32> to vector<16xf32>
      %mul3A_288 = arith.mulf %get3A_283, %get3A_287 : vector<16xf32>
      %swap3A_289 = arith.index_cast %scan3A_239 : i32 to index
      %swap3A_290 = arith.constant 48 : index
      %swap3A_291 = tpu.vector_load %arg19[%swap3A_289, %swap3A_290] {strides = array<i32>} : memref<40x128xf32, #tpu.memory_space<vmem>>, vector<1x16xf32>,
      %swap3A_292 = vector.shape_cast %swap3A_291 : vector<1x16xf32> to vector<16xf32>
      %swap3A_293 = vector.shape_cast %mul3A_288 : vector<16xf32> to vector<1x16xf32>
      tpu.vector_store %arg19[%swap3A_289, %swap3A_290], %swap3A_293 {strides = array<i32>} : memref<40x128xf32, #tpu.memory_space<vmem>>, vector<1x16xf32>,
      %get3A_294 = arith.index_cast %scan3A_239 : i32 to index
      %get3A_295 = arith.constant 64 : index
      %get3A_296 = tpu.vector_load %arg15[%get3A_294, %get3A_295] {strides = array<i32>} : memref<40x128xf32, #tpu.memory_space<vmem>>, vector<1x16xf32>,
      %get3A_297 = vector.shape_cast %get3A_296 : vector<1x16xf32> to vector<16xf32>
      %get3A_298 = arith.index_cast %scan3A_239 : i32 to index
      %get3A_299 = arith.constant 64 : index
      %get3A_300 = tpu.vector_load %arg17[%get3A_298, %get3A_299] {strides = array<i32>} : memref<40x128xf32, #tpu.memory_space<vmem>>, vector<1x16xf32>,
      %get3A_301 = vector.shape_cast %get3A_300 : vector<1x16xf32> to vector<16xf32>
      %mul3A_302 = arith.mulf %get3A_297, %get3A_301 : vector<16xf32>
      %swap3A_303 = arith.index_cast %scan3A_239 : i32 to index
      %swap3A_304 = arith.constant 64 : index
      %swap3A_305 = tpu.vector_load %arg19[%swap3A_303, %swap3A_304] {strides = array<i32>} : memref<40x128xf32, #tpu.memory_space<vmem>>, vector<1x16xf32>,
      %swap3A_306 = vector.shape_cast %swap3A_305 : vector<1x16xf32> to vector<16xf32>
      %swap3A_307 = vector.shape_cast %mul3A_302 : vector<16xf32> to vector<1x16xf32>
      tpu.vector_store %arg19[%swap3A_303, %swap3A_304], %swap3A_307 {strides = array<i32>} : memref<40x128xf32, #tpu.memory_space<vmem>>, vector<1x16xf32>,
      %get3A_308 = arith.index_cast %scan3A_239 : i32 to index
      %get3A_309 = arith.constant 80 : index
      %get3A_310 = tpu.vector_load %arg15[%get3A_308, %get3A_309] {strides = array<i32>} : memref<40x128xf32, #tpu.memory_space<vmem>>, vector<1x16xf32>,
      %get3A_311 = vector.shape_cast %get3A_310 : vector<1x16xf32> to vector<16xf32>
      %get3A_312 = arith.index_cast %scan3A_239 : i32 to index
      %get3A_313 = arith.constant 80 : index
      %get3A_314 = tpu.vector_load %arg17[%get3A_312, %get3A_313] {strides = array<i32>} : memref<40x128xf32, #tpu.memory_space<vmem>>, vector<1x16xf32>,
      %get3A_315 = vector.shape_cast %get3A_314 : vector<1x16xf32> to vector<16xf32>
      %mul3A_316 = arith.mulf %get3A_311, %get3A_315 : vector<16xf32>
      %swap3A_317 = arith.index_cast %scan3A_239 : i32 to index
      %swap3A_318 = arith.constant 80 : index
      %swap3A_319 = tpu.vector_load %arg19[%swap3A_317, %swap3A_318] {strides = array<i32>} : memref<40x128xf32, #tpu.memory_space<vmem>>, vector<1x16xf32>,
      %swap3A_320 = vector.shape_cast %swap3A_319 : vector<1x16xf32> to vector<16xf32>
      %swap3A_321 = vector.shape_cast %mul3A_316 : vector<16xf32> to vector<1x16xf32>
      tpu.vector_store %arg19[%swap3A_317, %swap3A_318], %swap3A_321 {strides = array<i32>} : memref<40x128xf32, #tpu.memory_space<vmem>>, vector<1x16xf32>,
      %get3A_322 = arith.index_cast %scan3A_239 : i32 to index
      %get3A_323 = arith.constant 96 : index
      %get3A_324 = tpu.vector_load %arg15[%get3A_322, %get3A_323] {strides = array<i32>} : memref<40x128xf32, #tpu.memory_space<vmem>>, vector<1x16xf32>,
      %get3A_325 = vector.shape_cast %get3A_324 : vector<1x16xf32> to vector<16xf32>
      %get3A_326 = arith.index_cast %scan3A_239 : i32 to index
      %get3A_327 = arith.constant 96 : index
      %get3A_328 = tpu.vector_load %arg17[%get3A_326, %get3A_327] {strides = array<i32>} : memref<40x128xf32, #tpu.memory_space<vmem>>, vector<1x16xf32>,
      %get3A_329 = vector.shape_cast %get3A_328 : vector<1x16xf32> to vector<16xf32>
      %mul3A_330 = arith.mulf %get3A_325, %get3A_329 : vector<16xf32>
      %swap3A_331 = arith.index_cast %scan3A_239 : i32 to index
      %swap3A_332 = arith.constant 96 : index
      %swap3A_333 = tpu.vector_load %arg19[%swap3A_331, %swap3A_332] {strides = array<i32>} : memref<40x128xf32, #tpu.memory_space<vmem>>, vector<1x16xf32>,
      %swap3A_334 = vector.shape_cast %swap3A_333 : vector<1x16xf32> to vector<16xf32>
      %swap3A_335 = vector.shape_cast %mul3A_330 : vector<16xf32> to vector<1x16xf32>
      tpu.vector_store %arg19[%swap3A_331, %swap3A_332], %swap3A_335 {strides = array<i32>} : memref<40x128xf32, #tpu.memory_space<vmem>>, vector<1x16xf32>,
      %get3A_336 = arith.index_cast %scan3A_239 : i32 to index
      %get3A_337 = arith.constant 112 : index
      %get3A_338 = tpu.vector_load %arg15[%get3A_336, %get3A_337] {strides = array<i32>} : memref<40x128xf32, #tpu.memory_space<vmem>>, vector<1x16xf32>,
      %get3A_339 = vector.shape_cast %get3A_338 : vector<1x16xf32> to vector<16xf32>
      %get3A_340 = arith.index_cast %scan3A_239 : i32 to index
      %get3A_341 = arith.constant 112 : index
      %get3A_342 = tpu.vector_load %arg17[%get3A_340, %get3A_341] {strides = array<i32>} : memref<40x128xf32, #tpu.memory_space<vmem>>, vector<1x16xf32>,
      %get3A_343 = vector.shape_cast %get3A_342 : vector<1x16xf32> to vector<16xf32>
      %mul3A_344 = arith.mulf %get3A_339, %get3A_343 : vector<16xf32>
      %swap3A_345 = arith.index_cast %scan3A_239 : i32 to index
      %swap3A_346 = arith.constant 112 : index
      %swap3A_347 = tpu.vector_load %arg19[%swap3A_345, %swap3A_346] {strides = array<i32>} : memref<40x128xf32, #tpu.memory_space<vmem>>, vector<1x16xf32>,
      %swap3A_348 = vector.shape_cast %swap3A_347 : vector<1x16xf32> to vector<16xf32>
      %swap3A_349 = vector.shape_cast %mul3A_344 : vector<16xf32> to vector<1x16xf32>
      tpu.vector_store %arg19[%swap3A_345, %swap3A_346], %swap3A_349 {strides = array<i32>} : memref<40x128xf32, #tpu.memory_space<vmem>>, vector<1x16xf32>,
    }
    %scan3A_132 = arith.constant 40 : i32
    %dma_start3A_133 = arith.constant 0 : i32
    %dma_start3A_134 = arith.constant 0 : i32
    %dma_start3A_135 = tpu.memref_slice %arg21[%dma_start3A_133, %dma_start3A_134] : memref<10240x128xf32, #tpu.memory_space<vmem_shared>> -> memref<10240x128xf32, #tpu.memory_space<vmem_shared>>
    tpu.enqueue_indirect_dma source(%arg19 : memref<40x128xf32, #tpu.memory_space<vmem>>) target(%dma_start3A_135 : memref<10240x128xf32, #tpu.memory_space<vmem_shared>>) offsets(%arg11 : memref<40xi32, #tpu.memory_space<vmem>>) semaphore(%arg34 : memref<!tpu.dma_semaphore, #tpu.memory_space<semaphore_mem>>) {add = true}
    %add3A_136 = arith.constant 9960 : i32
    %add3A_137 = arith.addi %mul3A_71, %add3A_136 : i32
    %dma_wait3A_138 = tpu.memref_slice %arg3[%add3A_137] : memref<320000xi32, #tpu.memory_space<hbm>> -> memref<40xi32, #tpu.memory_space<hbm>>
    %dma_wait3A_139 = tpu.memref_slice %arg3[%add3A_137] : memref<320000xi32, #tpu.memory_space<hbm>> -> memref<40xi32, #tpu.memory_space<hbm>>
    tpu.wait_dma2 semaphore(%arg23 : memref<!tpu.dma_semaphore, #tpu.memory_space<semaphore_mem>>) src(%dma_wait3A_139 : memref<40xi32, #tpu.memory_space<hbm>>) dst(%arg8 : memref<40xi32, #tpu.memory_space<vmem>>)
    %add3A_140 = arith.constant 9960 : i32
    %add3A_141 = arith.addi %mul3A_71, %add3A_140 : i32
    %dma_wait3A_142 = tpu.memref_slice %arg4[%add3A_141] : memref<320000xi32, #tpu.memory_space<hbm>> -> memref<40xi32, #tpu.memory_space<hbm>>
    %dma_wait3A_143 = tpu.memref_slice %arg4[%add3A_141] : memref<320000xi32, #tpu.memory_space<hbm>> -> memref<40xi32, #tpu.memory_space<hbm>>
    tpu.wait_dma2 semaphore(%arg27 : memref<!tpu.dma_semaphore, #tpu.memory_space<semaphore_mem>>) src(%dma_wait3A_143 : memref<40xi32, #tpu.memory_space<hbm>>) dst(%arg12 : memref<40xi32, #tpu.memory_space<vmem>>)
    %dma_start3A_144 = arith.constant 0 : i32
    %dma_start3A_145 = arith.constant 0 : i32
    %dma_start3A_146 = tpu.memref_slice %arg2[%dma_start3A_144, %dma_start3A_145] : memref<10000x128xf32, #tpu.memory_space<hbm>> -> memref<10000x128xf32, #tpu.memory_space<hbm>>
    tpu.enqueue_indirect_dma source(%dma_start3A_146 : memref<10000x128xf32, #tpu.memory_space<hbm>>) target(%arg18 : memref<40x128xf32, #tpu.memory_space<vmem>>) offsets(%arg8 : memref<40xi32, #tpu.memory_space<vmem>>) semaphore(%arg33 : memref<!tpu.dma_semaphore, #tpu.memory_space<semaphore_mem>>)
    %add3A_147 = arith.constant 9960 : i32
    %add3A_148 = arith.addi %mul3A_71, %add3A_147 : i32
    %dma_wait3A_149 = arith.constant 0 : i32
    %dma_wait3A_150 = tpu.memref_slice %arg5[%add3A_148, %dma_wait3A_149] : memref<320000x128xf32, #tpu.memory_space<hbm>> -> memref<40x128xf32, #tpu.memory_space<hbm>>
    %dma_wait3A_151 = arith.constant 0 : i32
    %dma_wait3A_152 = tpu.memref_slice %arg5[%add3A_148, %dma_wait3A_151] : memref<320000x128xf32, #tpu.memory_space<hbm>> -> memref<40x128xf32, #tpu.memory_space<hbm>>
    tpu.wait_dma2 semaphore(%arg31 : memref<!tpu.dma_semaphore, #tpu.memory_space<semaphore_mem>>) src(%dma_wait3A_152 : memref<40x128xf32, #tpu.memory_space<hbm>>) dst(%arg16 : memref<40x128xf32, #tpu.memory_space<vmem>>)
    %dma_wait3A_153 = arith.constant 0 : i32
    %dma_wait3A_154 = arith.constant 0 : i32
    %dma_wait3A_155 = tpu.memref_slice %arg2[%dma_wait3A_153, %dma_wait3A_154] : memref<10000x128xf32, #tpu.memory_space<hbm>> -> memref<10000x128xf32, #tpu.memory_space<hbm>>
    tpu.wait_indirect_dma semaphore(%arg33 : memref<!tpu.dma_semaphore, #tpu.memory_space<semaphore_mem>>) src(%dma_wait3A_155 : memref<10000x128xf32, #tpu.memory_space<hbm>>) dst(%arg18 : memref<40x128xf32, #tpu.memory_space<vmem>>)
    %dma_wait3A_156 = arith.constant 0 : i32
    %dma_wait3A_157 = arith.constant 0 : i32
    %dma_wait3A_158 = tpu.memref_slice %arg21[%dma_wait3A_156, %dma_wait3A_157] : memref<10240x128xf32, #tpu.memory_space<vmem_shared>> -> memref<10240x128xf32, #tpu.memory_space<vmem_shared>>
    tpu.wait_indirect_dma semaphore(%arg35 : memref<!tpu.dma_semaphore, #tpu.memory_space<semaphore_mem>>) src(%arg20 : memref<40x128xf32, #tpu.memory_space<vmem>>) dst(%dma_wait3A_158 : memref<10240x128xf32, #tpu.memory_space<vmem_shared>>)
    %scan3A_159 = arith.constant 0 : i32
    %scan3A_160 = arith.constant 0 : i32
    %scan3A_161 = arith.constant 40 : i32
    %scan3A_162 = arith.addi %scan3A_160, %scan3A_161 : i32
    %scan3A_163 = arith.constant 1 : i32
    scf.for %scan3A_239 = %scan3A_160 to %scan3A_162 step %scan3A_163  : i32 {
      %get3A = arith.index_cast %scan3A_239 : i32 to index
      %get3A_240 = arith.constant 0 : index
      %get3A_241 = tpu.vector_load %arg16[%get3A, %get3A_240] {strides = array<i32>} : memref<40x128xf32, #tpu.memory_space<vmem>>, vector<1x16xf32>,
      %get3A_242 = vector.shape_cast %get3A_241 : vector<1x16xf32> to vector<16xf32>
      %get3A_243 = arith.index_cast %scan3A_239 : i32 to index
      %get3A_244 = arith.constant 0 : index
      %get3A_245 = tpu.vector_load %arg18[%get3A_243, %get3A_244] {strides = array<i32>} : memref<40x128xf32, #tpu.memory_space<vmem>>, vector<1x16xf32>,
      %get3A_246 = vector.shape_cast %get3A_245 : vector<1x16xf32> to vector<16xf32>
      %mul3A_247 = arith.mulf %get3A_242, %get3A_246 : vector<16xf32>
      %swap3A = arith.index_cast %scan3A_239 : i32 to index
      %swap3A_248 = arith.constant 0 : index
      %swap3A_249 = tpu.vector_load %arg20[%swap3A, %swap3A_248] {strides = array<i32>} : memref<40x128xf32, #tpu.memory_space<vmem>>, vector<1x16xf32>,
      %swap3A_250 = vector.shape_cast %swap3A_249 : vector<1x16xf32> to vector<16xf32>
      %swap3A_251 = vector.shape_cast %mul3A_247 : vector<16xf32> to vector<1x16xf32>
      tpu.vector_store %arg20[%swap3A, %swap3A_248], %swap3A_251 {strides = array<i32>} : memref<40x128xf32, #tpu.memory_space<vmem>>, vector<1x16xf32>,
      %get3A_252 = arith.index_cast %scan3A_239 : i32 to index
      %get3A_253 = arith.constant 16 : index
      %get3A_254 = tpu.vector_load %arg16[%get3A_252, %get3A_253] {strides = array<i32>} : memref<40x128xf32, #tpu.memory_space<vmem>>, vector<1x16xf32>,
      %get3A_255 = vector.shape_cast %get3A_254 : vector<1x16xf32> to vector<16xf32>
      %get3A_256 = arith.index_cast %scan3A_239 : i32 to index
      %get3A_257 = arith.constant 16 : index
      %get3A_258 = tpu.vector_load %arg18[%get3A_256, %get3A_257] {strides = array<i32>} : memref<40x128xf32, #tpu.memory_space<vmem>>, vector<1x16xf32>,
      %get3A_259 = vector.shape_cast %get3A_258 : vector<1x16xf32> to vector<16xf32>
      %mul3A_260 = arith.mulf %get3A_255, %get3A_259 : vector<16xf32>
      %swap3A_261 = arith.index_cast %scan3A_239 : i32 to index
      %swap3A_262 = arith.constant 16 : index
      %swap3A_263 = tpu.vector_load %arg20[%swap3A_261, %swap3A_262] {strides = array<i32>} : memref<40x128xf32, #tpu.memory_space<vmem>>, vector<1x16xf32>,
      %swap3A_264 = vector.shape_cast %swap3A_263 : vector<1x16xf32> to vector<16xf32>
      %swap3A_265 = vector.shape_cast %mul3A_260 : vector<16xf32> to vector<1x16xf32>
      tpu.vector_store %arg20[%swap3A_261, %swap3A_262], %swap3A_265 {strides = array<i32>} : memref<40x128xf32, #tpu.memory_space<vmem>>, vector<1x16xf32>,
      %get3A_266 = arith.index_cast %scan3A_239 : i32 to index
      %get3A_267 = arith.constant 32 : index
      %get3A_268 = tpu.vector_load %arg16[%get3A_266, %get3A_267] {strides = array<i32>} : memref<40x128xf32, #tpu.memory_space<vmem>>, vector<1x16xf32>,
      %get3A_269 = vector.shape_cast %get3A_268 : vector<1x16xf32> to vector<16xf32>
      %get3A_270 = arith.index_cast %scan3A_239 : i32 to index
      %get3A_271 = arith.constant 32 : index
      %get3A_272 = tpu.vector_load %arg18[%get3A_270, %get3A_271] {strides = array<i32>} : memref<40x128xf32, #tpu.memory_space<vmem>>, vector<1x16xf32>,
      %get3A_273 = vector.shape_cast %get3A_272 : vector<1x16xf32> to vector<16xf32>
      %mul3A_274 = arith.mulf %get3A_269, %get3A_273 : vector<16xf32>
      %swap3A_275 = arith.index_cast %scan3A_239 : i32 to index
      %swap3A_276 = arith.constant 32 : index
      %swap3A_277 = tpu.vector_load %arg20[%swap3A_275, %swap3A_276] {strides = array<i32>} : memref<40x128xf32, #tpu.memory_space<vmem>>, vector<1x16xf32>,
      %swap3A_278 = vector.shape_cast %swap3A_277 : vector<1x16xf32> to vector<16xf32>
      %swap3A_279 = vector.shape_cast %mul3A_274 : vector<16xf32> to vector<1x16xf32>
      tpu.vector_store %arg20[%swap3A_275, %swap3A_276], %swap3A_279 {strides = array<i32>} : memref<40x128xf32, #tpu.memory_space<vmem>>, vector<1x16xf32>,
      %get3A_280 = arith.index_cast %scan3A_239 : i32 to index
      %get3A_281 = arith.constant 48 : index
      %get3A_282 = tpu.vector_load %arg16[%get3A_280, %get3A_281] {strides = array<i32>} : memref<40x128xf32, #tpu.memory_space<vmem>>, vector<1x16xf32>,
      %get3A_283 = vector.shape_cast %get3A_282 : vector<1x16xf32> to vector<16xf32>
      %get3A_284 = arith.index_cast %scan3A_239 : i32 to index
      %get3A_285 = arith.constant 48 : index
      %get3A_286 = tpu.vector_load %arg18[%get3A_284, %get3A_285] {strides = array<i32>} : memref<40x128xf32, #tpu.memory_space<vmem>>, vector<1x16xf32>,
      %get3A_287 = vector.shape_cast %get3A_286 : vector<1x16xf32> to vector<16xf32>
      %mul3A_288 = arith.mulf %get3A_283, %get3A_287 : vector<16xf32>
      %swap3A_289 = arith.index_cast %scan3A_239 : i32 to index
      %swap3A_290 = arith.constant 48 : index
      %swap3A_291 = tpu.vector_load %arg20[%swap3A_289, %swap3A_290] {strides = array<i32>} : memref<40x128xf32, #tpu.memory_space<vmem>>, vector<1x16xf32>,
      %swap3A_292 = vector.shape_cast %swap3A_291 : vector<1x16xf32> to vector<16xf32>
      %swap3A_293 = vector.shape_cast %mul3A_288 : vector<16xf32> to vector<1x16xf32>
      tpu.vector_store %arg20[%swap3A_289, %swap3A_290], %swap3A_293 {strides = array<i32>} : memref<40x128xf32, #tpu.memory_space<vmem>>, vector<1x16xf32>,
      %get3A_294 = arith.index_cast %scan3A_239 : i32 to index
      %get3A_295 = arith.constant 64 : index
      %get3A_296 = tpu.vector_load %arg16[%get3A_294, %get3A_295] {strides = array<i32>} : memref<40x128xf32, #tpu.memory_space<vmem>>, vector<1x16xf32>,
      %get3A_297 = vector.shape_cast %get3A_296 : vector<1x16xf32> to vector<16xf32>
      %get3A_298 = arith.index_cast %scan3A_239 : i32 to index
      %get3A_299 = arith.constant 64 : index
      %get3A_300 = tpu.vector_load %arg18[%get3A_298, %get3A_299] {strides = array<i32>} : memref<40x128xf32, #tpu.memory_space<vmem>>, vector<1x16xf32>,
      %get3A_301 = vector.shape_cast %get3A_300 : vector<1x16xf32> to vector<16xf32>
      %mul3A_302 = arith.mulf %get3A_297, %get3A_301 : vector<16xf32>
      %swap3A_303 = arith.index_cast %scan3A_239 : i32 to index
      %swap3A_304 = arith.constant 64 : index
      %swap3A_305 = tpu.vector_load %arg20[%swap3A_303, %swap3A_304] {strides = array<i32>} : memref<40x128xf32, #tpu.memory_space<vmem>>, vector<1x16xf32>,
      %swap3A_306 = vector.shape_cast %swap3A_305 : vector<1x16xf32> to vector<16xf32>
      %swap3A_307 = vector.shape_cast %mul3A_302 : vector<16xf32> to vector<1x16xf32>
      tpu.vector_store %arg20[%swap3A_303, %swap3A_304], %swap3A_307 {strides = array<i32>} : memref<40x128xf32, #tpu.memory_space<vmem>>, vector<1x16xf32>,
      %get3A_308 = arith.index_cast %scan3A_239 : i32 to index
      %get3A_309 = arith.constant 80 : index
      %get3A_310 = tpu.vector_load %arg16[%get3A_308, %get3A_309] {strides = array<i32>} : memref<40x128xf32, #tpu.memory_space<vmem>>, vector<1x16xf32>,
      %get3A_311 = vector.shape_cast %get3A_310 : vector<1x16xf32> to vector<16xf32>
      %get3A_312 = arith.index_cast %scan3A_239 : i32 to index
      %get3A_313 = arith.constant 80 : index
      %get3A_314 = tpu.vector_load %arg18[%get3A_312, %get3A_313] {strides = array<i32>} : memref<40x128xf32, #tpu.memory_space<vmem>>, vector<1x16xf32>,
      %get3A_315 = vector.shape_cast %get3A_314 : vector<1x16xf32> to vector<16xf32>
      %mul3A_316 = arith.mulf %get3A_311, %get3A_315 : vector<16xf32>
      %swap3A_317 = arith.index_cast %scan3A_239 : i32 to index
      %swap3A_318 = arith.constant 80 : index
      %swap3A_319 = tpu.vector_load %arg20[%swap3A_317, %swap3A_318] {strides = array<i32>} : memref<40x128xf32, #tpu.memory_space<vmem>>, vector<1x16xf32>,
      %swap3A_320 = vector.shape_cast %swap3A_319 : vector<1x16xf32> to vector<16xf32>
      %swap3A_321 = vector.shape_cast %mul3A_316 : vector<16xf32> to vector<1x16xf32>
      tpu.vector_store %arg20[%swap3A_317, %swap3A_318], %swap3A_321 {strides = array<i32>} : memref<40x128xf32, #tpu.memory_space<vmem>>, vector<1x16xf32>,
      %get3A_322 = arith.index_cast %scan3A_239 : i32 to index
      %get3A_323 = arith.constant 96 : index
      %get3A_324 = tpu.vector_load %arg16[%get3A_322, %get3A_323] {strides = array<i32>} : memref<40x128xf32, #tpu.memory_space<vmem>>, vector<1x16xf32>,
      %get3A_325 = vector.shape_cast %get3A_324 : vector<1x16xf32> to vector<16xf32>
      %get3A_326 = arith.index_cast %scan3A_239 : i32 to index
      %get3A_327 = arith.constant 96 : index
      %get3A_328 = tpu.vector_load %arg18[%get3A_326, %get3A_327] {strides = array<i32>} : memref<40x128xf32, #tpu.memory_space<vmem>>, vector<1x16xf32>,
      %get3A_329 = vector.shape_cast %get3A_328 : vector<1x16xf32> to vector<16xf32>
      %mul3A_330 = arith.mulf %get3A_325, %get3A_329 : vector<16xf32>
      %swap3A_331 = arith.index_cast %scan3A_239 : i32 to index
      %swap3A_332 = arith.constant 96 : index
      %swap3A_333 = tpu.vector_load %arg20[%swap3A_331, %swap3A_332] {strides = array<i32>} : memref<40x128xf32, #tpu.memory_space<vmem>>, vector<1x16xf32>,
      %swap3A_334 = vector.shape_cast %swap3A_333 : vector<1x16xf32> to vector<16xf32>
      %swap3A_335 = vector.shape_cast %mul3A_330 : vector<16xf32> to vector<1x16xf32>
      tpu.vector_store %arg20[%swap3A_331, %swap3A_332], %swap3A_335 {strides = array<i32>} : memref<40x128xf32, #tpu.memory_space<vmem>>, vector<1x16xf32>,
      %get3A_336 = arith.index_cast %scan3A_239 : i32 to index
      %get3A_337 = arith.constant 112 : index
      %get3A_338 = tpu.vector_load %arg16[%get3A_336, %get3A_337] {strides = array<i32>} : memref<40x128xf32, #tpu.memory_space<vmem>>, vector<1x16xf32>,
      %get3A_339 = vector.shape_cast %get3A_338 : vector<1x16xf32> to vector<16xf32>
      %get3A_340 = arith.index_cast %scan3A_239 : i32 to index
      %get3A_341 = arith.constant 112 : index
      %get3A_342 = tpu.vector_load %arg18[%get3A_340, %get3A_341] {strides = array<i32>} : memref<40x128xf32, #tpu.memory_space<vmem>>, vector<1x16xf32>,
      %get3A_343 = vector.shape_cast %get3A_342 : vector<1x16xf32> to vector<16xf32>
      %mul3A_344 = arith.mulf %get3A_339, %get3A_343 : vector<16xf32>
      %swap3A_345 = arith.index_cast %scan3A_239 : i32 to index
      %swap3A_346 = arith.constant 112 : index
      %swap3A_347 = tpu.vector_load %arg20[%swap3A_345, %swap3A_346] {strides = array<i32>} : memref<40x128xf32, #tpu.memory_space<vmem>>, vector<1x16xf32>,
      %swap3A_348 = vector.shape_cast %swap3A_347 : vector<1x16xf32> to vector<16xf32>
      %swap3A_349 = vector.shape_cast %mul3A_344 : vector<16xf32> to vector<1x16xf32>
      tpu.vector_store %arg20[%swap3A_345, %swap3A_346], %swap3A_349 {strides = array<i32>} : memref<40x128xf32, #tpu.memory_space<vmem>>, vector<1x16xf32>,
    }
    %scan3A_164 = arith.constant 40 : i32
    %dma_start3A_165 = arith.constant 0 : i32
    %dma_start3A_166 = arith.constant 0 : i32
    %dma_start3A_167 = tpu.memref_slice %arg21[%dma_start3A_165, %dma_start3A_166] : memref<10240x128xf32, #tpu.memory_space<vmem_shared>> -> memref<10240x128xf32, #tpu.memory_space<vmem_shared>>
    tpu.enqueue_indirect_dma source(%arg20 : memref<40x128xf32, #tpu.memory_space<vmem>>) target(%dma_start3A_167 : memref<10240x128xf32, #tpu.memory_space<vmem_shared>>) offsets(%arg12 : memref<40xi32, #tpu.memory_space<vmem>>) semaphore(%arg35 : memref<!tpu.dma_semaphore, #tpu.memory_space<semaphore_mem>>) {add = true}
    %dma_wait3A_168 = arith.constant 0 : i32
    %dma_wait3A_169 = arith.constant 0 : i32
    %dma_wait3A_170 = tpu.memref_slice %arg21[%dma_wait3A_168, %dma_wait3A_169] : memref<10240x128xf32, #tpu.memory_space<vmem_shared>> -> memref<10240x128xf32, #tpu.memory_space<vmem_shared>>
    tpu.wait_indirect_dma semaphore(%arg34 : memref<!tpu.dma_semaphore, #tpu.memory_space<semaphore_mem>>) src(%arg19 : memref<40x128xf32, #tpu.memory_space<vmem>>) dst(%dma_wait3A_170 : memref<10240x128xf32, #tpu.memory_space<vmem_shared>>)
    %dma_wait3A_171 = arith.constant 0 : i32
    %dma_wait3A_172 = arith.constant 0 : i32
    %dma_wait3A_173 = tpu.memref_slice %arg21[%dma_wait3A_171, %dma_wait3A_172] : memref<10240x128xf32, #tpu.memory_space<vmem_shared>> -> memref<10240x128xf32, #tpu.memory_space<vmem_shared>>
    tpu.wait_indirect_dma semaphore(%arg35 : memref<!tpu.dma_semaphore, #tpu.memory_space<semaphore_mem>>) src(%arg20 : memref<40x128xf32, #tpu.memory_space<vmem>>) dst(%dma_wait3A_173 : memref<10240x128xf32, #tpu.memory_space<vmem_shared>>)
    %barrier3A_174 = arith.constant 0 : index
    tpu.barrier barrier_id(%barrier3A_174)
    %mul3A_175 = arith.constant 640 : i32
    %mul3A_176 = arith.muli %arg1, %mul3A_175 : i32
    %add3A_177 = arith.constant 0 : i32
    %add3A_178 = arith.addi %mul3A_176, %add3A_177 : i32
    "tpu.region"() ({
      %run_scoped3A = tpu.sem_alloc : memref<!tpu.dma_semaphore, #tpu.memory_space<semaphore_mem>>
      %dma_start3A_239 = arith.constant 0 : i32
      %dma_start3A_240 = tpu.memref_slice %arg21[%add3A_178, %dma_start3A_239] : memref<10240x128xf32, #tpu.memory_space<vmem_shared>> -> memref<40x128xf32, #tpu.memory_space<vmem_shared>>
      %dma_start3A_241 = arith.constant 0 : i32
      %dma_start3A_242 = tpu.memref_slice %arg21[%add3A_178, %dma_start3A_241] : memref<10240x128xf32, #tpu.memory_space<vmem_shared>> -> memref<40x128xf32, #tpu.memory_space<vmem_shared>>
      tpu.enqueue_dma source(%dma_start3A_242 : memref<40x128xf32, #tpu.memory_space<vmem_shared>>) target(%arg19 : memref<40x128xf32, #tpu.memory_space<vmem>>) target_semaphore(%run_scoped3A : memref<!tpu.dma_semaphore, #tpu.memory_space<semaphore_mem>>)
      %dma_wait3A_243 = arith.constant 0 : i32
      %dma_wait3A_244 = tpu.memref_slice %arg21[%add3A_178, %dma_wait3A_243] : memref<10240x128xf32, #tpu.memory_space<vmem_shared>> -> memref<40x128xf32, #tpu.memory_space<vmem_shared>>
      %dma_wait3A_245 = arith.constant 0 : i32
      %dma_wait3A_246 = tpu.memref_slice %arg21[%add3A_178, %dma_wait3A_245] : memref<10240x128xf32, #tpu.memory_space<vmem_shared>> -> memref<40x128xf32, #tpu.memory_space<vmem_shared>>
      tpu.wait_dma2 semaphore(%run_scoped3A : memref<!tpu.dma_semaphore, #tpu.memory_space<semaphore_mem>>) src(%dma_wait3A_246 : memref<40x128xf32, #tpu.memory_space<vmem_shared>>) dst(%arg19 : memref<40x128xf32, #tpu.memory_space<vmem>>)
      tpu.yield
    }) : () -> ()
    "tpu.region"() ({
      %run_scoped3A = tpu.sem_alloc : memref<!tpu.dma_semaphore, #tpu.memory_space<semaphore_mem>>
      %dma_start3A_239 = arith.constant 0 : i32
      %dma_start3A_240 = tpu.memref_slice %arg6[%arg0, %add3A_178, %dma_start3A_239] : memref<2x10240x128xf32, #tpu.memory_space<hbm>> -> memref<1x40x128xf32, #tpu.memory_space<hbm>>
      %dma_start3A_241 = tpu.memref_squeeze %dma_start3A_240 : memref<1x40x128xf32, #tpu.memory_space<hbm>> -> memref<40x128xf32, #tpu.memory_space<hbm>>
      %dma_start3A_242 = arith.constant 0 : i32
      %dma_start3A_243 = tpu.memref_slice %arg6[%arg0, %add3A_178, %dma_start3A_242] : memref<2x10240x128xf32, #tpu.memory_space<hbm>> -> memref<1x40x128xf32, #tpu.memory_space<hbm>>
      %dma_start3A_244 = tpu.memref_squeeze %dma_start3A_243 : memref<1x40x128xf32, #tpu.memory_space<hbm>> -> memref<40x128xf32, #tpu.memory_space<hbm>>
      tpu.enqueue_dma source(%arg19 : memref<40x128xf32, #tpu.memory_space<vmem>>) target(%dma_start3A_244 : memref<40x128xf32, #tpu.memory_space<hbm>>) target_semaphore(%run_scoped3A : memref<!tpu.dma_semaphore, #tpu.memory_space<semaphore_mem>>)
      %dma_wait3A_245 = arith.constant 0 : i32
      %dma_wait3A_246 = tpu.memref_slice %arg6[%arg0, %add3A_178, %dma_wait3A_245] : memref<2x10240x128xf32, #tpu.memory_space<hbm>> -> memref<1x40x128xf32, #tpu.memory_space<hbm>>
      %dma_wait3A_247 = tpu.memref_squeeze %dma_wait3A_246 : memref<1x40x128xf32, #tpu.memory_space<hbm>> -> memref<40x128xf32, #tpu.memory_space<hbm>>
      %dma_wait3A_248 = arith.constant 0 : i32
      %dma_wait3A_249 = tpu.memref_slice %arg6[%arg0, %add3A_178, %dma_wait3A_248] : memref<2x10240x128xf32, #tpu.memory_space<hbm>> -> memref<1x40x128xf32, #tpu.memory_space<hbm>>
      %dma_wait3A_250 = tpu.memref_squeeze %dma_wait3A_249 : memref<1x40x128xf32, #tpu.memory_space<hbm>> -> memref<40x128xf32, #tpu.memory_space<hbm>>
      tpu.wait_dma2 semaphore(%run_scoped3A : memref<!tpu.dma_semaphore, #tpu.memory_space<semaphore_mem>>) src(%arg19 : memref<40x128xf32, #tpu.memory_space<vmem>>) dst(%dma_wait3A_250 : memref<40x128xf32, #tpu.memory_space<hbm>>)
      tpu.yield
    }) : () -> ()
    %mul3A_179 = arith.constant 640 : i32
    %mul3A_180 = arith.muli %arg1, %mul3A_179 : i32
    %add3A_181 = arith.constant 40 : i32
    %add3A_182 = arith.addi %mul3A_180, %add3A_181 : i32
    "tpu.region"() ({
      %run_scoped3A = tpu.sem_alloc : memref<!tpu.dma_semaphore, #tpu.memory_space<semaphore_mem>>
      %dma_start3A_239 = arith.constant 0 : i32
      %dma_start3A_240 = tpu.memref_slice %arg21[%add3A_182, %dma_start3A_239] : memref<10240x128xf32, #tpu.memory_space<vmem_shared>> -> memref<40x128xf32, #tpu.memory_space<vmem_shared>>
      %dma_start3A_241 = arith.constant 0 : i32
      %dma_start3A_242 = tpu.memref_slice %arg21[%add3A_182, %dma_start3A_241] : memref<10240x128xf32, #tpu.memory_space<vmem_shared>> -> memref<40x128xf32, #tpu.memory_space<vmem_shared>>
      tpu.enqueue_dma source(%dma_start3A_242 : memref<40x128xf32, #tpu.memory_space<vmem_shared>>) target(%arg19 : memref<40x128xf32, #tpu.memory_space<vmem>>) target_semaphore(%run_scoped3A : memref<!tpu.dma_semaphore, #tpu.memory_space<semaphore_mem>>)
      %dma_wait3A_243 = arith.constant 0 : i32
      %dma_wait3A_244 = tpu.memref_slice %arg21[%add3A_182, %dma_wait3A_243] : memref<10240x128xf32, #tpu.memory_space<vmem_shared>> -> memref<40x128xf32, #tpu.memory_space<vmem_shared>>
      %dma_wait3A_245 = arith.constant 0 : i32
      %dma_wait3A_246 = tpu.memref_slice %arg21[%add3A_182, %dma_wait3A_245] : memref<10240x128xf32, #tpu.memory_space<vmem_shared>> -> memref<40x128xf32, #tpu.memory_space<vmem_shared>>
      tpu.wait_dma2 semaphore(%run_scoped3A : memref<!tpu.dma_semaphore, #tpu.memory_space<semaphore_mem>>) src(%dma_wait3A_246 : memref<40x128xf32, #tpu.memory_space<vmem_shared>>) dst(%arg19 : memref<40x128xf32, #tpu.memory_space<vmem>>)
      tpu.yield
    }) : () -> ()
    "tpu.region"() ({
      %run_scoped3A = tpu.sem_alloc : memref<!tpu.dma_semaphore, #tpu.memory_space<semaphore_mem>>
      %dma_start3A_239 = arith.constant 0 : i32
      %dma_start3A_240 = tpu.memref_slice %arg6[%arg0, %add3A_182, %dma_start3A_239] : memref<2x10240x128xf32, #tpu.memory_space<hbm>> -> memref<1x40x128xf32, #tpu.memory_space<hbm>>
      %dma_start3A_241 = tpu.memref_squeeze %dma_start3A_240 : memref<1x40x128xf32, #tpu.memory_space<hbm>> -> memref<40x128xf32, #tpu.memory_space<hbm>>
      %dma_start3A_242 = arith.constant 0 : i32
      %dma_start3A_243 = tpu.memref_slice %arg6[%arg0, %add3A_182, %dma_start3A_242] : memref<2x10240x128xf32, #tpu.memory_space<hbm>> -> memref<1x40x128xf32, #tpu.memory_space<hbm>>
      %dma_start3A_244 = tpu.memref_squeeze %dma_start3A_243 : memref<1x40x128xf32, #tpu.memory_space<hbm>> -> memref<40x128xf32, #tpu.memory_space<hbm>>
      tpu.enqueue_dma source(%arg19 : memref<40x128xf32, #tpu.memory_space<vmem>>) target(%dma_start3A_244 : memref<40x128xf32, #tpu.memory_space<hbm>>) target_semaphore(%run_scoped3A : memref<!tpu.dma_semaphore, #tpu.memory_space<semaphore_mem>>)
      %dma_wait3A_245 = arith.constant 0 : i32
      %dma_wait3A_246 = tpu.memref_slice %arg6[%arg0, %add3A_182, %dma_wait3A_245] : memref<2x10240x128xf32, #tpu.memory_space<hbm>> -> memref<1x40x128xf32, #tpu.memory_space<hbm>>
      %dma_wait3A_247 = tpu.memref_squeeze %dma_wait3A_246 : memref<1x40x128xf32, #tpu.memory_space<hbm>> -> memref<40x128xf32, #tpu.memory_space<hbm>>
      %dma_wait3A_248 = arith.constant 0 : i32
      %dma_wait3A_249 = tpu.memref_slice %arg6[%arg0, %add3A_182, %dma_wait3A_248] : memref<2x10240x128xf32, #tpu.memory_space<hbm>> -> memref<1x40x128xf32, #tpu.memory_space<hbm>>
      %dma_wait3A_250 = tpu.memref_squeeze %dma_wait3A_249 : memref<1x40x128xf32, #tpu.memory_space<hbm>> -> memref<40x128xf32, #tpu.memory_space<hbm>>
      tpu.wait_dma2 semaphore(%run_scoped3A : memref<!tpu.dma_semaphore, #tpu.memory_space<semaphore_mem>>) src(%arg19 : memref<40x128xf32, #tpu.memory_space<vmem>>) dst(%dma_wait3A_250 : memref<40x128xf32, #tpu.memory_space<hbm>>)
      tpu.yield
    }) : () -> ()
    %mul3A_183 = arith.constant 640 : i32
    %mul3A_184 = arith.muli %arg1, %mul3A_183 : i32
    %add3A_185 = arith.constant 80 : i32
    %add3A_186 = arith.addi %mul3A_184, %add3A_185 : i32
    "tpu.region"() ({
      %run_scoped3A = tpu.sem_alloc : memref<!tpu.dma_semaphore, #tpu.memory_space<semaphore_mem>>
      %dma_start3A_239 = arith.constant 0 : i32
      %dma_start3A_240 = tpu.memref_slice %arg21[%add3A_186, %dma_start3A_239] : memref<10240x128xf32, #tpu.memory_space<vmem_shared>> -> memref<40x128xf32, #tpu.memory_space<vmem_shared>>
      %dma_start3A_241 = arith.constant 0 : i32
      %dma_start3A_242 = tpu.memref_slice %arg21[%add3A_186, %dma_start3A_241] : memref<10240x128xf32, #tpu.memory_space<vmem_shared>> -> memref<40x128xf32, #tpu.memory_space<vmem_shared>>
      tpu.enqueue_dma source(%dma_start3A_242 : memref<40x128xf32, #tpu.memory_space<vmem_shared>>) target(%arg19 : memref<40x128xf32, #tpu.memory_space<vmem>>) target_semaphore(%run_scoped3A : memref<!tpu.dma_semaphore, #tpu.memory_space<semaphore_mem>>)
      %dma_wait3A_243 = arith.constant 0 : i32
      %dma_wait3A_244 = tpu.memref_slice %arg21[%add3A_186, %dma_wait3A_243] : memref<10240x128xf32, #tpu.memory_space<vmem_shared>> -> memref<40x128xf32, #tpu.memory_space<vmem_shared>>
      %dma_wait3A_245 = arith.constant 0 : i32
      %dma_wait3A_246 = tpu.memref_slice %arg21[%add3A_186, %dma_wait3A_245] : memref<10240x128xf32, #tpu.memory_space<vmem_shared>> -> memref<40x128xf32, #tpu.memory_space<vmem_shared>>
      tpu.wait_dma2 semaphore(%run_scoped3A : memref<!tpu.dma_semaphore, #tpu.memory_space<semaphore_mem>>) src(%dma_wait3A_246 : memref<40x128xf32, #tpu.memory_space<vmem_shared>>) dst(%arg19 : memref<40x128xf32, #tpu.memory_space<vmem>>)
      tpu.yield
    }) : () -> ()
    "tpu.region"() ({
      %run_scoped3A = tpu.sem_alloc : memref<!tpu.dma_semaphore, #tpu.memory_space<semaphore_mem>>
      %dma_start3A_239 = arith.constant 0 : i32
      %dma_start3A_240 = tpu.memref_slice %arg6[%arg0, %add3A_186, %dma_start3A_239] : memref<2x10240x128xf32, #tpu.memory_space<hbm>> -> memref<1x40x128xf32, #tpu.memory_space<hbm>>
      %dma_start3A_241 = tpu.memref_squeeze %dma_start3A_240 : memref<1x40x128xf32, #tpu.memory_space<hbm>> -> memref<40x128xf32, #tpu.memory_space<hbm>>
      %dma_start3A_242 = arith.constant 0 : i32
      %dma_start3A_243 = tpu.memref_slice %arg6[%arg0, %add3A_186, %dma_start3A_242] : memref<2x10240x128xf32, #tpu.memory_space<hbm>> -> memref<1x40x128xf32, #tpu.memory_space<hbm>>
      %dma_start3A_244 = tpu.memref_squeeze %dma_start3A_243 : memref<1x40x128xf32, #tpu.memory_space<hbm>> -> memref<40x128xf32, #tpu.memory_space<hbm>>
      tpu.enqueue_dma source(%arg19 : memref<40x128xf32, #tpu.memory_space<vmem>>) target(%dma_start3A_244 : memref<40x128xf32, #tpu.memory_space<hbm>>) target_semaphore(%run_scoped3A : memref<!tpu.dma_semaphore, #tpu.memory_space<semaphore_mem>>)
      %dma_wait3A_245 = arith.constant 0 : i32
      %dma_wait3A_246 = tpu.memref_slice %arg6[%arg0, %add3A_186, %dma_wait3A_245] : memref<2x10240x128xf32, #tpu.memory_space<hbm>> -> memref<1x40x128xf32, #tpu.memory_space<hbm>>
      %dma_wait3A_247 = tpu.memref_squeeze %dma_wait3A_246 : memref<1x40x128xf32, #tpu.memory_space<hbm>> -> memref<40x128xf32, #tpu.memory_space<hbm>>
      %dma_wait3A_248 = arith.constant 0 : i32
      %dma_wait3A_249 = tpu.memref_slice %arg6[%arg0, %add3A_186, %dma_wait3A_248] : memref<2x10240x128xf32, #tpu.memory_space<hbm>> -> memref<1x40x128xf32, #tpu.memory_space<hbm>>
      %dma_wait3A_250 = tpu.memref_squeeze %dma_wait3A_249 : memref<1x40x128xf32, #tpu.memory_space<hbm>> -> memref<40x128xf32, #tpu.memory_space<hbm>>
      tpu.wait_dma2 semaphore(%run_scoped3A : memref<!tpu.dma_semaphore, #tpu.memory_space<semaphore_mem>>) src(%arg19 : memref<40x128xf32, #tpu.memory_space<vmem>>) dst(%dma_wait3A_250 : memref<40x128xf32, #tpu.memory_space<hbm>>)
      tpu.yield
    }) : () -> ()
    %mul3A_187 = arith.constant 640 : i32
    %mul3A_188 = arith.muli %arg1, %mul3A_187 : i32
    %add3A_189 = arith.constant 120 : i32
    %add3A_190 = arith.addi %mul3A_188, %add3A_189 : i32
    "tpu.region"() ({
      %run_scoped3A = tpu.sem_alloc : memref<!tpu.dma_semaphore, #tpu.memory_space<semaphore_mem>>
      %dma_start3A_239 = arith.constant 0 : i32
      %dma_start3A_240 = tpu.memref_slice %arg21[%add3A_190, %dma_start3A_239] : memref<10240x128xf32, #tpu.memory_space<vmem_shared>> -> memref<40x128xf32, #tpu.memory_space<vmem_shared>>
      %dma_start3A_241 = arith.constant 0 : i32
      %dma_start3A_242 = tpu.memref_slice %arg21[%add3A_190, %dma_start3A_241] : memref<10240x128xf32, #tpu.memory_space<vmem_shared>> -> memref<40x128xf32, #tpu.memory_space<vmem_shared>>
      tpu.enqueue_dma source(%dma_start3A_242 : memref<40x128xf32, #tpu.memory_space<vmem_shared>>) target(%arg19 : memref<40x128xf32, #tpu.memory_space<vmem>>) target_semaphore(%run_scoped3A : memref<!tpu.dma_semaphore, #tpu.memory_space<semaphore_mem>>)
      %dma_wait3A_243 = arith.constant 0 : i32
      %dma_wait3A_244 = tpu.memref_slice %arg21[%add3A_190, %dma_wait3A_243] : memref<10240x128xf32, #tpu.memory_space<vmem_shared>> -> memref<40x128xf32, #tpu.memory_space<vmem_shared>>
      %dma_wait3A_245 = arith.constant 0 : i32
      %dma_wait3A_246 = tpu.memref_slice %arg21[%add3A_190, %dma_wait3A_245] : memref<10240x128xf32, #tpu.memory_space<vmem_shared>> -> memref<40x128xf32, #tpu.memory_space<vmem_shared>>
      tpu.wait_dma2 semaphore(%run_scoped3A : memref<!tpu.dma_semaphore, #tpu.memory_space<semaphore_mem>>) src(%dma_wait3A_246 : memref<40x128xf32, #tpu.memory_space<vmem_shared>>) dst(%arg19 : memref<40x128xf32, #tpu.memory_space<vmem>>)
      tpu.yield
    }) : () -> ()
    "tpu.region"() ({
      %run_scoped3A = tpu.sem_alloc : memref<!tpu.dma_semaphore, #tpu.memory_space<semaphore_mem>>
      %dma_start3A_239 = arith.constant 0 : i32
      %dma_start3A_240 = tpu.memref_slice %arg6[%arg0, %add3A_190, %dma_start3A_239] : memref<2x10240x128xf32, #tpu.memory_space<hbm>> -> memref<1x40x128xf32, #tpu.memory_space<hbm>>
      %dma_start3A_241 = tpu.memref_squeeze %dma_start3A_240 : memref<1x40x128xf32, #tpu.memory_space<hbm>> -> memref<40x128xf32, #tpu.memory_space<hbm>>
      %dma_start3A_242 = arith.constant 0 : i32
      %dma_start3A_243 = tpu.memref_slice %arg6[%arg0, %add3A_190, %dma_start3A_242] : memref<2x10240x128xf32, #tpu.memory_space<hbm>> -> memref<1x40x128xf32, #tpu.memory_space<hbm>>
      %dma_start3A_244 = tpu.memref_squeeze %dma_start3A_243 : memref<1x40x128xf32, #tpu.memory_space<hbm>> -> memref<40x128xf32, #tpu.memory_space<hbm>>
      tpu.enqueue_dma source(%arg19 : memref<40x128xf32, #tpu.memory_space<vmem>>) target(%dma_start3A_244 : memref<40x128xf32, #tpu.memory_space<hbm>>) target_semaphore(%run_scoped3A : memref<!tpu.dma_semaphore, #tpu.memory_space<semaphore_mem>>)
      %dma_wait3A_245 = arith.constant 0 : i32
      %dma_wait3A_246 = tpu.memref_slice %arg6[%arg0, %add3A_190, %dma_wait3A_245] : memref<2x10240x128xf32, #tpu.memory_space<hbm>> -> memref<1x40x128xf32, #tpu.memory_space<hbm>>
      %dma_wait3A_247 = tpu.memref_squeeze %dma_wait3A_246 : memref<1x40x128xf32, #tpu.memory_space<hbm>> -> memref<40x128xf32, #tpu.memory_space<hbm>>
      %dma_wait3A_248 = arith.constant 0 : i32
      %dma_wait3A_249 = tpu.memref_slice %arg6[%arg0, %add3A_190, %dma_wait3A_248] : memref<2x10240x128xf32, #tpu.memory_space<hbm>> -> memref<1x40x128xf32, #tpu.memory_space<hbm>>
      %dma_wait3A_250 = tpu.memref_squeeze %dma_wait3A_249 : memref<1x40x128xf32, #tpu.memory_space<hbm>> -> memref<40x128xf32, #tpu.memory_space<hbm>>
      tpu.wait_dma2 semaphore(%run_scoped3A : memref<!tpu.dma_semaphore, #tpu.memory_space<semaphore_mem>>) src(%arg19 : memref<40x128xf32, #tpu.memory_space<vmem>>) dst(%dma_wait3A_250 : memref<40x128xf32, #tpu.memory_space<hbm>>)
      tpu.yield
    }) : () -> ()
    %mul3A_191 = arith.constant 640 : i32
    %mul3A_192 = arith.muli %arg1, %mul3A_191 : i32
    %add3A_193 = arith.constant 160 : i32
    %add3A_194 = arith.addi %mul3A_192, %add3A_193 : i32
    "tpu.region"() ({
      %run_scoped3A = tpu.sem_alloc : memref<!tpu.dma_semaphore, #tpu.memory_space<semaphore_mem>>
      %dma_start3A_239 = arith.constant 0 : i32
      %dma_start3A_240 = tpu.memref_slice %arg21[%add3A_194, %dma_start3A_239] : memref<10240x128xf32, #tpu.memory_space<vmem_shared>> -> memref<40x128xf32, #tpu.memory_space<vmem_shared>>
      %dma_start3A_241 = arith.constant 0 : i32
      %dma_start3A_242 = tpu.memref_slice %arg21[%add3A_194, %dma_start3A_241] : memref<10240x128xf32, #tpu.memory_space<vmem_shared>> -> memref<40x128xf32, #tpu.memory_space<vmem_shared>>
      tpu.enqueue_dma source(%dma_start3A_242 : memref<40x128xf32, #tpu.memory_space<vmem_shared>>) target(%arg19 : memref<40x128xf32, #tpu.memory_space<vmem>>) target_semaphore(%run_scoped3A : memref<!tpu.dma_semaphore, #tpu.memory_space<semaphore_mem>>)
      %dma_wait3A_243 = arith.constant 0 : i32
      %dma_wait3A_244 = tpu.memref_slice %arg21[%add3A_194, %dma_wait3A_243] : memref<10240x128xf32, #tpu.memory_space<vmem_shared>> -> memref<40x128xf32, #tpu.memory_space<vmem_shared>>
      %dma_wait3A_245 = arith.constant 0 : i32
      %dma_wait3A_246 = tpu.memref_slice %arg21[%add3A_194, %dma_wait3A_245] : memref<10240x128xf32, #tpu.memory_space<vmem_shared>> -> memref<40x128xf32, #tpu.memory_space<vmem_shared>>
      tpu.wait_dma2 semaphore(%run_scoped3A : memref<!tpu.dma_semaphore, #tpu.memory_space<semaphore_mem>>) src(%dma_wait3A_246 : memref<40x128xf32, #tpu.memory_space<vmem_shared>>) dst(%arg19 : memref<40x128xf32, #tpu.memory_space<vmem>>)
      tpu.yield
    }) : () -> ()
    "tpu.region"() ({
      %run_scoped3A = tpu.sem_alloc : memref<!tpu.dma_semaphore, #tpu.memory_space<semaphore_mem>>
      %dma_start3A_239 = arith.constant 0 : i32
      %dma_start3A_240 = tpu.memref_slice %arg6[%arg0, %add3A_194, %dma_start3A_239] : memref<2x10240x128xf32, #tpu.memory_space<hbm>> -> memref<1x40x128xf32, #tpu.memory_space<hbm>>
      %dma_start3A_241 = tpu.memref_squeeze %dma_start3A_240 : memref<1x40x128xf32, #tpu.memory_space<hbm>> -> memref<40x128xf32, #tpu.memory_space<hbm>>
      %dma_start3A_242 = arith.constant 0 : i32
      %dma_start3A_243 = tpu.memref_slice %arg6[%arg0, %add3A_194, %dma_start3A_242] : memref<2x10240x128xf32, #tpu.memory_space<hbm>> -> memref<1x40x128xf32, #tpu.memory_space<hbm>>
      %dma_start3A_244 = tpu.memref_squeeze %dma_start3A_243 : memref<1x40x128xf32, #tpu.memory_space<hbm>> -> memref<40x128xf32, #tpu.memory_space<hbm>>
      tpu.enqueue_dma source(%arg19 : memref<40x128xf32, #tpu.memory_space<vmem>>) target(%dma_start3A_244 : memref<40x128xf32, #tpu.memory_space<hbm>>) target_semaphore(%run_scoped3A : memref<!tpu.dma_semaphore, #tpu.memory_space<semaphore_mem>>)
      %dma_wait3A_245 = arith.constant 0 : i32
      %dma_wait3A_246 = tpu.memref_slice %arg6[%arg0, %add3A_194, %dma_wait3A_245] : memref<2x10240x128xf32, #tpu.memory_space<hbm>> -> memref<1x40x128xf32, #tpu.memory_space<hbm>>
      %dma_wait3A_247 = tpu.memref_squeeze %dma_wait3A_246 : memref<1x40x128xf32, #tpu.memory_space<hbm>> -> memref<40x128xf32, #tpu.memory_space<hbm>>
      %dma_wait3A_248 = arith.constant 0 : i32
      %dma_wait3A_249 = tpu.memref_slice %arg6[%arg0, %add3A_194, %dma_wait3A_248] : memref<2x10240x128xf32, #tpu.memory_space<hbm>> -> memref<1x40x128xf32, #tpu.memory_space<hbm>>
      %dma_wait3A_250 = tpu.memref_squeeze %dma_wait3A_249 : memref<1x40x128xf32, #tpu.memory_space<hbm>> -> memref<40x128xf32, #tpu.memory_space<hbm>>
      tpu.wait_dma2 semaphore(%run_scoped3A : memref<!tpu.dma_semaphore, #tpu.memory_space<semaphore_mem>>) src(%arg19 : memref<40x128xf32, #tpu.memory_space<vmem>>) dst(%dma_wait3A_250 : memref<40x128xf32, #tpu.memory_space<hbm>>)
      tpu.yield
    }) : () -> ()
    %mul3A_195 = arith.constant 640 : i32
    %mul3A_196 = arith.muli %arg1, %mul3A_195 : i32
    %add3A_197 = arith.constant 200 : i32
    %add3A_198 = arith.addi %mul3A_196, %add3A_197 : i32
    "tpu.region"() ({
      %run_scoped3A = tpu.sem_alloc : memref<!tpu.dma_semaphore, #tpu.memory_space<semaphore_mem>>
      %dma_start3A_239 = arith.constant 0 : i32
      %dma_start3A_240 = tpu.memref_slice %arg21[%add3A_198, %dma_start3A_239] : memref<10240x128xf32, #tpu.memory_space<vmem_shared>> -> memref<40x128xf32, #tpu.memory_space<vmem_shared>>
      %dma_start3A_241 = arith.constant 0 : i32
      %dma_start3A_242 = tpu.memref_slice %arg21[%add3A_198, %dma_start3A_241] : memref<10240x128xf32, #tpu.memory_space<vmem_shared>> -> memref<40x128xf32, #tpu.memory_space<vmem_shared>>
      tpu.enqueue_dma source(%dma_start3A_242 : memref<40x128xf32, #tpu.memory_space<vmem_shared>>) target(%arg19 : memref<40x128xf32, #tpu.memory_space<vmem>>) target_semaphore(%run_scoped3A : memref<!tpu.dma_semaphore, #tpu.memory_space<semaphore_mem>>)
      %dma_wait3A_243 = arith.constant 0 : i32
      %dma_wait3A_244 = tpu.memref_slice %arg21[%add3A_198, %dma_wait3A_243] : memref<10240x128xf32, #tpu.memory_space<vmem_shared>> -> memref<40x128xf32, #tpu.memory_space<vmem_shared>>
      %dma_wait3A_245 = arith.constant 0 : i32
      %dma_wait3A_246 = tpu.memref_slice %arg21[%add3A_198, %dma_wait3A_245] : memref<10240x128xf32, #tpu.memory_space<vmem_shared>> -> memref<40x128xf32, #tpu.memory_space<vmem_shared>>
      tpu.wait_dma2 semaphore(%run_scoped3A : memref<!tpu.dma_semaphore, #tpu.memory_space<semaphore_mem>>) src(%dma_wait3A_246 : memref<40x128xf32, #tpu.memory_space<vmem_shared>>) dst(%arg19 : memref<40x128xf32, #tpu.memory_space<vmem>>)
      tpu.yield
    }) : () -> ()
    "tpu.region"() ({
      %run_scoped3A = tpu.sem_alloc : memref<!tpu.dma_semaphore, #tpu.memory_space<semaphore_mem>>
      %dma_start3A_239 = arith.constant 0 : i32
      %dma_start3A_240 = tpu.memref_slice %arg6[%arg0, %add3A_198, %dma_start3A_239] : memref<2x10240x128xf32, #tpu.memory_space<hbm>> -> memref<1x40x128xf32, #tpu.memory_space<hbm>>
      %dma_start3A_241 = tpu.memref_squeeze %dma_start3A_240 : memref<1x40x128xf32, #tpu.memory_space<hbm>> -> memref<40x128xf32, #tpu.memory_space<hbm>>
      %dma_start3A_242 = arith.constant 0 : i32
      %dma_start3A_243 = tpu.memref_slice %arg6[%arg0, %add3A_198, %dma_start3A_242] : memref<2x10240x128xf32, #tpu.memory_space<hbm>> -> memref<1x40x128xf32, #tpu.memory_space<hbm>>
      %dma_start3A_244 = tpu.memref_squeeze %dma_start3A_243 : memref<1x40x128xf32, #tpu.memory_space<hbm>> -> memref<40x128xf32, #tpu.memory_space<hbm>>
      tpu.enqueue_dma source(%arg19 : memref<40x128xf32, #tpu.memory_space<vmem>>) target(%dma_start3A_244 : memref<40x128xf32, #tpu.memory_space<hbm>>) target_semaphore(%run_scoped3A : memref<!tpu.dma_semaphore, #tpu.memory_space<semaphore_mem>>)
      %dma_wait3A_245 = arith.constant 0 : i32
      %dma_wait3A_246 = tpu.memref_slice %arg6[%arg0, %add3A_198, %dma_wait3A_245] : memref<2x10240x128xf32, #tpu.memory_space<hbm>> -> memref<1x40x128xf32, #tpu.memory_space<hbm>>
      %dma_wait3A_247 = tpu.memref_squeeze %dma_wait3A_246 : memref<1x40x128xf32, #tpu.memory_space<hbm>> -> memref<40x128xf32, #tpu.memory_space<hbm>>
      %dma_wait3A_248 = arith.constant 0 : i32
      %dma_wait3A_249 = tpu.memref_slice %arg6[%arg0, %add3A_198, %dma_wait3A_248] : memref<2x10240x128xf32, #tpu.memory_space<hbm>> -> memref<1x40x128xf32, #tpu.memory_space<hbm>>
      %dma_wait3A_250 = tpu.memref_squeeze %dma_wait3A_249 : memref<1x40x128xf32, #tpu.memory_space<hbm>> -> memref<40x128xf32, #tpu.memory_space<hbm>>
      tpu.wait_dma2 semaphore(%run_scoped3A : memref<!tpu.dma_semaphore, #tpu.memory_space<semaphore_mem>>) src(%arg19 : memref<40x128xf32, #tpu.memory_space<vmem>>) dst(%dma_wait3A_250 : memref<40x128xf32, #tpu.memory_space<hbm>>)
      tpu.yield
    }) : () -> ()
    %mul3A_199 = arith.constant 640 : i32
    %mul3A_200 = arith.muli %arg1, %mul3A_199 : i32
    %add3A_201 = arith.constant 240 : i32
    %add3A_202 = arith.addi %mul3A_200, %add3A_201 : i32
    "tpu.region"() ({
      %run_scoped3A = tpu.sem_alloc : memref<!tpu.dma_semaphore, #tpu.memory_space<semaphore_mem>>
      %dma_start3A_239 = arith.constant 0 : i32
      %dma_start3A_240 = tpu.memref_slice %arg21[%add3A_202, %dma_start3A_239] : memref<10240x128xf32, #tpu.memory_space<vmem_shared>> -> memref<40x128xf32, #tpu.memory_space<vmem_shared>>
      %dma_start3A_241 = arith.constant 0 : i32
      %dma_start3A_242 = tpu.memref_slice %arg21[%add3A_202, %dma_start3A_241] : memref<10240x128xf32, #tpu.memory_space<vmem_shared>> -> memref<40x128xf32, #tpu.memory_space<vmem_shared>>
      tpu.enqueue_dma source(%dma_start3A_242 : memref<40x128xf32, #tpu.memory_space<vmem_shared>>) target(%arg19 : memref<40x128xf32, #tpu.memory_space<vmem>>) target_semaphore(%run_scoped3A : memref<!tpu.dma_semaphore, #tpu.memory_space<semaphore_mem>>)
      %dma_wait3A_243 = arith.constant 0 : i32
      %dma_wait3A_244 = tpu.memref_slice %arg21[%add3A_202, %dma_wait3A_243] : memref<10240x128xf32, #tpu.memory_space<vmem_shared>> -> memref<40x128xf32, #tpu.memory_space<vmem_shared>>
      %dma_wait3A_245 = arith.constant 0 : i32
      %dma_wait3A_246 = tpu.memref_slice %arg21[%add3A_202, %dma_wait3A_245] : memref<10240x128xf32, #tpu.memory_space<vmem_shared>> -> memref<40x128xf32, #tpu.memory_space<vmem_shared>>
      tpu.wait_dma2 semaphore(%run_scoped3A : memref<!tpu.dma_semaphore, #tpu.memory_space<semaphore_mem>>) src(%dma_wait3A_246 : memref<40x128xf32, #tpu.memory_space<vmem_shared>>) dst(%arg19 : memref<40x128xf32, #tpu.memory_space<vmem>>)
      tpu.yield
    }) : () -> ()
    "tpu.region"() ({
      %run_scoped3A = tpu.sem_alloc : memref<!tpu.dma_semaphore, #tpu.memory_space<semaphore_mem>>
      %dma_start3A_239 = arith.constant 0 : i32
      %dma_start3A_240 = tpu.memref_slice %arg6[%arg0, %add3A_202, %dma_start3A_239] : memref<2x10240x128xf32, #tpu.memory_space<hbm>> -> memref<1x40x128xf32, #tpu.memory_space<hbm>>
      %dma_start3A_241 = tpu.memref_squeeze %dma_start3A_240 : memref<1x40x128xf32, #tpu.memory_space<hbm>> -> memref<40x128xf32, #tpu.memory_space<hbm>>
      %dma_start3A_242 = arith.constant 0 : i32
      %dma_start3A_243 = tpu.memref_slice %arg6[%arg0, %add3A_202, %dma_start3A_242] : memref<2x10240x128xf32, #tpu.memory_space<hbm>> -> memref<1x40x128xf32, #tpu.memory_space<hbm>>
      %dma_start3A_244 = tpu.memref_squeeze %dma_start3A_243 : memref<1x40x128xf32, #tpu.memory_space<hbm>> -> memref<40x128xf32, #tpu.memory_space<hbm>>
      tpu.enqueue_dma source(%arg19 : memref<40x128xf32, #tpu.memory_space<vmem>>) target(%dma_start3A_244 : memref<40x128xf32, #tpu.memory_space<hbm>>) target_semaphore(%run_scoped3A : memref<!tpu.dma_semaphore, #tpu.memory_space<semaphore_mem>>)
      %dma_wait3A_245 = arith.constant 0 : i32
      %dma_wait3A_246 = tpu.memref_slice %arg6[%arg0, %add3A_202, %dma_wait3A_245] : memref<2x10240x128xf32, #tpu.memory_space<hbm>> -> memref<1x40x128xf32, #tpu.memory_space<hbm>>
      %dma_wait3A_247 = tpu.memref_squeeze %dma_wait3A_246 : memref<1x40x128xf32, #tpu.memory_space<hbm>> -> memref<40x128xf32, #tpu.memory_space<hbm>>
      %dma_wait3A_248 = arith.constant 0 : i32
      %dma_wait3A_249 = tpu.memref_slice %arg6[%arg0, %add3A_202, %dma_wait3A_248] : memref<2x10240x128xf32, #tpu.memory_space<hbm>> -> memref<1x40x128xf32, #tpu.memory_space<hbm>>
      %dma_wait3A_250 = tpu.memref_squeeze %dma_wait3A_249 : memref<1x40x128xf32, #tpu.memory_space<hbm>> -> memref<40x128xf32, #tpu.memory_space<hbm>>
      tpu.wait_dma2 semaphore(%run_scoped3A : memref<!tpu.dma_semaphore, #tpu.memory_space<semaphore_mem>>) src(%arg19 : memref<40x128xf32, #tpu.memory_space<vmem>>) dst(%dma_wait3A_250 : memref<40x128xf32, #tpu.memory_space<hbm>>)
      tpu.yield
    }) : () -> ()
    %mul3A_203 = arith.constant 640 : i32
    %mul3A_204 = arith.muli %arg1, %mul3A_203 : i32
    %add3A_205 = arith.constant 280 : i32
    %add3A_206 = arith.addi %mul3A_204, %add3A_205 : i32
    "tpu.region"() ({
      %run_scoped3A = tpu.sem_alloc : memref<!tpu.dma_semaphore, #tpu.memory_space<semaphore_mem>>
      %dma_start3A_239 = arith.constant 0 : i32
      %dma_start3A_240 = tpu.memref_slice %arg21[%add3A_206, %dma_start3A_239] : memref<10240x128xf32, #tpu.memory_space<vmem_shared>> -> memref<40x128xf32, #tpu.memory_space<vmem_shared>>
      %dma_start3A_241 = arith.constant 0 : i32
      %dma_start3A_242 = tpu.memref_slice %arg21[%add3A_206, %dma_start3A_241] : memref<10240x128xf32, #tpu.memory_space<vmem_shared>> -> memref<40x128xf32, #tpu.memory_space<vmem_shared>>
      tpu.enqueue_dma source(%dma_start3A_242 : memref<40x128xf32, #tpu.memory_space<vmem_shared>>) target(%arg19 : memref<40x128xf32, #tpu.memory_space<vmem>>) target_semaphore(%run_scoped3A : memref<!tpu.dma_semaphore, #tpu.memory_space<semaphore_mem>>)
      %dma_wait3A_243 = arith.constant 0 : i32
      %dma_wait3A_244 = tpu.memref_slice %arg21[%add3A_206, %dma_wait3A_243] : memref<10240x128xf32, #tpu.memory_space<vmem_shared>> -> memref<40x128xf32, #tpu.memory_space<vmem_shared>>
      %dma_wait3A_245 = arith.constant 0 : i32
      %dma_wait3A_246 = tpu.memref_slice %arg21[%add3A_206, %dma_wait3A_245] : memref<10240x128xf32, #tpu.memory_space<vmem_shared>> -> memref<40x128xf32, #tpu.memory_space<vmem_shared>>
      tpu.wait_dma2 semaphore(%run_scoped3A : memref<!tpu.dma_semaphore, #tpu.memory_space<semaphore_mem>>) src(%dma_wait3A_246 : memref<40x128xf32, #tpu.memory_space<vmem_shared>>) dst(%arg19 : memref<40x128xf32, #tpu.memory_space<vmem>>)
      tpu.yield
    }) : () -> ()
    "tpu.region"() ({
      %run_scoped3A = tpu.sem_alloc : memref<!tpu.dma_semaphore, #tpu.memory_space<semaphore_mem>>
      %dma_start3A_239 = arith.constant 0 : i32
      %dma_start3A_240 = tpu.memref_slice %arg6[%arg0, %add3A_206, %dma_start3A_239] : memref<2x10240x128xf32, #tpu.memory_space<hbm>> -> memref<1x40x128xf32, #tpu.memory_space<hbm>>
      %dma_start3A_241 = tpu.memref_squeeze %dma_start3A_240 : memref<1x40x128xf32, #tpu.memory_space<hbm>> -> memref<40x128xf32, #tpu.memory_space<hbm>>
      %dma_start3A_242 = arith.constant 0 : i32
      %dma_start3A_243 = tpu.memref_slice %arg6[%arg0, %add3A_206, %dma_start3A_242] : memref<2x10240x128xf32, #tpu.memory_space<hbm>> -> memref<1x40x128xf32, #tpu.memory_space<hbm>>
      %dma_start3A_244 = tpu.memref_squeeze %dma_start3A_243 : memref<1x40x128xf32, #tpu.memory_space<hbm>> -> memref<40x128xf32, #tpu.memory_space<hbm>>
      tpu.enqueue_dma source(%arg19 : memref<40x128xf32, #tpu.memory_space<vmem>>) target(%dma_start3A_244 : memref<40x128xf32, #tpu.memory_space<hbm>>) target_semaphore(%run_scoped3A : memref<!tpu.dma_semaphore, #tpu.memory_space<semaphore_mem>>)
      %dma_wait3A_245 = arith.constant 0 : i32
      %dma_wait3A_246 = tpu.memref_slice %arg6[%arg0, %add3A_206, %dma_wait3A_245] : memref<2x10240x128xf32, #tpu.memory_space<hbm>> -> memref<1x40x128xf32, #tpu.memory_space<hbm>>
      %dma_wait3A_247 = tpu.memref_squeeze %dma_wait3A_246 : memref<1x40x128xf32, #tpu.memory_space<hbm>> -> memref<40x128xf32, #tpu.memory_space<hbm>>
      %dma_wait3A_248 = arith.constant 0 : i32
      %dma_wait3A_249 = tpu.memref_slice %arg6[%arg0, %add3A_206, %dma_wait3A_248] : memref<2x10240x128xf32, #tpu.memory_space<hbm>> -> memref<1x40x128xf32, #tpu.memory_space<hbm>>
      %dma_wait3A_250 = tpu.memref_squeeze %dma_wait3A_249 : memref<1x40x128xf32, #tpu.memory_space<hbm>> -> memref<40x128xf32, #tpu.memory_space<hbm>>
      tpu.wait_dma2 semaphore(%run_scoped3A : memref<!tpu.dma_semaphore, #tpu.memory_space<semaphore_mem>>) src(%arg19 : memref<40x128xf32, #tpu.memory_space<vmem>>) dst(%dma_wait3A_250 : memref<40x128xf32, #tpu.memory_space<hbm>>)
      tpu.yield
    }) : () -> ()
    %mul3A_207 = arith.constant 640 : i32
    %mul3A_208 = arith.muli %arg1, %mul3A_207 : i32
    %add3A_209 = arith.constant 320 : i32
    %add3A_210 = arith.addi %mul3A_208, %add3A_209 : i32
    "tpu.region"() ({
      %run_scoped3A = tpu.sem_alloc : memref<!tpu.dma_semaphore, #tpu.memory_space<semaphore_mem>>
      %dma_start3A_239 = arith.constant 0 : i32
      %dma_start3A_240 = tpu.memref_slice %arg21[%add3A_210, %dma_start3A_239] : memref<10240x128xf32, #tpu.memory_space<vmem_shared>> -> memref<40x128xf32, #tpu.memory_space<vmem_shared>>
      %dma_start3A_241 = arith.constant 0 : i32
      %dma_start3A_242 = tpu.memref_slice %arg21[%add3A_210, %dma_start3A_241] : memref<10240x128xf32, #tpu.memory_space<vmem_shared>> -> memref<40x128xf32, #tpu.memory_space<vmem_shared>>
      tpu.enqueue_dma source(%dma_start3A_242 : memref<40x128xf32, #tpu.memory_space<vmem_shared>>) target(%arg19 : memref<40x128xf32, #tpu.memory_space<vmem>>) target_semaphore(%run_scoped3A : memref<!tpu.dma_semaphore, #tpu.memory_space<semaphore_mem>>)
      %dma_wait3A_243 = arith.constant 0 : i32
      %dma_wait3A_244 = tpu.memref_slice %arg21[%add3A_210, %dma_wait3A_243] : memref<10240x128xf32, #tpu.memory_space<vmem_shared>> -> memref<40x128xf32, #tpu.memory_space<vmem_shared>>
      %dma_wait3A_245 = arith.constant 0 : i32
      %dma_wait3A_246 = tpu.memref_slice %arg21[%add3A_210, %dma_wait3A_245] : memref<10240x128xf32, #tpu.memory_space<vmem_shared>> -> memref<40x128xf32, #tpu.memory_space<vmem_shared>>
      tpu.wait_dma2 semaphore(%run_scoped3A : memref<!tpu.dma_semaphore, #tpu.memory_space<semaphore_mem>>) src(%dma_wait3A_246 : memref<40x128xf32, #tpu.memory_space<vmem_shared>>) dst(%arg19 : memref<40x128xf32, #tpu.memory_space<vmem>>)
      tpu.yield
    }) : () -> ()
    "tpu.region"() ({
      %run_scoped3A = tpu.sem_alloc : memref<!tpu.dma_semaphore, #tpu.memory_space<semaphore_mem>>
      %dma_start3A_239 = arith.constant 0 : i32
      %dma_start3A_240 = tpu.memref_slice %arg6[%arg0, %add3A_210, %dma_start3A_239] : memref<2x10240x128xf32, #tpu.memory_space<hbm>> -> memref<1x40x128xf32, #tpu.memory_space<hbm>>
      %dma_start3A_241 = tpu.memref_squeeze %dma_start3A_240 : memref<1x40x128xf32, #tpu.memory_space<hbm>> -> memref<40x128xf32, #tpu.memory_space<hbm>>
      %dma_start3A_242 = arith.constant 0 : i32
      %dma_start3A_243 = tpu.memref_slice %arg6[%arg0, %add3A_210, %dma_start3A_242] : memref<2x10240x128xf32, #tpu.memory_space<hbm>> -> memref<1x40x128xf32, #tpu.memory_space<hbm>>
      %dma_start3A_244 = tpu.memref_squeeze %dma_start3A_243 : memref<1x40x128xf32, #tpu.memory_space<hbm>> -> memref<40x128xf32, #tpu.memory_space<hbm>>
      tpu.enqueue_dma source(%arg19 : memref<40x128xf32, #tpu.memory_space<vmem>>) target(%dma_start3A_244 : memref<40x128xf32, #tpu.memory_space<hbm>>) target_semaphore(%run_scoped3A : memref<!tpu.dma_semaphore, #tpu.memory_space<semaphore_mem>>)
      %dma_wait3A_245 = arith.constant 0 : i32
      %dma_wait3A_246 = tpu.memref_slice %arg6[%arg0, %add3A_210, %dma_wait3A_245] : memref<2x10240x128xf32, #tpu.memory_space<hbm>> -> memref<1x40x128xf32, #tpu.memory_space<hbm>>
      %dma_wait3A_247 = tpu.memref_squeeze %dma_wait3A_246 : memref<1x40x128xf32, #tpu.memory_space<hbm>> -> memref<40x128xf32, #tpu.memory_space<hbm>>
      %dma_wait3A_248 = arith.constant 0 : i32
      %dma_wait3A_249 = tpu.memref_slice %arg6[%arg0, %add3A_210, %dma_wait3A_248] : memref<2x10240x128xf32, #tpu.memory_space<hbm>> -> memref<1x40x128xf32, #tpu.memory_space<hbm>>
      %dma_wait3A_250 = tpu.memref_squeeze %dma_wait3A_249 : memref<1x40x128xf32, #tpu.memory_space<hbm>> -> memref<40x128xf32, #tpu.memory_space<hbm>>
      tpu.wait_dma2 semaphore(%run_scoped3A : memref<!tpu.dma_semaphore, #tpu.memory_space<semaphore_mem>>) src(%arg19 : memref<40x128xf32, #tpu.memory_space<vmem>>) dst(%dma_wait3A_250 : memref<40x128xf32, #tpu.memory_space<hbm>>)
      tpu.yield
    }) : () -> ()
    %mul3A_211 = arith.constant 640 : i32
    %mul3A_212 = arith.muli %arg1, %mul3A_211 : i32
    %add3A_213 = arith.constant 360 : i32
    %add3A_214 = arith.addi %mul3A_212, %add3A_213 : i32
    "tpu.region"() ({
      %run_scoped3A = tpu.sem_alloc : memref<!tpu.dma_semaphore, #tpu.memory_space<semaphore_mem>>
      %dma_start3A_239 = arith.constant 0 : i32
      %dma_start3A_240 = tpu.memref_slice %arg21[%add3A_214, %dma_start3A_239] : memref<10240x128xf32, #tpu.memory_space<vmem_shared>> -> memref<40x128xf32, #tpu.memory_space<vmem_shared>>
      %dma_start3A_241 = arith.constant 0 : i32
      %dma_start3A_242 = tpu.memref_slice %arg21[%add3A_214, %dma_start3A_241] : memref<10240x128xf32, #tpu.memory_space<vmem_shared>> -> memref<40x128xf32, #tpu.memory_space<vmem_shared>>
      tpu.enqueue_dma source(%dma_start3A_242 : memref<40x128xf32, #tpu.memory_space<vmem_shared>>) target(%arg19 : memref<40x128xf32, #tpu.memory_space<vmem>>) target_semaphore(%run_scoped3A : memref<!tpu.dma_semaphore, #tpu.memory_space<semaphore_mem>>)
      %dma_wait3A_243 = arith.constant 0 : i32
      %dma_wait3A_244 = tpu.memref_slice %arg21[%add3A_214, %dma_wait3A_243] : memref<10240x128xf32, #tpu.memory_space<vmem_shared>> -> memref<40x128xf32, #tpu.memory_space<vmem_shared>>
      %dma_wait3A_245 = arith.constant 0 : i32
      %dma_wait3A_246 = tpu.memref_slice %arg21[%add3A_214, %dma_wait3A_245] : memref<10240x128xf32, #tpu.memory_space<vmem_shared>> -> memref<40x128xf32, #tpu.memory_space<vmem_shared>>
      tpu.wait_dma2 semaphore(%run_scoped3A : memref<!tpu.dma_semaphore, #tpu.memory_space<semaphore_mem>>) src(%dma_wait3A_246 : memref<40x128xf32, #tpu.memory_space<vmem_shared>>) dst(%arg19 : memref<40x128xf32, #tpu.memory_space<vmem>>)
      tpu.yield
    }) : () -> ()
    "tpu.region"() ({
      %run_scoped3A = tpu.sem_alloc : memref<!tpu.dma_semaphore, #tpu.memory_space<semaphore_mem>>
      %dma_start3A_239 = arith.constant 0 : i32
      %dma_start3A_240 = tpu.memref_slice %arg6[%arg0, %add3A_214, %dma_start3A_239] : memref<2x10240x128xf32, #tpu.memory_space<hbm>> -> memref<1x40x128xf32, #tpu.memory_space<hbm>>
      %dma_start3A_241 = tpu.memref_squeeze %dma_start3A_240 : memref<1x40x128xf32, #tpu.memory_space<hbm>> -> memref<40x128xf32, #tpu.memory_space<hbm>>
      %dma_start3A_242 = arith.constant 0 : i32
      %dma_start3A_243 = tpu.memref_slice %arg6[%arg0, %add3A_214, %dma_start3A_242] : memref<2x10240x128xf32, #tpu.memory_space<hbm>> -> memref<1x40x128xf32, #tpu.memory_space<hbm>>
      %dma_start3A_244 = tpu.memref_squeeze %dma_start3A_243 : memref<1x40x128xf32, #tpu.memory_space<hbm>> -> memref<40x128xf32, #tpu.memory_space<hbm>>
      tpu.enqueue_dma source(%arg19 : memref<40x128xf32, #tpu.memory_space<vmem>>) target(%dma_start3A_244 : memref<40x128xf32, #tpu.memory_space<hbm>>) target_semaphore(%run_scoped3A : memref<!tpu.dma_semaphore, #tpu.memory_space<semaphore_mem>>)
      %dma_wait3A_245 = arith.constant 0 : i32
      %dma_wait3A_246 = tpu.memref_slice %arg6[%arg0, %add3A_214, %dma_wait3A_245] : memref<2x10240x128xf32, #tpu.memory_space<hbm>> -> memref<1x40x128xf32, #tpu.memory_space<hbm>>
      %dma_wait3A_247 = tpu.memref_squeeze %dma_wait3A_246 : memref<1x40x128xf32, #tpu.memory_space<hbm>> -> memref<40x128xf32, #tpu.memory_space<hbm>>
      %dma_wait3A_248 = arith.constant 0 : i32
      %dma_wait3A_249 = tpu.memref_slice %arg6[%arg0, %add3A_214, %dma_wait3A_248] : memref<2x10240x128xf32, #tpu.memory_space<hbm>> -> memref<1x40x128xf32, #tpu.memory_space<hbm>>
      %dma_wait3A_250 = tpu.memref_squeeze %dma_wait3A_249 : memref<1x40x128xf32, #tpu.memory_space<hbm>> -> memref<40x128xf32, #tpu.memory_space<hbm>>
      tpu.wait_dma2 semaphore(%run_scoped3A : memref<!tpu.dma_semaphore, #tpu.memory_space<semaphore_mem>>) src(%arg19 : memref<40x128xf32, #tpu.memory_space<vmem>>) dst(%dma_wait3A_250 : memref<40x128xf32, #tpu.memory_space<hbm>>)
      tpu.yield
    }) : () -> ()
    %mul3A_215 = arith.constant 640 : i32
    %mul3A_216 = arith.muli %arg1, %mul3A_215 : i32
    %add3A_217 = arith.constant 400 : i32
    %add3A_218 = arith.addi %mul3A_216, %add3A_217 : i32
    "tpu.region"() ({
      %run_scoped3A = tpu.sem_alloc : memref<!tpu.dma_semaphore, #tpu.memory_space<semaphore_mem>>
      %dma_start3A_239 = arith.constant 0 : i32
      %dma_start3A_240 = tpu.memref_slice %arg21[%add3A_218, %dma_start3A_239] : memref<10240x128xf32, #tpu.memory_space<vmem_shared>> -> memref<40x128xf32, #tpu.memory_space<vmem_shared>>
      %dma_start3A_241 = arith.constant 0 : i32
      %dma_start3A_242 = tpu.memref_slice %arg21[%add3A_218, %dma_start3A_241] : memref<10240x128xf32, #tpu.memory_space<vmem_shared>> -> memref<40x128xf32, #tpu.memory_space<vmem_shared>>
      tpu.enqueue_dma source(%dma_start3A_242 : memref<40x128xf32, #tpu.memory_space<vmem_shared>>) target(%arg19 : memref<40x128xf32, #tpu.memory_space<vmem>>) target_semaphore(%run_scoped3A : memref<!tpu.dma_semaphore, #tpu.memory_space<semaphore_mem>>)
      %dma_wait3A_243 = arith.constant 0 : i32
      %dma_wait3A_244 = tpu.memref_slice %arg21[%add3A_218, %dma_wait3A_243] : memref<10240x128xf32, #tpu.memory_space<vmem_shared>> -> memref<40x128xf32, #tpu.memory_space<vmem_shared>>
      %dma_wait3A_245 = arith.constant 0 : i32
      %dma_wait3A_246 = tpu.memref_slice %arg21[%add3A_218, %dma_wait3A_245] : memref<10240x128xf32, #tpu.memory_space<vmem_shared>> -> memref<40x128xf32, #tpu.memory_space<vmem_shared>>
      tpu.wait_dma2 semaphore(%run_scoped3A : memref<!tpu.dma_semaphore, #tpu.memory_space<semaphore_mem>>) src(%dma_wait3A_246 : memref<40x128xf32, #tpu.memory_space<vmem_shared>>) dst(%arg19 : memref<40x128xf32, #tpu.memory_space<vmem>>)
      tpu.yield
    }) : () -> ()
    "tpu.region"() ({
      %run_scoped3A = tpu.sem_alloc : memref<!tpu.dma_semaphore, #tpu.memory_space<semaphore_mem>>
      %dma_start3A_239 = arith.constant 0 : i32
      %dma_start3A_240 = tpu.memref_slice %arg6[%arg0, %add3A_218, %dma_start3A_239] : memref<2x10240x128xf32, #tpu.memory_space<hbm>> -> memref<1x40x128xf32, #tpu.memory_space<hbm>>
      %dma_start3A_241 = tpu.memref_squeeze %dma_start3A_240 : memref<1x40x128xf32, #tpu.memory_space<hbm>> -> memref<40x128xf32, #tpu.memory_space<hbm>>
      %dma_start3A_242 = arith.constant 0 : i32
      %dma_start3A_243 = tpu.memref_slice %arg6[%arg0, %add3A_218, %dma_start3A_242] : memref<2x10240x128xf32, #tpu.memory_space<hbm>> -> memref<1x40x128xf32, #tpu.memory_space<hbm>>
      %dma_start3A_244 = tpu.memref_squeeze %dma_start3A_243 : memref<1x40x128xf32, #tpu.memory_space<hbm>> -> memref<40x128xf32, #tpu.memory_space<hbm>>
      tpu.enqueue_dma source(%arg19 : memref<40x128xf32, #tpu.memory_space<vmem>>) target(%dma_start3A_244 : memref<40x128xf32, #tpu.memory_space<hbm>>) target_semaphore(%run_scoped3A : memref<!tpu.dma_semaphore, #tpu.memory_space<semaphore_mem>>)
      %dma_wait3A_245 = arith.constant 0 : i32
      %dma_wait3A_246 = tpu.memref_slice %arg6[%arg0, %add3A_218, %dma_wait3A_245] : memref<2x10240x128xf32, #tpu.memory_space<hbm>> -> memref<1x40x128xf32, #tpu.memory_space<hbm>>
      %dma_wait3A_247 = tpu.memref_squeeze %dma_wait3A_246 : memref<1x40x128xf32, #tpu.memory_space<hbm>> -> memref<40x128xf32, #tpu.memory_space<hbm>>
      %dma_wait3A_248 = arith.constant 0 : i32
      %dma_wait3A_249 = tpu.memref_slice %arg6[%arg0, %add3A_218, %dma_wait3A_248] : memref<2x10240x128xf32, #tpu.memory_space<hbm>> -> memref<1x40x128xf32, #tpu.memory_space<hbm>>
      %dma_wait3A_250 = tpu.memref_squeeze %dma_wait3A_249 : memref<1x40x128xf32, #tpu.memory_space<hbm>> -> memref<40x128xf32, #tpu.memory_space<hbm>>
      tpu.wait_dma2 semaphore(%run_scoped3A : memref<!tpu.dma_semaphore, #tpu.memory_space<semaphore_mem>>) src(%arg19 : memref<40x128xf32, #tpu.memory_space<vmem>>) dst(%dma_wait3A_250 : memref<40x128xf32, #tpu.memory_space<hbm>>)
      tpu.yield
    }) : () -> ()
    %mul3A_219 = arith.constant 640 : i32
    %mul3A_220 = arith.muli %arg1, %mul3A_219 : i32
    %add3A_221 = arith.constant 440 : i32
    %add3A_222 = arith.addi %mul3A_220, %add3A_221 : i32
    "tpu.region"() ({
      %run_scoped3A = tpu.sem_alloc : memref<!tpu.dma_semaphore, #tpu.memory_space<semaphore_mem>>
      %dma_start3A_239 = arith.constant 0 : i32
      %dma_start3A_240 = tpu.memref_slice %arg21[%add3A_222, %dma_start3A_239] : memref<10240x128xf32, #tpu.memory_space<vmem_shared>> -> memref<40x128xf32, #tpu.memory_space<vmem_shared>>
      %dma_start3A_241 = arith.constant 0 : i32
      %dma_start3A_242 = tpu.memref_slice %arg21[%add3A_222, %dma_start3A_241] : memref<10240x128xf32, #tpu.memory_space<vmem_shared>> -> memref<40x128xf32, #tpu.memory_space<vmem_shared>>
      tpu.enqueue_dma source(%dma_start3A_242 : memref<40x128xf32, #tpu.memory_space<vmem_shared>>) target(%arg19 : memref<40x128xf32, #tpu.memory_space<vmem>>) target_semaphore(%run_scoped3A : memref<!tpu.dma_semaphore, #tpu.memory_space<semaphore_mem>>)
      %dma_wait3A_243 = arith.constant 0 : i32
      %dma_wait3A_244 = tpu.memref_slice %arg21[%add3A_222, %dma_wait3A_243] : memref<10240x128xf32, #tpu.memory_space<vmem_shared>> -> memref<40x128xf32, #tpu.memory_space<vmem_shared>>
      %dma_wait3A_245 = arith.constant 0 : i32
      %dma_wait3A_246 = tpu.memref_slice %arg21[%add3A_222, %dma_wait3A_245] : memref<10240x128xf32, #tpu.memory_space<vmem_shared>> -> memref<40x128xf32, #tpu.memory_space<vmem_shared>>
      tpu.wait_dma2 semaphore(%run_scoped3A : memref<!tpu.dma_semaphore, #tpu.memory_space<semaphore_mem>>) src(%dma_wait3A_246 : memref<40x128xf32, #tpu.memory_space<vmem_shared>>) dst(%arg19 : memref<40x128xf32, #tpu.memory_space<vmem>>)
      tpu.yield
    }) : () -> ()
    "tpu.region"() ({
      %run_scoped3A = tpu.sem_alloc : memref<!tpu.dma_semaphore, #tpu.memory_space<semaphore_mem>>
      %dma_start3A_239 = arith.constant 0 : i32
      %dma_start3A_240 = tpu.memref_slice %arg6[%arg0, %add3A_222, %dma_start3A_239] : memref<2x10240x128xf32, #tpu.memory_space<hbm>> -> memref<1x40x128xf32, #tpu.memory_space<hbm>>
      %dma_start3A_241 = tpu.memref_squeeze %dma_start3A_240 : memref<1x40x128xf32, #tpu.memory_space<hbm>> -> memref<40x128xf32, #tpu.memory_space<hbm>>
      %dma_start3A_242 = arith.constant 0 : i32
      %dma_start3A_243 = tpu.memref_slice %arg6[%arg0, %add3A_222, %dma_start3A_242] : memref<2x10240x128xf32, #tpu.memory_space<hbm>> -> memref<1x40x128xf32, #tpu.memory_space<hbm>>
      %dma_start3A_244 = tpu.memref_squeeze %dma_start3A_243 : memref<1x40x128xf32, #tpu.memory_space<hbm>> -> memref<40x128xf32, #tpu.memory_space<hbm>>
      tpu.enqueue_dma source(%arg19 : memref<40x128xf32, #tpu.memory_space<vmem>>) target(%dma_start3A_244 : memref<40x128xf32, #tpu.memory_space<hbm>>) target_semaphore(%run_scoped3A : memref<!tpu.dma_semaphore, #tpu.memory_space<semaphore_mem>>)
      %dma_wait3A_245 = arith.constant 0 : i32
      %dma_wait3A_246 = tpu.memref_slice %arg6[%arg0, %add3A_222, %dma_wait3A_245] : memref<2x10240x128xf32, #tpu.memory_space<hbm>> -> memref<1x40x128xf32, #tpu.memory_space<hbm>>
      %dma_wait3A_247 = tpu.memref_squeeze %dma_wait3A_246 : memref<1x40x128xf32, #tpu.memory_space<hbm>> -> memref<40x128xf32, #tpu.memory_space<hbm>>
      %dma_wait3A_248 = arith.constant 0 : i32
      %dma_wait3A_249 = tpu.memref_slice %arg6[%arg0, %add3A_222, %dma_wait3A_248] : memref<2x10240x128xf32, #tpu.memory_space<hbm>> -> memref<1x40x128xf32, #tpu.memory_space<hbm>>
      %dma_wait3A_250 = tpu.memref_squeeze %dma_wait3A_249 : memref<1x40x128xf32, #tpu.memory_space<hbm>> -> memref<40x128xf32, #tpu.memory_space<hbm>>
      tpu.wait_dma2 semaphore(%run_scoped3A : memref<!tpu.dma_semaphore, #tpu.memory_space<semaphore_mem>>) src(%arg19 : memref<40x128xf32, #tpu.memory_space<vmem>>) dst(%dma_wait3A_250 : memref<40x128xf32, #tpu.memory_space<hbm>>)
      tpu.yield
    }) : () -> ()
    %mul3A_223 = arith.constant 640 : i32
    %mul3A_224 = arith.muli %arg1, %mul3A_223 : i32
    %add3A_225 = arith.constant 480 : i32
    %add3A_226 = arith.addi %mul3A_224, %add3A_225 : i32
    "tpu.region"() ({
      %run_scoped3A = tpu.sem_alloc : memref<!tpu.dma_semaphore, #tpu.memory_space<semaphore_mem>>
      %dma_start3A_239 = arith.constant 0 : i32
      %dma_start3A_240 = tpu.memref_slice %arg21[%add3A_226, %dma_start3A_239] : memref<10240x128xf32, #tpu.memory_space<vmem_shared>> -> memref<40x128xf32, #tpu.memory_space<vmem_shared>>
      %dma_start3A_241 = arith.constant 0 : i32
      %dma_start3A_242 = tpu.memref_slice %arg21[%add3A_226, %dma_start3A_241] : memref<10240x128xf32, #tpu.memory_space<vmem_shared>> -> memref<40x128xf32, #tpu.memory_space<vmem_shared>>
      tpu.enqueue_dma source(%dma_start3A_242 : memref<40x128xf32, #tpu.memory_space<vmem_shared>>) target(%arg19 : memref<40x128xf32, #tpu.memory_space<vmem>>) target_semaphore(%run_scoped3A : memref<!tpu.dma_semaphore, #tpu.memory_space<semaphore_mem>>)
      %dma_wait3A_243 = arith.constant 0 : i32
      %dma_wait3A_244 = tpu.memref_slice %arg21[%add3A_226, %dma_wait3A_243] : memref<10240x128xf32, #tpu.memory_space<vmem_shared>> -> memref<40x128xf32, #tpu.memory_space<vmem_shared>>
      %dma_wait3A_245 = arith.constant 0 : i32
      %dma_wait3A_246 = tpu.memref_slice %arg21[%add3A_226, %dma_wait3A_245] : memref<10240x128xf32, #tpu.memory_space<vmem_shared>> -> memref<40x128xf32, #tpu.memory_space<vmem_shared>>
      tpu.wait_dma2 semaphore(%run_scoped3A : memref<!tpu.dma_semaphore, #tpu.memory_space<semaphore_mem>>) src(%dma_wait3A_246 : memref<40x128xf32, #tpu.memory_space<vmem_shared>>) dst(%arg19 : memref<40x128xf32, #tpu.memory_space<vmem>>)
      tpu.yield
    }) : () -> ()
    "tpu.region"() ({
      %run_scoped3A = tpu.sem_alloc : memref<!tpu.dma_semaphore, #tpu.memory_space<semaphore_mem>>
      %dma_start3A_239 = arith.constant 0 : i32
      %dma_start3A_240 = tpu.memref_slice %arg6[%arg0, %add3A_226, %dma_start3A_239] : memref<2x10240x128xf32, #tpu.memory_space<hbm>> -> memref<1x40x128xf32, #tpu.memory_space<hbm>>
      %dma_start3A_241 = tpu.memref_squeeze %dma_start3A_240 : memref<1x40x128xf32, #tpu.memory_space<hbm>> -> memref<40x128xf32, #tpu.memory_space<hbm>>
      %dma_start3A_242 = arith.constant 0 : i32
      %dma_start3A_243 = tpu.memref_slice %arg6[%arg0, %add3A_226, %dma_start3A_242] : memref<2x10240x128xf32, #tpu.memory_space<hbm>> -> memref<1x40x128xf32, #tpu.memory_space<hbm>>
      %dma_start3A_244 = tpu.memref_squeeze %dma_start3A_243 : memref<1x40x128xf32, #tpu.memory_space<hbm>> -> memref<40x128xf32, #tpu.memory_space<hbm>>
      tpu.enqueue_dma source(%arg19 : memref<40x128xf32, #tpu.memory_space<vmem>>) target(%dma_start3A_244 : memref<40x128xf32, #tpu.memory_space<hbm>>) target_semaphore(%run_scoped3A : memref<!tpu.dma_semaphore, #tpu.memory_space<semaphore_mem>>)
      %dma_wait3A_245 = arith.constant 0 : i32
      %dma_wait3A_246 = tpu.memref_slice %arg6[%arg0, %add3A_226, %dma_wait3A_245] : memref<2x10240x128xf32, #tpu.memory_space<hbm>> -> memref<1x40x128xf32, #tpu.memory_space<hbm>>
      %dma_wait3A_247 = tpu.memref_squeeze %dma_wait3A_246 : memref<1x40x128xf32, #tpu.memory_space<hbm>> -> memref<40x128xf32, #tpu.memory_space<hbm>>
      %dma_wait3A_248 = arith.constant 0 : i32
      %dma_wait3A_249 = tpu.memref_slice %arg6[%arg0, %add3A_226, %dma_wait3A_248] : memref<2x10240x128xf32, #tpu.memory_space<hbm>> -> memref<1x40x128xf32, #tpu.memory_space<hbm>>
      %dma_wait3A_250 = tpu.memref_squeeze %dma_wait3A_249 : memref<1x40x128xf32, #tpu.memory_space<hbm>> -> memref<40x128xf32, #tpu.memory_space<hbm>>
      tpu.wait_dma2 semaphore(%run_scoped3A : memref<!tpu.dma_semaphore, #tpu.memory_space<semaphore_mem>>) src(%arg19 : memref<40x128xf32, #tpu.memory_space<vmem>>) dst(%dma_wait3A_250 : memref<40x128xf32, #tpu.memory_space<hbm>>)
      tpu.yield
    }) : () -> ()
    %mul3A_227 = arith.constant 640 : i32
    %mul3A_228 = arith.muli %arg1, %mul3A_227 : i32
    %add3A_229 = arith.constant 520 : i32
    %add3A_230 = arith.addi %mul3A_228, %add3A_229 : i32
    "tpu.region"() ({
      %run_scoped3A = tpu.sem_alloc : memref<!tpu.dma_semaphore, #tpu.memory_space<semaphore_mem>>
      %dma_start3A_239 = arith.constant 0 : i32
      %dma_start3A_240 = tpu.memref_slice %arg21[%add3A_230, %dma_start3A_239] : memref<10240x128xf32, #tpu.memory_space<vmem_shared>> -> memref<40x128xf32, #tpu.memory_space<vmem_shared>>
      %dma_start3A_241 = arith.constant 0 : i32
      %dma_start3A_242 = tpu.memref_slice %arg21[%add3A_230, %dma_start3A_241] : memref<10240x128xf32, #tpu.memory_space<vmem_shared>> -> memref<40x128xf32, #tpu.memory_space<vmem_shared>>
      tpu.enqueue_dma source(%dma_start3A_242 : memref<40x128xf32, #tpu.memory_space<vmem_shared>>) target(%arg19 : memref<40x128xf32, #tpu.memory_space<vmem>>) target_semaphore(%run_scoped3A : memref<!tpu.dma_semaphore, #tpu.memory_space<semaphore_mem>>)
      %dma_wait3A_243 = arith.constant 0 : i32
      %dma_wait3A_244 = tpu.memref_slice %arg21[%add3A_230, %dma_wait3A_243] : memref<10240x128xf32, #tpu.memory_space<vmem_shared>> -> memref<40x128xf32, #tpu.memory_space<vmem_shared>>
      %dma_wait3A_245 = arith.constant 0 : i32
      %dma_wait3A_246 = tpu.memref_slice %arg21[%add3A_230, %dma_wait3A_245] : memref<10240x128xf32, #tpu.memory_space<vmem_shared>> -> memref<40x128xf32, #tpu.memory_space<vmem_shared>>
      tpu.wait_dma2 semaphore(%run_scoped3A : memref<!tpu.dma_semaphore, #tpu.memory_space<semaphore_mem>>) src(%dma_wait3A_246 : memref<40x128xf32, #tpu.memory_space<vmem_shared>>) dst(%arg19 : memref<40x128xf32, #tpu.memory_space<vmem>>)
      tpu.yield
    }) : () -> ()
    "tpu.region"() ({
      %run_scoped3A = tpu.sem_alloc : memref<!tpu.dma_semaphore, #tpu.memory_space<semaphore_mem>>
      %dma_start3A_239 = arith.constant 0 : i32
      %dma_start3A_240 = tpu.memref_slice %arg6[%arg0, %add3A_230, %dma_start3A_239] : memref<2x10240x128xf32, #tpu.memory_space<hbm>> -> memref<1x40x128xf32, #tpu.memory_space<hbm>>
      %dma_start3A_241 = tpu.memref_squeeze %dma_start3A_240 : memref<1x40x128xf32, #tpu.memory_space<hbm>> -> memref<40x128xf32, #tpu.memory_space<hbm>>
      %dma_start3A_242 = arith.constant 0 : i32
      %dma_start3A_243 = tpu.memref_slice %arg6[%arg0, %add3A_230, %dma_start3A_242] : memref<2x10240x128xf32, #tpu.memory_space<hbm>> -> memref<1x40x128xf32, #tpu.memory_space<hbm>>
      %dma_start3A_244 = tpu.memref_squeeze %dma_start3A_243 : memref<1x40x128xf32, #tpu.memory_space<hbm>> -> memref<40x128xf32, #tpu.memory_space<hbm>>
      tpu.enqueue_dma source(%arg19 : memref<40x128xf32, #tpu.memory_space<vmem>>) target(%dma_start3A_244 : memref<40x128xf32, #tpu.memory_space<hbm>>) target_semaphore(%run_scoped3A : memref<!tpu.dma_semaphore, #tpu.memory_space<semaphore_mem>>)
      %dma_wait3A_245 = arith.constant 0 : i32
      %dma_wait3A_246 = tpu.memref_slice %arg6[%arg0, %add3A_230, %dma_wait3A_245] : memref<2x10240x128xf32, #tpu.memory_space<hbm>> -> memref<1x40x128xf32, #tpu.memory_space<hbm>>
      %dma_wait3A_247 = tpu.memref_squeeze %dma_wait3A_246 : memref<1x40x128xf32, #tpu.memory_space<hbm>> -> memref<40x128xf32, #tpu.memory_space<hbm>>
      %dma_wait3A_248 = arith.constant 0 : i32
      %dma_wait3A_249 = tpu.memref_slice %arg6[%arg0, %add3A_230, %dma_wait3A_248] : memref<2x10240x128xf32, #tpu.memory_space<hbm>> -> memref<1x40x128xf32, #tpu.memory_space<hbm>>
      %dma_wait3A_250 = tpu.memref_squeeze %dma_wait3A_249 : memref<1x40x128xf32, #tpu.memory_space<hbm>> -> memref<40x128xf32, #tpu.memory_space<hbm>>
      tpu.wait_dma2 semaphore(%run_scoped3A : memref<!tpu.dma_semaphore, #tpu.memory_space<semaphore_mem>>) src(%arg19 : memref<40x128xf32, #tpu.memory_space<vmem>>) dst(%dma_wait3A_250 : memref<40x128xf32, #tpu.memory_space<hbm>>)
      tpu.yield
    }) : () -> ()
    %mul3A_231 = arith.constant 640 : i32
    %mul3A_232 = arith.muli %arg1, %mul3A_231 : i32
    %add3A_233 = arith.constant 560 : i32
    %add3A_234 = arith.addi %mul3A_232, %add3A_233 : i32
    "tpu.region"() ({
      %run_scoped3A = tpu.sem_alloc : memref<!tpu.dma_semaphore, #tpu.memory_space<semaphore_mem>>
      %dma_start3A_239 = arith.constant 0 : i32
      %dma_start3A_240 = tpu.memref_slice %arg21[%add3A_234, %dma_start3A_239] : memref<10240x128xf32, #tpu.memory_space<vmem_shared>> -> memref<40x128xf32, #tpu.memory_space<vmem_shared>>
      %dma_start3A_241 = arith.constant 0 : i32
      %dma_start3A_242 = tpu.memref_slice %arg21[%add3A_234, %dma_start3A_241] : memref<10240x128xf32, #tpu.memory_space<vmem_shared>> -> memref<40x128xf32, #tpu.memory_space<vmem_shared>>
      tpu.enqueue_dma source(%dma_start3A_242 : memref<40x128xf32, #tpu.memory_space<vmem_shared>>) target(%arg19 : memref<40x128xf32, #tpu.memory_space<vmem>>) target_semaphore(%run_scoped3A : memref<!tpu.dma_semaphore, #tpu.memory_space<semaphore_mem>>)
      %dma_wait3A_243 = arith.constant 0 : i32
      %dma_wait3A_244 = tpu.memref_slice %arg21[%add3A_234, %dma_wait3A_243] : memref<10240x128xf32, #tpu.memory_space<vmem_shared>> -> memref<40x128xf32, #tpu.memory_space<vmem_shared>>
      %dma_wait3A_245 = arith.constant 0 : i32
      %dma_wait3A_246 = tpu.memref_slice %arg21[%add3A_234, %dma_wait3A_245] : memref<10240x128xf32, #tpu.memory_space<vmem_shared>> -> memref<40x128xf32, #tpu.memory_space<vmem_shared>>
      tpu.wait_dma2 semaphore(%run_scoped3A : memref<!tpu.dma_semaphore, #tpu.memory_space<semaphore_mem>>) src(%dma_wait3A_246 : memref<40x128xf32, #tpu.memory_space<vmem_shared>>) dst(%arg19 : memref<40x128xf32, #tpu.memory_space<vmem>>)
      tpu.yield
    }) : () -> ()
    "tpu.region"() ({
      %run_scoped3A = tpu.sem_alloc : memref<!tpu.dma_semaphore, #tpu.memory_space<semaphore_mem>>
      %dma_start3A_239 = arith.constant 0 : i32
      %dma_start3A_240 = tpu.memref_slice %arg6[%arg0, %add3A_234, %dma_start3A_239] : memref<2x10240x128xf32, #tpu.memory_space<hbm>> -> memref<1x40x128xf32, #tpu.memory_space<hbm>>
      %dma_start3A_241 = tpu.memref_squeeze %dma_start3A_240 : memref<1x40x128xf32, #tpu.memory_space<hbm>> -> memref<40x128xf32, #tpu.memory_space<hbm>>
      %dma_start3A_242 = arith.constant 0 : i32
      %dma_start3A_243 = tpu.memref_slice %arg6[%arg0, %add3A_234, %dma_start3A_242] : memref<2x10240x128xf32, #tpu.memory_space<hbm>> -> memref<1x40x128xf32, #tpu.memory_space<hbm>>
      %dma_start3A_244 = tpu.memref_squeeze %dma_start3A_243 : memref<1x40x128xf32, #tpu.memory_space<hbm>> -> memref<40x128xf32, #tpu.memory_space<hbm>>
      tpu.enqueue_dma source(%arg19 : memref<40x128xf32, #tpu.memory_space<vmem>>) target(%dma_start3A_244 : memref<40x128xf32, #tpu.memory_space<hbm>>) target_semaphore(%run_scoped3A : memref<!tpu.dma_semaphore, #tpu.memory_space<semaphore_mem>>)
      %dma_wait3A_245 = arith.constant 0 : i32
      %dma_wait3A_246 = tpu.memref_slice %arg6[%arg0, %add3A_234, %dma_wait3A_245] : memref<2x10240x128xf32, #tpu.memory_space<hbm>> -> memref<1x40x128xf32, #tpu.memory_space<hbm>>
      %dma_wait3A_247 = tpu.memref_squeeze %dma_wait3A_246 : memref<1x40x128xf32, #tpu.memory_space<hbm>> -> memref<40x128xf32, #tpu.memory_space<hbm>>
      %dma_wait3A_248 = arith.constant 0 : i32
      %dma_wait3A_249 = tpu.memref_slice %arg6[%arg0, %add3A_234, %dma_wait3A_248] : memref<2x10240x128xf32, #tpu.memory_space<hbm>> -> memref<1x40x128xf32, #tpu.memory_space<hbm>>
      %dma_wait3A_250 = tpu.memref_squeeze %dma_wait3A_249 : memref<1x40x128xf32, #tpu.memory_space<hbm>> -> memref<40x128xf32, #tpu.memory_space<hbm>>
      tpu.wait_dma2 semaphore(%run_scoped3A : memref<!tpu.dma_semaphore, #tpu.memory_space<semaphore_mem>>) src(%arg19 : memref<40x128xf32, #tpu.memory_space<vmem>>) dst(%dma_wait3A_250 : memref<40x128xf32, #tpu.memory_space<hbm>>)
      tpu.yield
    }) : () -> ()
    %mul3A_235 = arith.constant 640 : i32
    %mul3A_236 = arith.muli %arg1, %mul3A_235 : i32
    %add3A_237 = arith.constant 600 : i32
    %add3A_238 = arith.addi %mul3A_236, %add3A_237 : i32
    "tpu.region"() ({
      %run_scoped3A = tpu.sem_alloc : memref<!tpu.dma_semaphore, #tpu.memory_space<semaphore_mem>>
      %dma_start3A_239 = arith.constant 0 : i32
      %dma_start3A_240 = tpu.memref_slice %arg21[%add3A_238, %dma_start3A_239] : memref<10240x128xf32, #tpu.memory_space<vmem_shared>> -> memref<40x128xf32, #tpu.memory_space<vmem_shared>>
      %dma_start3A_241 = arith.constant 0 : i32
      %dma_start3A_242 = tpu.memref_slice %arg21[%add3A_238, %dma_start3A_241] : memref<10240x128xf32, #tpu.memory_space<vmem_shared>> -> memref<40x128xf32, #tpu.memory_space<vmem_shared>>
      tpu.enqueue_dma source(%dma_start3A_242 : memref<40x128xf32, #tpu.memory_space<vmem_shared>>) target(%arg19 : memref<40x128xf32, #tpu.memory_space<vmem>>) target_semaphore(%run_scoped3A : memref<!tpu.dma_semaphore, #tpu.memory_space<semaphore_mem>>)
      %dma_wait3A_243 = arith.constant 0 : i32
      %dma_wait3A_244 = tpu.memref_slice %arg21[%add3A_238, %dma_wait3A_243] : memref<10240x128xf32, #tpu.memory_space<vmem_shared>> -> memref<40x128xf32, #tpu.memory_space<vmem_shared>>
      %dma_wait3A_245 = arith.constant 0 : i32
      %dma_wait3A_246 = tpu.memref_slice %arg21[%add3A_238, %dma_wait3A_245] : memref<10240x128xf32, #tpu.memory_space<vmem_shared>> -> memref<40x128xf32, #tpu.memory_space<vmem_shared>>
      tpu.wait_dma2 semaphore(%run_scoped3A : memref<!tpu.dma_semaphore, #tpu.memory_space<semaphore_mem>>) src(%dma_wait3A_246 : memref<40x128xf32, #tpu.memory_space<vmem_shared>>) dst(%arg19 : memref<40x128xf32, #tpu.memory_space<vmem>>)
      tpu.yield
    }) : () -> ()
    "tpu.region"() ({
      %run_scoped3A = tpu.sem_alloc : memref<!tpu.dma_semaphore, #tpu.memory_space<semaphore_mem>>
      %dma_start3A_239 = arith.constant 0 : i32
      %dma_start3A_240 = tpu.memref_slice %arg6[%arg0, %add3A_238, %dma_start3A_239] : memref<2x10240x128xf32, #tpu.memory_space<hbm>> -> memref<1x40x128xf32, #tpu.memory_space<hbm>>
      %dma_start3A_241 = tpu.memref_squeeze %dma_start3A_240 : memref<1x40x128xf32, #tpu.memory_space<hbm>> -> memref<40x128xf32, #tpu.memory_space<hbm>>
      %dma_start3A_242 = arith.constant 0 : i32
      %dma_start3A_243 = tpu.memref_slice %arg6[%arg0, %add3A_238, %dma_start3A_242] : memref<2x10240x128xf32, #tpu.memory_space<hbm>> -> memref<1x40x128xf32, #tpu.memory_space<hbm>>
      %dma_start3A_244 = tpu.memref_squeeze %dma_start3A_243 : memref<1x40x128xf32, #tpu.memory_space<hbm>> -> memref<40x128xf32, #tpu.memory_space<hbm>>
      tpu.enqueue_dma source(%arg19 : memref<40x128xf32, #tpu.memory_space<vmem>>) target(%dma_start3A_244 : memref<40x128xf32, #tpu.memory_space<hbm>>) target_semaphore(%run_scoped3A : memref<!tpu.dma_semaphore, #tpu.memory_space<semaphore_mem>>)
      %dma_wait3A_245 = arith.constant 0 : i32
      %dma_wait3A_246 = tpu.memref_slice %arg6[%arg0, %add3A_238, %dma_wait3A_245] : memref<2x10240x128xf32, #tpu.memory_space<hbm>> -> memref<1x40x128xf32, #tpu.memory_space<hbm>>
      %dma_wait3A_247 = tpu.memref_squeeze %dma_wait3A_246 : memref<1x40x128xf32, #tpu.memory_space<hbm>> -> memref<40x128xf32, #tpu.memory_space<hbm>>
      %dma_wait3A_248 = arith.constant 0 : i32
      %dma_wait3A_249 = tpu.memref_slice %arg6[%arg0, %add3A_238, %dma_wait3A_248] : memref<2x10240x128xf32, #tpu.memory_space<hbm>> -> memref<1x40x128xf32, #tpu.memory_space<hbm>>
      %dma_wait3A_250 = tpu.memref_squeeze %dma_wait3A_249 : memref<1x40x128xf32, #tpu.memory_space<hbm>> -> memref<40x128xf32, #tpu.memory_space<hbm>>
      tpu.wait_dma2 semaphore(%run_scoped3A : memref<!tpu.dma_semaphore, #tpu.memory_space<semaphore_mem>>) src(%arg19 : memref<40x128xf32, #tpu.memory_space<vmem>>) dst(%dma_wait3A_250 : memref<40x128xf32, #tpu.memory_space<hbm>>)
      tpu.yield
    }) : () -> ()
    return
  }
}

module attributes {stable_mosaic.version = 14 : i64} {
  func.func @_atom_body(%arg0: i32, %arg1: memref<2x2000x128xf32, #tpu.memory_space<vmem>>, %arg2: memref<128x128xf32, #tpu.memory_space<vmem>>, %arg3: memref<1x128xf32, #tpu.memory_space<vmem>>, %arg4: memref<128x128xf32, #tpu.memory_space<vmem>>, %arg5: memref<1x128xf32, #tpu.memory_space<vmem>>, %arg6: memref<2000x128xf32, #tpu.memory_space<vmem>>) attributes {dimension_semantics = [#tpu.dimension_semantics<arbitrary>], iteration_bounds = array<i64: 5>, scalar_prefetch = 0 : i64, scratch_operands = 0 : i64, tpu.core_type = #tpu.core_type<tc>, window_params = [{transform_indices = @transform_0, window_bounds = array<i64: 2, 2000, 128>}, {pipeline_mode = #tpu.pipeline_mode<synchronous>, transform_indices = @transform_1, window_bounds = array<i64: 128, 128>}, {pipeline_mode = #tpu.pipeline_mode<synchronous>, transform_indices = @transform_2, window_bounds = array<i64: 1, 128>}, {pipeline_mode = #tpu.pipeline_mode<synchronous>, transform_indices = @transform_3, window_bounds = array<i64: 128, 128>}, {pipeline_mode = #tpu.pipeline_mode<synchronous>, transform_indices = @transform_4, window_bounds = array<i64: 1, 128>}, {transform_indices = @transform_5, window_bounds = array<i64: 2000, 128>}]} {
    %get3A = arith.constant 0 : index
    %get3A_0 = arith.constant 0 : index
    %get3A_1 = arith.constant 0 : index
    %get3A_2 = vector.load %arg1[%get3A, %get3A_0, %get3A_1] : memref<2x2000x128xf32, #tpu.memory_space<vmem>>, vector<1x2000x128xf32>
    %get3A_3 = vector.shape_cast %get3A_2 : vector<1x2000x128xf32> to vector<2000x128xf32>
    %get3A_4 = arith.constant 1 : index
    %get3A_5 = arith.constant 0 : index
    %get3A_6 = arith.constant 0 : index
    %get3A_7 = vector.load %arg1[%get3A_4, %get3A_5, %get3A_6] : memref<2x2000x128xf32, #tpu.memory_space<vmem>>, vector<1x2000x128xf32>
    %get3A_8 = vector.shape_cast %get3A_7 : vector<1x2000x128xf32> to vector<2000x128xf32>
    %add3A = arith.addf %get3A_3, %get3A_8 : vector<2000x128xf32>
    %convert_element_type3A = arith.truncf %add3A : vector<2000x128xf32> to vector<2000x128xbf16>
    %get3A_9 = arith.constant 0 : index
    %get3A_10 = arith.constant 0 : index
    %get3A_11 = vector.load %arg2[%get3A_9, %get3A_10] : memref<128x128xf32, #tpu.memory_space<vmem>>, vector<128x128xf32>
    %convert_element_type3A_12 = arith.truncf %get3A_11 : vector<128x128xf32> to vector<128x128xbf16>
    %dot_general3A = arith.constant dense<0.000000e+00> : vector<2000x128xf32>
    %dot_general3A_13 = tpu.matmul %convert_element_type3A, %convert_element_type3A_12, %dot_general3A {dimension_numbers = #tpu.dot_dimension_numbers<[1], [0], [0], [1], [0, 0, 1, 1], [], []>, transpose_lhs_hint = false} : vector<2000x128xbf16>, vector<128x128xbf16>, vector<2000x128xf32> -> vector<2000x128xf32>
    %get3A_14 = arith.constant 0 : index
    %get3A_15 = arith.constant 0 : index
    %get3A_16 = vector.load %arg3[%get3A_14, %get3A_15] : memref<1x128xf32, #tpu.memory_space<vmem>>, vector<1x128xf32>
    %add3A_17 = vector.broadcast %get3A_16 : vector<1x128xf32> to vector<2000x128xf32>
    %add3A_18 = arith.addf %dot_general3A_13, %add3A_17 : vector<2000x128xf32>
    %custom_jvp_call3A = arith.constant 0.000000e+00 : f32
    %max3A = vector.broadcast %custom_jvp_call3A : f32 to vector<2000x128xf32>
    %max3A_19 = arith.maximumf %add3A_18, %max3A : vector<2000x128xf32>
    %sub3A = vector.broadcast %custom_jvp_call3A : f32 to vector<2000x128xf32>
    %sub3A_20 = arith.subf %add3A_18, %sub3A : vector<2000x128xf32>
    %ne3A = arith.cmpf one, %sub3A_20, %sub3A_20 : vector<2000x128xf32>
    %add3A_21 = vector.broadcast %custom_jvp_call3A : f32 to vector<2000x128xf32>
    %add3A_22 = arith.addf %add3A_18, %add3A_21 : vector<2000x128xf32>
    %abs3A = math.absf %sub3A_20 : vector<2000x128xf32>
    %neg3A = arith.constant 0.000000e+00 : f32
    %neg3A_23 = vector.broadcast %neg3A : f32 to vector<2000x128xf32>
    %neg3A_24 = arith.subf %neg3A_23, %abs3A : vector<2000x128xf32>
    %exp3A = math.exp %neg3A_24 : vector<2000x128xf32>
    %log1p3A = math.log1p %exp3A : vector<2000x128xf32>
    %add3A_25 = arith.addf %max3A_19, %log1p3A : vector<2000x128xf32>
    %select_n3A = arith.select %ne3A, %add3A_22, %add3A_25 : vector<2000x128xi1>, vector<2000x128xf32>
    %sub3A_26 = arith.constant 0.693147182 : f32
    %sub3A_27 = vector.broadcast %sub3A_26 : f32 to vector<2000x128xf32>
    %sub3A_28 = arith.subf %select_n3A, %sub3A_27 : vector<2000x128xf32>
    %convert_element_type3A_29 = arith.truncf %sub3A_28 : vector<2000x128xf32> to vector<2000x128xbf16>
    %get3A_30 = arith.constant 0 : index
    %get3A_31 = arith.constant 0 : index
    %get3A_32 = vector.load %arg4[%get3A_30, %get3A_31] : memref<128x128xf32, #tpu.memory_space<vmem>>, vector<128x128xf32>
    %convert_element_type3A_33 = arith.truncf %get3A_32 : vector<128x128xf32> to vector<128x128xbf16>
    %dot_general3A_34 = arith.constant dense<0.000000e+00> : vector<2000x128xf32>
    %dot_general3A_35 = tpu.matmul %convert_element_type3A_29, %convert_element_type3A_33, %dot_general3A_34 {dimension_numbers = #tpu.dot_dimension_numbers<[1], [0], [0], [1], [0, 0, 1, 1], [], []>, transpose_lhs_hint = false} : vector<2000x128xbf16>, vector<128x128xbf16>, vector<2000x128xf32> -> vector<2000x128xf32>
    %get3A_36 = arith.constant 0 : index
    %get3A_37 = arith.constant 0 : index
    %get3A_38 = vector.load %arg5[%get3A_36, %get3A_37] : memref<1x128xf32, #tpu.memory_space<vmem>>, vector<1x128xf32>
    %add3A_39 = vector.broadcast %get3A_38 : vector<1x128xf32> to vector<2000x128xf32>
    %add3A_40 = arith.addf %dot_general3A_35, %add3A_39 : vector<2000x128xf32>
    %swap3A = arith.constant 0 : index
    %swap3A_41 = arith.constant 0 : index
    %swap3A_42 = vector.load %arg6[%swap3A, %swap3A_41] : memref<2000x128xf32, #tpu.memory_space<vmem>>, vector<2000x128xf32>
    tpu.vector_store %arg6[%swap3A, %swap3A_41], %add3A_40 {strides = array<i32>} : memref<2000x128xf32, #tpu.memory_space<vmem>>, vector<2000x128xf32>,
    return
  }
  func.func @transform_0(%arg0: i32) -> (i32, i32, i32) {
    %c0_i32 = arith.constant 0 : i32
    %c0_i32_0 = arith.constant 0 : i32
    %c0_i32_1 = arith.constant 0 : i32
    return %c0_i32, %arg0, %c0_i32_0 : i32, i32, i32
  }
  func.func @transform_1(%arg0: i32) -> (i32, i32) {
    %c0_i32 = arith.constant 0 : i32
    %c0_i32_0 = arith.constant 0 : i32
    %c0_i32_1 = arith.constant 0 : i32
    return %c0_i32, %c0_i32_0 : i32, i32
  }
  func.func @transform_2(%arg0: i32) -> (i32, i32) {
    %c0_i32 = arith.constant 0 : i32
    %c0_i32_0 = arith.constant 0 : i32
    %c0_i32_1 = arith.constant 0 : i32
    return %c0_i32, %c0_i32_0 : i32, i32
  }
  func.func @transform_3(%arg0: i32) -> (i32, i32) {
    %c0_i32 = arith.constant 0 : i32
    %c0_i32_0 = arith.constant 0 : i32
    %c0_i32_1 = arith.constant 0 : i32
    return %c0_i32, %c0_i32_0 : i32, i32
  }
  func.func @transform_4(%arg0: i32) -> (i32, i32) {
    %c0_i32 = arith.constant 0 : i32
    %c0_i32_0 = arith.constant 0 : i32
    %c0_i32_1 = arith.constant 0 : i32
    return %c0_i32, %c0_i32_0 : i32, i32
  }
  func.func @transform_5(%arg0: i32) -> (i32, i32) {
    %c0_i32 = arith.constant 0 : i32
    %c0_i32_0 = arith.constant 0 : i32
    return %arg0, %c0_i32 : i32, i32
  }
}

module attributes {stable_mosaic.version = 14 : i64} {
  func.func @_filter_body(%arg0: i32, %arg1: memref<16x3200xf32, #tpu.memory_space<vmem>>, %arg2: memref<2500x128xf32, #tpu.memory_space<vmem>>, %arg3: memref<16x128xf32, #tpu.memory_space<vmem>>, %arg4: memref<1x128xf32, #tpu.memory_space<vmem>>, %arg5: memref<128x128xf32, #tpu.memory_space<vmem>>, %arg6: memref<1x128xf32, #tpu.memory_space<vmem>>, %arg7: memref<3200x128xf32, #tpu.memory_space<vmem>>) attributes {dimension_semantics = [#tpu.dimension_semantics<arbitrary>], iteration_bounds = array<i64: 100>, scalar_prefetch = 0 : i64, scratch_operands = 0 : i64, tpu.core_type = #tpu.core_type<tc>, window_params = [{transform_indices = @transform_0, window_bounds = array<i64: 16, 3200>}, {pipeline_mode = #tpu.pipeline_mode<synchronous>, transform_indices = @transform_1, window_bounds = array<i64: 2500, 128>}, {pipeline_mode = #tpu.pipeline_mode<synchronous>, transform_indices = @transform_2, window_bounds = array<i64: 16, 128>}, {pipeline_mode = #tpu.pipeline_mode<synchronous>, transform_indices = @transform_3, window_bounds = array<i64: 1, 128>}, {pipeline_mode = #tpu.pipeline_mode<synchronous>, transform_indices = @transform_4, window_bounds = array<i64: 128, 128>}, {pipeline_mode = #tpu.pipeline_mode<synchronous>, transform_indices = @transform_5, window_bounds = array<i64: 1, 128>}, {transform_indices = @transform_6, window_bounds = array<i64: 3200, 128>}]} {
    %get3A = arith.constant 0 : index
    %get3A_0 = arith.constant 0 : index
    %get3A_1 = vector.load %arg1[%get3A, %get3A_0] : memref<16x3200xf32, #tpu.memory_space<vmem>>, vector<16x3200xf32>
    %convert_element_type3A = arith.truncf %get3A_1 : vector<16x3200xf32> to vector<16x3200xbf16>
    %get3A_2 = arith.constant 0 : index
    %get3A_3 = arith.constant 0 : index
    %get3A_4 = vector.load %arg3[%get3A_2, %get3A_3] : memref<16x128xf32, #tpu.memory_space<vmem>>, vector<16x128xf32>
    %convert_element_type3A_5 = arith.truncf %get3A_4 : vector<16x128xf32> to vector<16x128xbf16>
    %dot_general3A = arith.constant dense<0.000000e+00> : vector<3200x128xf32>
    %dot_general3A_6 = tpu.matmul %convert_element_type3A, %convert_element_type3A_5, %dot_general3A {dimension_numbers = #tpu.dot_dimension_numbers<[0], [0], [1], [1], [0, 1, 1, 1], [], []>, transpose_lhs_hint = false} : vector<16x3200xbf16>, vector<16x128xbf16>, vector<3200x128xf32> -> vector<3200x128xf32>
    %get3A_7 = arith.constant 0 : index
    %get3A_8 = arith.constant 0 : index
    %get3A_9 = vector.load %arg4[%get3A_7, %get3A_8] : memref<1x128xf32, #tpu.memory_space<vmem>>, vector<1x128xf32>
    %add3A = vector.broadcast %get3A_9 : vector<1x128xf32> to vector<3200x128xf32>
    %add3A_10 = arith.addf %dot_general3A_6, %add3A : vector<3200x128xf32>
    %custom_jvp_call3A = arith.constant 0.000000e+00 : f32
    %max3A = vector.broadcast %custom_jvp_call3A : f32 to vector<3200x128xf32>
    %max3A_11 = arith.maximumf %add3A_10, %max3A : vector<3200x128xf32>
    %sub3A = vector.broadcast %custom_jvp_call3A : f32 to vector<3200x128xf32>
    %sub3A_12 = arith.subf %add3A_10, %sub3A : vector<3200x128xf32>
    %ne3A = arith.cmpf one, %sub3A_12, %sub3A_12 : vector<3200x128xf32>
    %add3A_13 = vector.broadcast %custom_jvp_call3A : f32 to vector<3200x128xf32>
    %add3A_14 = arith.addf %add3A_10, %add3A_13 : vector<3200x128xf32>
    %abs3A = math.absf %sub3A_12 : vector<3200x128xf32>
    %neg3A = arith.constant 0.000000e+00 : f32
    %neg3A_15 = vector.broadcast %neg3A : f32 to vector<3200x128xf32>
    %neg3A_16 = arith.subf %neg3A_15, %abs3A : vector<3200x128xf32>
    %exp3A = math.exp %neg3A_16 : vector<3200x128xf32>
    %log1p3A = math.log1p %exp3A : vector<3200x128xf32>
    %add3A_17 = arith.addf %max3A_11, %log1p3A : vector<3200x128xf32>
    %select_n3A = arith.select %ne3A, %add3A_14, %add3A_17 : vector<3200x128xi1>, vector<3200x128xf32>
    %sub3A_18 = arith.constant 0.693147182 : f32
    %sub3A_19 = vector.broadcast %sub3A_18 : f32 to vector<3200x128xf32>
    %sub3A_20 = arith.subf %select_n3A, %sub3A_19 : vector<3200x128xf32>
    %convert_element_type3A_21 = arith.truncf %sub3A_20 : vector<3200x128xf32> to vector<3200x128xbf16>
    %get3A_22 = arith.constant 0 : index
    %get3A_23 = arith.constant 0 : index
    %get3A_24 = vector.load %arg5[%get3A_22, %get3A_23] : memref<128x128xf32, #tpu.memory_space<vmem>>, vector<128x128xf32>
    %convert_element_type3A_25 = arith.truncf %get3A_24 : vector<128x128xf32> to vector<128x128xbf16>
    %dot_general3A_26 = arith.constant dense<0.000000e+00> : vector<3200x128xf32>
    %dot_general3A_27 = tpu.matmul %convert_element_type3A_21, %convert_element_type3A_25, %dot_general3A_26 {dimension_numbers = #tpu.dot_dimension_numbers<[1], [0], [0], [1], [0, 0, 1, 1], [], []>, transpose_lhs_hint = false} : vector<3200x128xbf16>, vector<128x128xbf16>, vector<3200x128xf32> -> vector<3200x128xf32>
    %get3A_28 = arith.constant 0 : index
    %get3A_29 = arith.constant 0 : index
    %get3A_30 = vector.load %arg6[%get3A_28, %get3A_29] : memref<1x128xf32, #tpu.memory_space<vmem>>, vector<1x128xf32>
    %add3A_31 = vector.broadcast %get3A_30 : vector<1x128xf32> to vector<3200x128xf32>
    %add3A_32 = arith.addf %dot_general3A_27, %add3A_31 : vector<3200x128xf32>
    %swap3A = arith.constant 0 : index
    %swap3A_33 = arith.constant 0 : index
    %swap3A_34 = vector.load %arg7[%swap3A, %swap3A_33] : memref<3200x128xf32, #tpu.memory_space<vmem>>, vector<3200x128xf32>
    tpu.vector_store %arg7[%swap3A, %swap3A_33], %add3A_32 {strides = array<i32>} : memref<3200x128xf32, #tpu.memory_space<vmem>>, vector<3200x128xf32>,
    %iota3A = tpu.iota {dimensions = array<i32: 1>} : vector<1x128xi32>
    %iota3A_35 = vector.shape_cast %iota3A : vector<1x128xi32> to vector<128xi32>
    %broadcast_in_dim3A = vector.shape_cast %iota3A_35 : vector<128xi32> to vector<128x1xi32>
    %broadcast_in_dim3A_36 = vector.shape_cast %iota3A_35 : vector<128xi32> to vector<1x128xi32>
    %eq3A = vector.broadcast %broadcast_in_dim3A : vector<128x1xi32> to vector<128x128xi32>
    %eq3A_37 = vector.broadcast %broadcast_in_dim3A_36 : vector<1x128xi32> to vector<128x128xi32>
    %eq3A_38 = arith.cmpi eq, %eq3A, %eq3A_37 : vector<128x128xi32>
    %convert_element_type3A_39 = arith.extui %eq3A_38 : vector<128x128xi1> to vector<128x128xi32>
    %convert_element_type3A_40 = arith.sitofp %convert_element_type3A_39 : vector<128x128xi32> to vector<128x128xf32>
    %broadcast_in_dim3A_41 = arith.constant 1.000000e+00 : f32
    %broadcast_in_dim3A_42 = vector.broadcast %broadcast_in_dim3A_41 : f32 to vector<128x1xf32>
    %mul3A = arith.constant 25 : i32
    %mul3A_43 = arith.muli %arg0, %mul3A : i32
    %add3A_44 = arith.constant 0 : i32
    %add3A_45 = arith.addi %mul3A_43, %add3A_44 : i32
    %get3A_46 = arith.index_cast %add3A_45 : i32 to index
    %get3A_47 = arith.constant 0 : index
    %get3A_48 = vector.load %arg2[%get3A_46, %get3A_47] : memref<2500x128xf32, #tpu.memory_space<vmem>>, vector<1x128xf32>
    %mul3A_49 = arith.constant 0.628318548 : f32
    %mul3A_50 = vector.broadcast %mul3A_49 : f32 to vector<1x128xf32>
    %mul3A_51 = arith.mulf %get3A_48, %mul3A_50 : vector<1x128xf32>
    %cos3A = math.cos %mul3A_51 : vector<1x128xf32>
    %add3A_52 = arith.constant 1.000000e+00 : f32
    %add3A_53 = vector.broadcast %add3A_52 : f32 to vector<1x128xf32>
    %add3A_54 = arith.addf %cos3A, %add3A_53 : vector<1x128xf32>
    %mul3A_55 = arith.constant 5.000000e-01 : f32
    %mul3A_56 = vector.broadcast %mul3A_55 : f32 to vector<1x128xf32>
    %mul3A_57 = arith.mulf %mul3A_56, %add3A_54 : vector<1x128xf32>
    %lt3A = arith.constant 5.000000e+00 : f32
    %lt3A_58 = vector.broadcast %lt3A : f32 to vector<1x128xf32>
    %lt3A_59 = arith.cmpf olt, %get3A_48, %lt3A_58 : vector<1x128xf32>
    %convert_element_type3A_60 = arith.extui %lt3A_59 : vector<1x128xi1> to vector<1x128xi32>
    %convert_element_type3A_61 = arith.sitofp %convert_element_type3A_60 : vector<1x128xi32> to vector<1x128xf32>
    %mul3A_62 = arith.mulf %mul3A_57, %convert_element_type3A_61 : vector<1x128xf32>
    %mul3A_63 = vector.broadcast %mul3A_62 : vector<1x128xf32> to vector<128x128xf32>
    %mul3A_64 = arith.mulf %convert_element_type3A_40, %mul3A_63 : vector<128x128xf32>
    %dot_general3A_65 = arith.constant dense<0.000000e+00> : vector<128x1xf32>
    %dot_general3A_66 = tpu.matmul %mul3A_64, %broadcast_in_dim3A_42, %dot_general3A_65 {dimension_numbers = #tpu.dot_dimension_numbers<[1], [0], [0], [1], [0, 0, 1, 1], [], []>, transpose_lhs_hint = false} : vector<128x128xf32>, vector<128x1xf32>, vector<128x1xf32> -> vector<128x1xf32>
    %get3A_67 = arith.constant 0 : index
    %get3A_68 = arith.constant 0 : index
    %get3A_69 = vector.load %arg7[%get3A_67, %get3A_68] : memref<3200x128xf32, #tpu.memory_space<vmem>>, vector<128x128xf32>
    %mul3A_70 = vector.broadcast %dot_general3A_66 : vector<128x1xf32> to vector<128x128xf32>
    %mul3A_71 = arith.mulf %get3A_69, %mul3A_70 : vector<128x128xf32>
    %swap3A_72 = arith.constant 0 : index
    %swap3A_73 = arith.constant 0 : index
    %swap3A_74 = vector.load %arg7[%swap3A_72, %swap3A_73] : memref<3200x128xf32, #tpu.memory_space<vmem>>, vector<128x128xf32>
    tpu.vector_store %arg7[%swap3A_72, %swap3A_73], %mul3A_71 {strides = array<i32>} : memref<3200x128xf32, #tpu.memory_space<vmem>>, vector<128x128xf32>,
    %mul3A_75 = arith.constant 25 : i32
    %mul3A_76 = arith.muli %arg0, %mul3A_75 : i32
    %add3A_77 = arith.constant 1 : i32
    %add3A_78 = arith.addi %mul3A_76, %add3A_77 : i32
    %get3A_79 = arith.index_cast %add3A_78 : i32 to index
    %get3A_80 = arith.constant 0 : index
    %get3A_81 = vector.load %arg2[%get3A_79, %get3A_80] : memref<2500x128xf32, #tpu.memory_space<vmem>>, vector<1x128xf32>
    %mul3A_82 = arith.constant 0.628318548 : f32
    %mul3A_83 = vector.broadcast %mul3A_82 : f32 to vector<1x128xf32>
    %mul3A_84 = arith.mulf %get3A_81, %mul3A_83 : vector<1x128xf32>
    %cos3A_85 = math.cos %mul3A_84 : vector<1x128xf32>
    %add3A_86 = arith.constant 1.000000e+00 : f32
    %add3A_87 = vector.broadcast %add3A_86 : f32 to vector<1x128xf32>
    %add3A_88 = arith.addf %cos3A_85, %add3A_87 : vector<1x128xf32>
    %mul3A_89 = arith.constant 5.000000e-01 : f32
    %mul3A_90 = vector.broadcast %mul3A_89 : f32 to vector<1x128xf32>
    %mul3A_91 = arith.mulf %mul3A_90, %add3A_88 : vector<1x128xf32>
    %lt3A_92 = arith.constant 5.000000e+00 : f32
    %lt3A_93 = vector.broadcast %lt3A_92 : f32 to vector<1x128xf32>
    %lt3A_94 = arith.cmpf olt, %get3A_81, %lt3A_93 : vector<1x128xf32>
    %convert_element_type3A_95 = arith.extui %lt3A_94 : vector<1x128xi1> to vector<1x128xi32>
    %convert_element_type3A_96 = arith.sitofp %convert_element_type3A_95 : vector<1x128xi32> to vector<1x128xf32>
    %mul3A_97 = arith.mulf %mul3A_91, %convert_element_type3A_96 : vector<1x128xf32>
    %mul3A_98 = vector.broadcast %mul3A_97 : vector<1x128xf32> to vector<128x128xf32>
    %mul3A_99 = arith.mulf %convert_element_type3A_40, %mul3A_98 : vector<128x128xf32>
    %dot_general3A_100 = arith.constant dense<0.000000e+00> : vector<128x1xf32>
    %dot_general3A_101 = tpu.matmul %mul3A_99, %broadcast_in_dim3A_42, %dot_general3A_100 {dimension_numbers = #tpu.dot_dimension_numbers<[1], [0], [0], [1], [0, 0, 1, 1], [], []>, transpose_lhs_hint = false} : vector<128x128xf32>, vector<128x1xf32>, vector<128x1xf32> -> vector<128x1xf32>
    %get3A_102 = arith.constant 128 : index
    %get3A_103 = arith.constant 0 : index
    %get3A_104 = vector.load %arg7[%get3A_102, %get3A_103] : memref<3200x128xf32, #tpu.memory_space<vmem>>, vector<128x128xf32>
    %mul3A_105 = vector.broadcast %dot_general3A_101 : vector<128x1xf32> to vector<128x128xf32>
    %mul3A_106 = arith.mulf %get3A_104, %mul3A_105 : vector<128x128xf32>
    %swap3A_107 = arith.constant 128 : index
    %swap3A_108 = arith.constant 0 : index
    %swap3A_109 = vector.load %arg7[%swap3A_107, %swap3A_108] : memref<3200x128xf32, #tpu.memory_space<vmem>>, vector<128x128xf32>
    tpu.vector_store %arg7[%swap3A_107, %swap3A_108], %mul3A_106 {strides = array<i32>} : memref<3200x128xf32, #tpu.memory_space<vmem>>, vector<128x128xf32>,
    %mul3A_110 = arith.constant 25 : i32
    %mul3A_111 = arith.muli %arg0, %mul3A_110 : i32
    %add3A_112 = arith.constant 2 : i32
    %add3A_113 = arith.addi %mul3A_111, %add3A_112 : i32
    %get3A_114 = arith.index_cast %add3A_113 : i32 to index
    %get3A_115 = arith.constant 0 : index
    %get3A_116 = vector.load %arg2[%get3A_114, %get3A_115] : memref<2500x128xf32, #tpu.memory_space<vmem>>, vector<1x128xf32>
    %mul3A_117 = arith.constant 0.628318548 : f32
    %mul3A_118 = vector.broadcast %mul3A_117 : f32 to vector<1x128xf32>
    %mul3A_119 = arith.mulf %get3A_116, %mul3A_118 : vector<1x128xf32>
    %cos3A_120 = math.cos %mul3A_119 : vector<1x128xf32>
    %add3A_121 = arith.constant 1.000000e+00 : f32
    %add3A_122 = vector.broadcast %add3A_121 : f32 to vector<1x128xf32>
    %add3A_123 = arith.addf %cos3A_120, %add3A_122 : vector<1x128xf32>
    %mul3A_124 = arith.constant 5.000000e-01 : f32
    %mul3A_125 = vector.broadcast %mul3A_124 : f32 to vector<1x128xf32>
    %mul3A_126 = arith.mulf %mul3A_125, %add3A_123 : vector<1x128xf32>
    %lt3A_127 = arith.constant 5.000000e+00 : f32
    %lt3A_128 = vector.broadcast %lt3A_127 : f32 to vector<1x128xf32>
    %lt3A_129 = arith.cmpf olt, %get3A_116, %lt3A_128 : vector<1x128xf32>
    %convert_element_type3A_130 = arith.extui %lt3A_129 : vector<1x128xi1> to vector<1x128xi32>
    %convert_element_type3A_131 = arith.sitofp %convert_element_type3A_130 : vector<1x128xi32> to vector<1x128xf32>
    %mul3A_132 = arith.mulf %mul3A_126, %convert_element_type3A_131 : vector<1x128xf32>
    %mul3A_133 = vector.broadcast %mul3A_132 : vector<1x128xf32> to vector<128x128xf32>
    %mul3A_134 = arith.mulf %convert_element_type3A_40, %mul3A_133 : vector<128x128xf32>
    %dot_general3A_135 = arith.constant dense<0.000000e+00> : vector<128x1xf32>
    %dot_general3A_136 = tpu.matmul %mul3A_134, %broadcast_in_dim3A_42, %dot_general3A_135 {dimension_numbers = #tpu.dot_dimension_numbers<[1], [0], [0], [1], [0, 0, 1, 1], [], []>, transpose_lhs_hint = false} : vector<128x128xf32>, vector<128x1xf32>, vector<128x1xf32> -> vector<128x1xf32>
    %get3A_137 = arith.constant 256 : index
    %get3A_138 = arith.constant 0 : index
    %get3A_139 = vector.load %arg7[%get3A_137, %get3A_138] : memref<3200x128xf32, #tpu.memory_space<vmem>>, vector<128x128xf32>
    %mul3A_140 = vector.broadcast %dot_general3A_136 : vector<128x1xf32> to vector<128x128xf32>
    %mul3A_141 = arith.mulf %get3A_139, %mul3A_140 : vector<128x128xf32>
    %swap3A_142 = arith.constant 256 : index
    %swap3A_143 = arith.constant 0 : index
    %swap3A_144 = vector.load %arg7[%swap3A_142, %swap3A_143] : memref<3200x128xf32, #tpu.memory_space<vmem>>, vector<128x128xf32>
    tpu.vector_store %arg7[%swap3A_142, %swap3A_143], %mul3A_141 {strides = array<i32>} : memref<3200x128xf32, #tpu.memory_space<vmem>>, vector<128x128xf32>,
    %mul3A_145 = arith.constant 25 : i32
    %mul3A_146 = arith.muli %arg0, %mul3A_145 : i32
    %add3A_147 = arith.constant 3 : i32
    %add3A_148 = arith.addi %mul3A_146, %add3A_147 : i32
    %get3A_149 = arith.index_cast %add3A_148 : i32 to index
    %get3A_150 = arith.constant 0 : index
    %get3A_151 = vector.load %arg2[%get3A_149, %get3A_150] : memref<2500x128xf32, #tpu.memory_space<vmem>>, vector<1x128xf32>
    %mul3A_152 = arith.constant 0.628318548 : f32
    %mul3A_153 = vector.broadcast %mul3A_152 : f32 to vector<1x128xf32>
    %mul3A_154 = arith.mulf %get3A_151, %mul3A_153 : vector<1x128xf32>
    %cos3A_155 = math.cos %mul3A_154 : vector<1x128xf32>
    %add3A_156 = arith.constant 1.000000e+00 : f32
    %add3A_157 = vector.broadcast %add3A_156 : f32 to vector<1x128xf32>
    %add3A_158 = arith.addf %cos3A_155, %add3A_157 : vector<1x128xf32>
    %mul3A_159 = arith.constant 5.000000e-01 : f32
    %mul3A_160 = vector.broadcast %mul3A_159 : f32 to vector<1x128xf32>
    %mul3A_161 = arith.mulf %mul3A_160, %add3A_158 : vector<1x128xf32>
    %lt3A_162 = arith.constant 5.000000e+00 : f32
    %lt3A_163 = vector.broadcast %lt3A_162 : f32 to vector<1x128xf32>
    %lt3A_164 = arith.cmpf olt, %get3A_151, %lt3A_163 : vector<1x128xf32>
    %convert_element_type3A_165 = arith.extui %lt3A_164 : vector<1x128xi1> to vector<1x128xi32>
    %convert_element_type3A_166 = arith.sitofp %convert_element_type3A_165 : vector<1x128xi32> to vector<1x128xf32>
    %mul3A_167 = arith.mulf %mul3A_161, %convert_element_type3A_166 : vector<1x128xf32>
    %mul3A_168 = vector.broadcast %mul3A_167 : vector<1x128xf32> to vector<128x128xf32>
    %mul3A_169 = arith.mulf %convert_element_type3A_40, %mul3A_168 : vector<128x128xf32>
    %dot_general3A_170 = arith.constant dense<0.000000e+00> : vector<128x1xf32>
    %dot_general3A_171 = tpu.matmul %mul3A_169, %broadcast_in_dim3A_42, %dot_general3A_170 {dimension_numbers = #tpu.dot_dimension_numbers<[1], [0], [0], [1], [0, 0, 1, 1], [], []>, transpose_lhs_hint = false} : vector<128x128xf32>, vector<128x1xf32>, vector<128x1xf32> -> vector<128x1xf32>
    %get3A_172 = arith.constant 384 : index
    %get3A_173 = arith.constant 0 : index
    %get3A_174 = vector.load %arg7[%get3A_172, %get3A_173] : memref<3200x128xf32, #tpu.memory_space<vmem>>, vector<128x128xf32>
    %mul3A_175 = vector.broadcast %dot_general3A_171 : vector<128x1xf32> to vector<128x128xf32>
    %mul3A_176 = arith.mulf %get3A_174, %mul3A_175 : vector<128x128xf32>
    %swap3A_177 = arith.constant 384 : index
    %swap3A_178 = arith.constant 0 : index
    %swap3A_179 = vector.load %arg7[%swap3A_177, %swap3A_178] : memref<3200x128xf32, #tpu.memory_space<vmem>>, vector<128x128xf32>
    tpu.vector_store %arg7[%swap3A_177, %swap3A_178], %mul3A_176 {strides = array<i32>} : memref<3200x128xf32, #tpu.memory_space<vmem>>, vector<128x128xf32>,
    %mul3A_180 = arith.constant 25 : i32
    %mul3A_181 = arith.muli %arg0, %mul3A_180 : i32
    %add3A_182 = arith.constant 4 : i32
    %add3A_183 = arith.addi %mul3A_181, %add3A_182 : i32
    %get3A_184 = arith.index_cast %add3A_183 : i32 to index
    %get3A_185 = arith.constant 0 : index
    %get3A_186 = vector.load %arg2[%get3A_184, %get3A_185] : memref<2500x128xf32, #tpu.memory_space<vmem>>, vector<1x128xf32>
    %mul3A_187 = arith.constant 0.628318548 : f32
    %mul3A_188 = vector.broadcast %mul3A_187 : f32 to vector<1x128xf32>
    %mul3A_189 = arith.mulf %get3A_186, %mul3A_188 : vector<1x128xf32>
    %cos3A_190 = math.cos %mul3A_189 : vector<1x128xf32>
    %add3A_191 = arith.constant 1.000000e+00 : f32
    %add3A_192 = vector.broadcast %add3A_191 : f32 to vector<1x128xf32>
    %add3A_193 = arith.addf %cos3A_190, %add3A_192 : vector<1x128xf32>
    %mul3A_194 = arith.constant 5.000000e-01 : f32
    %mul3A_195 = vector.broadcast %mul3A_194 : f32 to vector<1x128xf32>
    %mul3A_196 = arith.mulf %mul3A_195, %add3A_193 : vector<1x128xf32>
    %lt3A_197 = arith.constant 5.000000e+00 : f32
    %lt3A_198 = vector.broadcast %lt3A_197 : f32 to vector<1x128xf32>
    %lt3A_199 = arith.cmpf olt, %get3A_186, %lt3A_198 : vector<1x128xf32>
    %convert_element_type3A_200 = arith.extui %lt3A_199 : vector<1x128xi1> to vector<1x128xi32>
    %convert_element_type3A_201 = arith.sitofp %convert_element_type3A_200 : vector<1x128xi32> to vector<1x128xf32>
    %mul3A_202 = arith.mulf %mul3A_196, %convert_element_type3A_201 : vector<1x128xf32>
    %mul3A_203 = vector.broadcast %mul3A_202 : vector<1x128xf32> to vector<128x128xf32>
    %mul3A_204 = arith.mulf %convert_element_type3A_40, %mul3A_203 : vector<128x128xf32>
    %dot_general3A_205 = arith.constant dense<0.000000e+00> : vector<128x1xf32>
    %dot_general3A_206 = tpu.matmul %mul3A_204, %broadcast_in_dim3A_42, %dot_general3A_205 {dimension_numbers = #tpu.dot_dimension_numbers<[1], [0], [0], [1], [0, 0, 1, 1], [], []>, transpose_lhs_hint = false} : vector<128x128xf32>, vector<128x1xf32>, vector<128x1xf32> -> vector<128x1xf32>
    %get3A_207 = arith.constant 512 : index
    %get3A_208 = arith.constant 0 : index
    %get3A_209 = vector.load %arg7[%get3A_207, %get3A_208] : memref<3200x128xf32, #tpu.memory_space<vmem>>, vector<128x128xf32>
    %mul3A_210 = vector.broadcast %dot_general3A_206 : vector<128x1xf32> to vector<128x128xf32>
    %mul3A_211 = arith.mulf %get3A_209, %mul3A_210 : vector<128x128xf32>
    %swap3A_212 = arith.constant 512 : index
    %swap3A_213 = arith.constant 0 : index
    %swap3A_214 = vector.load %arg7[%swap3A_212, %swap3A_213] : memref<3200x128xf32, #tpu.memory_space<vmem>>, vector<128x128xf32>
    tpu.vector_store %arg7[%swap3A_212, %swap3A_213], %mul3A_211 {strides = array<i32>} : memref<3200x128xf32, #tpu.memory_space<vmem>>, vector<128x128xf32>,
    %mul3A_215 = arith.constant 25 : i32
    %mul3A_216 = arith.muli %arg0, %mul3A_215 : i32
    %add3A_217 = arith.constant 5 : i32
    %add3A_218 = arith.addi %mul3A_216, %add3A_217 : i32
    %get3A_219 = arith.index_cast %add3A_218 : i32 to index
    %get3A_220 = arith.constant 0 : index
    %get3A_221 = vector.load %arg2[%get3A_219, %get3A_220] : memref<2500x128xf32, #tpu.memory_space<vmem>>, vector<1x128xf32>
    %mul3A_222 = arith.constant 0.628318548 : f32
    %mul3A_223 = vector.broadcast %mul3A_222 : f32 to vector<1x128xf32>
    %mul3A_224 = arith.mulf %get3A_221, %mul3A_223 : vector<1x128xf32>
    %cos3A_225 = math.cos %mul3A_224 : vector<1x128xf32>
    %add3A_226 = arith.constant 1.000000e+00 : f32
    %add3A_227 = vector.broadcast %add3A_226 : f32 to vector<1x128xf32>
    %add3A_228 = arith.addf %cos3A_225, %add3A_227 : vector<1x128xf32>
    %mul3A_229 = arith.constant 5.000000e-01 : f32
    %mul3A_230 = vector.broadcast %mul3A_229 : f32 to vector<1x128xf32>
    %mul3A_231 = arith.mulf %mul3A_230, %add3A_228 : vector<1x128xf32>
    %lt3A_232 = arith.constant 5.000000e+00 : f32
    %lt3A_233 = vector.broadcast %lt3A_232 : f32 to vector<1x128xf32>
    %lt3A_234 = arith.cmpf olt, %get3A_221, %lt3A_233 : vector<1x128xf32>
    %convert_element_type3A_235 = arith.extui %lt3A_234 : vector<1x128xi1> to vector<1x128xi32>
    %convert_element_type3A_236 = arith.sitofp %convert_element_type3A_235 : vector<1x128xi32> to vector<1x128xf32>
    %mul3A_237 = arith.mulf %mul3A_231, %convert_element_type3A_236 : vector<1x128xf32>
    %mul3A_238 = vector.broadcast %mul3A_237 : vector<1x128xf32> to vector<128x128xf32>
    %mul3A_239 = arith.mulf %convert_element_type3A_40, %mul3A_238 : vector<128x128xf32>
    %dot_general3A_240 = arith.constant dense<0.000000e+00> : vector<128x1xf32>
    %dot_general3A_241 = tpu.matmul %mul3A_239, %broadcast_in_dim3A_42, %dot_general3A_240 {dimension_numbers = #tpu.dot_dimension_numbers<[1], [0], [0], [1], [0, 0, 1, 1], [], []>, transpose_lhs_hint = false} : vector<128x128xf32>, vector<128x1xf32>, vector<128x1xf32> -> vector<128x1xf32>
    %get3A_242 = arith.constant 640 : index
    %get3A_243 = arith.constant 0 : index
    %get3A_244 = vector.load %arg7[%get3A_242, %get3A_243] : memref<3200x128xf32, #tpu.memory_space<vmem>>, vector<128x128xf32>
    %mul3A_245 = vector.broadcast %dot_general3A_241 : vector<128x1xf32> to vector<128x128xf32>
    %mul3A_246 = arith.mulf %get3A_244, %mul3A_245 : vector<128x128xf32>
    %swap3A_247 = arith.constant 640 : index
    %swap3A_248 = arith.constant 0 : index
    %swap3A_249 = vector.load %arg7[%swap3A_247, %swap3A_248] : memref<3200x128xf32, #tpu.memory_space<vmem>>, vector<128x128xf32>
    tpu.vector_store %arg7[%swap3A_247, %swap3A_248], %mul3A_246 {strides = array<i32>} : memref<3200x128xf32, #tpu.memory_space<vmem>>, vector<128x128xf32>,
    %mul3A_250 = arith.constant 25 : i32
    %mul3A_251 = arith.muli %arg0, %mul3A_250 : i32
    %add3A_252 = arith.constant 6 : i32
    %add3A_253 = arith.addi %mul3A_251, %add3A_252 : i32
    %get3A_254 = arith.index_cast %add3A_253 : i32 to index
    %get3A_255 = arith.constant 0 : index
    %get3A_256 = vector.load %arg2[%get3A_254, %get3A_255] : memref<2500x128xf32, #tpu.memory_space<vmem>>, vector<1x128xf32>
    %mul3A_257 = arith.constant 0.628318548 : f32
    %mul3A_258 = vector.broadcast %mul3A_257 : f32 to vector<1x128xf32>
    %mul3A_259 = arith.mulf %get3A_256, %mul3A_258 : vector<1x128xf32>
    %cos3A_260 = math.cos %mul3A_259 : vector<1x128xf32>
    %add3A_261 = arith.constant 1.000000e+00 : f32
    %add3A_262 = vector.broadcast %add3A_261 : f32 to vector<1x128xf32>
    %add3A_263 = arith.addf %cos3A_260, %add3A_262 : vector<1x128xf32>
    %mul3A_264 = arith.constant 5.000000e-01 : f32
    %mul3A_265 = vector.broadcast %mul3A_264 : f32 to vector<1x128xf32>
    %mul3A_266 = arith.mulf %mul3A_265, %add3A_263 : vector<1x128xf32>
    %lt3A_267 = arith.constant 5.000000e+00 : f32
    %lt3A_268 = vector.broadcast %lt3A_267 : f32 to vector<1x128xf32>
    %lt3A_269 = arith.cmpf olt, %get3A_256, %lt3A_268 : vector<1x128xf32>
    %convert_element_type3A_270 = arith.extui %lt3A_269 : vector<1x128xi1> to vector<1x128xi32>
    %convert_element_type3A_271 = arith.sitofp %convert_element_type3A_270 : vector<1x128xi32> to vector<1x128xf32>
    %mul3A_272 = arith.mulf %mul3A_266, %convert_element_type3A_271 : vector<1x128xf32>
    %mul3A_273 = vector.broadcast %mul3A_272 : vector<1x128xf32> to vector<128x128xf32>
    %mul3A_274 = arith.mulf %convert_element_type3A_40, %mul3A_273 : vector<128x128xf32>
    %dot_general3A_275 = arith.constant dense<0.000000e+00> : vector<128x1xf32>
    %dot_general3A_276 = tpu.matmul %mul3A_274, %broadcast_in_dim3A_42, %dot_general3A_275 {dimension_numbers = #tpu.dot_dimension_numbers<[1], [0], [0], [1], [0, 0, 1, 1], [], []>, transpose_lhs_hint = false} : vector<128x128xf32>, vector<128x1xf32>, vector<128x1xf32> -> vector<128x1xf32>
    %get3A_277 = arith.constant 768 : index
    %get3A_278 = arith.constant 0 : index
    %get3A_279 = vector.load %arg7[%get3A_277, %get3A_278] : memref<3200x128xf32, #tpu.memory_space<vmem>>, vector<128x128xf32>
    %mul3A_280 = vector.broadcast %dot_general3A_276 : vector<128x1xf32> to vector<128x128xf32>
    %mul3A_281 = arith.mulf %get3A_279, %mul3A_280 : vector<128x128xf32>
    %swap3A_282 = arith.constant 768 : index
    %swap3A_283 = arith.constant 0 : index
    %swap3A_284 = vector.load %arg7[%swap3A_282, %swap3A_283] : memref<3200x128xf32, #tpu.memory_space<vmem>>, vector<128x128xf32>
    tpu.vector_store %arg7[%swap3A_282, %swap3A_283], %mul3A_281 {strides = array<i32>} : memref<3200x128xf32, #tpu.memory_space<vmem>>, vector<128x128xf32>,
    %mul3A_285 = arith.constant 25 : i32
    %mul3A_286 = arith.muli %arg0, %mul3A_285 : i32
    %add3A_287 = arith.constant 7 : i32
    %add3A_288 = arith.addi %mul3A_286, %add3A_287 : i32
    %get3A_289 = arith.index_cast %add3A_288 : i32 to index
    %get3A_290 = arith.constant 0 : index
    %get3A_291 = vector.load %arg2[%get3A_289, %get3A_290] : memref<2500x128xf32, #tpu.memory_space<vmem>>, vector<1x128xf32>
    %mul3A_292 = arith.constant 0.628318548 : f32
    %mul3A_293 = vector.broadcast %mul3A_292 : f32 to vector<1x128xf32>
    %mul3A_294 = arith.mulf %get3A_291, %mul3A_293 : vector<1x128xf32>
    %cos3A_295 = math.cos %mul3A_294 : vector<1x128xf32>
    %add3A_296 = arith.constant 1.000000e+00 : f32
    %add3A_297 = vector.broadcast %add3A_296 : f32 to vector<1x128xf32>
    %add3A_298 = arith.addf %cos3A_295, %add3A_297 : vector<1x128xf32>
    %mul3A_299 = arith.constant 5.000000e-01 : f32
    %mul3A_300 = vector.broadcast %mul3A_299 : f32 to vector<1x128xf32>
    %mul3A_301 = arith.mulf %mul3A_300, %add3A_298 : vector<1x128xf32>
    %lt3A_302 = arith.constant 5.000000e+00 : f32
    %lt3A_303 = vector.broadcast %lt3A_302 : f32 to vector<1x128xf32>
    %lt3A_304 = arith.cmpf olt, %get3A_291, %lt3A_303 : vector<1x128xf32>
    %convert_element_type3A_305 = arith.extui %lt3A_304 : vector<1x128xi1> to vector<1x128xi32>
    %convert_element_type3A_306 = arith.sitofp %convert_element_type3A_305 : vector<1x128xi32> to vector<1x128xf32>
    %mul3A_307 = arith.mulf %mul3A_301, %convert_element_type3A_306 : vector<1x128xf32>
    %mul3A_308 = vector.broadcast %mul3A_307 : vector<1x128xf32> to vector<128x128xf32>
    %mul3A_309 = arith.mulf %convert_element_type3A_40, %mul3A_308 : vector<128x128xf32>
    %dot_general3A_310 = arith.constant dense<0.000000e+00> : vector<128x1xf32>
    %dot_general3A_311 = tpu.matmul %mul3A_309, %broadcast_in_dim3A_42, %dot_general3A_310 {dimension_numbers = #tpu.dot_dimension_numbers<[1], [0], [0], [1], [0, 0, 1, 1], [], []>, transpose_lhs_hint = false} : vector<128x128xf32>, vector<128x1xf32>, vector<128x1xf32> -> vector<128x1xf32>
    %get3A_312 = arith.constant 896 : index
    %get3A_313 = arith.constant 0 : index
    %get3A_314 = vector.load %arg7[%get3A_312, %get3A_313] : memref<3200x128xf32, #tpu.memory_space<vmem>>, vector<128x128xf32>
    %mul3A_315 = vector.broadcast %dot_general3A_311 : vector<128x1xf32> to vector<128x128xf32>
    %mul3A_316 = arith.mulf %get3A_314, %mul3A_315 : vector<128x128xf32>
    %swap3A_317 = arith.constant 896 : index
    %swap3A_318 = arith.constant 0 : index
    %swap3A_319 = vector.load %arg7[%swap3A_317, %swap3A_318] : memref<3200x128xf32, #tpu.memory_space<vmem>>, vector<128x128xf32>
    tpu.vector_store %arg7[%swap3A_317, %swap3A_318], %mul3A_316 {strides = array<i32>} : memref<3200x128xf32, #tpu.memory_space<vmem>>, vector<128x128xf32>,
    %mul3A_320 = arith.constant 25 : i32
    %mul3A_321 = arith.muli %arg0, %mul3A_320 : i32
    %add3A_322 = arith.constant 8 : i32
    %add3A_323 = arith.addi %mul3A_321, %add3A_322 : i32
    %get3A_324 = arith.index_cast %add3A_323 : i32 to index
    %get3A_325 = arith.constant 0 : index
    %get3A_326 = vector.load %arg2[%get3A_324, %get3A_325] : memref<2500x128xf32, #tpu.memory_space<vmem>>, vector<1x128xf32>
    %mul3A_327 = arith.constant 0.628318548 : f32
    %mul3A_328 = vector.broadcast %mul3A_327 : f32 to vector<1x128xf32>
    %mul3A_329 = arith.mulf %get3A_326, %mul3A_328 : vector<1x128xf32>
    %cos3A_330 = math.cos %mul3A_329 : vector<1x128xf32>
    %add3A_331 = arith.constant 1.000000e+00 : f32
    %add3A_332 = vector.broadcast %add3A_331 : f32 to vector<1x128xf32>
    %add3A_333 = arith.addf %cos3A_330, %add3A_332 : vector<1x128xf32>
    %mul3A_334 = arith.constant 5.000000e-01 : f32
    %mul3A_335 = vector.broadcast %mul3A_334 : f32 to vector<1x128xf32>
    %mul3A_336 = arith.mulf %mul3A_335, %add3A_333 : vector<1x128xf32>
    %lt3A_337 = arith.constant 5.000000e+00 : f32
    %lt3A_338 = vector.broadcast %lt3A_337 : f32 to vector<1x128xf32>
    %lt3A_339 = arith.cmpf olt, %get3A_326, %lt3A_338 : vector<1x128xf32>
    %convert_element_type3A_340 = arith.extui %lt3A_339 : vector<1x128xi1> to vector<1x128xi32>
    %convert_element_type3A_341 = arith.sitofp %convert_element_type3A_340 : vector<1x128xi32> to vector<1x128xf32>
    %mul3A_342 = arith.mulf %mul3A_336, %convert_element_type3A_341 : vector<1x128xf32>
    %mul3A_343 = vector.broadcast %mul3A_342 : vector<1x128xf32> to vector<128x128xf32>
    %mul3A_344 = arith.mulf %convert_element_type3A_40, %mul3A_343 : vector<128x128xf32>
    %dot_general3A_345 = arith.constant dense<0.000000e+00> : vector<128x1xf32>
    %dot_general3A_346 = tpu.matmul %mul3A_344, %broadcast_in_dim3A_42, %dot_general3A_345 {dimension_numbers = #tpu.dot_dimension_numbers<[1], [0], [0], [1], [0, 0, 1, 1], [], []>, transpose_lhs_hint = false} : vector<128x128xf32>, vector<128x1xf32>, vector<128x1xf32> -> vector<128x1xf32>
    %get3A_347 = arith.constant 1024 : index
    %get3A_348 = arith.constant 0 : index
    %get3A_349 = vector.load %arg7[%get3A_347, %get3A_348] : memref<3200x128xf32, #tpu.memory_space<vmem>>, vector<128x128xf32>
    %mul3A_350 = vector.broadcast %dot_general3A_346 : vector<128x1xf32> to vector<128x128xf32>
    %mul3A_351 = arith.mulf %get3A_349, %mul3A_350 : vector<128x128xf32>
    %swap3A_352 = arith.constant 1024 : index
    %swap3A_353 = arith.constant 0 : index
    %swap3A_354 = vector.load %arg7[%swap3A_352, %swap3A_353] : memref<3200x128xf32, #tpu.memory_space<vmem>>, vector<128x128xf32>
    tpu.vector_store %arg7[%swap3A_352, %swap3A_353], %mul3A_351 {strides = array<i32>} : memref<3200x128xf32, #tpu.memory_space<vmem>>, vector<128x128xf32>,
    %mul3A_355 = arith.constant 25 : i32
    %mul3A_356 = arith.muli %arg0, %mul3A_355 : i32
    %add3A_357 = arith.constant 9 : i32
    %add3A_358 = arith.addi %mul3A_356, %add3A_357 : i32
    %get3A_359 = arith.index_cast %add3A_358 : i32 to index
    %get3A_360 = arith.constant 0 : index
    %get3A_361 = vector.load %arg2[%get3A_359, %get3A_360] : memref<2500x128xf32, #tpu.memory_space<vmem>>, vector<1x128xf32>
    %mul3A_362 = arith.constant 0.628318548 : f32
    %mul3A_363 = vector.broadcast %mul3A_362 : f32 to vector<1x128xf32>
    %mul3A_364 = arith.mulf %get3A_361, %mul3A_363 : vector<1x128xf32>
    %cos3A_365 = math.cos %mul3A_364 : vector<1x128xf32>
    %add3A_366 = arith.constant 1.000000e+00 : f32
    %add3A_367 = vector.broadcast %add3A_366 : f32 to vector<1x128xf32>
    %add3A_368 = arith.addf %cos3A_365, %add3A_367 : vector<1x128xf32>
    %mul3A_369 = arith.constant 5.000000e-01 : f32
    %mul3A_370 = vector.broadcast %mul3A_369 : f32 to vector<1x128xf32>
    %mul3A_371 = arith.mulf %mul3A_370, %add3A_368 : vector<1x128xf32>
    %lt3A_372 = arith.constant 5.000000e+00 : f32
    %lt3A_373 = vector.broadcast %lt3A_372 : f32 to vector<1x128xf32>
    %lt3A_374 = arith.cmpf olt, %get3A_361, %lt3A_373 : vector<1x128xf32>
    %convert_element_type3A_375 = arith.extui %lt3A_374 : vector<1x128xi1> to vector<1x128xi32>
    %convert_element_type3A_376 = arith.sitofp %convert_element_type3A_375 : vector<1x128xi32> to vector<1x128xf32>
    %mul3A_377 = arith.mulf %mul3A_371, %convert_element_type3A_376 : vector<1x128xf32>
    %mul3A_378 = vector.broadcast %mul3A_377 : vector<1x128xf32> to vector<128x128xf32>
    %mul3A_379 = arith.mulf %convert_element_type3A_40, %mul3A_378 : vector<128x128xf32>
    %dot_general3A_380 = arith.constant dense<0.000000e+00> : vector<128x1xf32>
    %dot_general3A_381 = tpu.matmul %mul3A_379, %broadcast_in_dim3A_42, %dot_general3A_380 {dimension_numbers = #tpu.dot_dimension_numbers<[1], [0], [0], [1], [0, 0, 1, 1], [], []>, transpose_lhs_hint = false} : vector<128x128xf32>, vector<128x1xf32>, vector<128x1xf32> -> vector<128x1xf32>
    %get3A_382 = arith.constant 1152 : index
    %get3A_383 = arith.constant 0 : index
    %get3A_384 = vector.load %arg7[%get3A_382, %get3A_383] : memref<3200x128xf32, #tpu.memory_space<vmem>>, vector<128x128xf32>
    %mul3A_385 = vector.broadcast %dot_general3A_381 : vector<128x1xf32> to vector<128x128xf32>
    %mul3A_386 = arith.mulf %get3A_384, %mul3A_385 : vector<128x128xf32>
    %swap3A_387 = arith.constant 1152 : index
    %swap3A_388 = arith.constant 0 : index
    %swap3A_389 = vector.load %arg7[%swap3A_387, %swap3A_388] : memref<3200x128xf32, #tpu.memory_space<vmem>>, vector<128x128xf32>
    tpu.vector_store %arg7[%swap3A_387, %swap3A_388], %mul3A_386 {strides = array<i32>} : memref<3200x128xf32, #tpu.memory_space<vmem>>, vector<128x128xf32>,
    %mul3A_390 = arith.constant 25 : i32
    %mul3A_391 = arith.muli %arg0, %mul3A_390 : i32
    %add3A_392 = arith.constant 10 : i32
    %add3A_393 = arith.addi %mul3A_391, %add3A_392 : i32
    %get3A_394 = arith.index_cast %add3A_393 : i32 to index
    %get3A_395 = arith.constant 0 : index
    %get3A_396 = vector.load %arg2[%get3A_394, %get3A_395] : memref<2500x128xf32, #tpu.memory_space<vmem>>, vector<1x128xf32>
    %mul3A_397 = arith.constant 0.628318548 : f32
    %mul3A_398 = vector.broadcast %mul3A_397 : f32 to vector<1x128xf32>
    %mul3A_399 = arith.mulf %get3A_396, %mul3A_398 : vector<1x128xf32>
    %cos3A_400 = math.cos %mul3A_399 : vector<1x128xf32>
    %add3A_401 = arith.constant 1.000000e+00 : f32
    %add3A_402 = vector.broadcast %add3A_401 : f32 to vector<1x128xf32>
    %add3A_403 = arith.addf %cos3A_400, %add3A_402 : vector<1x128xf32>
    %mul3A_404 = arith.constant 5.000000e-01 : f32
    %mul3A_405 = vector.broadcast %mul3A_404 : f32 to vector<1x128xf32>
    %mul3A_406 = arith.mulf %mul3A_405, %add3A_403 : vector<1x128xf32>
    %lt3A_407 = arith.constant 5.000000e+00 : f32
    %lt3A_408 = vector.broadcast %lt3A_407 : f32 to vector<1x128xf32>
    %lt3A_409 = arith.cmpf olt, %get3A_396, %lt3A_408 : vector<1x128xf32>
    %convert_element_type3A_410 = arith.extui %lt3A_409 : vector<1x128xi1> to vector<1x128xi32>
    %convert_element_type3A_411 = arith.sitofp %convert_element_type3A_410 : vector<1x128xi32> to vector<1x128xf32>
    %mul3A_412 = arith.mulf %mul3A_406, %convert_element_type3A_411 : vector<1x128xf32>
    %mul3A_413 = vector.broadcast %mul3A_412 : vector<1x128xf32> to vector<128x128xf32>
    %mul3A_414 = arith.mulf %convert_element_type3A_40, %mul3A_413 : vector<128x128xf32>
    %dot_general3A_415 = arith.constant dense<0.000000e+00> : vector<128x1xf32>
    %dot_general3A_416 = tpu.matmul %mul3A_414, %broadcast_in_dim3A_42, %dot_general3A_415 {dimension_numbers = #tpu.dot_dimension_numbers<[1], [0], [0], [1], [0, 0, 1, 1], [], []>, transpose_lhs_hint = false} : vector<128x128xf32>, vector<128x1xf32>, vector<128x1xf32> -> vector<128x1xf32>
    %get3A_417 = arith.constant 1280 : index
    %get3A_418 = arith.constant 0 : index
    %get3A_419 = vector.load %arg7[%get3A_417, %get3A_418] : memref<3200x128xf32, #tpu.memory_space<vmem>>, vector<128x128xf32>
    %mul3A_420 = vector.broadcast %dot_general3A_416 : vector<128x1xf32> to vector<128x128xf32>
    %mul3A_421 = arith.mulf %get3A_419, %mul3A_420 : vector<128x128xf32>
    %swap3A_422 = arith.constant 1280 : index
    %swap3A_423 = arith.constant 0 : index
    %swap3A_424 = vector.load %arg7[%swap3A_422, %swap3A_423] : memref<3200x128xf32, #tpu.memory_space<vmem>>, vector<128x128xf32>
    tpu.vector_store %arg7[%swap3A_422, %swap3A_423], %mul3A_421 {strides = array<i32>} : memref<3200x128xf32, #tpu.memory_space<vmem>>, vector<128x128xf32>,
    %mul3A_425 = arith.constant 25 : i32
    %mul3A_426 = arith.muli %arg0, %mul3A_425 : i32
    %add3A_427 = arith.constant 11 : i32
    %add3A_428 = arith.addi %mul3A_426, %add3A_427 : i32
    %get3A_429 = arith.index_cast %add3A_428 : i32 to index
    %get3A_430 = arith.constant 0 : index
    %get3A_431 = vector.load %arg2[%get3A_429, %get3A_430] : memref<2500x128xf32, #tpu.memory_space<vmem>>, vector<1x128xf32>
    %mul3A_432 = arith.constant 0.628318548 : f32
    %mul3A_433 = vector.broadcast %mul3A_432 : f32 to vector<1x128xf32>
    %mul3A_434 = arith.mulf %get3A_431, %mul3A_433 : vector<1x128xf32>
    %cos3A_435 = math.cos %mul3A_434 : vector<1x128xf32>
    %add3A_436 = arith.constant 1.000000e+00 : f32
    %add3A_437 = vector.broadcast %add3A_436 : f32 to vector<1x128xf32>
    %add3A_438 = arith.addf %cos3A_435, %add3A_437 : vector<1x128xf32>
    %mul3A_439 = arith.constant 5.000000e-01 : f32
    %mul3A_440 = vector.broadcast %mul3A_439 : f32 to vector<1x128xf32>
    %mul3A_441 = arith.mulf %mul3A_440, %add3A_438 : vector<1x128xf32>
    %lt3A_442 = arith.constant 5.000000e+00 : f32
    %lt3A_443 = vector.broadcast %lt3A_442 : f32 to vector<1x128xf32>
    %lt3A_444 = arith.cmpf olt, %get3A_431, %lt3A_443 : vector<1x128xf32>
    %convert_element_type3A_445 = arith.extui %lt3A_444 : vector<1x128xi1> to vector<1x128xi32>
    %convert_element_type3A_446 = arith.sitofp %convert_element_type3A_445 : vector<1x128xi32> to vector<1x128xf32>
    %mul3A_447 = arith.mulf %mul3A_441, %convert_element_type3A_446 : vector<1x128xf32>
    %mul3A_448 = vector.broadcast %mul3A_447 : vector<1x128xf32> to vector<128x128xf32>
    %mul3A_449 = arith.mulf %convert_element_type3A_40, %mul3A_448 : vector<128x128xf32>
    %dot_general3A_450 = arith.constant dense<0.000000e+00> : vector<128x1xf32>
    %dot_general3A_451 = tpu.matmul %mul3A_449, %broadcast_in_dim3A_42, %dot_general3A_450 {dimension_numbers = #tpu.dot_dimension_numbers<[1], [0], [0], [1], [0, 0, 1, 1], [], []>, transpose_lhs_hint = false} : vector<128x128xf32>, vector<128x1xf32>, vector<128x1xf32> -> vector<128x1xf32>
    %get3A_452 = arith.constant 1408 : index
    %get3A_453 = arith.constant 0 : index
    %get3A_454 = vector.load %arg7[%get3A_452, %get3A_453] : memref<3200x128xf32, #tpu.memory_space<vmem>>, vector<128x128xf32>
    %mul3A_455 = vector.broadcast %dot_general3A_451 : vector<128x1xf32> to vector<128x128xf32>
    %mul3A_456 = arith.mulf %get3A_454, %mul3A_455 : vector<128x128xf32>
    %swap3A_457 = arith.constant 1408 : index
    %swap3A_458 = arith.constant 0 : index
    %swap3A_459 = vector.load %arg7[%swap3A_457, %swap3A_458] : memref<3200x128xf32, #tpu.memory_space<vmem>>, vector<128x128xf32>
    tpu.vector_store %arg7[%swap3A_457, %swap3A_458], %mul3A_456 {strides = array<i32>} : memref<3200x128xf32, #tpu.memory_space<vmem>>, vector<128x128xf32>,
    %mul3A_460 = arith.constant 25 : i32
    %mul3A_461 = arith.muli %arg0, %mul3A_460 : i32
    %add3A_462 = arith.constant 12 : i32
    %add3A_463 = arith.addi %mul3A_461, %add3A_462 : i32
    %get3A_464 = arith.index_cast %add3A_463 : i32 to index
    %get3A_465 = arith.constant 0 : index
    %get3A_466 = vector.load %arg2[%get3A_464, %get3A_465] : memref<2500x128xf32, #tpu.memory_space<vmem>>, vector<1x128xf32>
    %mul3A_467 = arith.constant 0.628318548 : f32
    %mul3A_468 = vector.broadcast %mul3A_467 : f32 to vector<1x128xf32>
    %mul3A_469 = arith.mulf %get3A_466, %mul3A_468 : vector<1x128xf32>
    %cos3A_470 = math.cos %mul3A_469 : vector<1x128xf32>
    %add3A_471 = arith.constant 1.000000e+00 : f32
    %add3A_472 = vector.broadcast %add3A_471 : f32 to vector<1x128xf32>
    %add3A_473 = arith.addf %cos3A_470, %add3A_472 : vector<1x128xf32>
    %mul3A_474 = arith.constant 5.000000e-01 : f32
    %mul3A_475 = vector.broadcast %mul3A_474 : f32 to vector<1x128xf32>
    %mul3A_476 = arith.mulf %mul3A_475, %add3A_473 : vector<1x128xf32>
    %lt3A_477 = arith.constant 5.000000e+00 : f32
    %lt3A_478 = vector.broadcast %lt3A_477 : f32 to vector<1x128xf32>
    %lt3A_479 = arith.cmpf olt, %get3A_466, %lt3A_478 : vector<1x128xf32>
    %convert_element_type3A_480 = arith.extui %lt3A_479 : vector<1x128xi1> to vector<1x128xi32>
    %convert_element_type3A_481 = arith.sitofp %convert_element_type3A_480 : vector<1x128xi32> to vector<1x128xf32>
    %mul3A_482 = arith.mulf %mul3A_476, %convert_element_type3A_481 : vector<1x128xf32>
    %mul3A_483 = vector.broadcast %mul3A_482 : vector<1x128xf32> to vector<128x128xf32>
    %mul3A_484 = arith.mulf %convert_element_type3A_40, %mul3A_483 : vector<128x128xf32>
    %dot_general3A_485 = arith.constant dense<0.000000e+00> : vector<128x1xf32>
    %dot_general3A_486 = tpu.matmul %mul3A_484, %broadcast_in_dim3A_42, %dot_general3A_485 {dimension_numbers = #tpu.dot_dimension_numbers<[1], [0], [0], [1], [0, 0, 1, 1], [], []>, transpose_lhs_hint = false} : vector<128x128xf32>, vector<128x1xf32>, vector<128x1xf32> -> vector<128x1xf32>
    %get3A_487 = arith.constant 1536 : index
    %get3A_488 = arith.constant 0 : index
    %get3A_489 = vector.load %arg7[%get3A_487, %get3A_488] : memref<3200x128xf32, #tpu.memory_space<vmem>>, vector<128x128xf32>
    %mul3A_490 = vector.broadcast %dot_general3A_486 : vector<128x1xf32> to vector<128x128xf32>
    %mul3A_491 = arith.mulf %get3A_489, %mul3A_490 : vector<128x128xf32>
    %swap3A_492 = arith.constant 1536 : index
    %swap3A_493 = arith.constant 0 : index
    %swap3A_494 = vector.load %arg7[%swap3A_492, %swap3A_493] : memref<3200x128xf32, #tpu.memory_space<vmem>>, vector<128x128xf32>
    tpu.vector_store %arg7[%swap3A_492, %swap3A_493], %mul3A_491 {strides = array<i32>} : memref<3200x128xf32, #tpu.memory_space<vmem>>, vector<128x128xf32>,
    %mul3A_495 = arith.constant 25 : i32
    %mul3A_496 = arith.muli %arg0, %mul3A_495 : i32
    %add3A_497 = arith.constant 13 : i32
    %add3A_498 = arith.addi %mul3A_496, %add3A_497 : i32
    %get3A_499 = arith.index_cast %add3A_498 : i32 to index
    %get3A_500 = arith.constant 0 : index
    %get3A_501 = vector.load %arg2[%get3A_499, %get3A_500] : memref<2500x128xf32, #tpu.memory_space<vmem>>, vector<1x128xf32>
    %mul3A_502 = arith.constant 0.628318548 : f32
    %mul3A_503 = vector.broadcast %mul3A_502 : f32 to vector<1x128xf32>
    %mul3A_504 = arith.mulf %get3A_501, %mul3A_503 : vector<1x128xf32>
    %cos3A_505 = math.cos %mul3A_504 : vector<1x128xf32>
    %add3A_506 = arith.constant 1.000000e+00 : f32
    %add3A_507 = vector.broadcast %add3A_506 : f32 to vector<1x128xf32>
    %add3A_508 = arith.addf %cos3A_505, %add3A_507 : vector<1x128xf32>
    %mul3A_509 = arith.constant 5.000000e-01 : f32
    %mul3A_510 = vector.broadcast %mul3A_509 : f32 to vector<1x128xf32>
    %mul3A_511 = arith.mulf %mul3A_510, %add3A_508 : vector<1x128xf32>
    %lt3A_512 = arith.constant 5.000000e+00 : f32
    %lt3A_513 = vector.broadcast %lt3A_512 : f32 to vector<1x128xf32>
    %lt3A_514 = arith.cmpf olt, %get3A_501, %lt3A_513 : vector<1x128xf32>
    %convert_element_type3A_515 = arith.extui %lt3A_514 : vector<1x128xi1> to vector<1x128xi32>
    %convert_element_type3A_516 = arith.sitofp %convert_element_type3A_515 : vector<1x128xi32> to vector<1x128xf32>
    %mul3A_517 = arith.mulf %mul3A_511, %convert_element_type3A_516 : vector<1x128xf32>
    %mul3A_518 = vector.broadcast %mul3A_517 : vector<1x128xf32> to vector<128x128xf32>
    %mul3A_519 = arith.mulf %convert_element_type3A_40, %mul3A_518 : vector<128x128xf32>
    %dot_general3A_520 = arith.constant dense<0.000000e+00> : vector<128x1xf32>
    %dot_general3A_521 = tpu.matmul %mul3A_519, %broadcast_in_dim3A_42, %dot_general3A_520 {dimension_numbers = #tpu.dot_dimension_numbers<[1], [0], [0], [1], [0, 0, 1, 1], [], []>, transpose_lhs_hint = false} : vector<128x128xf32>, vector<128x1xf32>, vector<128x1xf32> -> vector<128x1xf32>
    %get3A_522 = arith.constant 1664 : index
    %get3A_523 = arith.constant 0 : index
    %get3A_524 = vector.load %arg7[%get3A_522, %get3A_523] : memref<3200x128xf32, #tpu.memory_space<vmem>>, vector<128x128xf32>
    %mul3A_525 = vector.broadcast %dot_general3A_521 : vector<128x1xf32> to vector<128x128xf32>
    %mul3A_526 = arith.mulf %get3A_524, %mul3A_525 : vector<128x128xf32>
    %swap3A_527 = arith.constant 1664 : index
    %swap3A_528 = arith.constant 0 : index
    %swap3A_529 = vector.load %arg7[%swap3A_527, %swap3A_528] : memref<3200x128xf32, #tpu.memory_space<vmem>>, vector<128x128xf32>
    tpu.vector_store %arg7[%swap3A_527, %swap3A_528], %mul3A_526 {strides = array<i32>} : memref<3200x128xf32, #tpu.memory_space<vmem>>, vector<128x128xf32>,
    %mul3A_530 = arith.constant 25 : i32
    %mul3A_531 = arith.muli %arg0, %mul3A_530 : i32
    %add3A_532 = arith.constant 14 : i32
    %add3A_533 = arith.addi %mul3A_531, %add3A_532 : i32
    %get3A_534 = arith.index_cast %add3A_533 : i32 to index
    %get3A_535 = arith.constant 0 : index
    %get3A_536 = vector.load %arg2[%get3A_534, %get3A_535] : memref<2500x128xf32, #tpu.memory_space<vmem>>, vector<1x128xf32>
    %mul3A_537 = arith.constant 0.628318548 : f32
    %mul3A_538 = vector.broadcast %mul3A_537 : f32 to vector<1x128xf32>
    %mul3A_539 = arith.mulf %get3A_536, %mul3A_538 : vector<1x128xf32>
    %cos3A_540 = math.cos %mul3A_539 : vector<1x128xf32>
    %add3A_541 = arith.constant 1.000000e+00 : f32
    %add3A_542 = vector.broadcast %add3A_541 : f32 to vector<1x128xf32>
    %add3A_543 = arith.addf %cos3A_540, %add3A_542 : vector<1x128xf32>
    %mul3A_544 = arith.constant 5.000000e-01 : f32
    %mul3A_545 = vector.broadcast %mul3A_544 : f32 to vector<1x128xf32>
    %mul3A_546 = arith.mulf %mul3A_545, %add3A_543 : vector<1x128xf32>
    %lt3A_547 = arith.constant 5.000000e+00 : f32
    %lt3A_548 = vector.broadcast %lt3A_547 : f32 to vector<1x128xf32>
    %lt3A_549 = arith.cmpf olt, %get3A_536, %lt3A_548 : vector<1x128xf32>
    %convert_element_type3A_550 = arith.extui %lt3A_549 : vector<1x128xi1> to vector<1x128xi32>
    %convert_element_type3A_551 = arith.sitofp %convert_element_type3A_550 : vector<1x128xi32> to vector<1x128xf32>
    %mul3A_552 = arith.mulf %mul3A_546, %convert_element_type3A_551 : vector<1x128xf32>
    %mul3A_553 = vector.broadcast %mul3A_552 : vector<1x128xf32> to vector<128x128xf32>
    %mul3A_554 = arith.mulf %convert_element_type3A_40, %mul3A_553 : vector<128x128xf32>
    %dot_general3A_555 = arith.constant dense<0.000000e+00> : vector<128x1xf32>
    %dot_general3A_556 = tpu.matmul %mul3A_554, %broadcast_in_dim3A_42, %dot_general3A_555 {dimension_numbers = #tpu.dot_dimension_numbers<[1], [0], [0], [1], [0, 0, 1, 1], [], []>, transpose_lhs_hint = false} : vector<128x128xf32>, vector<128x1xf32>, vector<128x1xf32> -> vector<128x1xf32>
    %get3A_557 = arith.constant 1792 : index
    %get3A_558 = arith.constant 0 : index
    %get3A_559 = vector.load %arg7[%get3A_557, %get3A_558] : memref<3200x128xf32, #tpu.memory_space<vmem>>, vector<128x128xf32>
    %mul3A_560 = vector.broadcast %dot_general3A_556 : vector<128x1xf32> to vector<128x128xf32>
    %mul3A_561 = arith.mulf %get3A_559, %mul3A_560 : vector<128x128xf32>
    %swap3A_562 = arith.constant 1792 : index
    %swap3A_563 = arith.constant 0 : index
    %swap3A_564 = vector.load %arg7[%swap3A_562, %swap3A_563] : memref<3200x128xf32, #tpu.memory_space<vmem>>, vector<128x128xf32>
    tpu.vector_store %arg7[%swap3A_562, %swap3A_563], %mul3A_561 {strides = array<i32>} : memref<3200x128xf32, #tpu.memory_space<vmem>>, vector<128x128xf32>,
    %mul3A_565 = arith.constant 25 : i32
    %mul3A_566 = arith.muli %arg0, %mul3A_565 : i32
    %add3A_567 = arith.constant 15 : i32
    %add3A_568 = arith.addi %mul3A_566, %add3A_567 : i32
    %get3A_569 = arith.index_cast %add3A_568 : i32 to index
    %get3A_570 = arith.constant 0 : index
    %get3A_571 = vector.load %arg2[%get3A_569, %get3A_570] : memref<2500x128xf32, #tpu.memory_space<vmem>>, vector<1x128xf32>
    %mul3A_572 = arith.constant 0.628318548 : f32
    %mul3A_573 = vector.broadcast %mul3A_572 : f32 to vector<1x128xf32>
    %mul3A_574 = arith.mulf %get3A_571, %mul3A_573 : vector<1x128xf32>
    %cos3A_575 = math.cos %mul3A_574 : vector<1x128xf32>
    %add3A_576 = arith.constant 1.000000e+00 : f32
    %add3A_577 = vector.broadcast %add3A_576 : f32 to vector<1x128xf32>
    %add3A_578 = arith.addf %cos3A_575, %add3A_577 : vector<1x128xf32>
    %mul3A_579 = arith.constant 5.000000e-01 : f32
    %mul3A_580 = vector.broadcast %mul3A_579 : f32 to vector<1x128xf32>
    %mul3A_581 = arith.mulf %mul3A_580, %add3A_578 : vector<1x128xf32>
    %lt3A_582 = arith.constant 5.000000e+00 : f32
    %lt3A_583 = vector.broadcast %lt3A_582 : f32 to vector<1x128xf32>
    %lt3A_584 = arith.cmpf olt, %get3A_571, %lt3A_583 : vector<1x128xf32>
    %convert_element_type3A_585 = arith.extui %lt3A_584 : vector<1x128xi1> to vector<1x128xi32>
    %convert_element_type3A_586 = arith.sitofp %convert_element_type3A_585 : vector<1x128xi32> to vector<1x128xf32>
    %mul3A_587 = arith.mulf %mul3A_581, %convert_element_type3A_586 : vector<1x128xf32>
    %mul3A_588 = vector.broadcast %mul3A_587 : vector<1x128xf32> to vector<128x128xf32>
    %mul3A_589 = arith.mulf %convert_element_type3A_40, %mul3A_588 : vector<128x128xf32>
    %dot_general3A_590 = arith.constant dense<0.000000e+00> : vector<128x1xf32>
    %dot_general3A_591 = tpu.matmul %mul3A_589, %broadcast_in_dim3A_42, %dot_general3A_590 {dimension_numbers = #tpu.dot_dimension_numbers<[1], [0], [0], [1], [0, 0, 1, 1], [], []>, transpose_lhs_hint = false} : vector<128x128xf32>, vector<128x1xf32>, vector<128x1xf32> -> vector<128x1xf32>
    %get3A_592 = arith.constant 1920 : index
    %get3A_593 = arith.constant 0 : index
    %get3A_594 = vector.load %arg7[%get3A_592, %get3A_593] : memref<3200x128xf32, #tpu.memory_space<vmem>>, vector<128x128xf32>
    %mul3A_595 = vector.broadcast %dot_general3A_591 : vector<128x1xf32> to vector<128x128xf32>
    %mul3A_596 = arith.mulf %get3A_594, %mul3A_595 : vector<128x128xf32>
    %swap3A_597 = arith.constant 1920 : index
    %swap3A_598 = arith.constant 0 : index
    %swap3A_599 = vector.load %arg7[%swap3A_597, %swap3A_598] : memref<3200x128xf32, #tpu.memory_space<vmem>>, vector<128x128xf32>
    tpu.vector_store %arg7[%swap3A_597, %swap3A_598], %mul3A_596 {strides = array<i32>} : memref<3200x128xf32, #tpu.memory_space<vmem>>, vector<128x128xf32>,
    %mul3A_600 = arith.constant 25 : i32
    %mul3A_601 = arith.muli %arg0, %mul3A_600 : i32
    %add3A_602 = arith.constant 16 : i32
    %add3A_603 = arith.addi %mul3A_601, %add3A_602 : i32
    %get3A_604 = arith.index_cast %add3A_603 : i32 to index
    %get3A_605 = arith.constant 0 : index
    %get3A_606 = vector.load %arg2[%get3A_604, %get3A_605] : memref<2500x128xf32, #tpu.memory_space<vmem>>, vector<1x128xf32>
    %mul3A_607 = arith.constant 0.628318548 : f32
    %mul3A_608 = vector.broadcast %mul3A_607 : f32 to vector<1x128xf32>
    %mul3A_609 = arith.mulf %get3A_606, %mul3A_608 : vector<1x128xf32>
    %cos3A_610 = math.cos %mul3A_609 : vector<1x128xf32>
    %add3A_611 = arith.constant 1.000000e+00 : f32
    %add3A_612 = vector.broadcast %add3A_611 : f32 to vector<1x128xf32>
    %add3A_613 = arith.addf %cos3A_610, %add3A_612 : vector<1x128xf32>
    %mul3A_614 = arith.constant 5.000000e-01 : f32
    %mul3A_615 = vector.broadcast %mul3A_614 : f32 to vector<1x128xf32>
    %mul3A_616 = arith.mulf %mul3A_615, %add3A_613 : vector<1x128xf32>
    %lt3A_617 = arith.constant 5.000000e+00 : f32
    %lt3A_618 = vector.broadcast %lt3A_617 : f32 to vector<1x128xf32>
    %lt3A_619 = arith.cmpf olt, %get3A_606, %lt3A_618 : vector<1x128xf32>
    %convert_element_type3A_620 = arith.extui %lt3A_619 : vector<1x128xi1> to vector<1x128xi32>
    %convert_element_type3A_621 = arith.sitofp %convert_element_type3A_620 : vector<1x128xi32> to vector<1x128xf32>
    %mul3A_622 = arith.mulf %mul3A_616, %convert_element_type3A_621 : vector<1x128xf32>
    %mul3A_623 = vector.broadcast %mul3A_622 : vector<1x128xf32> to vector<128x128xf32>
    %mul3A_624 = arith.mulf %convert_element_type3A_40, %mul3A_623 : vector<128x128xf32>
    %dot_general3A_625 = arith.constant dense<0.000000e+00> : vector<128x1xf32>
    %dot_general3A_626 = tpu.matmul %mul3A_624, %broadcast_in_dim3A_42, %dot_general3A_625 {dimension_numbers = #tpu.dot_dimension_numbers<[1], [0], [0], [1], [0, 0, 1, 1], [], []>, transpose_lhs_hint = false} : vector<128x128xf32>, vector<128x1xf32>, vector<128x1xf32> -> vector<128x1xf32>
    %get3A_627 = arith.constant 2048 : index
    %get3A_628 = arith.constant 0 : index
    %get3A_629 = vector.load %arg7[%get3A_627, %get3A_628] : memref<3200x128xf32, #tpu.memory_space<vmem>>, vector<128x128xf32>
    %mul3A_630 = vector.broadcast %dot_general3A_626 : vector<128x1xf32> to vector<128x128xf32>
    %mul3A_631 = arith.mulf %get3A_629, %mul3A_630 : vector<128x128xf32>
    %swap3A_632 = arith.constant 2048 : index
    %swap3A_633 = arith.constant 0 : index
    %swap3A_634 = vector.load %arg7[%swap3A_632, %swap3A_633] : memref<3200x128xf32, #tpu.memory_space<vmem>>, vector<128x128xf32>
    tpu.vector_store %arg7[%swap3A_632, %swap3A_633], %mul3A_631 {strides = array<i32>} : memref<3200x128xf32, #tpu.memory_space<vmem>>, vector<128x128xf32>,
    %mul3A_635 = arith.constant 25 : i32
    %mul3A_636 = arith.muli %arg0, %mul3A_635 : i32
    %add3A_637 = arith.constant 17 : i32
    %add3A_638 = arith.addi %mul3A_636, %add3A_637 : i32
    %get3A_639 = arith.index_cast %add3A_638 : i32 to index
    %get3A_640 = arith.constant 0 : index
    %get3A_641 = vector.load %arg2[%get3A_639, %get3A_640] : memref<2500x128xf32, #tpu.memory_space<vmem>>, vector<1x128xf32>
    %mul3A_642 = arith.constant 0.628318548 : f32
    %mul3A_643 = vector.broadcast %mul3A_642 : f32 to vector<1x128xf32>
    %mul3A_644 = arith.mulf %get3A_641, %mul3A_643 : vector<1x128xf32>
    %cos3A_645 = math.cos %mul3A_644 : vector<1x128xf32>
    %add3A_646 = arith.constant 1.000000e+00 : f32
    %add3A_647 = vector.broadcast %add3A_646 : f32 to vector<1x128xf32>
    %add3A_648 = arith.addf %cos3A_645, %add3A_647 : vector<1x128xf32>
    %mul3A_649 = arith.constant 5.000000e-01 : f32
    %mul3A_650 = vector.broadcast %mul3A_649 : f32 to vector<1x128xf32>
    %mul3A_651 = arith.mulf %mul3A_650, %add3A_648 : vector<1x128xf32>
    %lt3A_652 = arith.constant 5.000000e+00 : f32
    %lt3A_653 = vector.broadcast %lt3A_652 : f32 to vector<1x128xf32>
    %lt3A_654 = arith.cmpf olt, %get3A_641, %lt3A_653 : vector<1x128xf32>
    %convert_element_type3A_655 = arith.extui %lt3A_654 : vector<1x128xi1> to vector<1x128xi32>
    %convert_element_type3A_656 = arith.sitofp %convert_element_type3A_655 : vector<1x128xi32> to vector<1x128xf32>
    %mul3A_657 = arith.mulf %mul3A_651, %convert_element_type3A_656 : vector<1x128xf32>
    %mul3A_658 = vector.broadcast %mul3A_657 : vector<1x128xf32> to vector<128x128xf32>
    %mul3A_659 = arith.mulf %convert_element_type3A_40, %mul3A_658 : vector<128x128xf32>
    %dot_general3A_660 = arith.constant dense<0.000000e+00> : vector<128x1xf32>
    %dot_general3A_661 = tpu.matmul %mul3A_659, %broadcast_in_dim3A_42, %dot_general3A_660 {dimension_numbers = #tpu.dot_dimension_numbers<[1], [0], [0], [1], [0, 0, 1, 1], [], []>, transpose_lhs_hint = false} : vector<128x128xf32>, vector<128x1xf32>, vector<128x1xf32> -> vector<128x1xf32>
    %get3A_662 = arith.constant 2176 : index
    %get3A_663 = arith.constant 0 : index
    %get3A_664 = vector.load %arg7[%get3A_662, %get3A_663] : memref<3200x128xf32, #tpu.memory_space<vmem>>, vector<128x128xf32>
    %mul3A_665 = vector.broadcast %dot_general3A_661 : vector<128x1xf32> to vector<128x128xf32>
    %mul3A_666 = arith.mulf %get3A_664, %mul3A_665 : vector<128x128xf32>
    %swap3A_667 = arith.constant 2176 : index
    %swap3A_668 = arith.constant 0 : index
    %swap3A_669 = vector.load %arg7[%swap3A_667, %swap3A_668] : memref<3200x128xf32, #tpu.memory_space<vmem>>, vector<128x128xf32>
    tpu.vector_store %arg7[%swap3A_667, %swap3A_668], %mul3A_666 {strides = array<i32>} : memref<3200x128xf32, #tpu.memory_space<vmem>>, vector<128x128xf32>,
    %mul3A_670 = arith.constant 25 : i32
    %mul3A_671 = arith.muli %arg0, %mul3A_670 : i32
    %add3A_672 = arith.constant 18 : i32
    %add3A_673 = arith.addi %mul3A_671, %add3A_672 : i32
    %get3A_674 = arith.index_cast %add3A_673 : i32 to index
    %get3A_675 = arith.constant 0 : index
    %get3A_676 = vector.load %arg2[%get3A_674, %get3A_675] : memref<2500x128xf32, #tpu.memory_space<vmem>>, vector<1x128xf32>
    %mul3A_677 = arith.constant 0.628318548 : f32
    %mul3A_678 = vector.broadcast %mul3A_677 : f32 to vector<1x128xf32>
    %mul3A_679 = arith.mulf %get3A_676, %mul3A_678 : vector<1x128xf32>
    %cos3A_680 = math.cos %mul3A_679 : vector<1x128xf32>
    %add3A_681 = arith.constant 1.000000e+00 : f32
    %add3A_682 = vector.broadcast %add3A_681 : f32 to vector<1x128xf32>
    %add3A_683 = arith.addf %cos3A_680, %add3A_682 : vector<1x128xf32>
    %mul3A_684 = arith.constant 5.000000e-01 : f32
    %mul3A_685 = vector.broadcast %mul3A_684 : f32 to vector<1x128xf32>
    %mul3A_686 = arith.mulf %mul3A_685, %add3A_683 : vector<1x128xf32>
    %lt3A_687 = arith.constant 5.000000e+00 : f32
    %lt3A_688 = vector.broadcast %lt3A_687 : f32 to vector<1x128xf32>
    %lt3A_689 = arith.cmpf olt, %get3A_676, %lt3A_688 : vector<1x128xf32>
    %convert_element_type3A_690 = arith.extui %lt3A_689 : vector<1x128xi1> to vector<1x128xi32>
    %convert_element_type3A_691 = arith.sitofp %convert_element_type3A_690 : vector<1x128xi32> to vector<1x128xf32>
    %mul3A_692 = arith.mulf %mul3A_686, %convert_element_type3A_691 : vector<1x128xf32>
    %mul3A_693 = vector.broadcast %mul3A_692 : vector<1x128xf32> to vector<128x128xf32>
    %mul3A_694 = arith.mulf %convert_element_type3A_40, %mul3A_693 : vector<128x128xf32>
    %dot_general3A_695 = arith.constant dense<0.000000e+00> : vector<128x1xf32>
    %dot_general3A_696 = tpu.matmul %mul3A_694, %broadcast_in_dim3A_42, %dot_general3A_695 {dimension_numbers = #tpu.dot_dimension_numbers<[1], [0], [0], [1], [0, 0, 1, 1], [], []>, transpose_lhs_hint = false} : vector<128x128xf32>, vector<128x1xf32>, vector<128x1xf32> -> vector<128x1xf32>
    %get3A_697 = arith.constant 2304 : index
    %get3A_698 = arith.constant 0 : index
    %get3A_699 = vector.load %arg7[%get3A_697, %get3A_698] : memref<3200x128xf32, #tpu.memory_space<vmem>>, vector<128x128xf32>
    %mul3A_700 = vector.broadcast %dot_general3A_696 : vector<128x1xf32> to vector<128x128xf32>
    %mul3A_701 = arith.mulf %get3A_699, %mul3A_700 : vector<128x128xf32>
    %swap3A_702 = arith.constant 2304 : index
    %swap3A_703 = arith.constant 0 : index
    %swap3A_704 = vector.load %arg7[%swap3A_702, %swap3A_703] : memref<3200x128xf32, #tpu.memory_space<vmem>>, vector<128x128xf32>
    tpu.vector_store %arg7[%swap3A_702, %swap3A_703], %mul3A_701 {strides = array<i32>} : memref<3200x128xf32, #tpu.memory_space<vmem>>, vector<128x128xf32>,
    %mul3A_705 = arith.constant 25 : i32
    %mul3A_706 = arith.muli %arg0, %mul3A_705 : i32
    %add3A_707 = arith.constant 19 : i32
    %add3A_708 = arith.addi %mul3A_706, %add3A_707 : i32
    %get3A_709 = arith.index_cast %add3A_708 : i32 to index
    %get3A_710 = arith.constant 0 : index
    %get3A_711 = vector.load %arg2[%get3A_709, %get3A_710] : memref<2500x128xf32, #tpu.memory_space<vmem>>, vector<1x128xf32>
    %mul3A_712 = arith.constant 0.628318548 : f32
    %mul3A_713 = vector.broadcast %mul3A_712 : f32 to vector<1x128xf32>
    %mul3A_714 = arith.mulf %get3A_711, %mul3A_713 : vector<1x128xf32>
    %cos3A_715 = math.cos %mul3A_714 : vector<1x128xf32>
    %add3A_716 = arith.constant 1.000000e+00 : f32
    %add3A_717 = vector.broadcast %add3A_716 : f32 to vector<1x128xf32>
    %add3A_718 = arith.addf %cos3A_715, %add3A_717 : vector<1x128xf32>
    %mul3A_719 = arith.constant 5.000000e-01 : f32
    %mul3A_720 = vector.broadcast %mul3A_719 : f32 to vector<1x128xf32>
    %mul3A_721 = arith.mulf %mul3A_720, %add3A_718 : vector<1x128xf32>
    %lt3A_722 = arith.constant 5.000000e+00 : f32
    %lt3A_723 = vector.broadcast %lt3A_722 : f32 to vector<1x128xf32>
    %lt3A_724 = arith.cmpf olt, %get3A_711, %lt3A_723 : vector<1x128xf32>
    %convert_element_type3A_725 = arith.extui %lt3A_724 : vector<1x128xi1> to vector<1x128xi32>
    %convert_element_type3A_726 = arith.sitofp %convert_element_type3A_725 : vector<1x128xi32> to vector<1x128xf32>
    %mul3A_727 = arith.mulf %mul3A_721, %convert_element_type3A_726 : vector<1x128xf32>
    %mul3A_728 = vector.broadcast %mul3A_727 : vector<1x128xf32> to vector<128x128xf32>
    %mul3A_729 = arith.mulf %convert_element_type3A_40, %mul3A_728 : vector<128x128xf32>
    %dot_general3A_730 = arith.constant dense<0.000000e+00> : vector<128x1xf32>
    %dot_general3A_731 = tpu.matmul %mul3A_729, %broadcast_in_dim3A_42, %dot_general3A_730 {dimension_numbers = #tpu.dot_dimension_numbers<[1], [0], [0], [1], [0, 0, 1, 1], [], []>, transpose_lhs_hint = false} : vector<128x128xf32>, vector<128x1xf32>, vector<128x1xf32> -> vector<128x1xf32>
    %get3A_732 = arith.constant 2432 : index
    %get3A_733 = arith.constant 0 : index
    %get3A_734 = vector.load %arg7[%get3A_732, %get3A_733] : memref<3200x128xf32, #tpu.memory_space<vmem>>, vector<128x128xf32>
    %mul3A_735 = vector.broadcast %dot_general3A_731 : vector<128x1xf32> to vector<128x128xf32>
    %mul3A_736 = arith.mulf %get3A_734, %mul3A_735 : vector<128x128xf32>
    %swap3A_737 = arith.constant 2432 : index
    %swap3A_738 = arith.constant 0 : index
    %swap3A_739 = vector.load %arg7[%swap3A_737, %swap3A_738] : memref<3200x128xf32, #tpu.memory_space<vmem>>, vector<128x128xf32>
    tpu.vector_store %arg7[%swap3A_737, %swap3A_738], %mul3A_736 {strides = array<i32>} : memref<3200x128xf32, #tpu.memory_space<vmem>>, vector<128x128xf32>,
    %mul3A_740 = arith.constant 25 : i32
    %mul3A_741 = arith.muli %arg0, %mul3A_740 : i32
    %add3A_742 = arith.constant 20 : i32
    %add3A_743 = arith.addi %mul3A_741, %add3A_742 : i32
    %get3A_744 = arith.index_cast %add3A_743 : i32 to index
    %get3A_745 = arith.constant 0 : index
    %get3A_746 = vector.load %arg2[%get3A_744, %get3A_745] : memref<2500x128xf32, #tpu.memory_space<vmem>>, vector<1x128xf32>
    %mul3A_747 = arith.constant 0.628318548 : f32
    %mul3A_748 = vector.broadcast %mul3A_747 : f32 to vector<1x128xf32>
    %mul3A_749 = arith.mulf %get3A_746, %mul3A_748 : vector<1x128xf32>
    %cos3A_750 = math.cos %mul3A_749 : vector<1x128xf32>
    %add3A_751 = arith.constant 1.000000e+00 : f32
    %add3A_752 = vector.broadcast %add3A_751 : f32 to vector<1x128xf32>
    %add3A_753 = arith.addf %cos3A_750, %add3A_752 : vector<1x128xf32>
    %mul3A_754 = arith.constant 5.000000e-01 : f32
    %mul3A_755 = vector.broadcast %mul3A_754 : f32 to vector<1x128xf32>
    %mul3A_756 = arith.mulf %mul3A_755, %add3A_753 : vector<1x128xf32>
    %lt3A_757 = arith.constant 5.000000e+00 : f32
    %lt3A_758 = vector.broadcast %lt3A_757 : f32 to vector<1x128xf32>
    %lt3A_759 = arith.cmpf olt, %get3A_746, %lt3A_758 : vector<1x128xf32>
    %convert_element_type3A_760 = arith.extui %lt3A_759 : vector<1x128xi1> to vector<1x128xi32>
    %convert_element_type3A_761 = arith.sitofp %convert_element_type3A_760 : vector<1x128xi32> to vector<1x128xf32>
    %mul3A_762 = arith.mulf %mul3A_756, %convert_element_type3A_761 : vector<1x128xf32>
    %mul3A_763 = vector.broadcast %mul3A_762 : vector<1x128xf32> to vector<128x128xf32>
    %mul3A_764 = arith.mulf %convert_element_type3A_40, %mul3A_763 : vector<128x128xf32>
    %dot_general3A_765 = arith.constant dense<0.000000e+00> : vector<128x1xf32>
    %dot_general3A_766 = tpu.matmul %mul3A_764, %broadcast_in_dim3A_42, %dot_general3A_765 {dimension_numbers = #tpu.dot_dimension_numbers<[1], [0], [0], [1], [0, 0, 1, 1], [], []>, transpose_lhs_hint = false} : vector<128x128xf32>, vector<128x1xf32>, vector<128x1xf32> -> vector<128x1xf32>
    %get3A_767 = arith.constant 2560 : index
    %get3A_768 = arith.constant 0 : index
    %get3A_769 = vector.load %arg7[%get3A_767, %get3A_768] : memref<3200x128xf32, #tpu.memory_space<vmem>>, vector<128x128xf32>
    %mul3A_770 = vector.broadcast %dot_general3A_766 : vector<128x1xf32> to vector<128x128xf32>
    %mul3A_771 = arith.mulf %get3A_769, %mul3A_770 : vector<128x128xf32>
    %swap3A_772 = arith.constant 2560 : index
    %swap3A_773 = arith.constant 0 : index
    %swap3A_774 = vector.load %arg7[%swap3A_772, %swap3A_773] : memref<3200x128xf32, #tpu.memory_space<vmem>>, vector<128x128xf32>
    tpu.vector_store %arg7[%swap3A_772, %swap3A_773], %mul3A_771 {strides = array<i32>} : memref<3200x128xf32, #tpu.memory_space<vmem>>, vector<128x128xf32>,
    %mul3A_775 = arith.constant 25 : i32
    %mul3A_776 = arith.muli %arg0, %mul3A_775 : i32
    %add3A_777 = arith.constant 21 : i32
    %add3A_778 = arith.addi %mul3A_776, %add3A_777 : i32
    %get3A_779 = arith.index_cast %add3A_778 : i32 to index
    %get3A_780 = arith.constant 0 : index
    %get3A_781 = vector.load %arg2[%get3A_779, %get3A_780] : memref<2500x128xf32, #tpu.memory_space<vmem>>, vector<1x128xf32>
    %mul3A_782 = arith.constant 0.628318548 : f32
    %mul3A_783 = vector.broadcast %mul3A_782 : f32 to vector<1x128xf32>
    %mul3A_784 = arith.mulf %get3A_781, %mul3A_783 : vector<1x128xf32>
    %cos3A_785 = math.cos %mul3A_784 : vector<1x128xf32>
    %add3A_786 = arith.constant 1.000000e+00 : f32
    %add3A_787 = vector.broadcast %add3A_786 : f32 to vector<1x128xf32>
    %add3A_788 = arith.addf %cos3A_785, %add3A_787 : vector<1x128xf32>
    %mul3A_789 = arith.constant 5.000000e-01 : f32
    %mul3A_790 = vector.broadcast %mul3A_789 : f32 to vector<1x128xf32>
    %mul3A_791 = arith.mulf %mul3A_790, %add3A_788 : vector<1x128xf32>
    %lt3A_792 = arith.constant 5.000000e+00 : f32
    %lt3A_793 = vector.broadcast %lt3A_792 : f32 to vector<1x128xf32>
    %lt3A_794 = arith.cmpf olt, %get3A_781, %lt3A_793 : vector<1x128xf32>
    %convert_element_type3A_795 = arith.extui %lt3A_794 : vector<1x128xi1> to vector<1x128xi32>
    %convert_element_type3A_796 = arith.sitofp %convert_element_type3A_795 : vector<1x128xi32> to vector<1x128xf32>
    %mul3A_797 = arith.mulf %mul3A_791, %convert_element_type3A_796 : vector<1x128xf32>
    %mul3A_798 = vector.broadcast %mul3A_797 : vector<1x128xf32> to vector<128x128xf32>
    %mul3A_799 = arith.mulf %convert_element_type3A_40, %mul3A_798 : vector<128x128xf32>
    %dot_general3A_800 = arith.constant dense<0.000000e+00> : vector<128x1xf32>
    %dot_general3A_801 = tpu.matmul %mul3A_799, %broadcast_in_dim3A_42, %dot_general3A_800 {dimension_numbers = #tpu.dot_dimension_numbers<[1], [0], [0], [1], [0, 0, 1, 1], [], []>, transpose_lhs_hint = false} : vector<128x128xf32>, vector<128x1xf32>, vector<128x1xf32> -> vector<128x1xf32>
    %get3A_802 = arith.constant 2688 : index
    %get3A_803 = arith.constant 0 : index
    %get3A_804 = vector.load %arg7[%get3A_802, %get3A_803] : memref<3200x128xf32, #tpu.memory_space<vmem>>, vector<128x128xf32>
    %mul3A_805 = vector.broadcast %dot_general3A_801 : vector<128x1xf32> to vector<128x128xf32>
    %mul3A_806 = arith.mulf %get3A_804, %mul3A_805 : vector<128x128xf32>
    %swap3A_807 = arith.constant 2688 : index
    %swap3A_808 = arith.constant 0 : index
    %swap3A_809 = vector.load %arg7[%swap3A_807, %swap3A_808] : memref<3200x128xf32, #tpu.memory_space<vmem>>, vector<128x128xf32>
    tpu.vector_store %arg7[%swap3A_807, %swap3A_808], %mul3A_806 {strides = array<i32>} : memref<3200x128xf32, #tpu.memory_space<vmem>>, vector<128x128xf32>,
    %mul3A_810 = arith.constant 25 : i32
    %mul3A_811 = arith.muli %arg0, %mul3A_810 : i32
    %add3A_812 = arith.constant 22 : i32
    %add3A_813 = arith.addi %mul3A_811, %add3A_812 : i32
    %get3A_814 = arith.index_cast %add3A_813 : i32 to index
    %get3A_815 = arith.constant 0 : index
    %get3A_816 = vector.load %arg2[%get3A_814, %get3A_815] : memref<2500x128xf32, #tpu.memory_space<vmem>>, vector<1x128xf32>
    %mul3A_817 = arith.constant 0.628318548 : f32
    %mul3A_818 = vector.broadcast %mul3A_817 : f32 to vector<1x128xf32>
    %mul3A_819 = arith.mulf %get3A_816, %mul3A_818 : vector<1x128xf32>
    %cos3A_820 = math.cos %mul3A_819 : vector<1x128xf32>
    %add3A_821 = arith.constant 1.000000e+00 : f32
    %add3A_822 = vector.broadcast %add3A_821 : f32 to vector<1x128xf32>
    %add3A_823 = arith.addf %cos3A_820, %add3A_822 : vector<1x128xf32>
    %mul3A_824 = arith.constant 5.000000e-01 : f32
    %mul3A_825 = vector.broadcast %mul3A_824 : f32 to vector<1x128xf32>
    %mul3A_826 = arith.mulf %mul3A_825, %add3A_823 : vector<1x128xf32>
    %lt3A_827 = arith.constant 5.000000e+00 : f32
    %lt3A_828 = vector.broadcast %lt3A_827 : f32 to vector<1x128xf32>
    %lt3A_829 = arith.cmpf olt, %get3A_816, %lt3A_828 : vector<1x128xf32>
    %convert_element_type3A_830 = arith.extui %lt3A_829 : vector<1x128xi1> to vector<1x128xi32>
    %convert_element_type3A_831 = arith.sitofp %convert_element_type3A_830 : vector<1x128xi32> to vector<1x128xf32>
    %mul3A_832 = arith.mulf %mul3A_826, %convert_element_type3A_831 : vector<1x128xf32>
    %mul3A_833 = vector.broadcast %mul3A_832 : vector<1x128xf32> to vector<128x128xf32>
    %mul3A_834 = arith.mulf %convert_element_type3A_40, %mul3A_833 : vector<128x128xf32>
    %dot_general3A_835 = arith.constant dense<0.000000e+00> : vector<128x1xf32>
    %dot_general3A_836 = tpu.matmul %mul3A_834, %broadcast_in_dim3A_42, %dot_general3A_835 {dimension_numbers = #tpu.dot_dimension_numbers<[1], [0], [0], [1], [0, 0, 1, 1], [], []>, transpose_lhs_hint = false} : vector<128x128xf32>, vector<128x1xf32>, vector<128x1xf32> -> vector<128x1xf32>
    %get3A_837 = arith.constant 2816 : index
    %get3A_838 = arith.constant 0 : index
    %get3A_839 = vector.load %arg7[%get3A_837, %get3A_838] : memref<3200x128xf32, #tpu.memory_space<vmem>>, vector<128x128xf32>
    %mul3A_840 = vector.broadcast %dot_general3A_836 : vector<128x1xf32> to vector<128x128xf32>
    %mul3A_841 = arith.mulf %get3A_839, %mul3A_840 : vector<128x128xf32>
    %swap3A_842 = arith.constant 2816 : index
    %swap3A_843 = arith.constant 0 : index
    %swap3A_844 = vector.load %arg7[%swap3A_842, %swap3A_843] : memref<3200x128xf32, #tpu.memory_space<vmem>>, vector<128x128xf32>
    tpu.vector_store %arg7[%swap3A_842, %swap3A_843], %mul3A_841 {strides = array<i32>} : memref<3200x128xf32, #tpu.memory_space<vmem>>, vector<128x128xf32>,
    %mul3A_845 = arith.constant 25 : i32
    %mul3A_846 = arith.muli %arg0, %mul3A_845 : i32
    %add3A_847 = arith.constant 23 : i32
    %add3A_848 = arith.addi %mul3A_846, %add3A_847 : i32
    %get3A_849 = arith.index_cast %add3A_848 : i32 to index
    %get3A_850 = arith.constant 0 : index
    %get3A_851 = vector.load %arg2[%get3A_849, %get3A_850] : memref<2500x128xf32, #tpu.memory_space<vmem>>, vector<1x128xf32>
    %mul3A_852 = arith.constant 0.628318548 : f32
    %mul3A_853 = vector.broadcast %mul3A_852 : f32 to vector<1x128xf32>
    %mul3A_854 = arith.mulf %get3A_851, %mul3A_853 : vector<1x128xf32>
    %cos3A_855 = math.cos %mul3A_854 : vector<1x128xf32>
    %add3A_856 = arith.constant 1.000000e+00 : f32
    %add3A_857 = vector.broadcast %add3A_856 : f32 to vector<1x128xf32>
    %add3A_858 = arith.addf %cos3A_855, %add3A_857 : vector<1x128xf32>
    %mul3A_859 = arith.constant 5.000000e-01 : f32
    %mul3A_860 = vector.broadcast %mul3A_859 : f32 to vector<1x128xf32>
    %mul3A_861 = arith.mulf %mul3A_860, %add3A_858 : vector<1x128xf32>
    %lt3A_862 = arith.constant 5.000000e+00 : f32
    %lt3A_863 = vector.broadcast %lt3A_862 : f32 to vector<1x128xf32>
    %lt3A_864 = arith.cmpf olt, %get3A_851, %lt3A_863 : vector<1x128xf32>
    %convert_element_type3A_865 = arith.extui %lt3A_864 : vector<1x128xi1> to vector<1x128xi32>
    %convert_element_type3A_866 = arith.sitofp %convert_element_type3A_865 : vector<1x128xi32> to vector<1x128xf32>
    %mul3A_867 = arith.mulf %mul3A_861, %convert_element_type3A_866 : vector<1x128xf32>
    %mul3A_868 = vector.broadcast %mul3A_867 : vector<1x128xf32> to vector<128x128xf32>
    %mul3A_869 = arith.mulf %convert_element_type3A_40, %mul3A_868 : vector<128x128xf32>
    %dot_general3A_870 = arith.constant dense<0.000000e+00> : vector<128x1xf32>
    %dot_general3A_871 = tpu.matmul %mul3A_869, %broadcast_in_dim3A_42, %dot_general3A_870 {dimension_numbers = #tpu.dot_dimension_numbers<[1], [0], [0], [1], [0, 0, 1, 1], [], []>, transpose_lhs_hint = false} : vector<128x128xf32>, vector<128x1xf32>, vector<128x1xf32> -> vector<128x1xf32>
    %get3A_872 = arith.constant 2944 : index
    %get3A_873 = arith.constant 0 : index
    %get3A_874 = vector.load %arg7[%get3A_872, %get3A_873] : memref<3200x128xf32, #tpu.memory_space<vmem>>, vector<128x128xf32>
    %mul3A_875 = vector.broadcast %dot_general3A_871 : vector<128x1xf32> to vector<128x128xf32>
    %mul3A_876 = arith.mulf %get3A_874, %mul3A_875 : vector<128x128xf32>
    %swap3A_877 = arith.constant 2944 : index
    %swap3A_878 = arith.constant 0 : index
    %swap3A_879 = vector.load %arg7[%swap3A_877, %swap3A_878] : memref<3200x128xf32, #tpu.memory_space<vmem>>, vector<128x128xf32>
    tpu.vector_store %arg7[%swap3A_877, %swap3A_878], %mul3A_876 {strides = array<i32>} : memref<3200x128xf32, #tpu.memory_space<vmem>>, vector<128x128xf32>,
    %mul3A_880 = arith.constant 25 : i32
    %mul3A_881 = arith.muli %arg0, %mul3A_880 : i32
    %add3A_882 = arith.constant 24 : i32
    %add3A_883 = arith.addi %mul3A_881, %add3A_882 : i32
    %get3A_884 = arith.index_cast %add3A_883 : i32 to index
    %get3A_885 = arith.constant 0 : index
    %get3A_886 = vector.load %arg2[%get3A_884, %get3A_885] : memref<2500x128xf32, #tpu.memory_space<vmem>>, vector<1x128xf32>
    %mul3A_887 = arith.constant 0.628318548 : f32
    %mul3A_888 = vector.broadcast %mul3A_887 : f32 to vector<1x128xf32>
    %mul3A_889 = arith.mulf %get3A_886, %mul3A_888 : vector<1x128xf32>
    %cos3A_890 = math.cos %mul3A_889 : vector<1x128xf32>
    %add3A_891 = arith.constant 1.000000e+00 : f32
    %add3A_892 = vector.broadcast %add3A_891 : f32 to vector<1x128xf32>
    %add3A_893 = arith.addf %cos3A_890, %add3A_892 : vector<1x128xf32>
    %mul3A_894 = arith.constant 5.000000e-01 : f32
    %mul3A_895 = vector.broadcast %mul3A_894 : f32 to vector<1x128xf32>
    %mul3A_896 = arith.mulf %mul3A_895, %add3A_893 : vector<1x128xf32>
    %lt3A_897 = arith.constant 5.000000e+00 : f32
    %lt3A_898 = vector.broadcast %lt3A_897 : f32 to vector<1x128xf32>
    %lt3A_899 = arith.cmpf olt, %get3A_886, %lt3A_898 : vector<1x128xf32>
    %convert_element_type3A_900 = arith.extui %lt3A_899 : vector<1x128xi1> to vector<1x128xi32>
    %convert_element_type3A_901 = arith.sitofp %convert_element_type3A_900 : vector<1x128xi32> to vector<1x128xf32>
    %mul3A_902 = arith.mulf %mul3A_896, %convert_element_type3A_901 : vector<1x128xf32>
    %mul3A_903 = vector.broadcast %mul3A_902 : vector<1x128xf32> to vector<128x128xf32>
    %mul3A_904 = arith.mulf %convert_element_type3A_40, %mul3A_903 : vector<128x128xf32>
    %dot_general3A_905 = arith.constant dense<0.000000e+00> : vector<128x1xf32>
    %dot_general3A_906 = tpu.matmul %mul3A_904, %broadcast_in_dim3A_42, %dot_general3A_905 {dimension_numbers = #tpu.dot_dimension_numbers<[1], [0], [0], [1], [0, 0, 1, 1], [], []>, transpose_lhs_hint = false} : vector<128x128xf32>, vector<128x1xf32>, vector<128x1xf32> -> vector<128x1xf32>
    %get3A_907 = arith.constant 3072 : index
    %get3A_908 = arith.constant 0 : index
    %get3A_909 = vector.load %arg7[%get3A_907, %get3A_908] : memref<3200x128xf32, #tpu.memory_space<vmem>>, vector<128x128xf32>
    %mul3A_910 = vector.broadcast %dot_general3A_906 : vector<128x1xf32> to vector<128x128xf32>
    %mul3A_911 = arith.mulf %get3A_909, %mul3A_910 : vector<128x128xf32>
    %swap3A_912 = arith.constant 3072 : index
    %swap3A_913 = arith.constant 0 : index
    %swap3A_914 = vector.load %arg7[%swap3A_912, %swap3A_913] : memref<3200x128xf32, #tpu.memory_space<vmem>>, vector<128x128xf32>
    tpu.vector_store %arg7[%swap3A_912, %swap3A_913], %mul3A_911 {strides = array<i32>} : memref<3200x128xf32, #tpu.memory_space<vmem>>, vector<128x128xf32>,
    return
  }
  func.func @transform_0(%arg0: i32) -> (i32, i32) {
    %c0_i32 = arith.constant 0 : i32
    %c0_i32_0 = arith.constant 0 : i32
    return %c0_i32, %arg0 : i32, i32
  }
  func.func @transform_1(%arg0: i32) -> (i32, i32) {
    %c0_i32 = arith.constant 0 : i32
    %c0_i32_0 = arith.constant 0 : i32
    %c0_i32_1 = arith.constant 0 : i32
    return %c0_i32, %c0_i32_0 : i32, i32
  }
  func.func @transform_2(%arg0: i32) -> (i32, i32) {
    %c0_i32 = arith.constant 0 : i32
    %c0_i32_0 = arith.constant 0 : i32
    %c0_i32_1 = arith.constant 0 : i32
    return %c0_i32, %c0_i32_0 : i32, i32
  }
  func.func @transform_3(%arg0: i32) -> (i32, i32) {
    %c0_i32 = arith.constant 0 : i32
    %c0_i32_0 = arith.constant 0 : i32
    %c0_i32_1 = arith.constant 0 : i32
    return %c0_i32, %c0_i32_0 : i32, i32
  }
  func.func @transform_4(%arg0: i32) -> (i32, i32) {
    %c0_i32 = arith.constant 0 : i32
    %c0_i32_0 = arith.constant 0 : i32
    %c0_i32_1 = arith.constant 0 : i32
    return %c0_i32, %c0_i32_0 : i32, i32
  }
  func.func @transform_5(%arg0: i32) -> (i32, i32) {
    %c0_i32 = arith.constant 0 : i32
    %c0_i32_0 = arith.constant 0 : i32
    %c0_i32_1 = arith.constant 0 : i32
    return %c0_i32, %c0_i32_0 : i32, i32
  }
  func.func @transform_6(%arg0: i32) -> (i32, i32) {
    %c0_i32 = arith.constant 0 : i32
    %c0_i32_0 = arith.constant 0 : i32
    return %arg0, %c0_i32 : i32, i32
  }
}

</mosaic_0001>

<sc_bundles>
// kernel: kernel.5.cloned.1.call-start
scs
__scs_entry_jumppad:
0x0: {  	(pc) =	sbr.rel $0x88, $3  }
0x1: {  	(tag) =	ssettag $0x0;
	lr =	simm.s32 $0x1  }
0x2: {  	[smem:$0x3F95] =	sst lr;
	_ =	strace $0xD0000000  }
0x3: {  	_ = 	snop  }
0x4: {  	_ = 	snop  }
0x5: {  	_ = 	snop  }
0x6: {  	_ = 	snop  }
0x7: {  	_ = 	snop  }
__scs_overlays_trampoline_lowered:
0x8: {  	[smem:$0x3FA4] =	sst s0  }
0x9: {  	[smem:$0x3FA5] =	sst s1  }
0xa: {  	[smem:$0x3FA6] =	sst s2  }
0xb: {  	[smem:$0x3FA7] =	sst s3  }
0xc: {  	[smem:$0x3FA8] =	sst s4  }
0xd: {  	[smem:$0x3FA9] =	sst s5  }
0xe: {  	[smem:$0x3FAA] =	sst s6  }
0xf: {  	[smem:$0x3FAB] =	sst s7  }
0x10: {  	[smem:$0x3FAC] =	sst s8  }
0x11: {  	[smem:$0x3FAD] =	sst s9;
	s0 =	simm.s32 @!p0 $0x0  }
0x12: {  	s1 =	sld [smem:$0x3F93];
	s0 =	simm.s32 @p0 $0x1  }
0x13: {  	[smem:$0x3FAE] =	sst s0;
	s0 =	simm.s32 @!p1 $0x0  }
0x14: {  	s2 =	sld [smem:$0x3F92];
	s0 =	simm.s32 @p1 $0x1  }
0x15: {  	[smem:$0x3FAF] =	sst s0;
	s0 =	simm.s32 @!p2 $0x0  }
0x16: {  	s3 =	sld [smem:$0x3FDB];
	s0 =	simm.s32 @p2 $0x1  }
0x17: {  	s4 =	simm.s32 $0x1BF5;
	[smem:$0x3FB1] =	sst s0  }
0x18: {  	s0 =	sld [smem:$0x3F94];
	_ =	swait.ge [sflag:s4], $0x0  }
0x19: {  	s7 =	sld [smem:$0x3F95]  }
0x1a: {  	s8 =	sadd.s32 $0xFFFFE003, lr  }
0x1b: {  	s9 =	sadd.s32 $0xFFFFFEF7, lr;
	s5 =	simm.s32 $0xFFFFFFFF;
	p2 =	slt.u32 s8, $0xFFFFF086  }
0x1c: {  	p1 =	slt.u32 s9, $0xF7A;
	s5 =	simm.s32 @!p2 $0x0  }
0x1d: {  	s5 =	simm.s32 @p1 $0x1;
	p0 =	seq.s32 s7, s2  }
0x1e: {  	s7 =	smul.u32 @!p0 $0xF7A, s2;
	p2 =	seq.s32 @!p0 s5, $0x0  }
0x1f: {  	s9 =	smul.u32 $0xF7A, s1;
	s8 =	simm.s32 @!p0 $0x1BF5;
	p2 =	por !p2, p0  }
0x20: {  	[sflag:s8] =	ssyncset.s32 @!p0 $0xFFFFF086;
	s6 =	sadd.s32 @!p0 s3, s7;
	s7 =	simm.s32 @!p0 $0x108  }
0x21: {  	s3 =	sadd.s32 s3, s9;
	s6 =	sadd.s32 @!p0 $0x88, s6;
	s7 =	simm.s32 @p2 $0x1082  }
0x22: {  	[simem:s7], [sflag:s8] =	dma.local @!p0 [hbm:s6], $0xF7A  }
0x23: {  	s9 =	sor.u32 $0xD0000000, s2;
	s6 =	simm.s32 $0x108;
	_ =	swait.ge @!p0 [sflag:s8], $0x0  }
0x24: {  	s3 =	sadd.s32 $0x88, s3;
	s6 =	simm.s32 @!p1 $0x1082;
	[sflag:s4] =	ssyncset.s32 $0xFFFFF086  }
0x25: {  	[simem:s6], [sflag:s4] =	dma.local [hbm:s3], $0xF7A  }
0x26: {  	[smem:$0x3F95] =	sst s1;
	(tag) =	ssettag s2;
	_ =	strace s9  }
0x27: {  	s1 =	sld [smem:$0x3FA5]  }
0x28: {  	s2 =	sld [smem:$0x3FA6]  }
0x29: {  	s4 =	sld [smem:$0x3FA8]  }
0x2a: {  	p0 =	seq.s32 s5, $0x0;
	s5 =	sld [smem:$0x3FA9]  }
0x2b: {  	s6 =	sld [smem:$0x3FAA]  }
0x2c: {  	s7 =	sld [smem:$0x3FAB]  }
0x2d: {  	s3 =	simm.s32 $0x108;
	s8 =	sld [smem:$0x3FAC]  }
0x2e: {  	s3 =	simm.s32 @!p0 $0x1082;
	s9 =	sld [smem:$0x3FAD]  }
0x2f: {  	lr =	sadd.s32 s0, s3;
	s0 =	sld [smem:$0x3FA4]  }
0x30: {  	s3 =	sld [smem:$0x3FA7]  }
0x31: {  	[smem:$0x3FB0] =	sst s10  }
0x32: {  	s10 =	sld [smem:$0x3FAE];
	_ =	sdelay $0x3  }
0x33: {  	p0 =	seq.s32 s10, $0x1;
	s10 =	sld [smem:$0x3FB0];
	_ =	sdelay $0x3  }
0x34: {  	[smem:$0x3FB0] =	sst s10  }
0x35: {  	s10 =	sld [smem:$0x3FAF];
	_ =	sdelay $0x3  }
0x36: {  	p1 =	seq.s32 s10, $0x1;
	s10 =	sld [smem:$0x3FB0];
	_ =	sdelay $0x3  }
0x37: {  	[smem:$0x3FB0] =	sst s10  }
0x38: {  	s10 =	sld [smem:$0x3FB1]  }
0x39: {  	_ = 	snop;
	(pc) =	sbr.ind lr, $3  }
0x3a: {  	_ = 	snop  }
0x3b: {  	_ = 	snop  }
0x3c: {  	p2 =	seq.s32 s10, $0x1;
	s10 =	sld [smem:$0x3FB0]  }
0x3d: {  	_ =	shalt  }
0x3e: {  	_ =	shalt  }
0x3f: {  	_ =	shalt  }
0x40: {  	_ =	shalt  }
0x41: {  	_ =	shalt  }
0x42: {  	_ =	shalt  }
0x43: {  	_ =	shalt  }
0x44: {  	_ =	shalt  }
0x45: {  	_ =	shalt  }
0x46: {  	_ =	shalt  }
0x47: {  	_ =	shalt  }
0x48: {  	_ =	shalt  }
0x49: {  	_ =	shalt  }
0x4a: {  	_ =	shalt  }
0x4b: {  	_ =	shalt  }
0x4c: {  	_ =	shalt  }
0x4d: {  	_ =	shalt  }
0x4e: {  	_ =	shalt  }
0x4f: {  	_ =	shalt  }
0x50: {  	_ =	shalt  }
0x51: {  	_ =	shalt  }
0x52: {  	_ =	shalt  }
0x53: {  	_ =	shalt  }
0x54: {  	_ =	shalt  }
0x55: {  	_ =	shalt  }
0x56: {  	_ =	shalt  }
0x57: {  	_ =	shalt  }
0x58: {  	_ =	shalt  }
0x59: {  	_ =	shalt  }
0x5a: {  	_ =	shalt  }
0x5b: {  	_ =	shalt  }
0x5c: {  	_ =	shalt  }
0x5d: {  	_ =	shalt  }
0x5e: {  	_ =	shalt  }
0x5f: {  	_ =	shalt  }
0x60: {  	_ =	shalt  }
0x61: {  	_ =	shalt  }
0x62: {  	_ =	shalt  }
0x63: {  	_ =	shalt  }
0x64: {  	_ =	shalt  }
0x65: {  	_ =	shalt  }
0x66: {  	_ =	shalt  }
0x67: {  	_ =	shalt  }
0x68: {  	_ =	shalt  }
0x69: {  	_ =	shalt  }
0x6a: {  	_ =	shalt  }
0x6b: {  	_ =	shalt  }
0x6c: {  	_ =	shalt  }
0x6d: {  	_ =	shalt  }
0x6e: {  	_ =	shalt  }
0x6f: {  	_ =	shalt  }
0x70: {  	_ =	shalt  }
0x71: {  	_ =	shalt  }
0x72: {  	_ =	shalt  }
0x73: {  	_ =	shalt  }
0x74: {  	_ =	shalt  }
0x75: {  	_ =	shalt  }
0x76: {  	_ =	shalt  }
0x77: {  	_ =	shalt  }
0x78: {  	_ =	shalt  }
0x79: {  	_ =	shalt  }
0x7a: {  	_ =	shalt  }
0x7b: {  	_ =	shalt  }
0x7c: {  	_ =	shalt  }
0x7d: {  	_ =	shalt  }
0x7e: {  	_ =	shalt  }
0x7f: {  	_ =	shalt  }
0x80: {  	_ =	shalt  }
0x81: {  	_ =	shalt  }
0x82: {  	_ =	shalt  }
0x83: {  	_ =	shalt  }
0x84: {  	_ =	shalt  }
0x85: {  	_ =	shalt  }
0x86: {  	_ =	shalt  }
0x87: {  	_ =	shalt  }
.Lfunc_end0:
.L_simem_size_0:
called_computation_lowered:
.L_overlay_start_0:
0x88: {  	s2 =	sld [smem:$0x3FD9]  }
0x89: {  	s3 =	sld [smem:$0x3FFE];
	_ =	sdelay $0x1  }
0x8a: {  	s1 =	srdreg.scid  }
0x8b: {  	s0 =	sand.u32 $0x1, s1  }
0x8c: {  	s17 =	sshll.u32 s0, $0xA;
	s2 =	sadd.s32 s3, s2  }
0x8d: {  	s2 =	sadd.s32 s2, s17  }
0x8e: {  	[smem:$0x3FBC] =	sst s2  }
0x8f: {  	_ = 	snop  }
0x90: {  	s2 =	sld [smem:$0x3FC9]  }
0x91: {  	s18 =	sld [smem:$0x3FD0];
	(tm) =	ssettm $0x1  }
0x92: {  	s4 =	sld [smem:$0x3FFB];
	_ =	sdelay $0x3  }
0x93: {  	_ =	strace s4  }
0x94: {  	s4 =	sld [smem:$0x3FFC];
	_ =	sdelay $0x3  }
0x95: {  	_ =	strace s4  }
0x96: {  	s4 =	sld [smem:$0x3FFD];
	_ =	sdelay $0x3  }
0x97: {  	_ =	strace s4  }
0x98: {  	_ =	strace $0x8FFFFFFF  }
0x99: {  	s19 =	sld [smem:$0x3FDB];
	_ =	sdelay $0x1  }
0x9a: {  	s5 =	simm.s32 $_scs_section_size  }
0x9b: {  	s6 =	simm.s32 $_size__tile_overlayer_lowered;
	s7 =	simm.s32 $_tile_overlayer_lowered  }
0x9c: {  	s22 =	simm.s32 $0x1BFF;
	s21 =	sshll.u32 s7, $0x1;
	s4 =	sadd.s32 s5, s19  }
0x9d: {  	s8 =	simm.s32 $0x0;
	s20 =	sshll.u32 s6, $0x1;
	s6 =	sadd.s32 s21, s4  }
0x9e: {  	[timem:s8], [sflag:s22] =	dma.local [hbm:s6], s20  }
0x9f: {  	_ =	swait.ge [sflag:s22], s20  }
0xa0: {  	s5 =	ssub.s32 $0x0, s20;
	[sflag:s22] =	ssyncset.done $0x0  }
0xa1: {  	[sflag:s22] =	ssyncadd.s32 s5;
	_ =	sdelay $0x1  }
0xa2: {  	s23 =	simm.s32 $0x1B8B  }
0xa3: {  	_ =	swait.ge [sflag:s23], $0x1  }
0xa4: {  	[sflag:s23] =	ssyncset.done $0x0  }
0xa5: {  	s25 =	simm.s32 $0x1B8E;
	s24 =	sld [smem:$0x3FFE];
	[sflag:s23] =	ssyncadd.s32 $0xFFFFFFFF  }
0xa6: {  	s26 =	simm.s32 $execute0_lowered;
	[smem:$0x3FD2] =	sst s25  }
0xa7: {  	s6 =	sshll.u32 s26, $0x1;
	_ =	strace $0x80000046;
	[dreg:$0x1] =	wrdreg $0xFFFFFFFF  }
0xa8: {  	s28 =	simm.s32 $_size_execute0_lowered;
	s4 =	sadd.s32 s4, s6;
	[dreg:$0x0] =	wrdreg $0x0  }
0xa9: {  	s6 =	sshll.u32 s28, $0x1;
	[dreg:$0x2] =	wrdreg s4  }
0xaa: {  	[dreg:$0x3] =	wrdreg s6  }
0xab: {  	[dreg:$0x4] =	wrdreg $0xC0  }
0xac: {  	_ =	task [dreg:s8], $0x5FFFF  }
0xad: {  	[dreg:$0x1] =	wrdreg $0xFFFFFFFF  }
0xae: {  	[dreg:$0x0] =	wrdreg $0x60  }
0xaf: {  	[dreg:$0x2] =	wrdreg s2  }
0xb0: {  	[dreg:$0x3] =	wrdreg s24  }
0xb1: {  	[dreg:$0x4] =	wrdreg s18  }
0xb2: {  	[dreg:$0x5] =	wrdreg $0x7C000  }
0xb3: {  	[dreg:$0x6] =	wrdreg $0x9  }
0xb4: {  	_ =	task.clear_ibuf [dreg:s8], $0x7FFFF;
	_ =	strace $0x90000046  }
0xb5: {  	s29 =	simm.s32 $0x9;
	_ =	strace $0x80000048  }
0xb6: {  	_ =	swait.ge [sflag:s29], $0x1  }
0xb7: {  	[sflag:s29] =	ssyncadd.s32 $0xFFFFFFFF  }
0xb8: {  	_ =	strace $0x90000048  }
0xb9: {  	_ =	sfence  }
0xba: {  	s30 =	sld [smem:$0x0];
	_ =	sdelay $0x2  }
0xbb: {  	s31 =	sshll.u32 s1, $0xD;
	s1 =	sshrl.u32 s1, $0x2  }
0xbc: {  	s3 =	sand.u32 $0x4000, s31;
	s1 =	sadd.s32 s1, s30  }
0xbd: {  	s0 =	sor.u32 s3, s0;
	s1 =	sshll.u32 s1, $0x11  }
0xbe: {  	s0 =	sor.u32 s1, s0  }
0xbf: {  	s0 =	sadd.s32 $0x8F2B, s0  }
0xc0: {  	[sflag:s0] =	ssyncadd.remote.s32 $0x1  }
0xc1: {  	_ =	sfence.sel $0xFFFF  }
0xc2: {  	[dreg:$0x0] =	wrdreg $0xFFFFFFFF;
	(pc) =	sbr.abs _section_cstart, $3  }
0xc3: {  	[dreg:$0x1] =	wrdreg $0xFFFFFFFF  }
0xc4: {  	_ =	task.clear_ibuf [dreg:s8], $0x2FFFF;
	_ =	strace $0x9FFFFFFF  }
0xc5: {  	(tm) =	ssettm $0x7FFFFFFF  }
tec
execute0_lowered:
.L_overlay_start_1:
0x0: {  	(tag) =	ssettag $0x1  }
0x1: {  	s0 =	srdreg.scid  }
0x2: {  	s2 =	rddreg [dreg:$0x1];
	s25 =	stileid.u32;
	s1 =	simm.s32 $0x0  }
0x3: {  	s3 =	sand.u32 $0x1, s0;
	s16 =	smul.u32 $0x14000, s25;
	[smem:$0x7FF] =	sst s1  }
0x4: {  	s22 =	sadd.s32 $0x4ED000, s2;
	s0 =	ssub.s32 $0x2, s3;
	s18 =	smul.u32 $0x140000, s3  }
0x5: {  	s4 =	sshrl.u32 s0, $0x1;
	s5 =	sor.u32 $0x2800, s16;
	s6 =	sor.u32 $0x3C00, s16  }
0x6: {  	s7 =	sadd.s32 $0x5000, s16;
	s8 =	sadd.s32 $0x6400, s16;
	s9 =	sadd.s32 $0x7800, s16  }
0x7: {  	s10 =	sadd.s32 $0x8C00, s16;
	s11 =	sadd.s32 $0xA000, s16;
	s15 =	sadd.s32 $0xB400, s16  }
0x8: {  	s17 =	sadd.s32 $0xC800, s16;
	s12 =	sadd.s32 $0xDC00, s16;
	s13 =	sadd.s32 $0xF000, s16  }
0x9: {  	s14 =	sadd.s32 $0x10400, s16;
	s19 =	sadd.s32 $0x11800, s16;
	s21 =	sadd.s32 $0x12C00, s16  }
0xa: {  	s0 =	ssub.s32 s0, s4;
	s4 =	sor.u32 $0x1400, s16;
	s20 =	sadd.s32 s16, s18  }
0xb: {  	s24 =	sadd.s32 s18, s6;
	s20 =	sshrl.u32 s20, $0x3;
	s23 =	sadd.s32 s18, s4  }
0xc: {  	s26 =	sadd.s32 s22, s20;
	s20 =	sshrl.u32 s23, $0x3;
	s23 =	sadd.s32 s18, s5  }
0xd: {  	[dreg:$0x5] =	wrdreg s26;
	s16 =	sadd.s32 s22, s20;
	s20 =	sshrl.u32 s24, $0x3  }
0xe: {  	s26 =	sadd.s32 s18, s7;
	[dreg:$0x6] =	wrdreg s16;
	s16 =	sshrl.u32 s23, $0x3  }
0xf: {  	s24 =	sadd.s32 s22, s20;
	s26 =	sshrl.u32 s26, $0x3;
	s20 =	sadd.s32 s18, s8  }
0x10: {  	s23 =	sadd.s32 s18, s9;
	s16 =	sadd.s32 s22, s16;
	[dreg:$0x8] =	wrdreg s24  }
0x11: {  	s24 =	sadd.s32 s18, s10;
	[dreg:$0x7] =	wrdreg s16;
	s16 =	sadd.s32 s22, s26  }
0x12: {  	[dreg:$0x9] =	wrdreg s16;
	s16 =	sshrl.u32 s20, $0x3;
	s20 =	sshrl.u32 s23, $0x3  }
0x13: {  	s23 =	sadd.s32 s18, s11;
	s16 =	sadd.s32 s22, s16;
	s26 =	sadd.s32 s22, s20  }
0x14: {  	s20 =	sshrl.u32 s24, $0x3;
	s24 =	sadd.s32 s18, s15;
	[dreg:$0xa] =	wrdreg s16  }
0x15: {  	[dreg:$0xb] =	wrdreg s26;
	s16 =	sadd.s32 s22, s20;
	s20 =	sshrl.u32 s24, $0x3  }
0x16: {  	s26 =	sadd.s32 s18, s17;
	[dreg:$0xc] =	wrdreg s16;
	s16 =	sshrl.u32 s23, $0x3  }
0x17: {  	s24 =	sadd.s32 s22, s20;
	s26 =	sshrl.u32 s26, $0x3;
	s20 =	sadd.s32 s18, s12  }
0x18: {  	s23 =	sadd.s32 s18, s13;
	s16 =	sadd.s32 s22, s16;
	[dreg:$0xe] =	wrdreg s24  }
0x19: {  	s24 =	sadd.s32 s18, s14;
	[dreg:$0xd] =	wrdreg s16;
	s16 =	sadd.s32 s22, s26  }
0x1a: {  	[dreg:$0xf] =	wrdreg s16;
	s16 =	sshrl.u32 s20, $0x3;
	s20 =	sshrl.u32 s23, $0x3  }
0x1b: {  	s23 =	sadd.s32 s18, s19;
	s16 =	sadd.s32 s22, s16;
	s26 =	sadd.s32 s22, s20  }
0x1c: {  	s20 =	sshrl.u32 s24, $0x3;
	s24 =	sadd.s32 s18, s21;
	s18 =	rddreg [dreg:$0x2]  }
0x1d: {  	[dreg:$0x10] =	wrdreg s16  }
0x1e: {  	[dreg:$0x11] =	wrdreg s26;
	s16 =	sadd.s32 s22, s20  }
0x1f: {  	s20 =	sshrl.u32 s23, $0x3;
	[dreg:$0x12] =	wrdreg s16  }
0x20: {  	s16 =	rddreg [dreg:$0x0];
	s20 =	sadd.s32 s22, s20  }
0x21: {  	s23 =	sshrl.u32 s24, $0x3;
	[dreg:$0x13] =	wrdreg s20  }
0x22: {  	s22 =	sadd.s32 s22, s23;
	s20 =	rddreg [dreg:$0x3]  }
0x23: {  	s0 =	smax.u32 s0, $0x1;
	[dreg:$0x14] =	wrdreg s22  }
0x24: {  	_ =	strace $0x80000047;
	s6 =	sadd.s32 s6, s20;
	[smem:$0x7FD] =	sst s0  }
0x25: {  	s7 =	sadd.s32 s7, s20;
	[dreg:$0x18] =	wrdreg s6  }
0x26: {  	s8 =	sadd.s32 s8, s20;
	[dreg:$0x19] =	wrdreg s7  }
0x27: {  	s9 =	sadd.s32 s9, s20;
	[dreg:$0x1a] =	wrdreg s8  }
0x28: {  	s10 =	sadd.s32 s10, s20;
	[dreg:$0x1b] =	wrdreg s9  }
0x29: {  	s24 =	smul.u32 $0x50000, s25;
	s11 =	sadd.s32 s11, s20;
	[dreg:$0x1c] =	wrdreg s10  }
0x2a: {  	s29 =	simm.s32 $0x28;
	s15 =	sadd.s32 s15, s20;
	[dreg:$0x1d] =	wrdreg s11  }
0x2b: {  	s26 =	sshrl.u32 s24, $0x2;
	s24 =	sadd.s32 s17, s20;
	[dreg:$0x1e] =	wrdreg s15  }
0x2c: {  	s30 =	sadd.s32 s5, s20;
	s5 =	sadd.s32 s12, s20;
	[dreg:$0x1f] =	wrdreg s24  }
0x2d: {  	s31 =	simm.s32 $0x9;
	s26 =	sadd.s32 s26, s20;
	[smem:$0x7EE] =	sst s5  }
0x2e: {  	s3 =	sshll.u32 s3, $0x4;
	s28 =	sadd.s32 s4, s20;
	[dreg:$0x15] =	wrdreg s26  }
0x2f: {  	s23 =	sadd.s32 $0xB000, s2;
	s22 =	sadd.s32 $0x1200, s2;
	[dreg:$0x16] =	wrdreg s28  }
0x30: {  	s2 =	sor.u32 s25, s3;
	s6 =	sadd.s32 s13, s20;
	[dreg:$0x17] =	wrdreg s30  }
0x31: {  	s3 =	simm.s32 $0x2;
	s7 =	sadd.s32 s14, s20;
	[smem:$0x7EF] =	sst s6  }
0x32: {  	s25 =	smul.u32 $0x2710, s2;
	s8 =	sadd.s32 s19, s20;
	[smem:$0x7F0] =	sst s7  }
0x33: {  	s2 =	smul.u32 $0x27100, s2;
	s9 =	sadd.s32 s21, s20;
	[smem:$0x7F1] =	sst s8  }
0x34: {  	s4 =	simm.s32 $0x6;
	s0 =	simm.s32 $0xD;
	[smem:$0x7F2] =	sst s9  }
0x35: {  	s10 =	sadd.s32 $0x28, s25;
	s11 =	sshrl.u32 s25, $0x3;
	s2 =	sadd.s32 s23, s2  }
0x36: {  	s19 =	sadd.s32 $0x50, s25;
	s21 =	sadd.s32 $0x78, s25;
	s24 =	sadd.s32 $0xA0, s25  }
0x37: {  	s25 =	sadd.s32 $0xC8, s25;
	s6 =	simm.s32 $0xA;
	[smem:$0x7F7] =	sst s2  }
0x38: {  	s7 =	simm.s32 $0xC;
	s9 =	simm.s32 $0x7;
	[smem:$0x7F9] =	sst s19  }
0x39: {  	s8 =	simm.s32 $0x0;
	s12 =	sshrl.u32 s10, $0x3;
	[smem:$0x7FA] =	sst s21  }
0x3a: {  	s13 =	sadd.s32 s22, s11;
	s5 =	sadd.s32 s18, s11;
	[smem:$0x7FB] =	sst s24  }
0x3b: {  	s17 =	sshll.u32 s10, $0x4;
	[smem:$0x7FC] =	sst s25;
	s11 =	simm.s32 $0x5400  }
0x3c: {  	s10 =	simm.s32 $0x280;
	s24 =	simm.s32 $0x1;
	[smem:$0x7F3] =	sst s13  }
0x3d: {  	s25 =	simm.s32 $0x5;
	[smem:$0x7F4] =	sst s5;
	s14 =	sadd.s32 s22, s12  }
0x3e: {  	s21 =	simm.s32 $0x3;
	s15 =	sadd.s32 s18, s12;
	[smem:$0x7F5] =	sst s14  }
0x3f: {  	s19 =	simm.s32 $0xE;
	s2 =	sadd.s32 s23, s17;
	[smem:$0x7F6] =	sst s15  }
0x40: {  	s12 =	simm.s32 $0xF;
	s17 =	simm.s32 $0xB;
	[smem:$0x7F8] =	sst s2  }
0x41: {  	v0 =	vimm.f32 $0.0e+00;
	s14 =	simm.s32 $0x80;
	s2 =	simm.s32 $0x4;
	s15 =	simm.s32 $0x8  }
.LBB2_1:
0x42: {  	[smem:$0x7ED] =	sst s8;
	s5 =	simm.s32 $0x0;
	s13 =	simm.s32 $0x200  }
.LBB2_2:
0x43: {  	p0 =	sne.s32 s13, $0x4E00;
	[tilespmem:s5+$0x5470] =	vst v0  }
0x44: {  	[tilespmem:s5+$0x5400] =	vst v0  }
0x45: {  	[tilespmem:s5+$0x5410] =	vst v0  }
.Ltmp0:
0x46: {  	[tilespmem:s5+$0x5420] =	vst v0;
	(pc) =	sbr.rel @p0 .LBB2_2-.Ltmp0, $4  }
0x47: {  	[tilespmem:s5+$0x5430] =	vst v0  }
0x48: {  	[tilespmem:s5+$0x5440] =	vst v0  }
0x49: {  	[tilespmem:s5+$0x5450] =	vst v0  }
0x4a: {  	[tilespmem:s5+$0x5460] =	vst v0;
	s5 =	sshra.s32 s13, $0x2;
	s13 =	sadd.s32 $0x200, s13  }
0x4b: {  	[tilespmem:s5+$0x5470] =	vst v0  }
0x4c: {  	[tilespmem:s5+$0x5400] =	vst v0  }
0x4d: {  	[tilespmem:s5+$0x5410] =	vst v0  }
0x4e: {  	[tilespmem:s5+$0x5420] =	vst v0  }
0x4f: {  	[tilespmem:s5+$0x5430] =	vst v0  }
0x50: {  	[tilespmem:s5+$0x5440] =	vst v0  }
0x51: {  	[tilespmem:s5+$0x5450] =	vst v0  }
0x52: {  	[tilespmem:s5+$0x5460] =	vst v0  }
0x53: {  	[spmem:s26] =	stream.linear.scatter [tilespmem:s11], [sflag:$0xF], $0x1400, $0x38;
	[tilespmem:$0x1BC00] =	vst v63  }
0x54: {  	_ =	swait.ge [sflag:s12], $0x1400  }
0x55: {  	[sflag:s12] =	ssyncset.done $0x0  }
0x56: {  	[sflag:s12] =	ssyncadd.s32 $0xFFFFEC00  }
0x57: {  	[spmem:s28] =	stream.linear.scatter [tilespmem:s11], [sflag:$0xF], $0x1400, $0x38;
	[tilespmem:$0x1BC00] =	vst v63  }
0x58: {  	_ =	swait.ge [sflag:s12], $0x1400  }
0x59: {  	[sflag:s12] =	ssyncset.done $0x0  }
0x5a: {  	[sflag:s12] =	ssyncadd.s32 $0xFFFFEC00  }
0x5b: {  	[spmem:s30] =	stream.linear.scatter [tilespmem:s11], [sflag:$0xF], $0x1400, $0x38;
	[tilespmem:$0x1BC00] =	vst v63  }
0x5c: {  	_ =	swait.ge [sflag:s12], $0x1400  }
0x5d: {  	[sflag:s12] =	ssyncset.done $0x0  }
0x5e: {  	s8 =	rddreg [dreg:$0x18];
	[sflag:s12] =	ssyncadd.s32 $0xFFFFEC00  }
0x5f: {  	[spmem:s8] =	stream.linear.scatter [tilespmem:s11], [sflag:$0xF], $0x1400, $0x38;
	[tilespmem:$0x1BC00] =	vst v63  }
0x60: {  	_ =	swait.ge [sflag:s12], $0x1400  }
0x61: {  	[sflag:s12] =	ssyncset.done $0x0  }
0x62: {  	s13 =	rddreg [dreg:$0x19];
	[sflag:s12] =	ssyncadd.s32 $0xFFFFEC00  }
0x63: {  	[spmem:s13] =	stream.linear.scatter [tilespmem:s11], [sflag:$0xF], $0x1400, $0x38;
	[tilespmem:$0x1BC00] =	vst v63  }
0x64: {  	_ =	swait.ge [sflag:s12], $0x1400  }
0x65: {  	[sflag:s12] =	ssyncset.done $0x0  }
0x66: {  	s26 =	rddreg [dreg:$0x1a];
	[sflag:s12] =	ssyncadd.s32 $0xFFFFEC00  }
0x67: {  	[spmem:s26] =	stream.linear.scatter [tilespmem:s11], [sflag:$0xF], $0x1400, $0x38;
	[tilespmem:$0x1BC00] =	vst v63  }
0x68: {  	_ =	swait.ge [sflag:s12], $0x1400  }
0x69: {  	[sflag:s12] =	ssyncset.done $0x0  }
0x6a: {  	s28 =	rddreg [dreg:$0x1b];
	[sflag:s12] =	ssyncadd.s32 $0xFFFFEC00  }
0x6b: {  	[spmem:s28] =	stream.linear.scatter [tilespmem:s11], [sflag:$0xF], $0x1400, $0x38;
	[tilespmem:$0x1BC00] =	vst v63  }
0x6c: {  	_ =	swait.ge [sflag:s12], $0x1400  }
0x6d: {  	[sflag:s12] =	ssyncset.done $0x0  }
0x6e: {  	s30 =	rddreg [dreg:$0x1c];
	[sflag:s12] =	ssyncadd.s32 $0xFFFFEC00  }
0x6f: {  	[spmem:s30] =	stream.linear.scatter [tilespmem:s11], [sflag:$0xF], $0x1400, $0x38;
	[tilespmem:$0x1BC00] =	vst v63  }
0x70: {  	_ =	swait.ge [sflag:s12], $0x1400  }
0x71: {  	[sflag:s12] =	ssyncset.done $0x0  }
0x72: {  	s8 =	rddreg [dreg:$0x1d];
	[sflag:s12] =	ssyncadd.s32 $0xFFFFEC00  }
0x73: {  	[spmem:s8] =	stream.linear.scatter [tilespmem:s11], [sflag:$0xF], $0x1400, $0x38;
	[tilespmem:$0x1BC00] =	vst v63  }
0x74: {  	_ =	swait.ge [sflag:s12], $0x1400  }
0x75: {  	[sflag:s12] =	ssyncset.done $0x0  }
0x76: {  	s13 =	rddreg [dreg:$0x1e];
	[sflag:s12] =	ssyncadd.s32 $0xFFFFEC00  }
0x77: {  	[spmem:s13] =	stream.linear.scatter [tilespmem:s11], [sflag:$0xF], $0x1400, $0x38;
	[tilespmem:$0x1BC00] =	vst v63  }
0x78: {  	_ =	swait.ge [sflag:s12], $0x1400  }
0x79: {  	[sflag:s12] =	ssyncset.done $0x0  }
0x7a: {  	s26 =	rddreg [dreg:$0x1f];
	[sflag:s12] =	ssyncadd.s32 $0xFFFFEC00  }
0x7b: {  	[spmem:s26] =	stream.linear.scatter [tilespmem:s11], [sflag:$0xF], $0x1400, $0x38;
	[tilespmem:$0x1BC00] =	vst v63  }
0x7c: {  	_ =	swait.ge [sflag:s12], $0x1400  }
0x7d: {  	s28 =	sld [smem:$0x7EE]  }
0x7e: {  	[sflag:s12] =	ssyncset.done $0x0  }
0x7f: {  	[sflag:s12] =	ssyncadd.s32 $0xFFFFEC00  }
0x80: {  	[spmem:s28] =	stream.linear.scatter [tilespmem:s11], [sflag:$0xF], $0x1400, $0x38;
	[tilespmem:$0x1BC00] =	vst v63  }
0x81: {  	_ =	swait.ge [sflag:s12], $0x1400  }
0x82: {  	s30 =	sld [smem:$0x7EF]  }
0x83: {  	[sflag:s12] =	ssyncset.done $0x0  }
0x84: {  	[sflag:s12] =	ssyncadd.s32 $0xFFFFEC00  }
0x85: {  	[spmem:s30] =	stream.linear.scatter [tilespmem:s11], [sflag:$0xF], $0x1400, $0x38;
	[tilespmem:$0x1BC00] =	vst v63  }
0x86: {  	_ =	swait.ge [sflag:s12], $0x1400  }
0x87: {  	s8 =	sld [smem:$0x7F0]  }
0x88: {  	[sflag:s12] =	ssyncset.done $0x0  }
0x89: {  	[sflag:s12] =	ssyncadd.s32 $0xFFFFEC00  }
0x8a: {  	[spmem:s8] =	stream.linear.scatter [tilespmem:s11], [sflag:$0xF], $0x1400, $0x38;
	[tilespmem:$0x1BC00] =	vst v63  }
0x8b: {  	_ =	swait.ge [sflag:s12], $0x1400  }
0x8c: {  	s13 =	sld [smem:$0x7F1]  }
0x8d: {  	[sflag:s12] =	ssyncset.done $0x0  }
0x8e: {  	[sflag:s12] =	ssyncadd.s32 $0xFFFFEC00  }
0x8f: {  	[spmem:s13] =	stream.linear.scatter [tilespmem:s11], [sflag:$0xF], $0x1400, $0x38;
	[tilespmem:$0x1BC00] =	vst v63  }
0x90: {  	_ =	swait.ge [sflag:s12], $0x1400  }
0x91: {  	s26 =	sld [smem:$0x7F2]  }
0x92: {  	[sflag:s12] =	ssyncset.done $0x0  }
0x93: {  	[sflag:s12] =	ssyncadd.s32 $0xFFFFEC00  }
0x94: {  	[spmem:s26] =	stream.linear.scatter [tilespmem:s11], [sflag:$0xF], $0x1400, $0x38;
	[tilespmem:$0x1BC00] =	vst v63  }
0x95: {  	_ =	swait.ge [sflag:s12], $0x1400  }
0x96: {  	[sflag:s12] =	ssyncset.done $0x0  }
0x97: {  	[sflag:s12] =	ssyncadd.s32 $0xFFFFEC00  }
0x98: {  	[bflag:$0x0] =	sbarrier.arrive $0xFFFF  }
0x99: {  	s28 =	sld [smem:$0x7F3];
	_ =	sdelay $0x1  }
0x9a: {  	s26 =	simm.s32 $0x0;
	s30 =	sld [smem:$0x7F4]  }
0x9b: {  	[tilespmem:s26], [sflag:$0x1] =	stream.linear.gather [hbm4b:s28+s26], $0x28, $0x38;
	[tilespmem:$0x1BC00] =	vst v63  }
0x9c: {  	s8 =	simm.s32 $0x200  }
0x9d: {  	[tilespmem:s8], [sflag:$0x5] =	stream.linear.gather [hbm4b:s30+s26], $0x28, $0x38;
	[tilespmem:$0x1BC00] =	vst v63  }
0x9e: {  	s8 =	sld [smem:$0x7F5];
	_ =	sdelay $0x1  }
0x9f: {  	s13 =	sld [smem:$0x7F6]  }
0xa0: {  	[tilespmem:s14], [sflag:$0x2] =	stream.linear.gather [hbm4b:s8+s26], $0x28, $0x38;
	[tilespmem:$0x1BC00] =	vst v63  }
0xa1: {  	_ = 	snop  }
0xa2: {  	[tilespmem:s10], [sflag:$0x6] =	stream.linear.gather [hbm4b:s13+s26], $0x28, $0x38;
	[tilespmem:$0x1BC00] =	vst v63  }
0xa3: {  	_ =	swait.ge [sflag:s24], $0x28  }
0xa4: {  	[sflag:s24] =	ssyncset.done $0x0  }
0xa5: {  	[sflag:s24] =	ssyncadd.s32 $0xFFFFFFD8  }
0xa6: {  	_ =	swait.ge [sflag:s25], $0x28  }
0xa7: {  	s28 =	sld [smem:$0x7F7]  }
0xa8: {  	[sflag:s25] =	ssyncset.done $0x0  }
0xa9: {  	s30 =	simm.s32 $0x400;
	s13 =	sld [smem:$0x7F8];
	[sflag:s25] =	ssyncadd.s32 $0xFFFFFFD8  }
0xaa: {  	[tilespmem:s30], [sflag:$0x9] =	stream.linear.gather [hbm4b:s28+s26], $0x1400, $0x38;
	[tilespmem:$0x1BC00] =	vst v63  }
0xab: {  	s28 =	simm.s32 $0x1800  }
0xac: {  	[tilespmem:s28], [sflag:$0xA] =	stream.linear.gather [hbm4b:s13+s26], $0x1400, $0x38;
	[tilespmem:$0x1BC00] =	vst v63  }
0xad: {  	s30 =	simm.s32 $0x2C00  }
0xae: {  	[tilespmem:s30], [sflag:$0xB] =	stream.indirect.gather [hbm4b:s16+s29], $0x80, s26, s29, $0xb8;
	[tilespmem:$0x1BC00] =	vst v63  }
.LBB2_4:
0xaf: {  	_ =	swait.ge [sflag:s31], $0x1400  }
0xb0: {  	[sflag:s31] =	ssyncset.done $0x0  }
0xb1: {  	[sflag:s31] =	ssyncadd.s32 $0xFFFFEC00  }
0xb2: {  	_ =	swait.ge [sflag:s17], $0x1400  }
0xb3: {  	p0 =	seq.s32 s26, $0x0;
	[sflag:s17] =	ssyncset.done $0x0  }
0xb4: {  	s5 =	simm.s32 @!p0 $0xD;
	[sflag:s17] =	ssyncadd.s32 $0xFFFFEC00  }
0xb5: {  	_ =	swait.ge @!p0 [sflag:s5], $0x1400  }
0xb6: {  	[sflag:s5] =	ssyncset.done @!p0 $0x0  }
0xb7: {  	s28 =	simm.s32 $0x0;
	[sflag:s5] =	ssyncadd.s32 @!p0 $0xFFFFEC00  }
0xb8: {  	v1 =	vld [tilespmem:s28+$0x470]  }
0xb9: {  	v2 =	vld [tilespmem:s28+$0x2C70]  }
0xba: {  	v3 =	vld [tilespmem:s28+$0x400]  }
0xbb: {  	v4 =	vld [tilespmem:s28+$0x2C00]  }
0xbc: {  	v5 =	vld [tilespmem:s28+$0x410]  }
0xbd: {  	v6 =	vld [tilespmem:s28+$0x2C10]  }
0xbe: {  	v7 =	vld [tilespmem:s28+$0x420]  }
0xbf: {  	v8 =	vld [tilespmem:s28+$0x430]  }
0xc0: {  	v1 =	vmul.f32 v2, v1;
	v2 =	vld [tilespmem:s28+$0x2C20]  }
0xc1: {  	v9 =	vld [tilespmem:s28+$0x2C30]  }
0xc2: {  	v10 =	vld [tilespmem:s28+$0x2C40];
	v3 =	vmul.f32 v4, v3  }
0xc3: {  	[tilespmem:s28+$0x5470] =	vst v1;
	v1 =	vmul.f32 v6, v5;
	v6 =	vld [tilespmem:s28+$0x440]  }
0xc4: {  	v4 =	vld [tilespmem:s28+$0x2C50];
	[tilespmem:s28+$0x5400] =	vst v3  }
0xc5: {  	v3 =	vld [tilespmem:s28+$0x450];
	[tilespmem:s28+$0x5410] =	vst v1;
	v1 =	vmul.f32 v2, v7  }
0xc6: {  	v5 =	vld [tilespmem:s28+$0x2C60];
	v7 =	vmul.f32 v9, v8  }
0xc7: {  	s30 =	simm.s32 $0x80;
	[tilespmem:s28+$0x5420] =	vst v1;
	v1 =	vld [tilespmem:s28+$0x460]  }
0xc8: {  	s5 =	simm.s32 $0x400;
	v6 =	vmul.f32 v10, v6;
	v2 =	vld [tilespmem:s30+$0x470];
	[tilespmem:s28+$0x5430] =	vst v7  }
.LBB2_5:
0xc9: {  	p1 =	sne.s32 s5, $0x4E00;
	v7 =	vld [tilespmem:s30+$0x2C70]  }
0xca: {  	v8 =	vld [tilespmem:s30+$0x400];
	[tilespmem:s28+$0x5440] =	vst v6;
	v3 =	vmul.f32 v4, v3  }
0xcb: {  	v4 =	vld [tilespmem:s30+$0x2C00]  }
0xcc: {  	v6 =	vld [tilespmem:s30+$0x410];
	[tilespmem:s28+$0x5450] =	vst v3;
	v1 =	vmul.f32 v5, v1  }
0xcd: {  	v3 =	vld [tilespmem:s30+$0x2C10]  }
0xce: {  	v5 =	vld [tilespmem:s30+$0x420];
	v2 =	vmul.f32 v7, v2;
	[tilespmem:s28+$0x5460] =	vst v1;
	s28 =	smov.u32 s30  }
0xcf: {  	v1 =	vld [tilespmem:s28+$0x2C20]  }
0xd0: {  	v4 =	vmul.f32 v4, v8;
	v7 =	vld [tilespmem:s28+$0x430];
	[tilespmem:s28+$0x5470] =	vst v2  }
0xd1: {  	v2 =	vld [tilespmem:s28+$0x2C30]  }
0xd2: {  	[tilespmem:s28+$0x5400] =	vst v4;
	v3 =	vmul.f32 v3, v6;
	v6 =	vld [tilespmem:s28+$0x440]  }
0xd3: {  	v8 =	vld [tilespmem:s28+$0x2C40]  }
.Ltmp1:
0xd4: {  	[tilespmem:s28+$0x5410] =	vst v3;
	v1 =	vmul.f32 v1, v5;
	v3 =	vld [tilespmem:s28+$0x450];
	(pc) =	sbr.rel @p1 .LBB2_5-.Ltmp1, $4  }
0xd5: {  	v4 =	vld [tilespmem:s28+$0x2C50]  }
0xd6: {  	[tilespmem:s28+$0x5420] =	vst v1;
	v7 =	vmul.f32 v2, v7;
	v1 =	vld [tilespmem:s28+$0x460]  }
0xd7: {  	s30 =	sshra.s32 s5, $0x2;
	v5 =	vld [tilespmem:s28+$0x2C60]  }
0xd8: {  	s5 =	sadd.s32 $0x200, s5;
	v2 =	vld [tilespmem:s30+$0x470];
	[tilespmem:s28+$0x5430] =	vst v7;
	v6 =	vmul.f32 v8, v6  }
0xd9: {  	v7 =	vld [tilespmem:s30+$0x2C70]  }
0xda: {  	v8 =	vld [tilespmem:s30+$0x400];
	[tilespmem:s28+$0x5440] =	vst v6;
	v3 =	vmul.f32 v4, v3  }
0xdb: {  	v4 =	vld [tilespmem:s30+$0x2C00]  }
0xdc: {  	v6 =	vld [tilespmem:s30+$0x410];
	[tilespmem:s28+$0x5450] =	vst v3;
	v1 =	vmul.f32 v5, v1  }
0xdd: {  	v3 =	vld [tilespmem:s30+$0x2C10]  }
0xde: {  	v5 =	vld [tilespmem:s30+$0x420];
	[tilespmem:s28+$0x5460] =	vst v1  }
0xdf: {  	v1 =	vmul.f32 v7, v2;
	v2 =	vld [tilespmem:s30+$0x2C20]  }
0xe0: {  	v7 =	vld [tilespmem:s30+$0x430]  }
0xe1: {  	v4 =	vmul.f32 v4, v8;
	[tilespmem:s30+$0x5470] =	vst v1;
	v1 =	vld [tilespmem:s30+$0x2C30]  }
0xe2: {  	v8 =	vld [tilespmem:s30+$0x2C60]  }
0xe3: {  	[tilespmem:s30+$0x5400] =	vst v4;
	v3 =	vmul.f32 v3, v6;
	v4 =	vld [tilespmem:s30+$0x440]  }
0xe4: {  	v6 =	vld [tilespmem:s30+$0x2C40]  }
0xe5: {  	[tilespmem:s30+$0x5410] =	vst v3;
	v2 =	vmul.f32 v2, v5;
	v3 =	vld [tilespmem:s30+$0x450]  }
0xe6: {  	v5 =	vld [tilespmem:s30+$0x2C50]  }
0xe7: {  	[tilespmem:s30+$0x5420] =	vst v2;
	v2 =	vld [tilespmem:s30+$0x460];
	_ =	sdelay $0x1  }
0xe8: {  	v1 =	vmul.f32 v1, v7  }
0xe9: {  	v4 =	vmul.f32 v6, v4  }
0xea: {  	[tilespmem:s30+$0x5430] =	vst v1;
	v1 =	vmul.f32 v5, v3  }
0xeb: {  	[tilespmem:s30+$0x5440] =	vst v4;
	v2 =	vmul.f32 v8, v2  }
0xec: {  	s8 =	sld [smem:$0x7F9];
	[tilespmem:s30+$0x5450] =	vst v1  }
0xed: {  	s5 =	simm.s32 $0x200;
	s28 =	smul.u32 $0xA0, s26;
	[tilespmem:s30+$0x5460] =	vst v2  }
0xee: {  	[spmem:s20] =	stream.indirect.scatter.add.f32 [tilespmem:s11], [sflag:$0xD], $0x80, s5, s29, $0xb8;
	[tilespmem:$0x1BC00] =	vst v63  }
0xef: {  	s5 =	sadd.s32 s28, s8  }
0xf0: {  	s13 =	sshrl.u32 s5, $0x3  }
0xf1: {  	s8 =	simm.s32 $0x100;
	s30 =	sadd.s32 s22, s13  }
0xf2: {  	[tilespmem:s8], [sflag:$0x3] =	stream.linear.gather [hbm4b:s30+s1], $0x28, $0x38;
	[tilespmem:$0x1BC00] =	vst v63  }
0xf3: {  	s5 =	sshll.u32 s5, $0x4;
	s13 =	sadd.s32 s18, s13;
	s8 =	simm.s32 $0x300  }
0xf4: {  	[tilespmem:s8], [sflag:$0x7] =	stream.linear.gather [hbm4b:s13+s1], $0x28, $0x38;
	[tilespmem:$0x1BC00] =	vst v63  }
0xf5: {  	s5 =	sadd.s32 s23, s5;
	s13 =	simm.s32 $0x400  }
0xf6: {  	[tilespmem:s13], [sflag:$0x9] =	stream.linear.gather [hbm4b:s5+s1], $0x1400, $0x38;
	[tilespmem:$0x1BC00] =	vst v63  }
0xf7: {  	_ =	swait.ge [sflag:s3], $0x28  }
0xf8: {  	[sflag:s3] =	ssyncset.done $0x0  }
0xf9: {  	[sflag:s3] =	ssyncadd.s32 $0xFFFFFFD8  }
0xfa: {  	_ =	swait.ge [sflag:s4], $0x28  }
0xfb: {  	[sflag:s4] =	ssyncset.done $0x0  }
0xfc: {  	s13 =	simm.s32 $0x4000;
	[sflag:s4] =	ssyncadd.s32 $0xFFFFFFD8  }
0xfd: {  	[tilespmem:s13], [sflag:$0xC] =	stream.indirect.gather [hbm4b:s16+s29], $0x80, s14, s29, $0xb8;
	[tilespmem:$0x1BC00] =	vst v63  }
0xfe: {  	_ =	swait.ge [sflag:s6], $0x1400  }
0xff: {  	[sflag:s6] =	ssyncset.done $0x0  }
0x100: {  	[sflag:s6] =	ssyncadd.s32 $0xFFFFEC00  }
0x101: {  	_ =	swait.ge [sflag:s7], $0x1400  }
0x102: {  	[sflag:s7] =	ssyncset.done $0x0  }
0x103: {  	s5 =	simm.s32 @!p0 $0xE;
	[sflag:s7] =	ssyncadd.s32 $0xFFFFEC00  }
0x104: {  	_ =	swait.ge @!p0 [sflag:s5], $0x1400  }
0x105: {  	[sflag:s5] =	ssyncset.done @!p0 $0x0  }
0x106: {  	s30 =	simm.s32 $0x0;
	[sflag:s5] =	ssyncadd.s32 @!p0 $0xFFFFEC00  }
0x107: {  	v1 =	vld [tilespmem:s30+$0x1870]  }
0x108: {  	v2 =	vld [tilespmem:s30+$0x4070]  }
0x109: {  	v3 =	vld [tilespmem:s30+$0x1800]  }
0x10a: {  	v4 =	vld [tilespmem:s30+$0x4000]  }
0x10b: {  	v5 =	vld [tilespmem:s30+$0x1810]  }
0x10c: {  	v6 =	vld [tilespmem:s30+$0x4010]  }
0x10d: {  	v7 =	vld [tilespmem:s30+$0x1820]  }
0x10e: {  	v8 =	vld [tilespmem:s30+$0x1830]  }
0x10f: {  	v1 =	vmul.f32 v2, v1;
	v2 =	vld [tilespmem:s30+$0x4020]  }
0x110: {  	v9 =	vld [tilespmem:s30+$0x4030]  }
0x111: {  	v10 =	vld [tilespmem:s30+$0x4040];
	v3 =	vmul.f32 v4, v3  }
0x112: {  	[tilespmem:s30+$0x6870] =	vst v1;
	v1 =	vmul.f32 v6, v5;
	v6 =	vld [tilespmem:s30+$0x1840]  }
0x113: {  	v4 =	vld [tilespmem:s30+$0x4050];
	[tilespmem:s30+$0x6800] =	vst v3  }
0x114: {  	v3 =	vld [tilespmem:s30+$0x1850];
	[tilespmem:s30+$0x6810] =	vst v1;
	v1 =	vmul.f32 v2, v7  }
0x115: {  	v5 =	vld [tilespmem:s30+$0x4060];
	v7 =	vmul.f32 v9, v8  }
0x116: {  	s5 =	simm.s32 $0x80;
	[tilespmem:s30+$0x6820] =	vst v1;
	v1 =	vld [tilespmem:s30+$0x1860]  }
0x117: {  	s13 =	simm.s32 $0x400;
	v6 =	vmul.f32 v10, v6;
	v2 =	vld [tilespmem:s5+$0x1870];
	[tilespmem:s30+$0x6830] =	vst v7  }
.LBB2_7:
0x118: {  	p0 =	sne.s32 s13, $0x4E00;
	v7 =	vld [tilespmem:s5+$0x4070]  }
0x119: {  	v8 =	vld [tilespmem:s5+$0x1800];
	[tilespmem:s30+$0x6840] =	vst v6;
	v3 =	vmul.f32 v4, v3  }
0x11a: {  	v4 =	vld [tilespmem:s5+$0x4000]  }
0x11b: {  	v6 =	vld [tilespmem:s5+$0x1810];
	[tilespmem:s30+$0x6850] =	vst v3;
	v1 =	vmul.f32 v5, v1  }
0x11c: {  	v3 =	vld [tilespmem:s5+$0x4010]  }
0x11d: {  	v5 =	vld [tilespmem:s5+$0x1820];
	v2 =	vmul.f32 v7, v2;
	[tilespmem:s30+$0x6860] =	vst v1;
	s30 =	smov.u32 s5  }
0x11e: {  	v1 =	vld [tilespmem:s30+$0x4020]  }
0x11f: {  	v4 =	vmul.f32 v4, v8;
	v7 =	vld [tilespmem:s30+$0x1830];
	[tilespmem:s30+$0x6870] =	vst v2  }
0x120: {  	v2 =	vld [tilespmem:s30+$0x4030]  }
0x121: {  	[tilespmem:s30+$0x6800] =	vst v4;
	v3 =	vmul.f32 v3, v6;
	v6 =	vld [tilespmem:s30+$0x1840]  }
0x122: {  	v8 =	vld [tilespmem:s30+$0x4040]  }
.Ltmp2:
0x123: {  	[tilespmem:s30+$0x6810] =	vst v3;
	v1 =	vmul.f32 v1, v5;
	v3 =	vld [tilespmem:s30+$0x1850];
	(pc) =	sbr.rel @p0 .LBB2_7-.Ltmp2, $4  }
0x124: {  	v4 =	vld [tilespmem:s30+$0x4050]  }
0x125: {  	[tilespmem:s30+$0x6820] =	vst v1;
	v7 =	vmul.f32 v2, v7;
	v1 =	vld [tilespmem:s30+$0x1860]  }
0x126: {  	s5 =	sshra.s32 s13, $0x2;
	v5 =	vld [tilespmem:s30+$0x4060]  }
0x127: {  	s13 =	sadd.s32 $0x200, s13;
	v2 =	vld [tilespmem:s5+$0x1870];
	[tilespmem:s30+$0x6830] =	vst v7;
	v6 =	vmul.f32 v8, v6  }
0x128: {  	v7 =	vld [tilespmem:s5+$0x4070]  }
0x129: {  	v8 =	vld [tilespmem:s5+$0x1800];
	[tilespmem:s30+$0x6840] =	vst v6;
	v3 =	vmul.f32 v4, v3  }
0x12a: {  	v4 =	vld [tilespmem:s5+$0x4000]  }
0x12b: {  	v6 =	vld [tilespmem:s5+$0x1810];
	[tilespmem:s30+$0x6850] =	vst v3;
	v1 =	vmul.f32 v5, v1  }
0x12c: {  	v3 =	vld [tilespmem:s5+$0x4010]  }
0x12d: {  	v5 =	vld [tilespmem:s5+$0x1820];
	[tilespmem:s30+$0x6860] =	vst v1  }
0x12e: {  	v1 =	vmul.f32 v7, v2;
	v2 =	vld [tilespmem:s5+$0x4020]  }
0x12f: {  	v7 =	vld [tilespmem:s5+$0x1830]  }
0x130: {  	v4 =	vmul.f32 v4, v8;
	[tilespmem:s5+$0x6870] =	vst v1;
	v1 =	vld [tilespmem:s5+$0x4030]  }
0x131: {  	v8 =	vld [tilespmem:s5+$0x4060]  }
0x132: {  	[tilespmem:s5+$0x6800] =	vst v4;
	v3 =	vmul.f32 v3, v6;
	v4 =	vld [tilespmem:s5+$0x1840]  }
0x133: {  	v6 =	vld [tilespmem:s5+$0x4040]  }
0x134: {  	[tilespmem:s5+$0x6810] =	vst v3;
	v2 =	vmul.f32 v2, v5;
	v3 =	vld [tilespmem:s5+$0x1850]  }
0x135: {  	v5 =	vld [tilespmem:s5+$0x4050]  }
0x136: {  	[tilespmem:s5+$0x6820] =	vst v2;
	v2 =	vld [tilespmem:s5+$0x1860];
	_ =	sdelay $0x1  }
0x137: {  	v1 =	vmul.f32 v1, v7  }
0x138: {  	v4 =	vmul.f32 v6, v4  }
0x139: {  	s13 =	sld [smem:$0x7FA];
	[tilespmem:s5+$0x6830] =	vst v1;
	v1 =	vmul.f32 v5, v3  }
0x13a: {  	[tilespmem:s5+$0x6840] =	vst v4;
	v2 =	vmul.f32 v8, v2  }
0x13b: {  	[tilespmem:s5+$0x6850] =	vst v1  }
0x13c: {  	s8 =	simm.s32 $0x6800;
	[tilespmem:s5+$0x6860] =	vst v2;
	s5 =	sadd.s32 s28, s13  }
0x13d: {  	[spmem:s20] =	stream.indirect.scatter.add.f32 [tilespmem:s8], [sflag:$0xE], $0x80, s10, s29, $0xb8;
	[tilespmem:$0x1BC00] =	vst v63  }
0x13e: {  	s13 =	sshrl.u32 s5, $0x3  }
0x13f: {  	s14 =	simm.s32 $0x180;
	s8 =	simm.s32 $0x0;
	s30 =	sadd.s32 s22, s13  }
0x140: {  	[tilespmem:s14], [sflag:$0x4] =	stream.linear.gather [hbm4b:s30+s8], $0x28, $0x38;
	[tilespmem:$0x1BC00] =	vst v63  }
0x141: {  	s5 =	sshll.u32 s5, $0x4;
	s13 =	sadd.s32 s18, s13;
	s14 =	simm.s32 $0x380  }
0x142: {  	[tilespmem:s14], [sflag:$0x8] =	stream.linear.gather [hbm4b:s13+s8], $0x28, $0x38;
	[tilespmem:$0x1BC00] =	vst v63  }
0x143: {  	s5 =	sadd.s32 s23, s5;
	s14 =	simm.s32 $0x1800  }
0x144: {  	[tilespmem:s14], [sflag:$0xA] =	stream.linear.gather [hbm4b:s5+s8], $0x1400, $0x38;
	[tilespmem:$0x1BC00] =	vst v63  }
0x145: {  	_ =	swait.ge [sflag:s21], $0x28  }
0x146: {  	[sflag:s21] =	ssyncset.done $0x0  }
0x147: {  	[sflag:s21] =	ssyncadd.s32 $0xFFFFFFD8  }
0x148: {  	_ =	swait.ge [sflag:s9], $0x28  }
0x149: {  	[sflag:s9] =	ssyncset.done $0x0  }
0x14a: {  	s13 =	simm.s32 $0x2C00;
	s14 =	simm.s32 $0x100;
	[sflag:s9] =	ssyncadd.s32 $0xFFFFFFD8  }
0x14b: {  	[tilespmem:s13], [sflag:$0xB] =	stream.indirect.gather [hbm4b:s16+s29], $0x80, s14, s29, $0xb8;
	[tilespmem:$0x1BC00] =	vst v63  }
0x14c: {  	_ =	swait.ge [sflag:s31], $0x1400  }
0x14d: {  	[sflag:s31] =	ssyncset.done $0x0  }
0x14e: {  	[sflag:s31] =	ssyncadd.s32 $0xFFFFEC00  }
0x14f: {  	_ =	swait.ge [sflag:s17], $0x1400  }
0x150: {  	[sflag:s17] =	ssyncset.done $0x0  }
0x151: {  	[sflag:s17] =	ssyncadd.s32 $0xFFFFEC00  }
0x152: {  	_ =	swait.ge [sflag:s0], $0x1400  }
0x153: {  	[sflag:s0] =	ssyncset.done $0x0  }
0x154: {  	s30 =	simm.s32 $0x0;
	[sflag:s0] =	ssyncadd.s32 $0xFFFFEC00  }
0x155: {  	v1 =	vld [tilespmem:s30+$0x470]  }
0x156: {  	v2 =	vld [tilespmem:s30+$0x2C70]  }
0x157: {  	v3 =	vld [tilespmem:s30+$0x400]  }
0x158: {  	v4 =	vld [tilespmem:s30+$0x2C00]  }
0x159: {  	v5 =	vld [tilespmem:s30+$0x410]  }
0x15a: {  	v6 =	vld [tilespmem:s30+$0x2C10]  }
0x15b: {  	v7 =	vld [tilespmem:s30+$0x420]  }
0x15c: {  	v8 =	vld [tilespmem:s30+$0x430]  }
0x15d: {  	v1 =	vmul.f32 v2, v1;
	v2 =	vld [tilespmem:s30+$0x2C20]  }
0x15e: {  	v9 =	vld [tilespmem:s30+$0x2C30]  }
0x15f: {  	v10 =	vld [tilespmem:s30+$0x2C40];
	v3 =	vmul.f32 v4, v3  }
0x160: {  	[tilespmem:s30+$0x5470] =	vst v1;
	v1 =	vmul.f32 v6, v5;
	v6 =	vld [tilespmem:s30+$0x440]  }
0x161: {  	v4 =	vld [tilespmem:s30+$0x2C50];
	[tilespmem:s30+$0x5400] =	vst v3  }
0x162: {  	v3 =	vld [tilespmem:s30+$0x450];
	[tilespmem:s30+$0x5410] =	vst v1;
	v1 =	vmul.f32 v2, v7  }
0x163: {  	v5 =	vld [tilespmem:s30+$0x2C60];
	v7 =	vmul.f32 v9, v8  }
0x164: {  	s5 =	simm.s32 $0x80;
	[tilespmem:s30+$0x5420] =	vst v1;
	v1 =	vld [tilespmem:s30+$0x460]  }
0x165: {  	s13 =	simm.s32 $0x400;
	v6 =	vmul.f32 v10, v6;
	v2 =	vld [tilespmem:s5+$0x470];
	[tilespmem:s30+$0x5430] =	vst v7  }
.LBB2_9:
0x166: {  	p0 =	sne.s32 s13, $0x4E00;
	v7 =	vld [tilespmem:s5+$0x2C70]  }
0x167: {  	v8 =	vld [tilespmem:s5+$0x400];
	[tilespmem:s30+$0x5440] =	vst v6;
	v3 =	vmul.f32 v4, v3  }
0x168: {  	v4 =	vld [tilespmem:s5+$0x2C00]  }
0x169: {  	v6 =	vld [tilespmem:s5+$0x410];
	[tilespmem:s30+$0x5450] =	vst v3;
	v1 =	vmul.f32 v5, v1  }
0x16a: {  	v3 =	vld [tilespmem:s5+$0x2C10]  }
0x16b: {  	v5 =	vld [tilespmem:s5+$0x420];
	v2 =	vmul.f32 v7, v2;
	[tilespmem:s30+$0x5460] =	vst v1;
	s30 =	smov.u32 s5  }
0x16c: {  	v1 =	vld [tilespmem:s30+$0x2C20]  }
0x16d: {  	v4 =	vmul.f32 v4, v8;
	v7 =	vld [tilespmem:s30+$0x430];
	[tilespmem:s30+$0x5470] =	vst v2  }
0x16e: {  	v2 =	vld [tilespmem:s30+$0x2C30]  }
0x16f: {  	[tilespmem:s30+$0x5400] =	vst v4;
	v3 =	vmul.f32 v3, v6;
	v6 =	vld [tilespmem:s30+$0x440]  }
0x170: {  	v8 =	vld [tilespmem:s30+$0x2C40]  }
.Ltmp3:
0x171: {  	[tilespmem:s30+$0x5410] =	vst v3;
	v1 =	vmul.f32 v1, v5;
	v3 =	vld [tilespmem:s30+$0x450];
	(pc) =	sbr.rel @p0 .LBB2_9-.Ltmp3, $4  }
0x172: {  	v4 =	vld [tilespmem:s30+$0x2C50]  }
0x173: {  	[tilespmem:s30+$0x5420] =	vst v1;
	v7 =	vmul.f32 v2, v7;
	v1 =	vld [tilespmem:s30+$0x460]  }
0x174: {  	s5 =	sshra.s32 s13, $0x2;
	v5 =	vld [tilespmem:s30+$0x2C60]  }
0x175: {  	s13 =	sadd.s32 $0x200, s13;
	v2 =	vld [tilespmem:s5+$0x470];
	[tilespmem:s30+$0x5430] =	vst v7;
	v6 =	vmul.f32 v8, v6  }
0x176: {  	v7 =	vld [tilespmem:s5+$0x2C70]  }
0x177: {  	v8 =	vld [tilespmem:s5+$0x400];
	[tilespmem:s30+$0x5440] =	vst v6;
	v3 =	vmul.f32 v4, v3  }
0x178: {  	v4 =	vld [tilespmem:s5+$0x2C00]  }
0x179: {  	v6 =	vld [tilespmem:s5+$0x410];
	[tilespmem:s30+$0x5450] =	vst v3;
	v1 =	vmul.f32 v5, v1  }
0x17a: {  	v3 =	vld [tilespmem:s5+$0x2C10]  }
0x17b: {  	v5 =	vld [tilespmem:s5+$0x420];
	[tilespmem:s30+$0x5460] =	vst v1  }
0x17c: {  	v1 =	vmul.f32 v7, v2;
	v2 =	vld [tilespmem:s5+$0x2C20]  }
0x17d: {  	v7 =	vld [tilespmem:s5+$0x430]  }
0x17e: {  	v4 =	vmul.f32 v4, v8;
	[tilespmem:s5+$0x5470] =	vst v1;
	v1 =	vld [tilespmem:s5+$0x2C30]  }
0x17f: {  	v8 =	vld [tilespmem:s5+$0x2C60]  }
0x180: {  	[tilespmem:s5+$0x5400] =	vst v4;
	v3 =	vmul.f32 v3, v6;
	v4 =	vld [tilespmem:s5+$0x440]  }
0x181: {  	v6 =	vld [tilespmem:s5+$0x2C40]  }
0x182: {  	[tilespmem:s5+$0x5410] =	vst v3;
	v2 =	vmul.f32 v2, v5;
	v3 =	vld [tilespmem:s5+$0x450]  }
0x183: {  	v5 =	vld [tilespmem:s5+$0x2C50]  }
0x184: {  	[tilespmem:s5+$0x5420] =	vst v2;
	v2 =	vld [tilespmem:s5+$0x460];
	_ =	sdelay $0x1  }
0x185: {  	v1 =	vmul.f32 v1, v7  }
0x186: {  	v4 =	vmul.f32 v6, v4  }
0x187: {  	s13 =	sld [smem:$0x7FB];
	[tilespmem:s5+$0x5430] =	vst v1;
	v1 =	vmul.f32 v5, v3  }
0x188: {  	[tilespmem:s5+$0x5440] =	vst v4;
	v2 =	vmul.f32 v8, v2  }
0x189: {  	[tilespmem:s5+$0x5450] =	vst v1  }
0x18a: {  	s8 =	simm.s32 $0x300;
	[tilespmem:s5+$0x5460] =	vst v2;
	s5 =	sadd.s32 s28, s13  }
0x18b: {  	[spmem:s20] =	stream.indirect.scatter.add.f32 [tilespmem:s11], [sflag:$0xD], $0x80, s8, s29, $0xb8;
	[tilespmem:$0x1BC00] =	vst v63  }
0x18c: {  	s8 =	sshrl.u32 s5, $0x3  }
0x18d: {  	s30 =	simm.s32 $0x0;
	s13 =	sadd.s32 s22, s8  }
0x18e: {  	[tilespmem:s30], [sflag:$0x1] =	stream.linear.gather [hbm4b:s13+s30], $0x28, $0x38;
	[tilespmem:$0x1BC00] =	vst v63  }
0x18f: {  	s14 =	simm.s32 $0x200;
	s5 =	sshll.u32 s5, $0x4;
	s8 =	sadd.s32 s18, s8  }
0x190: {  	[tilespmem:s14], [sflag:$0x5] =	stream.linear.gather [hbm4b:s8+s30], $0x28, $0x38;
	[tilespmem:$0x1BC00] =	vst v63  }
0x191: {  	s5 =	sadd.s32 s23, s5;
	s14 =	simm.s32 $0x400  }
0x192: {  	[tilespmem:s14], [sflag:$0x9] =	stream.linear.gather [hbm4b:s5+s30], $0x1400, $0x38;
	[tilespmem:$0x1BC00] =	vst v63  }
0x193: {  	_ =	swait.ge [sflag:s2], $0x28  }
0x194: {  	[sflag:s2] =	ssyncset.done $0x0  }
0x195: {  	[sflag:s2] =	ssyncadd.s32 $0xFFFFFFD8  }
0x196: {  	_ =	swait.ge [sflag:s15], $0x28  }
0x197: {  	[sflag:s15] =	ssyncset.done $0x0  }
0x198: {  	s13 =	simm.s32 $0x4000;
	s14 =	simm.s32 $0x180;
	[sflag:s15] =	ssyncadd.s32 $0xFFFFFFD8  }
0x199: {  	[tilespmem:s13], [sflag:$0xC] =	stream.indirect.gather [hbm4b:s16+s29], $0x80, s14, s29, $0xb8;
	[tilespmem:$0x1BC00] =	vst v63  }
0x19a: {  	_ =	swait.ge [sflag:s6], $0x1400  }
0x19b: {  	[sflag:s6] =	ssyncset.done $0x0  }
0x19c: {  	[sflag:s6] =	ssyncadd.s32 $0xFFFFEC00  }
0x19d: {  	_ =	swait.ge [sflag:s7], $0x1400  }
0x19e: {  	[sflag:s7] =	ssyncset.done $0x0  }
0x19f: {  	[sflag:s7] =	ssyncadd.s32 $0xFFFFEC00  }
0x1a0: {  	_ =	swait.ge [sflag:s19], $0x1400  }
0x1a1: {  	[sflag:s19] =	ssyncset.done $0x0  }
0x1a2: {  	s30 =	simm.s32 $0x0;
	[sflag:s19] =	ssyncadd.s32 $0xFFFFEC00  }
0x1a3: {  	v1 =	vld [tilespmem:s30+$0x1870]  }
0x1a4: {  	v2 =	vld [tilespmem:s30+$0x4070]  }
0x1a5: {  	v3 =	vld [tilespmem:s30+$0x1800]  }
0x1a6: {  	v4 =	vld [tilespmem:s30+$0x4000]  }
0x1a7: {  	v5 =	vld [tilespmem:s30+$0x1810]  }
0x1a8: {  	v6 =	vld [tilespmem:s30+$0x4010]  }
0x1a9: {  	v7 =	vld [tilespmem:s30+$0x1820]  }
0x1aa: {  	v8 =	vld [tilespmem:s30+$0x1830]  }
0x1ab: {  	v1 =	vmul.f32 v2, v1;
	v2 =	vld [tilespmem:s30+$0x4020]  }
0x1ac: {  	v9 =	vld [tilespmem:s30+$0x4030]  }
0x1ad: {  	v10 =	vld [tilespmem:s30+$0x4040];
	v3 =	vmul.f32 v4, v3  }
0x1ae: {  	[tilespmem:s30+$0x6870] =	vst v1;
	v1 =	vmul.f32 v6, v5;
	v6 =	vld [tilespmem:s30+$0x1840]  }
0x1af: {  	v4 =	vld [tilespmem:s30+$0x4050];
	[tilespmem:s30+$0x6800] =	vst v3  }
0x1b0: {  	v3 =	vld [tilespmem:s30+$0x1850];
	[tilespmem:s30+$0x6810] =	vst v1;
	v1 =	vmul.f32 v2, v7  }
0x1b1: {  	v5 =	vld [tilespmem:s30+$0x4060];
	v7 =	vmul.f32 v9, v8  }
0x1b2: {  	s5 =	simm.s32 $0x80;
	[tilespmem:s30+$0x6820] =	vst v1;
	v1 =	vld [tilespmem:s30+$0x1860]  }
0x1b3: {  	s13 =	simm.s32 $0x400;
	s14 =	simm.s32 $0x80;
	v6 =	vmul.f32 v10, v6;
	v2 =	vld [tilespmem:s5+$0x1870];
	[tilespmem:s30+$0x6830] =	vst v7  }
.LBB2_11:
0x1b4: {  	p0 =	sne.s32 s13, $0x4E00;
	v7 =	vld [tilespmem:s5+$0x4070]  }
0x1b5: {  	v8 =	vld [tilespmem:s5+$0x1800];
	[tilespmem:s30+$0x6840] =	vst v6;
	v3 =	vmul.f32 v4, v3  }
0x1b6: {  	v4 =	vld [tilespmem:s5+$0x4000]  }
0x1b7: {  	v6 =	vld [tilespmem:s5+$0x1810];
	[tilespmem:s30+$0x6850] =	vst v3;
	v1 =	vmul.f32 v5, v1  }
0x1b8: {  	v3 =	vld [tilespmem:s5+$0x4010]  }
0x1b9: {  	v5 =	vld [tilespmem:s5+$0x1820];
	v2 =	vmul.f32 v7, v2;
	[tilespmem:s30+$0x6860] =	vst v1;
	s30 =	smov.u32 s5  }
0x1ba: {  	v1 =	vld [tilespmem:s30+$0x4020]  }
0x1bb: {  	v4 =	vmul.f32 v4, v8;
	v7 =	vld [tilespmem:s30+$0x1830];
	[tilespmem:s30+$0x6870] =	vst v2  }
0x1bc: {  	v2 =	vld [tilespmem:s30+$0x4030]  }
0x1bd: {  	[tilespmem:s30+$0x6800] =	vst v4;
	v3 =	vmul.f32 v3, v6;
	v6 =	vld [tilespmem:s30+$0x1840]  }
0x1be: {  	v8 =	vld [tilespmem:s30+$0x4040]  }
.Ltmp4:
0x1bf: {  	[tilespmem:s30+$0x6810] =	vst v3;
	v1 =	vmul.f32 v1, v5;
	v3 =	vld [tilespmem:s30+$0x1850];
	(pc) =	sbr.rel @p0 .LBB2_11-.Ltmp4, $4  }
0x1c0: {  	v4 =	vld [tilespmem:s30+$0x4050]  }
0x1c1: {  	[tilespmem:s30+$0x6820] =	vst v1;
	v7 =	vmul.f32 v2, v7;
	v1 =	vld [tilespmem:s30+$0x1860]  }
0x1c2: {  	s5 =	sshra.s32 s13, $0x2;
	v5 =	vld [tilespmem:s30+$0x4060]  }
0x1c3: {  	s13 =	sadd.s32 $0x200, s13;
	v2 =	vld [tilespmem:s5+$0x1870];
	[tilespmem:s30+$0x6830] =	vst v7;
	v6 =	vmul.f32 v8, v6  }
0x1c4: {  	v7 =	vld [tilespmem:s5+$0x4070]  }
0x1c5: {  	v8 =	vld [tilespmem:s5+$0x1800];
	[tilespmem:s30+$0x6840] =	vst v6;
	v3 =	vmul.f32 v4, v3  }
0x1c6: {  	v57 =	vld [tilespmem:s5+$0x4000]  }
0x1c7: {  	v6 =	vld [tilespmem:s5+$0x1810];
	[tilespmem:s30+$0x6850] =	vst v3;
	v1 =	vmul.f32 v5, v1  }
0x1c8: {  	v3 =	vld [tilespmem:s5+$0x4010]  }
0x1c9: {  	v58 =	vld [tilespmem:s5+$0x1820];
	[tilespmem:s30+$0x6860] =	vst v1  }
0x1ca: {  	v1 =	vmul.f32 v7, v2;
	v2 =	vld [tilespmem:s5+$0x4020]  }
0x1cb: {  	v59 =	vld [tilespmem:s5+$0x1830]  }
0x1cc: {  	v60 =	vld [tilespmem:s5+$0x1840]  }
0x1cd: {  	v61 =	vld [tilespmem:s5+$0x4040]  }
0x1ce: {  	v62 =	vld [tilespmem:s5+$0x4050]  }
0x1cf: {  	[tilespmem:s5+$0x6870] =	vst v1;
	v1 =	vld [tilespmem:s5+$0x4030];
	v3 =	vmul.f32 v3, v6  }
0x1d0: {  	v63 =	vld [tilespmem:s5+$0x4060];
	v2 =	vmul.f32 v2, v58  }
0x1d1: {  	[tilespmem:s5+$0x6810] =	vst v3;
	v3 =	vld [tilespmem:s5+$0x1850]  }
0x1d2: {  	[tilespmem:s5+$0x6820] =	vst v2;
	v2 =	vld [tilespmem:s5+$0x1860]  }
0x1d3: {  	v4 =	vmul.f32 v57, v8  }
0x1d4: {  	v1 =	vmul.f32 v1, v59  }
0x1d5: {  	[tilespmem:s5+$0x6800] =	vst v4;
	v4 =	vmul.f32 v61, v60  }
0x1d6: {  	s13 =	sld [smem:$0x7FC];
	[tilespmem:s5+$0x6830] =	vst v1;
	v1 =	vmul.f32 v62, v3  }
0x1d7: {  	[tilespmem:s5+$0x6840] =	vst v4;
	v2 =	vmul.f32 v63, v2  }
0x1d8: {  	[tilespmem:s5+$0x6850] =	vst v1  }
0x1d9: {  	s8 =	simm.s32 $0x380;
	s30 =	simm.s32 $0x6800;
	[tilespmem:s5+$0x6860] =	vst v2;
	s5 =	sadd.s32 s28, s13  }
0x1da: {  	[spmem:s20] =	stream.indirect.scatter.add.f32 [tilespmem:s30], [sflag:$0xE], $0x80, s8, s29, $0xb8;
	[tilespmem:$0x1BC00] =	vst v63  }
0x1db: {  	s30 =	sshrl.u32 s5, $0x3  }
0x1dc: {  	s13 =	sadd.s32 s22, s30  }
0x1dd: {  	[tilespmem:s14], [sflag:$0x2] =	stream.linear.gather [hbm4b:s13+s1], $0x28, $0x38;
	[tilespmem:$0x1BC00] =	vst v63  }
0x1de: {  	s5 =	sshll.u32 s5, $0x4;
	s8 =	sadd.s32 s18, s30  }
0x1df: {  	[tilespmem:s10], [sflag:$0x6] =	stream.linear.gather [hbm4b:s8+s1], $0x28, $0x38;
	[tilespmem:$0x1BC00] =	vst v63  }
0x1e0: {  	s28 =	simm.s32 $0x1800;
	s5 =	sadd.s32 s23, s5  }
0x1e1: {  	[tilespmem:s28], [sflag:$0xA] =	stream.linear.gather [hbm4b:s5+s1], $0x1400, $0x38;
	[tilespmem:$0x1BC00] =	vst v63  }
0x1e2: {  	s26 =	sadd.s32 $0x1, s26;
	_ =	swait.ge [sflag:s24], $0x28  }
0x1e3: {  	p0 =	sne.s32 s26, $0x3E;
	[sflag:s24] =	ssyncset.done $0x0  }
.Ltmp5:
0x1e4: {  	[sflag:s24] =	ssyncadd.s32 $0xFFFFFFD8;
	(pc) =	sbr.rel @p0 .LBB2_4-.Ltmp5, $4  }
0x1e5: {  	_ =	swait.ge [sflag:s25], $0x28  }
0x1e6: {  	[sflag:s25] =	ssyncset.done $0x0  }
0x1e7: {  	s30 =	simm.s32 $0x2C00;
	[sflag:s25] =	ssyncadd.s32 $0xFFFFFFD8  }
0x1e8: {  	[tilespmem:s30], [sflag:$0xB] =	stream.indirect.gather [hbm4b:s16+s29], $0x80, s1, s29, $0xb8;
	[tilespmem:$0x1BC00] =	vst v63  }
0x1e9: {  	_ =	swait.ge [sflag:s31], $0x1400  }
0x1ea: {  	[sflag:s31] =	ssyncset.done $0x0  }
0x1eb: {  	[sflag:s31] =	ssyncadd.s32 $0xFFFFEC00  }
0x1ec: {  	_ =	swait.ge [sflag:s17], $0x1400  }
0x1ed: {  	[sflag:s17] =	ssyncset.done $0x0  }
0x1ee: {  	[sflag:s17] =	ssyncadd.s32 $0xFFFFEC00  }
0x1ef: {  	_ =	swait.ge [sflag:s0], $0x1400  }
0x1f0: {  	[sflag:s0] =	ssyncset.done $0x0  }
0x1f1: {  	s26 =	simm.s32 $0x0;
	[sflag:s0] =	ssyncadd.s32 $0xFFFFEC00  }
0x1f2: {  	v1 =	vld [tilespmem:s26+$0x470]  }
0x1f3: {  	v2 =	vld [tilespmem:s26+$0x2C70]  }
0x1f4: {  	v3 =	vld [tilespmem:s26+$0x400]  }
0x1f5: {  	v4 =	vld [tilespmem:s26+$0x2C00]  }
0x1f6: {  	v5 =	vld [tilespmem:s26+$0x410]  }
0x1f7: {  	v6 =	vld [tilespmem:s26+$0x2C10]  }
0x1f8: {  	v7 =	vld [tilespmem:s26+$0x420]  }
0x1f9: {  	v8 =	vld [tilespmem:s26+$0x430]  }
0x1fa: {  	v1 =	vmul.f32 v2, v1;
	v2 =	vld [tilespmem:s26+$0x2C20]  }
0x1fb: {  	v9 =	vld [tilespmem:s26+$0x2C30]  }
0x1fc: {  	v10 =	vld [tilespmem:s26+$0x2C40];
	v3 =	vmul.f32 v4, v3  }
0x1fd: {  	[tilespmem:s26+$0x5470] =	vst v1;
	v1 =	vmul.f32 v6, v5;
	v6 =	vld [tilespmem:s26+$0x440]  }
0x1fe: {  	v4 =	vld [tilespmem:s26+$0x2C50];
	[tilespmem:s26+$0x5400] =	vst v3  }
0x1ff: {  	v3 =	vld [tilespmem:s26+$0x450];
	[tilespmem:s26+$0x5410] =	vst v1;
	v1 =	vmul.f32 v2, v7  }
0x200: {  	v5 =	vld [tilespmem:s26+$0x2C60];
	v7 =	vmul.f32 v9, v8  }
0x201: {  	s5 =	simm.s32 $0x80;
	[tilespmem:s26+$0x5420] =	vst v1;
	v1 =	vld [tilespmem:s26+$0x460]  }
0x202: {  	s13 =	simm.s32 $0x400;
	s8 =	sld [smem:$0x7ED];
	v6 =	vmul.f32 v10, v6;
	v2 =	vld [tilespmem:s5+$0x470];
	[tilespmem:s26+$0x5430] =	vst v7  }
.LBB2_14:
0x203: {  	p0 =	sne.s32 s13, $0x4E00;
	v7 =	vld [tilespmem:s5+$0x2C70]  }
0x204: {  	v8 =	vld [tilespmem:s5+$0x400];
	[tilespmem:s26+$0x5440] =	vst v6;
	v3 =	vmul.f32 v4, v3  }
0x205: {  	v4 =	vld [tilespmem:s5+$0x2C00]  }
0x206: {  	v6 =	vld [tilespmem:s5+$0x410];
	[tilespmem:s26+$0x5450] =	vst v3;
	v1 =	vmul.f32 v5, v1  }
0x207: {  	v3 =	vld [tilespmem:s5+$0x2C10]  }
0x208: {  	v5 =	vld [tilespmem:s5+$0x420];
	v2 =	vmul.f32 v7, v2;
	[tilespmem:s26+$0x5460] =	vst v1;
	s26 =	smov.u32 s5  }
0x209: {  	v1 =	vld [tilespmem:s26+$0x2C20]  }
0x20a: {  	v4 =	vmul.f32 v4, v8;
	v7 =	vld [tilespmem:s26+$0x430];
	[tilespmem:s26+$0x5470] =	vst v2  }
0x20b: {  	v2 =	vld [tilespmem:s26+$0x2C30]  }
0x20c: {  	[tilespmem:s26+$0x5400] =	vst v4;
	v3 =	vmul.f32 v3, v6;
	v6 =	vld [tilespmem:s26+$0x440]  }
0x20d: {  	v8 =	vld [tilespmem:s26+$0x2C40]  }
.Ltmp6:
0x20e: {  	[tilespmem:s26+$0x5410] =	vst v3;
	v1 =	vmul.f32 v1, v5;
	v3 =	vld [tilespmem:s26+$0x450];
	(pc) =	sbr.rel @p0 .LBB2_14-.Ltmp6, $4  }
0x20f: {  	v4 =	vld [tilespmem:s26+$0x2C50]  }
0x210: {  	[tilespmem:s26+$0x5420] =	vst v1;
	v7 =	vmul.f32 v2, v7;
	v1 =	vld [tilespmem:s26+$0x460]  }
0x211: {  	s5 =	sshra.s32 s13, $0x2;
	v5 =	vld [tilespmem:s26+$0x2C60]  }
0x212: {  	s13 =	sadd.s32 $0x200, s13;
	v2 =	vld [tilespmem:s5+$0x470];
	[tilespmem:s26+$0x5430] =	vst v7;
	v6 =	vmul.f32 v8, v6  }
0x213: {  	v7 =	vld [tilespmem:s5+$0x2C70]  }
0x214: {  	v8 =	vld [tilespmem:s5+$0x400];
	[tilespmem:s26+$0x5440] =	vst v6;
	v3 =	vmul.f32 v4, v3  }
0x215: {  	v4 =	vld [tilespmem:s5+$0x2C00]  }
0x216: {  	v6 =	vld [tilespmem:s5+$0x410];
	[tilespmem:s26+$0x5450] =	vst v3;
	v1 =	vmul.f32 v5, v1  }
0x217: {  	v3 =	vld [tilespmem:s5+$0x2C10]  }
0x218: {  	v5 =	vld [tilespmem:s5+$0x420];
	[tilespmem:s26+$0x5460] =	vst v1  }
0x219: {  	v1 =	vmul.f32 v7, v2;
	v2 =	vld [tilespmem:s5+$0x2C20]  }
0x21a: {  	v7 =	vld [tilespmem:s5+$0x430]  }
0x21b: {  	v4 =	vmul.f32 v4, v8;
	[tilespmem:s5+$0x5470] =	vst v1;
	v1 =	vld [tilespmem:s5+$0x2C30]  }
0x21c: {  	v8 =	vld [tilespmem:s5+$0x2C60]  }
0x21d: {  	[tilespmem:s5+$0x5400] =	vst v4;
	v3 =	vmul.f32 v3, v6;
	v4 =	vld [tilespmem:s5+$0x440]  }
0x21e: {  	v6 =	vld [tilespmem:s5+$0x2C40]  }
0x21f: {  	[tilespmem:s5+$0x5410] =	vst v3;
	v2 =	vmul.f32 v2, v5;
	v3 =	vld [tilespmem:s5+$0x450]  }
0x220: {  	v5 =	vld [tilespmem:s5+$0x2C50]  }
0x221: {  	[tilespmem:s5+$0x5420] =	vst v2;
	v2 =	vld [tilespmem:s5+$0x460];
	_ =	sdelay $0x1  }
0x222: {  	v1 =	vmul.f32 v1, v7  }
0x223: {  	v4 =	vmul.f32 v6, v4  }
0x224: {  	[tilespmem:s5+$0x5430] =	vst v1;
	v1 =	vmul.f32 v5, v3  }
0x225: {  	[tilespmem:s5+$0x5440] =	vst v4;
	v2 =	vmul.f32 v8, v2  }
0x226: {  	[tilespmem:s5+$0x5450] =	vst v1  }
0x227: {  	s13 =	simm.s32 $0x200;
	[tilespmem:s5+$0x5460] =	vst v2  }
0x228: {  	[spmem:s20] =	stream.indirect.scatter.add.f32 [tilespmem:s11], [sflag:$0xD], $0x80, s13, s29, $0xb8;
	[tilespmem:$0x1BC00] =	vst v63  }
0x229: {  	_ =	swait.ge [sflag:s3], $0x28  }
0x22a: {  	[sflag:s3] =	ssyncset.done $0x0  }
0x22b: {  	[sflag:s3] =	ssyncadd.s32 $0xFFFFFFD8  }
0x22c: {  	_ =	swait.ge [sflag:s4], $0x28  }
0x22d: {  	[sflag:s4] =	ssyncset.done $0x0  }
0x22e: {  	s26 =	simm.s32 $0x4000;
	[sflag:s4] =	ssyncadd.s32 $0xFFFFFFD8  }
0x22f: {  	[tilespmem:s26], [sflag:$0xC] =	stream.indirect.gather [hbm4b:s16+s29], $0x80, s14, s29, $0xb8;
	[tilespmem:$0x1BC00] =	vst v63  }
0x230: {  	_ =	swait.ge [sflag:s6], $0x1400  }
0x231: {  	[sflag:s6] =	ssyncset.done $0x0  }
0x232: {  	[sflag:s6] =	ssyncadd.s32 $0xFFFFEC00  }
0x233: {  	_ =	swait.ge [sflag:s7], $0x1400  }
0x234: {  	[sflag:s7] =	ssyncset.done $0x0  }
0x235: {  	[sflag:s7] =	ssyncadd.s32 $0xFFFFEC00  }
0x236: {  	_ =	swait.ge [sflag:s19], $0x1400  }
0x237: {  	[sflag:s19] =	ssyncset.done $0x0  }
0x238: {  	s26 =	simm.s32 $0x0;
	[sflag:s19] =	ssyncadd.s32 $0xFFFFEC00  }
0x239: {  	v1 =	vld [tilespmem:s26+$0x1870]  }
0x23a: {  	v2 =	vld [tilespmem:s26+$0x4070]  }
0x23b: {  	v3 =	vld [tilespmem:s26+$0x1800]  }
0x23c: {  	v4 =	vld [tilespmem:s26+$0x4000]  }
0x23d: {  	v5 =	vld [tilespmem:s26+$0x1810]  }
0x23e: {  	v6 =	vld [tilespmem:s26+$0x4010]  }
0x23f: {  	v7 =	vld [tilespmem:s26+$0x1820]  }
0x240: {  	v8 =	vld [tilespmem:s26+$0x1830]  }
0x241: {  	v1 =	vmul.f32 v2, v1;
	v2 =	vld [tilespmem:s26+$0x4020]  }
0x242: {  	v9 =	vld [tilespmem:s26+$0x4030]  }
0x243: {  	v10 =	vld [tilespmem:s26+$0x4040];
	v3 =	vmul.f32 v4, v3  }
0x244: {  	[tilespmem:s26+$0x6870] =	vst v1;
	v1 =	vmul.f32 v6, v5;
	v6 =	vld [tilespmem:s26+$0x1840]  }
0x245: {  	v4 =	vld [tilespmem:s26+$0x4050];
	[tilespmem:s26+$0x6800] =	vst v3  }
0x246: {  	v3 =	vld [tilespmem:s26+$0x1850];
	[tilespmem:s26+$0x6810] =	vst v1;
	v1 =	vmul.f32 v2, v7  }
0x247: {  	v5 =	vld [tilespmem:s26+$0x4060];
	v7 =	vmul.f32 v9, v8  }
0x248: {  	s5 =	simm.s32 $0x80;
	s28 =	rddreg [dreg:$0x16];
	[tilespmem:s26+$0x6820] =	vst v1;
	v1 =	vld [tilespmem:s26+$0x1860]  }
0x249: {  	s13 =	simm.s32 $0x400;
	s30 =	rddreg [dreg:$0x17];
	v6 =	vmul.f32 v10, v6;
	v2 =	vld [tilespmem:s5+$0x1870];
	[tilespmem:s26+$0x6830] =	vst v7  }
.LBB2_16:
0x24a: {  	p0 =	sne.s32 s13, $0x4E00;
	v7 =	vld [tilespmem:s5+$0x4070]  }
0x24b: {  	v8 =	vld [tilespmem:s5+$0x1800];
	[tilespmem:s26+$0x6840] =	vst v6;
	v3 =	vmul.f32 v4, v3  }
0x24c: {  	v4 =	vld [tilespmem:s5+$0x4000]  }
0x24d: {  	v6 =	vld [tilespmem:s5+$0x1810];
	[tilespmem:s26+$0x6850] =	vst v3;
	v1 =	vmul.f32 v5, v1  }
0x24e: {  	v3 =	vld [tilespmem:s5+$0x4010]  }
0x24f: {  	v5 =	vld [tilespmem:s5+$0x1820];
	v2 =	vmul.f32 v7, v2;
	[tilespmem:s26+$0x6860] =	vst v1;
	s26 =	smov.u32 s5  }
0x250: {  	v1 =	vld [tilespmem:s26+$0x4020]  }
0x251: {  	v4 =	vmul.f32 v4, v8;
	v7 =	vld [tilespmem:s26+$0x1830];
	[tilespmem:s26+$0x6870] =	vst v2  }
0x252: {  	v2 =	vld [tilespmem:s26+$0x4030]  }
0x253: {  	[tilespmem:s26+$0x6800] =	vst v4;
	v3 =	vmul.f32 v3, v6;
	v6 =	vld [tilespmem:s26+$0x1840]  }
0x254: {  	v8 =	vld [tilespmem:s26+$0x4040]  }
.Ltmp7:
0x255: {  	[tilespmem:s26+$0x6810] =	vst v3;
	v1 =	vmul.f32 v1, v5;
	v3 =	vld [tilespmem:s26+$0x1850];
	(pc) =	sbr.rel @p0 .LBB2_16-.Ltmp7, $4  }
0x256: {  	v4 =	vld [tilespmem:s26+$0x4050]  }
0x257: {  	[tilespmem:s26+$0x6820] =	vst v1;
	v7 =	vmul.f32 v2, v7;
	v1 =	vld [tilespmem:s26+$0x1860]  }
0x258: {  	s5 =	sshra.s32 s13, $0x2;
	v5 =	vld [tilespmem:s26+$0x4060]  }
0x259: {  	s13 =	sadd.s32 $0x200, s13;
	v2 =	vld [tilespmem:s5+$0x1870];
	[tilespmem:s26+$0x6830] =	vst v7;
	v6 =	vmul.f32 v8, v6  }
0x25a: {  	v7 =	vld [tilespmem:s5+$0x4070]  }
0x25b: {  	v8 =	vld [tilespmem:s5+$0x1800];
	[tilespmem:s26+$0x6840] =	vst v6;
	v3 =	vmul.f32 v4, v3  }
0x25c: {  	v57 =	vld [tilespmem:s5+$0x4000]  }
0x25d: {  	v6 =	vld [tilespmem:s5+$0x1810];
	[tilespmem:s26+$0x6850] =	vst v3;
	v1 =	vmul.f32 v5, v1  }
0x25e: {  	v3 =	vld [tilespmem:s5+$0x4010]  }
0x25f: {  	v58 =	vld [tilespmem:s5+$0x1820];
	[tilespmem:s26+$0x6860] =	vst v1  }
0x260: {  	v1 =	vmul.f32 v7, v2;
	v2 =	vld [tilespmem:s5+$0x4020]  }
0x261: {  	v59 =	vld [tilespmem:s5+$0x1830]  }
0x262: {  	v60 =	vld [tilespmem:s5+$0x1840]  }
0x263: {  	v61 =	vld [tilespmem:s5+$0x4040]  }
0x264: {  	v62 =	vld [tilespmem:s5+$0x4050]  }
0x265: {  	[tilespmem:s5+$0x6870] =	vst v1;
	v1 =	vld [tilespmem:s5+$0x4030];
	v3 =	vmul.f32 v3, v6  }
0x266: {  	v63 =	vld [tilespmem:s5+$0x4060];
	v2 =	vmul.f32 v2, v58  }
0x267: {  	[tilespmem:s5+$0x6810] =	vst v3;
	v3 =	vld [tilespmem:s5+$0x1850]  }
0x268: {  	[tilespmem:s5+$0x6820] =	vst v2;
	v2 =	vld [tilespmem:s5+$0x1860]  }
0x269: {  	v4 =	vmul.f32 v57, v8  }
0x26a: {  	v1 =	vmul.f32 v1, v59  }
0x26b: {  	[tilespmem:s5+$0x6800] =	vst v4;
	v4 =	vmul.f32 v61, v60  }
0x26c: {  	[tilespmem:s5+$0x6830] =	vst v1;
	v1 =	vmul.f32 v62, v3  }
0x26d: {  	[tilespmem:s5+$0x6840] =	vst v4;
	v2 =	vmul.f32 v63, v2  }
0x26e: {  	[tilespmem:s5+$0x6850] =	vst v1  }
0x26f: {  	s26 =	simm.s32 $0x6800;
	[tilespmem:s5+$0x6860] =	vst v2  }
0x270: {  	[spmem:s20] =	stream.indirect.scatter.add.f32 [tilespmem:s26], [sflag:$0xE], $0x80, s10, s29, $0xb8;
	[tilespmem:$0x1BC00] =	vst v63  }
0x271: {  	_ =	swait.ge [sflag:s0], $0x1400  }
0x272: {  	[sflag:s0] =	ssyncset.done $0x0  }
0x273: {  	[sflag:s0] =	ssyncadd.s32 $0xFFFFEC00  }
0x274: {  	_ =	swait.ge [sflag:s19], $0x1400  }
0x275: {  	[sflag:s19] =	ssyncset.done $0x0  }
0x276: {  	[sflag:s19] =	ssyncadd.s32 $0xFFFFEC00  }
0x277: {  	[bflag:$0x0] =	sbarrier.arrive $0xFFFF  }
0x278: {  	s26 =	rddreg [dreg:$0x15]  }
0x279: {  	[tilespmem:s11], [sflag:$0xF] =	stream.linear.gather [spmem:s26], $0x1400, $0x38;
	[tilespmem:$0x1BC00] =	vst v63  }
0x27a: {  	_ =	swait.ge [sflag:s12], $0x1400  }
0x27b: {  	[sflag:s12] =	ssyncset.done $0x0  }
0x27c: {  	s13 =	rddreg [dreg:$0x5];
	[sflag:s12] =	ssyncadd.s32 $0xFFFFEC00  }
0x27d: {  	[hbm4b:s13+s1] =	stream.linear.scatter [tilespmem:s11], [sflag:$0xF], $0x1400, $0x38;
	[tilespmem:$0x1BC00] =	vst v63  }
0x27e: {  	_ =	swait.ge [sflag:s12], $0x1400  }
0x27f: {  	[sflag:s12] =	ssyncset.done $0x0  }
0x280: {  	[sflag:s12] =	ssyncadd.s32 $0xFFFFEC00  }
0x281: {  	[tilespmem:s11], [sflag:$0xF] =	stream.linear.gather [spmem:s28], $0x1400, $0x38;
	[tilespmem:$0x1BC00] =	vst v63  }
0x282: {  	_ =	swait.ge [sflag:s12], $0x1400  }
0x283: {  	[sflag:s12] =	ssyncset.done $0x0  }
0x284: {  	s13 =	rddreg [dreg:$0x6];
	[sflag:s12] =	ssyncadd.s32 $0xFFFFEC00  }
0x285: {  	[hbm4b:s13+s1] =	stream.linear.scatter [tilespmem:s11], [sflag:$0xF], $0x1400, $0x38;
	[tilespmem:$0x1BC00] =	vst v63  }
0x286: {  	_ =	swait.ge [sflag:s12], $0x1400  }
0x287: {  	[sflag:s12] =	ssyncset.done $0x0  }
0x288: {  	[sflag:s12] =	ssyncadd.s32 $0xFFFFEC00  }
0x289: {  	[tilespmem:s11], [sflag:$0xF] =	stream.linear.gather [spmem:s30], $0x1400, $0x38;
	[tilespmem:$0x1BC00] =	vst v63  }
0x28a: {  	_ =	swait.ge [sflag:s12], $0x1400  }
0x28b: {  	[sflag:s12] =	ssyncset.done $0x0  }
0x28c: {  	s13 =	rddreg [dreg:$0x7];
	[sflag:s12] =	ssyncadd.s32 $0xFFFFEC00  }
0x28d: {  	[hbm4b:s13+s1] =	stream.linear.scatter [tilespmem:s11], [sflag:$0xF], $0x1400, $0x38;
	[tilespmem:$0x1BC00] =	vst v63  }
0x28e: {  	_ =	swait.ge [sflag:s12], $0x1400  }
0x28f: {  	[sflag:s12] =	ssyncset.done $0x0  }
0x290: {  	s13 =	rddreg [dreg:$0x18];
	[sflag:s12] =	ssyncadd.s32 $0xFFFFEC00  }
0x291: {  	[tilespmem:s11], [sflag:$0xF] =	stream.linear.gather [spmem:s13], $0x1400, $0x38;
	[tilespmem:$0x1BC00] =	vst v63  }
0x292: {  	_ =	swait.ge [sflag:s12], $0x1400  }
0x293: {  	[sflag:s12] =	ssyncset.done $0x0  }
0x294: {  	s13 =	rddreg [dreg:$0x8];
	[sflag:s12] =	ssyncadd.s32 $0xFFFFEC00  }
0x295: {  	[hbm4b:s13+s1] =	stream.linear.scatter [tilespmem:s11], [sflag:$0xF], $0x1400, $0x38;
	[tilespmem:$0x1BC00] =	vst v63  }
0x296: {  	_ =	swait.ge [sflag:s12], $0x1400  }
0x297: {  	[sflag:s12] =	ssyncset.done $0x0  }
0x298: {  	s13 =	rddreg [dreg:$0x19];
	[sflag:s12] =	ssyncadd.s32 $0xFFFFEC00  }
0x299: {  	[tilespmem:s11], [sflag:$0xF] =	stream.linear.gather [spmem:s13], $0x1400, $0x38;
	[tilespmem:$0x1BC00] =	vst v63  }
0x29a: {  	_ =	swait.ge [sflag:s12], $0x1400  }
0x29b: {  	[sflag:s12] =	ssyncset.done $0x0  }
0x29c: {  	s13 =	rddreg [dreg:$0x9];
	[sflag:s12] =	ssyncadd.s32 $0xFFFFEC00  }
0x29d: {  	[hbm4b:s13+s1] =	stream.linear.scatter [tilespmem:s11], [sflag:$0xF], $0x1400, $0x38;
	[tilespmem:$0x1BC00] =	vst v63  }
0x29e: {  	_ =	swait.ge [sflag:s12], $0x1400  }
0x29f: {  	[sflag:s12] =	ssyncset.done $0x0  }
0x2a0: {  	s13 =	rddreg [dreg:$0x1a];
	[sflag:s12] =	ssyncadd.s32 $0xFFFFEC00  }
0x2a1: {  	[tilespmem:s11], [sflag:$0xF] =	stream.linear.gather [spmem:s13], $0x1400, $0x38;
	[tilespmem:$0x1BC00] =	vst v63  }
0x2a2: {  	_ =	swait.ge [sflag:s12], $0x1400  }
0x2a3: {  	[sflag:s12] =	ssyncset.done $0x0  }
0x2a4: {  	s13 =	rddreg [dreg:$0xa];
	[sflag:s12] =	ssyncadd.s32 $0xFFFFEC00  }
0x2a5: {  	[hbm4b:s13+s1] =	stream.linear.scatter [tilespmem:s11], [sflag:$0xF], $0x1400, $0x38;
	[tilespmem:$0x1BC00] =	vst v63  }
0x2a6: {  	_ =	swait.ge [sflag:s12], $0x1400  }
0x2a7: {  	[sflag:s12] =	ssyncset.done $0x0  }
0x2a8: {  	s13 =	rddreg [dreg:$0x1b];
	[sflag:s12] =	ssyncadd.s32 $0xFFFFEC00  }
0x2a9: {  	[tilespmem:s11], [sflag:$0xF] =	stream.linear.gather [spmem:s13], $0x1400, $0x38;
	[tilespmem:$0x1BC00] =	vst v63  }
0x2aa: {  	_ =	swait.ge [sflag:s12], $0x1400  }
0x2ab: {  	[sflag:s12] =	ssyncset.done $0x0  }
0x2ac: {  	s13 =	rddreg [dreg:$0xb];
	[sflag:s12] =	ssyncadd.s32 $0xFFFFEC00  }
0x2ad: {  	[hbm4b:s13+s1] =	stream.linear.scatter [tilespmem:s11], [sflag:$0xF], $0x1400, $0x38;
	[tilespmem:$0x1BC00] =	vst v63  }
0x2ae: {  	_ =	swait.ge [sflag:s12], $0x1400  }
0x2af: {  	[sflag:s12] =	ssyncset.done $0x0  }
0x2b0: {  	s13 =	rddreg [dreg:$0x1c];
	[sflag:s12] =	ssyncadd.s32 $0xFFFFEC00  }
0x2b1: {  	[tilespmem:s11], [sflag:$0xF] =	stream.linear.gather [spmem:s13], $0x1400, $0x38;
	[tilespmem:$0x1BC00] =	vst v63  }
0x2b2: {  	_ =	swait.ge [sflag:s12], $0x1400  }
0x2b3: {  	[sflag:s12] =	ssyncset.done $0x0  }
0x2b4: {  	s13 =	rddreg [dreg:$0xc];
	[sflag:s12] =	ssyncadd.s32 $0xFFFFEC00  }
0x2b5: {  	[hbm4b:s13+s1] =	stream.linear.scatter [tilespmem:s11], [sflag:$0xF], $0x1400, $0x38;
	[tilespmem:$0x1BC00] =	vst v63  }
0x2b6: {  	_ =	swait.ge [sflag:s12], $0x1400  }
0x2b7: {  	[sflag:s12] =	ssyncset.done $0x0  }
0x2b8: {  	s13 =	rddreg [dreg:$0x1d];
	[sflag:s12] =	ssyncadd.s32 $0xFFFFEC00  }
0x2b9: {  	[tilespmem:s11], [sflag:$0xF] =	stream.linear.gather [spmem:s13], $0x1400, $0x38;
	[tilespmem:$0x1BC00] =	vst v63  }
0x2ba: {  	_ =	swait.ge [sflag:s12], $0x1400  }
0x2bb: {  	[sflag:s12] =	ssyncset.done $0x0  }
0x2bc: {  	s13 =	rddreg [dreg:$0xd];
	[sflag:s12] =	ssyncadd.s32 $0xFFFFEC00  }
0x2bd: {  	[hbm4b:s13+s1] =	stream.linear.scatter [tilespmem:s11], [sflag:$0xF], $0x1400, $0x38;
	[tilespmem:$0x1BC00] =	vst v63  }
0x2be: {  	_ =	swait.ge [sflag:s12], $0x1400  }
0x2bf: {  	[sflag:s12] =	ssyncset.done $0x0  }
0x2c0: {  	s13 =	rddreg [dreg:$0x1e];
	[sflag:s12] =	ssyncadd.s32 $0xFFFFEC00  }
0x2c1: {  	[tilespmem:s11], [sflag:$0xF] =	stream.linear.gather [spmem:s13], $0x1400, $0x38;
	[tilespmem:$0x1BC00] =	vst v63  }
0x2c2: {  	_ =	swait.ge [sflag:s12], $0x1400  }
0x2c3: {  	[sflag:s12] =	ssyncset.done $0x0  }
0x2c4: {  	s13 =	rddreg [dreg:$0xe];
	[sflag:s12] =	ssyncadd.s32 $0xFFFFEC00  }
0x2c5: {  	[hbm4b:s13+s1] =	stream.linear.scatter [tilespmem:s11], [sflag:$0xF], $0x1400, $0x38;
	[tilespmem:$0x1BC00] =	vst v63  }
0x2c6: {  	_ =	swait.ge [sflag:s12], $0x1400  }
0x2c7: {  	[sflag:s12] =	ssyncset.done $0x0  }
0x2c8: {  	s13 =	rddreg [dreg:$0x1f];
	[sflag:s12] =	ssyncadd.s32 $0xFFFFEC00  }
0x2c9: {  	[tilespmem:s11], [sflag:$0xF] =	stream.linear.gather [spmem:s13], $0x1400, $0x38;
	[tilespmem:$0x1BC00] =	vst v63  }
0x2ca: {  	_ =	swait.ge [sflag:s12], $0x1400  }
0x2cb: {  	[sflag:s12] =	ssyncset.done $0x0  }
0x2cc: {  	s13 =	rddreg [dreg:$0xf];
	[sflag:s12] =	ssyncadd.s32 $0xFFFFEC00  }
0x2cd: {  	[hbm4b:s13+s1] =	stream.linear.scatter [tilespmem:s11], [sflag:$0xF], $0x1400, $0x38;
	[tilespmem:$0x1BC00] =	vst v63  }
0x2ce: {  	_ =	swait.ge [sflag:s12], $0x1400  }
0x2cf: {  	s13 =	sld [smem:$0x7EE]  }
0x2d0: {  	[sflag:s12] =	ssyncset.done $0x0  }
0x2d1: {  	[sflag:s12] =	ssyncadd.s32 $0xFFFFEC00  }
0x2d2: {  	[tilespmem:s11], [sflag:$0xF] =	stream.linear.gather [spmem:s13], $0x1400, $0x38;
	[tilespmem:$0x1BC00] =	vst v63  }
0x2d3: {  	_ =	swait.ge [sflag:s12], $0x1400  }
0x2d4: {  	[sflag:s12] =	ssyncset.done $0x0  }
0x2d5: {  	s13 =	rddreg [dreg:$0x10];
	[sflag:s12] =	ssyncadd.s32 $0xFFFFEC00  }
0x2d6: {  	[hbm4b:s13+s1] =	stream.linear.scatter [tilespmem:s11], [sflag:$0xF], $0x1400, $0x38;
	[tilespmem:$0x1BC00] =	vst v63  }
0x2d7: {  	_ =	swait.ge [sflag:s12], $0x1400  }
0x2d8: {  	s13 =	sld [smem:$0x7EF]  }
0x2d9: {  	[sflag:s12] =	ssyncset.done $0x0  }
0x2da: {  	[sflag:s12] =	ssyncadd.s32 $0xFFFFEC00  }
0x2db: {  	[tilespmem:s11], [sflag:$0xF] =	stream.linear.gather [spmem:s13], $0x1400, $0x38;
	[tilespmem:$0x1BC00] =	vst v63  }
0x2dc: {  	_ =	swait.ge [sflag:s12], $0x1400  }
0x2dd: {  	[sflag:s12] =	ssyncset.done $0x0  }
0x2de: {  	s13 =	rddreg [dreg:$0x11];
	[sflag:s12] =	ssyncadd.s32 $0xFFFFEC00  }
0x2df: {  	[hbm4b:s13+s1] =	stream.linear.scatter [tilespmem:s11], [sflag:$0xF], $0x1400, $0x38;
	[tilespmem:$0x1BC00] =	vst v63  }
0x2e0: {  	_ =	swait.ge [sflag:s12], $0x1400  }
0x2e1: {  	s13 =	sld [smem:$0x7F0]  }
0x2e2: {  	[sflag:s12] =	ssyncset.done $0x0  }
0x2e3: {  	[sflag:s12] =	ssyncadd.s32 $0xFFFFEC00  }
0x2e4: {  	[tilespmem:s11], [sflag:$0xF] =	stream.linear.gather [spmem:s13], $0x1400, $0x38;
	[tilespmem:$0x1BC00] =	vst v63  }
0x2e5: {  	_ =	swait.ge [sflag:s12], $0x1400  }
0x2e6: {  	[sflag:s12] =	ssyncset.done $0x0  }
0x2e7: {  	s13 =	rddreg [dreg:$0x12];
	[sflag:s12] =	ssyncadd.s32 $0xFFFFEC00  }
0x2e8: {  	[hbm4b:s13+s1] =	stream.linear.scatter [tilespmem:s11], [sflag:$0xF], $0x1400, $0x38;
	[tilespmem:$0x1BC00] =	vst v63  }
0x2e9: {  	_ =	swait.ge [sflag:s12], $0x1400  }
0x2ea: {  	s13 =	sld [smem:$0x7F1]  }
0x2eb: {  	[sflag:s12] =	ssyncset.done $0x0  }
0x2ec: {  	[sflag:s12] =	ssyncadd.s32 $0xFFFFEC00  }
0x2ed: {  	[tilespmem:s11], [sflag:$0xF] =	stream.linear.gather [spmem:s13], $0x1400, $0x38;
	[tilespmem:$0x1BC00] =	vst v63  }
0x2ee: {  	_ =	swait.ge [sflag:s12], $0x1400  }
0x2ef: {  	[sflag:s12] =	ssyncset.done $0x0  }
0x2f0: {  	s13 =	rddreg [dreg:$0x13];
	[sflag:s12] =	ssyncadd.s32 $0xFFFFEC00  }
0x2f1: {  	[hbm4b:s13+s1] =	stream.linear.scatter [tilespmem:s11], [sflag:$0xF], $0x1400, $0x38;
	[tilespmem:$0x1BC00] =	vst v63  }
0x2f2: {  	_ =	swait.ge [sflag:s12], $0x1400  }
0x2f3: {  	s13 =	sld [smem:$0x7F2]  }
0x2f4: {  	[sflag:s12] =	ssyncset.done $0x0  }
0x2f5: {  	[sflag:s12] =	ssyncadd.s32 $0xFFFFEC00  }
0x2f6: {  	[tilespmem:s11], [sflag:$0xF] =	stream.linear.gather [spmem:s13], $0x1400, $0x38;
	[tilespmem:$0x1BC00] =	vst v63  }
0x2f7: {  	_ =	swait.ge [sflag:s12], $0x1400  }
0x2f8: {  	[sflag:s12] =	ssyncset.done $0x0  }
0x2f9: {  	s13 =	rddreg [dreg:$0x14];
	[sflag:s12] =	ssyncadd.s32 $0xFFFFEC00  }
0x2fa: {  	[hbm4b:s13+s1] =	stream.linear.scatter [tilespmem:s11], [sflag:$0xF], $0x1400, $0x38;
	[tilespmem:$0x1BC00] =	vst v63  }
0x2fb: {  	_ =	swait.ge [sflag:s12], $0x1400  }
0x2fc: {  	s13 =	sld [smem:$0x7FD];
	_ =	sdelay $0x1  }
0x2fd: {  	s8 =	sadd.s32 $0x1, s8  }
0x2fe: {  	p0 =	sne.s32 s8, s13  }
.Ltmp8:
0x2ff: {  	_ = 	snop;
	(pc) =	sbr.rel @p0 .LBB2_1-.Ltmp8, $3  }
0x300: {  	_ =	sdelay $0x1  }
0x301: {  	[sflag:s12] =	ssyncset.done $0x0  }
0x302: {  	[sflag:s12] =	ssyncadd.s32 $0xFFFFEC00  }
0x303: {  	_ =	sfence.sel $0x180000  }
0x304: {  	[bflag:$0x0] =	sbarrier.arrive $0xFFFF  }
0x305: {  	_ =	strace $0x90000047  }
0x306: {  	s0 =	stileid.u32;
	[bflag:$0x2] =	sbarrier.arrive $0xFFFF  }
0x307: {  	p0 =	sne.s32 s0, $0x0;
	s0 =	rddreg [dreg:$0x4]  }
0x308: {  	s0 =	sadd.s32 @!p0 $0x100000, s0  }
0x309: {  	[sflag:s0] =	ssyncadd.tile.s32 @!p0 $0x1;
	_ =	shalt  }
.Lfunc_end2:
_tile_overlayer_lowered:
.L_overlay_start_2:
0x30a: {  	(tag) =	ssettag $0x2  }
0x30b: {  	s0 =	rddreg [dreg:$0x0];
	s2 =	stileid.u32  }
0x30c: {  	s1 =	rddreg [dreg:$0x1];
	p0 =	sne.s32 s2, $0x0  }
0x30d: {  	s3 =	rddreg [dreg:$0x2];
	[bflag:$0x3] =	sbarrier.arrive $0xFFFF;
	s2 =	simm.s32 @!p0 $0x1C0F  }
0x30e: {  	[timem:s3], [sflag:s2] =	dma.local @!p0 [hbm:s0], s1  }
0x30f: {  	s0 =	simm.s32 @!p0 $0xF  }
0x310: {  	_ =	swait.ge @!p0 [sflag:s0], s1  }
0x311: {  	s1 =	ssub.s32 @!p0 $0x0, s1;
	[sflag:s0] =	ssyncset.done @!p0 $0x0  }
0x312: {  	[sflag:s0] =	ssyncadd.s32 @!p0 s1  }
0x313: {  	[bflag:$0x3] =	sbarrier.arrive $0xFFFF  }
0x314: {  	_ =	shalt  }

</sc_bundles>
